<compile_context>
chip_gen: v7x
topology: tpu7x:2x2x1
jax: 0.10.2.dev20260603
libtpu: 0.0.44.dev20260713+nightly
codegen_flags: <defaults>
</compile_context>

<pallas_src>
import functools

import jax
import jax.numpy as jnp
from jax import lax
from jax.experimental import pallas as pl
from jax.experimental.pallas import tpu as pltpu
from jax.experimental.pallas import tpu_sc as plsc

_NC = 2
_NS = 16
_NW = _NC * _NS
_L = 16
_DEPTH = 4


def _iota16():
    return lax.iota(jnp.int32, _L)


def _splat(v):
    return jnp.full((_L,), v, jnp.int32)


@functools.cache
def _build_transpose(V, D):
    GRP = 512
    NGRP = V // GRP // _NW * _NW
    per_w = NGRP // _NW
    REMI = V - NGRP * GRP
    REMB = REMI // 128
    TAIL = REMI - REMB * 128
    SW = 513
    mesh = plsc.VectorSubcoreMesh(core_axis_name="c", subcore_axis_name="s")

    @functools.partial(
        pl.kernel,
        out_type=jax.ShapeDtypeStruct((V * D,), jnp.float32),
        mesh=mesh,
        compiler_params=pltpu.CompilerParams(use_tc_tiling_on_sc=True,
                                             needs_layout_passes=False),
        scratch_types=(
            [pltpu.VMEM((D, SW), jnp.float32)] * 2
            + [pltpu.VMEM((GRP // 2 * D,), jnp.float32)] * 2
            + [pltpu.VMEM((max(TAIL * D, _L),), jnp.float32)]
            + [pltpu.SemaphoreType.DMA] * 4
        ),
    )
    def ktrans(tblT_hbm, tail_hbm, out_hbm, *rest):
        slabs = rest[:2]
        rows = rest[2:4]
        tail_v = rest[4]
        gis = rest[5:7]
        gos = rest[7:9]
        wid = lax.axis_index("s") * _NC + lax.axis_index("c")
        base = [_splat(c * _L) + _iota16() for c in range(D // _L)]

        def fire_in(w, g):
            m = wid + g * _NW
            for j in range(D // 8):
                pltpu.async_copy(
                    tblT_hbm.at[pl.ds(8 * j, 8), pl.ds(m * GRP, GRP)],
                    slabs[w].at[pl.ds(8 * j, 8), pl.ds(0, GRP)], gis[w])

        def wait_in(w):
            for j in range(D // 8):
                pltpu.make_async_copy(
                    tblT_hbm.at[pl.ds(0, 8), pl.ds(0, GRP)],
                    slabs[w].at[pl.ds(0, 8), pl.ds(0, GRP)], gis[w]).wait()

        def wait_out(h):
            pltpu.make_async_copy(rows[h],
                                  out_hbm.at[pl.ds(0, GRP // 2 * D)],
                                  gos[h]).wait()

        def transpose_half(w, g, h):
            m = wid + g * _NW
            sv, rv = slabs[w], rows[h]

            @plsc.parallel_loop(0, GRP // 2, unroll=8)
            def row_body(i):
                col = _splat(h * (GRP // 2) + i)
                for c in range(D // _L):
                    v = plsc.load_gather(sv, [base[c], col])
                    rv[pl.ds(i * D + c * _L, _L)] = v

            pltpu.async_copy(
                rv,
                out_hbm.at[pl.ds((m * GRP + h * (GRP // 2)) * D,
                                 GRP // 2 * D)], gos[h])

        npair = per_w // 2
        fire_in(0, 0)

        def pair_body(g2, carry):
            gA = g2 * 2
            fire_in(1, gA + 1)
            wait_in(0)
            for h in range(2):
                @pl.when(gA > 0)
                def _():
                    wait_out(h)

                transpose_half(0, gA, h)

            @pl.when(gA + 2 < per_w)
            def _():
                fire_in(0, gA + 2)

            wait_in(1)
            for h in range(2):
                wait_out(h)
                transpose_half(1, gA + 1, h)
            return carry

        lax.fori_loop(0, npair, pair_body, 0)
        if per_w % 2:
            g_last = npair * 2
            wait_in(0)
            for h in range(2):
                wait_out(h)
                transpose_half(0, g_last, h)
        for h in range(2):
            wait_out(h)

        if REMB:
            @pl.when(wid < REMB)
            def _():
                k = NGRP * (GRP // 128) + wid
                pltpu.sync_copy(tblT_hbm.at[:, pl.ds(k * 128, 128)],
                                slabs[0].at[:, pl.ds(0, 128)])

                @plsc.parallel_loop(0, 128, unroll=8)
                def row_body(i):
                    col = _splat(i)
                    for c in range(D // _L):
                        v = plsc.load_gather(slabs[0], [base[c], col])
                        rows[0][pl.ds(i * D + c * _L, _L)] = v

                pltpu.sync_copy(rows[0].at[pl.ds(0, 128 * D)],
                                out_hbm.at[pl.ds(k * 128 * D, 128 * D)])

        if TAIL:
            @pl.when(wid == _NW - 1)
            def _():
                pltpu.sync_copy(tail_hbm, tail_v.at[pl.ds(0, TAIL * D)])
                pltpu.sync_copy(tail_v.at[pl.ds(0, TAIL * D)],
                                out_hbm.at[pl.ds((V - TAIL) * D, TAIL * D)])

    return ktrans


@functools.cache
def _build_gather(B, N, D, V):
    BB = B // 128
    assert BB == _NW, "worker split assumes B == 128 * 32"
    assert N % _DEPTH == 0
    mesh = plsc.VectorSubcoreMesh(core_axis_name="c", subcore_axis_name="s")

    @functools.partial(
        pl.kernel,
        out_type=jax.ShapeDtypeStruct((N, D // 8, BB, 8, 128), jnp.float32),
        mesh=mesh,
        compiler_params=pltpu.CompilerParams(use_tc_tiling_on_sc=False,
                                             needs_layout_passes=False),
        scratch_types=(
            [pltpu.VMEM((N, 128), jnp.int32)]
            + [pltpu.VMEM((128, D), jnp.float32)] * _DEPTH
            + [pltpu.VMEM((D // 8, 8, 129), jnp.float32)] * _DEPTH
            + [pltpu.VMEM((N, D), jnp.float32)]
            + [pltpu.SemaphoreType.DMA] * (2 * _DEPTH)
        ),
    )
    def kgath(idx_hbm, tbl_hbm, pos_hbm, out_hbm, *rest):
        idx_v = rest[0]
        rows = rest[1:1 + _DEPTH]
        obufs = rest[1 + _DEPTH:1 + 2 * _DEPTH]
        pos_v = rest[1 + 2 * _DEPTH]
        gsems = rest[2 + 2 * _DEPTH:2 + 3 * _DEPTH]
        osems = rest[2 + 3 * _DEPTH:]
        wid = lax.axis_index("s") * _NC + lax.axis_index("c")
        pltpu.sync_copy(pos_hbm, pos_v)
        pltpu.sync_copy(idx_hbm.at[:, wid, :], idx_v)
        dtv = [(_splat(c * _L) + _iota16()) // 8 for c in range(D // _L)]
        dsv = [(_splat(c * _L) + _iota16()) % 8 for c in range(D // _L)]

        def fire_gather(w, t):
            pltpu.async_copy(tbl_hbm.at[idx_v.at[t]], rows[w], gsems[w])

        def wait_gather(w):
            pltpu.make_async_copy(tbl_hbm.at[idx_v.at[0]], rows[w],
                                  gsems[w]).wait()

        def wait_out(w):
            pltpu.make_async_copy(obufs[w].at[:, :, pl.ds(0, 128)],
                                  out_hbm.at[0, :, wid], osems[w]).wait()

        def compute(w, t):
            rv, ov = rows[w], obufs[w]
            pvec = [pos_v[t, pl.ds(c * _L, _L)] for c in range(D // _L)]

            @plsc.parallel_loop(0, 128, unroll=4)
            def b_body(b):
                bs = _splat(b)
                for c in range(D // _L):
                    v = rv[b, pl.ds(c * _L, _L)] + pvec[c]
                    plsc.store_scatter(ov, [dtv[c], dsv[c], bs], v)

            pltpu.async_copy(ov.at[:, :, pl.ds(0, 128)],
                             out_hbm.at[t, :, wid], osems[w])

        for w in range(_DEPTH - 1):
            fire_gather(w, w)

        def ring_body(j, carry):
            for w in range(_DEPTH):
                t = j * _DEPTH + w
                wait_gather(w)

                @pl.when(t >= _DEPTH)
                def _():
                    wait_out(w)

                compute(w, t)
                nt = t + _DEPTH - 1

                @pl.when(nt < N)
                def _():
                    fire_gather((w + _DEPTH - 1) % _DEPTH, nt)

            return carry

        lax.fori_loop(0, N // _DEPTH, ring_body, 0)
        for w in range(_DEPTH):
            wait_out(w)

    return kgath


def kernel(x, table, pos_embedding):
    B, N = x.shape
    V, D = table.shape
    NBLK = V // 128
    tail = table[NBLK * 128:, :].reshape(-1)
    tbl_lin = _build_transpose(V, D)(table.T, tail)
    idx3 = x.T.reshape(N, B // 128, 128).astype(jnp.int32)
    out5 = _build_gather(B, N, D, V)(idx3, tbl_lin.reshape(V, D),
                                     pos_embedding)
    return out5.transpose(2, 4, 0, 1, 3).reshape(B, N, D)

# --- scband reference (transcript-rebuilt; emitter-appended) ---
"""Pipeline reference for scband-clipembeds-27917287424398 (READ-ONLY COPY).

The authoritative reference and input builder live on the scoring server;
editing this copy changes nothing except your own understanding.
"""

import jax, jax.numpy as jnp
import numpy as np

VOCAB_SIZE = 1000000
EMB_DIM = 64
N_TOKENS = 200
BATCH = 4096


def setup_inputs(seed: int = 0) -> dict:
    key = jax.random.key(seed)
    k_x, k_tab, k_pos = jax.random.split(key, 3)
    x = jax.random.randint(k_x, (BATCH, N_TOKENS), 0, VOCAB_SIZE, dtype=jnp.int64 if jax.config.jax_enable_x64 else jnp.int32)
    table = jax.random.normal(k_tab, (VOCAB_SIZE, EMB_DIM), dtype=jnp.float32) * 0.02
    pos_embedding = jax.random.normal(k_pos, (N_TOKENS, EMB_DIM), dtype=jnp.float32) * 0.01
    return {"x": x, "table": table, "pos_embedding": pos_embedding}


def reference(x, table, pos_embedding):
    # nn.Embedding lookup -> gather rows of table
    emb = jnp.take(table, x, axis=0)  # [B, n_tokens, emb_dim]
    # x += self.pos_embedding (broadcast over batch)
    out = emb + pos_embedding[None, :, :]
    return out

if __name__ == "__main__":
    import jax
    _d = setup_inputs()
    print(jax.jit(kernel)(*tuple(_d.values())))

</pallas_src>

<mosaic_0001>
#map = affine_map<(d0, d1) -> (0, 0)>
#map1 = affine_map<(d0, d1) -> (0)>
module attributes {stable_mosaic.version = 14 : i64} {
  func.func @ktrans(%arg0: i32, %arg1: i32, %arg2: memref<64x1000000xf32, #tpu.memory_space<hbm>>, %arg3: memref<4096xf32, #tpu.memory_space<hbm>>, %arg4: memref<64000000xf32, #tpu.memory_space<hbm>>, %arg5: memref<64x513xf32, #tpu.memory_space<vmem>>, %arg6: memref<64x513xf32, #tpu.memory_space<vmem>>, %arg7: memref<16384xf32, #tpu.memory_space<vmem>>, %arg8: memref<16384xf32, #tpu.memory_space<vmem>>, %arg9: memref<4096xf32, #tpu.memory_space<vmem>>, %arg10: memref<!tpu.dma_semaphore, #tpu.memory_space<semaphore_mem>>, %arg11: memref<!tpu.dma_semaphore, #tpu.memory_space<semaphore_mem>>, %arg12: memref<!tpu.dma_semaphore, #tpu.memory_space<semaphore_mem>>, %arg13: memref<!tpu.dma_semaphore, #tpu.memory_space<semaphore_mem>>) attributes {dimension_semantics = [#tpu.dimension_semantics<core_parallel>, #tpu.dimension_semantics<subcore_parallel>], iteration_bounds = array<i64: 2, 16>, scalar_prefetch = 0 : i64, scratch_operands = 9 : i64, tpu.core_type = #tpu.core_type<sc_vector_subcore>, window_params = [{transform_indices = #map}, {transform_indices = #map1}, {transform_indices = #map1}]} {
    %mul3A = arith.constant 2 : i32
    %mul3A_0 = arith.muli %arg1, %mul3A : i32
    %add3A = arith.addi %mul3A_0, %arg0 : i32
    %broadcast_in_dim3A = arith.constant 0 : i32
    %broadcast_in_dim3A_1 = vector.broadcast %broadcast_in_dim3A : i32 to vector<16xi32>
    %iota3A = tpu.iota {dimensions = array<i32: 0>} : vector<16xi32>
    %add3A_2 = arith.addi %broadcast_in_dim3A_1, %iota3A : vector<16xi32>
    %broadcast_in_dim3A_3 = arith.constant 16 : i32
    %broadcast_in_dim3A_4 = vector.broadcast %broadcast_in_dim3A_3 : i32 to vector<16xi32>
    %iota3A_5 = tpu.iota {dimensions = array<i32: 0>} : vector<16xi32>
    %add3A_6 = arith.addi %broadcast_in_dim3A_4, %iota3A_5 : vector<16xi32>
    %broadcast_in_dim3A_7 = arith.constant 32 : i32
    %broadcast_in_dim3A_8 = vector.broadcast %broadcast_in_dim3A_7 : i32 to vector<16xi32>
    %iota3A_9 = tpu.iota {dimensions = array<i32: 0>} : vector<16xi32>
    %add3A_10 = arith.addi %broadcast_in_dim3A_8, %iota3A_9 : vector<16xi32>
    %broadcast_in_dim3A_11 = arith.constant 48 : i32
    %broadcast_in_dim3A_12 = vector.broadcast %broadcast_in_dim3A_11 : i32 to vector<16xi32>
    %iota3A_13 = tpu.iota {dimensions = array<i32: 0>} : vector<16xi32>
    %add3A_14 = arith.addi %broadcast_in_dim3A_12, %iota3A_13 : vector<16xi32>
    %add3A_15 = arith.constant 0 : i32
    %add3A_16 = arith.addi %add3A, %add3A_15 : i32
    %mul3A_17 = arith.constant 512 : i32
    %mul3A_18 = arith.muli %add3A_16, %mul3A_17 : i32
    %dma_start3A = arith.constant 0 : i32
    %dma_start3A_19 = arith.constant 0 : i32
    %dma_start3A_20 = tpu.memref_slice %arg5[%dma_start3A, %dma_start3A_19] : memref<64x513xf32, #tpu.memory_space<vmem>> -> memref<8x512xf32, #tpu.memory_space<vmem>>
    %dma_start3A_21 = arith.constant 0 : i32
    %dma_start3A_22 = tpu.memref_slice %arg2[%dma_start3A_21, %mul3A_18] : memref<64x1000000xf32, #tpu.memory_space<hbm>> -> memref<8x512xf32, #tpu.memory_space<hbm>>
    %dma_start3A_23 = arith.constant 0 : i32
    %dma_start3A_24 = arith.constant 0 : i32
    %dma_start3A_25 = tpu.memref_slice %arg5[%dma_start3A_23, %dma_start3A_24] : memref<64x513xf32, #tpu.memory_space<vmem>> -> memref<8x512xf32, #tpu.memory_space<vmem>>
    %dma_start3A_26 = arith.constant 0 : i32
    %dma_start3A_27 = tpu.memref_slice %arg2[%dma_start3A_26, %mul3A_18] : memref<64x1000000xf32, #tpu.memory_space<hbm>> -> memref<8x512xf32, #tpu.memory_space<hbm>>
    tpu.enqueue_dma source(%dma_start3A_27 : memref<8x512xf32, #tpu.memory_space<hbm>>) target(%dma_start3A_25 : memref<8x512xf32, #tpu.memory_space<vmem>>) target_semaphore(%arg10 : memref<!tpu.dma_semaphore, #tpu.memory_space<semaphore_mem>>)
    %mul3A_28 = arith.constant 512 : i32
    %mul3A_29 = arith.muli %add3A_16, %mul3A_28 : i32
    %dma_start3A_30 = arith.constant 8 : i32
    %dma_start3A_31 = arith.constant 0 : i32
    %dma_start3A_32 = tpu.memref_slice %arg5[%dma_start3A_30, %dma_start3A_31] : memref<64x513xf32, #tpu.memory_space<vmem>> -> memref<8x512xf32, #tpu.memory_space<vmem>>
    %dma_start3A_33 = arith.constant 8 : i32
    %dma_start3A_34 = tpu.memref_slice %arg2[%dma_start3A_33, %mul3A_29] : memref<64x1000000xf32, #tpu.memory_space<hbm>> -> memref<8x512xf32, #tpu.memory_space<hbm>>
    %dma_start3A_35 = arith.constant 8 : i32
    %dma_start3A_36 = arith.constant 0 : i32
    %dma_start3A_37 = tpu.memref_slice %arg5[%dma_start3A_35, %dma_start3A_36] : memref<64x513xf32, #tpu.memory_space<vmem>> -> memref<8x512xf32, #tpu.memory_space<vmem>>
    %dma_start3A_38 = arith.constant 8 : i32
    %dma_start3A_39 = tpu.memref_slice %arg2[%dma_start3A_38, %mul3A_29] : memref<64x1000000xf32, #tpu.memory_space<hbm>> -> memref<8x512xf32, #tpu.memory_space<hbm>>
    tpu.enqueue_dma source(%dma_start3A_39 : memref<8x512xf32, #tpu.memory_space<hbm>>) target(%dma_start3A_37 : memref<8x512xf32, #tpu.memory_space<vmem>>) target_semaphore(%arg10 : memref<!tpu.dma_semaphore, #tpu.memory_space<semaphore_mem>>)
    %mul3A_40 = arith.constant 512 : i32
    %mul3A_41 = arith.muli %add3A_16, %mul3A_40 : i32
    %dma_start3A_42 = arith.constant 16 : i32
    %dma_start3A_43 = arith.constant 0 : i32
    %dma_start3A_44 = tpu.memref_slice %arg5[%dma_start3A_42, %dma_start3A_43] : memref<64x513xf32, #tpu.memory_space<vmem>> -> memref<8x512xf32, #tpu.memory_space<vmem>>
    %dma_start3A_45 = arith.constant 16 : i32
    %dma_start3A_46 = tpu.memref_slice %arg2[%dma_start3A_45, %mul3A_41] : memref<64x1000000xf32, #tpu.memory_space<hbm>> -> memref<8x512xf32, #tpu.memory_space<hbm>>
    %dma_start3A_47 = arith.constant 16 : i32
    %dma_start3A_48 = arith.constant 0 : i32
    %dma_start3A_49 = tpu.memref_slice %arg5[%dma_start3A_47, %dma_start3A_48] : memref<64x513xf32, #tpu.memory_space<vmem>> -> memref<8x512xf32, #tpu.memory_space<vmem>>
    %dma_start3A_50 = arith.constant 16 : i32
    %dma_start3A_51 = tpu.memref_slice %arg2[%dma_start3A_50, %mul3A_41] : memref<64x1000000xf32, #tpu.memory_space<hbm>> -> memref<8x512xf32, #tpu.memory_space<hbm>>
    tpu.enqueue_dma source(%dma_start3A_51 : memref<8x512xf32, #tpu.memory_space<hbm>>) target(%dma_start3A_49 : memref<8x512xf32, #tpu.memory_space<vmem>>) target_semaphore(%arg10 : memref<!tpu.dma_semaphore, #tpu.memory_space<semaphore_mem>>)
    %mul3A_52 = arith.constant 512 : i32
    %mul3A_53 = arith.muli %add3A_16, %mul3A_52 : i32
    %dma_start3A_54 = arith.constant 24 : i32
    %dma_start3A_55 = arith.constant 0 : i32
    %dma_start3A_56 = tpu.memref_slice %arg5[%dma_start3A_54, %dma_start3A_55] : memref<64x513xf32, #tpu.memory_space<vmem>> -> memref<8x512xf32, #tpu.memory_space<vmem>>
    %dma_start3A_57 = arith.constant 24 : i32
    %dma_start3A_58 = tpu.memref_slice %arg2[%dma_start3A_57, %mul3A_53] : memref<64x1000000xf32, #tpu.memory_space<hbm>> -> memref<8x512xf32, #tpu.memory_space<hbm>>
    %dma_start3A_59 = arith.constant 24 : i32
    %dma_start3A_60 = arith.constant 0 : i32
    %dma_start3A_61 = tpu.memref_slice %arg5[%dma_start3A_59, %dma_start3A_60] : memref<64x513xf32, #tpu.memory_space<vmem>> -> memref<8x512xf32, #tpu.memory_space<vmem>>
    %dma_start3A_62 = arith.constant 24 : i32
    %dma_start3A_63 = tpu.memref_slice %arg2[%dma_start3A_62, %mul3A_53] : memref<64x1000000xf32, #tpu.memory_space<hbm>> -> memref<8x512xf32, #tpu.memory_space<hbm>>
    tpu.enqueue_dma source(%dma_start3A_63 : memref<8x512xf32, #tpu.memory_space<hbm>>) target(%dma_start3A_61 : memref<8x512xf32, #tpu.memory_space<vmem>>) target_semaphore(%arg10 : memref<!tpu.dma_semaphore, #tpu.memory_space<semaphore_mem>>)
    %mul3A_64 = arith.constant 512 : i32
    %mul3A_65 = arith.muli %add3A_16, %mul3A_64 : i32
    %dma_start3A_66 = arith.constant 32 : i32
    %dma_start3A_67 = arith.constant 0 : i32
    %dma_start3A_68 = tpu.memref_slice %arg5[%dma_start3A_66, %dma_start3A_67] : memref<64x513xf32, #tpu.memory_space<vmem>> -> memref<8x512xf32, #tpu.memory_space<vmem>>
    %dma_start3A_69 = arith.constant 32 : i32
    %dma_start3A_70 = tpu.memref_slice %arg2[%dma_start3A_69, %mul3A_65] : memref<64x1000000xf32, #tpu.memory_space<hbm>> -> memref<8x512xf32, #tpu.memory_space<hbm>>
    %dma_start3A_71 = arith.constant 32 : i32
    %dma_start3A_72 = arith.constant 0 : i32
    %dma_start3A_73 = tpu.memref_slice %arg5[%dma_start3A_71, %dma_start3A_72] : memref<64x513xf32, #tpu.memory_space<vmem>> -> memref<8x512xf32, #tpu.memory_space<vmem>>
    %dma_start3A_74 = arith.constant 32 : i32
    %dma_start3A_75 = tpu.memref_slice %arg2[%dma_start3A_74, %mul3A_65] : memref<64x1000000xf32, #tpu.memory_space<hbm>> -> memref<8x512xf32, #tpu.memory_space<hbm>>
    tpu.enqueue_dma source(%dma_start3A_75 : memref<8x512xf32, #tpu.memory_space<hbm>>) target(%dma_start3A_73 : memref<8x512xf32, #tpu.memory_space<vmem>>) target_semaphore(%arg10 : memref<!tpu.dma_semaphore, #tpu.memory_space<semaphore_mem>>)
    %mul3A_76 = arith.constant 512 : i32
    %mul3A_77 = arith.muli %add3A_16, %mul3A_76 : i32
    %dma_start3A_78 = arith.constant 40 : i32
    %dma_start3A_79 = arith.constant 0 : i32
    %dma_start3A_80 = tpu.memref_slice %arg5[%dma_start3A_78, %dma_start3A_79] : memref<64x513xf32, #tpu.memory_space<vmem>> -> memref<8x512xf32, #tpu.memory_space<vmem>>
    %dma_start3A_81 = arith.constant 40 : i32
    %dma_start3A_82 = tpu.memref_slice %arg2[%dma_start3A_81, %mul3A_77] : memref<64x1000000xf32, #tpu.memory_space<hbm>> -> memref<8x512xf32, #tpu.memory_space<hbm>>
    %dma_start3A_83 = arith.constant 40 : i32
    %dma_start3A_84 = arith.constant 0 : i32
    %dma_start3A_85 = tpu.memref_slice %arg5[%dma_start3A_83, %dma_start3A_84] : memref<64x513xf32, #tpu.memory_space<vmem>> -> memref<8x512xf32, #tpu.memory_space<vmem>>
    %dma_start3A_86 = arith.constant 40 : i32
    %dma_start3A_87 = tpu.memref_slice %arg2[%dma_start3A_86, %mul3A_77] : memref<64x1000000xf32, #tpu.memory_space<hbm>> -> memref<8x512xf32, #tpu.memory_space<hbm>>
    tpu.enqueue_dma source(%dma_start3A_87 : memref<8x512xf32, #tpu.memory_space<hbm>>) target(%dma_start3A_85 : memref<8x512xf32, #tpu.memory_space<vmem>>) target_semaphore(%arg10 : memref<!tpu.dma_semaphore, #tpu.memory_space<semaphore_mem>>)
    %mul3A_88 = arith.constant 512 : i32
    %mul3A_89 = arith.muli %add3A_16, %mul3A_88 : i32
    %dma_start3A_90 = arith.constant 48 : i32
    %dma_start3A_91 = arith.constant 0 : i32
    %dma_start3A_92 = tpu.memref_slice %arg5[%dma_start3A_90, %dma_start3A_91] : memref<64x513xf32, #tpu.memory_space<vmem>> -> memref<8x512xf32, #tpu.memory_space<vmem>>
    %dma_start3A_93 = arith.constant 48 : i32
    %dma_start3A_94 = tpu.memref_slice %arg2[%dma_start3A_93, %mul3A_89] : memref<64x1000000xf32, #tpu.memory_space<hbm>> -> memref<8x512xf32, #tpu.memory_space<hbm>>
    %dma_start3A_95 = arith.constant 48 : i32
    %dma_start3A_96 = arith.constant 0 : i32
    %dma_start3A_97 = tpu.memref_slice %arg5[%dma_start3A_95, %dma_start3A_96] : memref<64x513xf32, #tpu.memory_space<vmem>> -> memref<8x512xf32, #tpu.memory_space<vmem>>
    %dma_start3A_98 = arith.constant 48 : i32
    %dma_start3A_99 = tpu.memref_slice %arg2[%dma_start3A_98, %mul3A_89] : memref<64x1000000xf32, #tpu.memory_space<hbm>> -> memref<8x512xf32, #tpu.memory_space<hbm>>
    tpu.enqueue_dma source(%dma_start3A_99 : memref<8x512xf32, #tpu.memory_space<hbm>>) target(%dma_start3A_97 : memref<8x512xf32, #tpu.memory_space<vmem>>) target_semaphore(%arg10 : memref<!tpu.dma_semaphore, #tpu.memory_space<semaphore_mem>>)
    %mul3A_100 = arith.constant 512 : i32
    %mul3A_101 = arith.muli %add3A_16, %mul3A_100 : i32
    %dma_start3A_102 = arith.constant 56 : i32
    %dma_start3A_103 = arith.constant 0 : i32
    %dma_start3A_104 = tpu.memref_slice %arg5[%dma_start3A_102, %dma_start3A_103] : memref<64x513xf32, #tpu.memory_space<vmem>> -> memref<8x512xf32, #tpu.memory_space<vmem>>
    %dma_start3A_105 = arith.constant 56 : i32
    %dma_start3A_106 = tpu.memref_slice %arg2[%dma_start3A_105, %mul3A_101] : memref<64x1000000xf32, #tpu.memory_space<hbm>> -> memref<8x512xf32, #tpu.memory_space<hbm>>
    %dma_start3A_107 = arith.constant 56 : i32
    %dma_start3A_108 = arith.constant 0 : i32
    %dma_start3A_109 = tpu.memref_slice %arg5[%dma_start3A_107, %dma_start3A_108] : memref<64x513xf32, #tpu.memory_space<vmem>> -> memref<8x512xf32, #tpu.memory_space<vmem>>
    %dma_start3A_110 = arith.constant 56 : i32
    %dma_start3A_111 = tpu.memref_slice %arg2[%dma_start3A_110, %mul3A_101] : memref<64x1000000xf32, #tpu.memory_space<hbm>> -> memref<8x512xf32, #tpu.memory_space<hbm>>
    tpu.enqueue_dma source(%dma_start3A_111 : memref<8x512xf32, #tpu.memory_space<hbm>>) target(%dma_start3A_109 : memref<8x512xf32, #tpu.memory_space<vmem>>) target_semaphore(%arg10 : memref<!tpu.dma_semaphore, #tpu.memory_space<semaphore_mem>>)
    %scan3A = arith.constant 0 : i32
    %scan3A_112 = arith.constant 0 : i32
    %scan3A_113 = arith.constant 30 : i32
    %scan3A_114 = arith.addi %scan3A_112, %scan3A_113 : i32
    %scan3A_115 = arith.constant 1 : i32
    scf.for %scan3A_259 = %scan3A_112 to %scan3A_114 step %scan3A_115  : i32 {
      %mul3A_260 = arith.constant 2 : i32
      %mul3A_261 = arith.muli %scan3A_259, %mul3A_260 : i32
      %add3A_262 = arith.constant 1 : i32
      %add3A_263 = arith.addi %mul3A_261, %add3A_262 : i32
      %mul3A_264 = arith.constant 32 : i32
      %mul3A_265 = arith.muli %add3A_263, %mul3A_264 : i32
      %add3A_266 = arith.addi %add3A, %mul3A_265 : i32
      %mul3A_267 = arith.constant 512 : i32
      %mul3A_268 = arith.muli %add3A_266, %mul3A_267 : i32
      %dma_start3A_269 = arith.constant 0 : i32
      %dma_start3A_270 = arith.constant 0 : i32
      %dma_start3A_271 = tpu.memref_slice %arg6[%dma_start3A_269, %dma_start3A_270] : memref<64x513xf32, #tpu.memory_space<vmem>> -> memref<8x512xf32, #tpu.memory_space<vmem>>
      %dma_start3A_272 = arith.constant 0 : i32
      %dma_start3A_273 = tpu.memref_slice %arg2[%dma_start3A_272, %mul3A_268] : memref<64x1000000xf32, #tpu.memory_space<hbm>> -> memref<8x512xf32, #tpu.memory_space<hbm>>
      %dma_start3A_274 = arith.constant 0 : i32
      %dma_start3A_275 = arith.constant 0 : i32
      %dma_start3A_276 = tpu.memref_slice %arg6[%dma_start3A_274, %dma_start3A_275] : memref<64x513xf32, #tpu.memory_space<vmem>> -> memref<8x512xf32, #tpu.memory_space<vmem>>
      %dma_start3A_277 = arith.constant 0 : i32
      %dma_start3A_278 = tpu.memref_slice %arg2[%dma_start3A_277, %mul3A_268] : memref<64x1000000xf32, #tpu.memory_space<hbm>> -> memref<8x512xf32, #tpu.memory_space<hbm>>
      tpu.enqueue_dma source(%dma_start3A_278 : memref<8x512xf32, #tpu.memory_space<hbm>>) target(%dma_start3A_276 : memref<8x512xf32, #tpu.memory_space<vmem>>) target_semaphore(%arg11 : memref<!tpu.dma_semaphore, #tpu.memory_space<semaphore_mem>>)
      %mul3A_279 = arith.constant 512 : i32
      %mul3A_280 = arith.muli %add3A_266, %mul3A_279 : i32
      %dma_start3A_281 = arith.constant 8 : i32
      %dma_start3A_282 = arith.constant 0 : i32
      %dma_start3A_283 = tpu.memref_slice %arg6[%dma_start3A_281, %dma_start3A_282] : memref<64x513xf32, #tpu.memory_space<vmem>> -> memref<8x512xf32, #tpu.memory_space<vmem>>
      %dma_start3A_284 = arith.constant 8 : i32
      %dma_start3A_285 = tpu.memref_slice %arg2[%dma_start3A_284, %mul3A_280] : memref<64x1000000xf32, #tpu.memory_space<hbm>> -> memref<8x512xf32, #tpu.memory_space<hbm>>
      %dma_start3A_286 = arith.constant 8 : i32
      %dma_start3A_287 = arith.constant 0 : i32
      %dma_start3A_288 = tpu.memref_slice %arg6[%dma_start3A_286, %dma_start3A_287] : memref<64x513xf32, #tpu.memory_space<vmem>> -> memref<8x512xf32, #tpu.memory_space<vmem>>
      %dma_start3A_289 = arith.constant 8 : i32
      %dma_start3A_290 = tpu.memref_slice %arg2[%dma_start3A_289, %mul3A_280] : memref<64x1000000xf32, #tpu.memory_space<hbm>> -> memref<8x512xf32, #tpu.memory_space<hbm>>
      tpu.enqueue_dma source(%dma_start3A_290 : memref<8x512xf32, #tpu.memory_space<hbm>>) target(%dma_start3A_288 : memref<8x512xf32, #tpu.memory_space<vmem>>) target_semaphore(%arg11 : memref<!tpu.dma_semaphore, #tpu.memory_space<semaphore_mem>>)
      %mul3A_291 = arith.constant 512 : i32
      %mul3A_292 = arith.muli %add3A_266, %mul3A_291 : i32
      %dma_start3A_293 = arith.constant 16 : i32
      %dma_start3A_294 = arith.constant 0 : i32
      %dma_start3A_295 = tpu.memref_slice %arg6[%dma_start3A_293, %dma_start3A_294] : memref<64x513xf32, #tpu.memory_space<vmem>> -> memref<8x512xf32, #tpu.memory_space<vmem>>
      %dma_start3A_296 = arith.constant 16 : i32
      %dma_start3A_297 = tpu.memref_slice %arg2[%dma_start3A_296, %mul3A_292] : memref<64x1000000xf32, #tpu.memory_space<hbm>> -> memref<8x512xf32, #tpu.memory_space<hbm>>
      %dma_start3A_298 = arith.constant 16 : i32
      %dma_start3A_299 = arith.constant 0 : i32
      %dma_start3A_300 = tpu.memref_slice %arg6[%dma_start3A_298, %dma_start3A_299] : memref<64x513xf32, #tpu.memory_space<vmem>> -> memref<8x512xf32, #tpu.memory_space<vmem>>
      %dma_start3A_301 = arith.constant 16 : i32
      %dma_start3A_302 = tpu.memref_slice %arg2[%dma_start3A_301, %mul3A_292] : memref<64x1000000xf32, #tpu.memory_space<hbm>> -> memref<8x512xf32, #tpu.memory_space<hbm>>
      tpu.enqueue_dma source(%dma_start3A_302 : memref<8x512xf32, #tpu.memory_space<hbm>>) target(%dma_start3A_300 : memref<8x512xf32, #tpu.memory_space<vmem>>) target_semaphore(%arg11 : memref<!tpu.dma_semaphore, #tpu.memory_space<semaphore_mem>>)
      %mul3A_303 = arith.constant 512 : i32
      %mul3A_304 = arith.muli %add3A_266, %mul3A_303 : i32
      %dma_start3A_305 = arith.constant 24 : i32
      %dma_start3A_306 = arith.constant 0 : i32
      %dma_start3A_307 = tpu.memref_slice %arg6[%dma_start3A_305, %dma_start3A_306] : memref<64x513xf32, #tpu.memory_space<vmem>> -> memref<8x512xf32, #tpu.memory_space<vmem>>
      %dma_start3A_308 = arith.constant 24 : i32
      %dma_start3A_309 = tpu.memref_slice %arg2[%dma_start3A_308, %mul3A_304] : memref<64x1000000xf32, #tpu.memory_space<hbm>> -> memref<8x512xf32, #tpu.memory_space<hbm>>
      %dma_start3A_310 = arith.constant 24 : i32
      %dma_start3A_311 = arith.constant 0 : i32
      %dma_start3A_312 = tpu.memref_slice %arg6[%dma_start3A_310, %dma_start3A_311] : memref<64x513xf32, #tpu.memory_space<vmem>> -> memref<8x512xf32, #tpu.memory_space<vmem>>
      %dma_start3A_313 = arith.constant 24 : i32
      %dma_start3A_314 = tpu.memref_slice %arg2[%dma_start3A_313, %mul3A_304] : memref<64x1000000xf32, #tpu.memory_space<hbm>> -> memref<8x512xf32, #tpu.memory_space<hbm>>
      tpu.enqueue_dma source(%dma_start3A_314 : memref<8x512xf32, #tpu.memory_space<hbm>>) target(%dma_start3A_312 : memref<8x512xf32, #tpu.memory_space<vmem>>) target_semaphore(%arg11 : memref<!tpu.dma_semaphore, #tpu.memory_space<semaphore_mem>>)
      %mul3A_315 = arith.constant 512 : i32
      %mul3A_316 = arith.muli %add3A_266, %mul3A_315 : i32
      %dma_start3A_317 = arith.constant 32 : i32
      %dma_start3A_318 = arith.constant 0 : i32
      %dma_start3A_319 = tpu.memref_slice %arg6[%dma_start3A_317, %dma_start3A_318] : memref<64x513xf32, #tpu.memory_space<vmem>> -> memref<8x512xf32, #tpu.memory_space<vmem>>
      %dma_start3A_320 = arith.constant 32 : i32
      %dma_start3A_321 = tpu.memref_slice %arg2[%dma_start3A_320, %mul3A_316] : memref<64x1000000xf32, #tpu.memory_space<hbm>> -> memref<8x512xf32, #tpu.memory_space<hbm>>
      %dma_start3A_322 = arith.constant 32 : i32
      %dma_start3A_323 = arith.constant 0 : i32
      %dma_start3A_324 = tpu.memref_slice %arg6[%dma_start3A_322, %dma_start3A_323] : memref<64x513xf32, #tpu.memory_space<vmem>> -> memref<8x512xf32, #tpu.memory_space<vmem>>
      %dma_start3A_325 = arith.constant 32 : i32
      %dma_start3A_326 = tpu.memref_slice %arg2[%dma_start3A_325, %mul3A_316] : memref<64x1000000xf32, #tpu.memory_space<hbm>> -> memref<8x512xf32, #tpu.memory_space<hbm>>
      tpu.enqueue_dma source(%dma_start3A_326 : memref<8x512xf32, #tpu.memory_space<hbm>>) target(%dma_start3A_324 : memref<8x512xf32, #tpu.memory_space<vmem>>) target_semaphore(%arg11 : memref<!tpu.dma_semaphore, #tpu.memory_space<semaphore_mem>>)
      %mul3A_327 = arith.constant 512 : i32
      %mul3A_328 = arith.muli %add3A_266, %mul3A_327 : i32
      %dma_start3A_329 = arith.constant 40 : i32
      %dma_start3A_330 = arith.constant 0 : i32
      %dma_start3A_331 = tpu.memref_slice %arg6[%dma_start3A_329, %dma_start3A_330] : memref<64x513xf32, #tpu.memory_space<vmem>> -> memref<8x512xf32, #tpu.memory_space<vmem>>
      %dma_start3A_332 = arith.constant 40 : i32
      %dma_start3A_333 = tpu.memref_slice %arg2[%dma_start3A_332, %mul3A_328] : memref<64x1000000xf32, #tpu.memory_space<hbm>> -> memref<8x512xf32, #tpu.memory_space<hbm>>
      %dma_start3A_334 = arith.constant 40 : i32
      %dma_start3A_335 = arith.constant 0 : i32
      %dma_start3A_336 = tpu.memref_slice %arg6[%dma_start3A_334, %dma_start3A_335] : memref<64x513xf32, #tpu.memory_space<vmem>> -> memref<8x512xf32, #tpu.memory_space<vmem>>
      %dma_start3A_337 = arith.constant 40 : i32
      %dma_start3A_338 = tpu.memref_slice %arg2[%dma_start3A_337, %mul3A_328] : memref<64x1000000xf32, #tpu.memory_space<hbm>> -> memref<8x512xf32, #tpu.memory_space<hbm>>
      tpu.enqueue_dma source(%dma_start3A_338 : memref<8x512xf32, #tpu.memory_space<hbm>>) target(%dma_start3A_336 : memref<8x512xf32, #tpu.memory_space<vmem>>) target_semaphore(%arg11 : memref<!tpu.dma_semaphore, #tpu.memory_space<semaphore_mem>>)
      %mul3A_339 = arith.constant 512 : i32
      %mul3A_340 = arith.muli %add3A_266, %mul3A_339 : i32
      %dma_start3A_341 = arith.constant 48 : i32
      %dma_start3A_342 = arith.constant 0 : i32
      %dma_start3A_343 = tpu.memref_slice %arg6[%dma_start3A_341, %dma_start3A_342] : memref<64x513xf32, #tpu.memory_space<vmem>> -> memref<8x512xf32, #tpu.memory_space<vmem>>
      %dma_start3A_344 = arith.constant 48 : i32
      %dma_start3A_345 = tpu.memref_slice %arg2[%dma_start3A_344, %mul3A_340] : memref<64x1000000xf32, #tpu.memory_space<hbm>> -> memref<8x512xf32, #tpu.memory_space<hbm>>
      %dma_start3A_346 = arith.constant 48 : i32
      %dma_start3A_347 = arith.constant 0 : i32
      %dma_start3A_348 = tpu.memref_slice %arg6[%dma_start3A_346, %dma_start3A_347] : memref<64x513xf32, #tpu.memory_space<vmem>> -> memref<8x512xf32, #tpu.memory_space<vmem>>
      %dma_start3A_349 = arith.constant 48 : i32
      %dma_start3A_350 = tpu.memref_slice %arg2[%dma_start3A_349, %mul3A_340] : memref<64x1000000xf32, #tpu.memory_space<hbm>> -> memref<8x512xf32, #tpu.memory_space<hbm>>
      tpu.enqueue_dma source(%dma_start3A_350 : memref<8x512xf32, #tpu.memory_space<hbm>>) target(%dma_start3A_348 : memref<8x512xf32, #tpu.memory_space<vmem>>) target_semaphore(%arg11 : memref<!tpu.dma_semaphore, #tpu.memory_space<semaphore_mem>>)
      %mul3A_351 = arith.constant 512 : i32
      %mul3A_352 = arith.muli %add3A_266, %mul3A_351 : i32
      %dma_start3A_353 = arith.constant 56 : i32
      %dma_start3A_354 = arith.constant 0 : i32
      %dma_start3A_355 = tpu.memref_slice %arg6[%dma_start3A_353, %dma_start3A_354] : memref<64x513xf32, #tpu.memory_space<vmem>> -> memref<8x512xf32, #tpu.memory_space<vmem>>
      %dma_start3A_356 = arith.constant 56 : i32
      %dma_start3A_357 = tpu.memref_slice %arg2[%dma_start3A_356, %mul3A_352] : memref<64x1000000xf32, #tpu.memory_space<hbm>> -> memref<8x512xf32, #tpu.memory_space<hbm>>
      %dma_start3A_358 = arith.constant 56 : i32
      %dma_start3A_359 = arith.constant 0 : i32
      %dma_start3A_360 = tpu.memref_slice %arg6[%dma_start3A_358, %dma_start3A_359] : memref<64x513xf32, #tpu.memory_space<vmem>> -> memref<8x512xf32, #tpu.memory_space<vmem>>
      %dma_start3A_361 = arith.constant 56 : i32
      %dma_start3A_362 = tpu.memref_slice %arg2[%dma_start3A_361, %mul3A_352] : memref<64x1000000xf32, #tpu.memory_space<hbm>> -> memref<8x512xf32, #tpu.memory_space<hbm>>
      tpu.enqueue_dma source(%dma_start3A_362 : memref<8x512xf32, #tpu.memory_space<hbm>>) target(%dma_start3A_360 : memref<8x512xf32, #tpu.memory_space<vmem>>) target_semaphore(%arg11 : memref<!tpu.dma_semaphore, #tpu.memory_space<semaphore_mem>>)
      %dma_wait3A_363 = arith.constant 0 : i32
      %dma_wait3A_364 = arith.constant 0 : i32
      %dma_wait3A_365 = tpu.memref_slice %arg5[%dma_wait3A_363, %dma_wait3A_364] : memref<64x513xf32, #tpu.memory_space<vmem>> -> memref<8x512xf32, #tpu.memory_space<vmem>>
      %dma_wait3A_366 = arith.constant 0 : i32
      %dma_wait3A_367 = arith.constant 0 : i32
      %dma_wait3A_368 = tpu.memref_slice %arg2[%dma_wait3A_366, %dma_wait3A_367] : memref<64x1000000xf32, #tpu.memory_space<hbm>> -> memref<8x512xf32, #tpu.memory_space<hbm>>
      %dma_wait3A_369 = arith.constant 0 : i32
      %dma_wait3A_370 = arith.constant 0 : i32
      %dma_wait3A_371 = tpu.memref_slice %arg5[%dma_wait3A_369, %dma_wait3A_370] : memref<64x513xf32, #tpu.memory_space<vmem>> -> memref<8x512xf32, #tpu.memory_space<vmem>>
      %dma_wait3A_372 = arith.constant 0 : i32
      %dma_wait3A_373 = arith.constant 0 : i32
      %dma_wait3A_374 = tpu.memref_slice %arg2[%dma_wait3A_372, %dma_wait3A_373] : memref<64x1000000xf32, #tpu.memory_space<hbm>> -> memref<8x512xf32, #tpu.memory_space<hbm>>
      tpu.wait_dma2 semaphore(%arg10 : memref<!tpu.dma_semaphore, #tpu.memory_space<semaphore_mem>>) src(%dma_wait3A_374 : memref<8x512xf32, #tpu.memory_space<hbm>>) dst(%dma_wait3A_371 : memref<8x512xf32, #tpu.memory_space<vmem>>)
      %dma_wait3A_375 = arith.constant 0 : i32
      %dma_wait3A_376 = arith.constant 0 : i32
      %dma_wait3A_377 = tpu.memref_slice %arg5[%dma_wait3A_375, %dma_wait3A_376] : memref<64x513xf32, #tpu.memory_space<vmem>> -> memref<8x512xf32, #tpu.memory_space<vmem>>
      %dma_wait3A_378 = arith.constant 0 : i32
      %dma_wait3A_379 = arith.constant 0 : i32
      %dma_wait3A_380 = tpu.memref_slice %arg2[%dma_wait3A_378, %dma_wait3A_379] : memref<64x1000000xf32, #tpu.memory_space<hbm>> -> memref<8x512xf32, #tpu.memory_space<hbm>>
      %dma_wait3A_381 = arith.constant 0 : i32
      %dma_wait3A_382 = arith.constant 0 : i32
      %dma_wait3A_383 = tpu.memref_slice %arg5[%dma_wait3A_381, %dma_wait3A_382] : memref<64x513xf32, #tpu.memory_space<vmem>> -> memref<8x512xf32, #tpu.memory_space<vmem>>
      %dma_wait3A_384 = arith.constant 0 : i32
      %dma_wait3A_385 = arith.constant 0 : i32
      %dma_wait3A_386 = tpu.memref_slice %arg2[%dma_wait3A_384, %dma_wait3A_385] : memref<64x1000000xf32, #tpu.memory_space<hbm>> -> memref<8x512xf32, #tpu.memory_space<hbm>>
      tpu.wait_dma2 semaphore(%arg10 : memref<!tpu.dma_semaphore, #tpu.memory_space<semaphore_mem>>) src(%dma_wait3A_386 : memref<8x512xf32, #tpu.memory_space<hbm>>) dst(%dma_wait3A_383 : memref<8x512xf32, #tpu.memory_space<vmem>>)
      %dma_wait3A_387 = arith.constant 0 : i32
      %dma_wait3A_388 = arith.constant 0 : i32
      %dma_wait3A_389 = tpu.memref_slice %arg5[%dma_wait3A_387, %dma_wait3A_388] : memref<64x513xf32, #tpu.memory_space<vmem>> -> memref<8x512xf32, #tpu.memory_space<vmem>>
      %dma_wait3A_390 = arith.constant 0 : i32
      %dma_wait3A_391 = arith.constant 0 : i32
      %dma_wait3A_392 = tpu.memref_slice %arg2[%dma_wait3A_390, %dma_wait3A_391] : memref<64x1000000xf32, #tpu.memory_space<hbm>> -> memref<8x512xf32, #tpu.memory_space<hbm>>
      %dma_wait3A_393 = arith.constant 0 : i32
      %dma_wait3A_394 = arith.constant 0 : i32
      %dma_wait3A_395 = tpu.memref_slice %arg5[%dma_wait3A_393, %dma_wait3A_394] : memref<64x513xf32, #tpu.memory_space<vmem>> -> memref<8x512xf32, #tpu.memory_space<vmem>>
      %dma_wait3A_396 = arith.constant 0 : i32
      %dma_wait3A_397 = arith.constant 0 : i32
      %dma_wait3A_398 = tpu.memref_slice %arg2[%dma_wait3A_396, %dma_wait3A_397] : memref<64x1000000xf32, #tpu.memory_space<hbm>> -> memref<8x512xf32, #tpu.memory_space<hbm>>
      tpu.wait_dma2 semaphore(%arg10 : memref<!tpu.dma_semaphore, #tpu.memory_space<semaphore_mem>>) src(%dma_wait3A_398 : memref<8x512xf32, #tpu.memory_space<hbm>>) dst(%dma_wait3A_395 : memref<8x512xf32, #tpu.memory_space<vmem>>)
      %dma_wait3A_399 = arith.constant 0 : i32
      %dma_wait3A_400 = arith.constant 0 : i32
      %dma_wait3A_401 = tpu.memref_slice %arg5[%dma_wait3A_399, %dma_wait3A_400] : memref<64x513xf32, #tpu.memory_space<vmem>> -> memref<8x512xf32, #tpu.memory_space<vmem>>
      %dma_wait3A_402 = arith.constant 0 : i32
      %dma_wait3A_403 = arith.constant 0 : i32
      %dma_wait3A_404 = tpu.memref_slice %arg2[%dma_wait3A_402, %dma_wait3A_403] : memref<64x1000000xf32, #tpu.memory_space<hbm>> -> memref<8x512xf32, #tpu.memory_space<hbm>>
      %dma_wait3A_405 = arith.constant 0 : i32
      %dma_wait3A_406 = arith.constant 0 : i32
      %dma_wait3A_407 = tpu.memref_slice %arg5[%dma_wait3A_405, %dma_wait3A_406] : memref<64x513xf32, #tpu.memory_space<vmem>> -> memref<8x512xf32, #tpu.memory_space<vmem>>
      %dma_wait3A_408 = arith.constant 0 : i32
      %dma_wait3A_409 = arith.constant 0 : i32
      %dma_wait3A_410 = tpu.memref_slice %arg2[%dma_wait3A_408, %dma_wait3A_409] : memref<64x1000000xf32, #tpu.memory_space<hbm>> -> memref<8x512xf32, #tpu.memory_space<hbm>>
      tpu.wait_dma2 semaphore(%arg10 : memref<!tpu.dma_semaphore, #tpu.memory_space<semaphore_mem>>) src(%dma_wait3A_410 : memref<8x512xf32, #tpu.memory_space<hbm>>) dst(%dma_wait3A_407 : memref<8x512xf32, #tpu.memory_space<vmem>>)
      %dma_wait3A_411 = arith.constant 0 : i32
      %dma_wait3A_412 = arith.constant 0 : i32
      %dma_wait3A_413 = tpu.memref_slice %arg5[%dma_wait3A_411, %dma_wait3A_412] : memref<64x513xf32, #tpu.memory_space<vmem>> -> memref<8x512xf32, #tpu.memory_space<vmem>>
      %dma_wait3A_414 = arith.constant 0 : i32
      %dma_wait3A_415 = arith.constant 0 : i32
      %dma_wait3A_416 = tpu.memref_slice %arg2[%dma_wait3A_414, %dma_wait3A_415] : memref<64x1000000xf32, #tpu.memory_space<hbm>> -> memref<8x512xf32, #tpu.memory_space<hbm>>
      %dma_wait3A_417 = arith.constant 0 : i32
      %dma_wait3A_418 = arith.constant 0 : i32
      %dma_wait3A_419 = tpu.memref_slice %arg5[%dma_wait3A_417, %dma_wait3A_418] : memref<64x513xf32, #tpu.memory_space<vmem>> -> memref<8x512xf32, #tpu.memory_space<vmem>>
      %dma_wait3A_420 = arith.constant 0 : i32
      %dma_wait3A_421 = arith.constant 0 : i32
      %dma_wait3A_422 = tpu.memref_slice %arg2[%dma_wait3A_420, %dma_wait3A_421] : memref<64x1000000xf32, #tpu.memory_space<hbm>> -> memref<8x512xf32, #tpu.memory_space<hbm>>
      tpu.wait_dma2 semaphore(%arg10 : memref<!tpu.dma_semaphore, #tpu.memory_space<semaphore_mem>>) src(%dma_wait3A_422 : memref<8x512xf32, #tpu.memory_space<hbm>>) dst(%dma_wait3A_419 : memref<8x512xf32, #tpu.memory_space<vmem>>)
      %dma_wait3A_423 = arith.constant 0 : i32
      %dma_wait3A_424 = arith.constant 0 : i32
      %dma_wait3A_425 = tpu.memref_slice %arg5[%dma_wait3A_423, %dma_wait3A_424] : memref<64x513xf32, #tpu.memory_space<vmem>> -> memref<8x512xf32, #tpu.memory_space<vmem>>
      %dma_wait3A_426 = arith.constant 0 : i32
      %dma_wait3A_427 = arith.constant 0 : i32
      %dma_wait3A_428 = tpu.memref_slice %arg2[%dma_wait3A_426, %dma_wait3A_427] : memref<64x1000000xf32, #tpu.memory_space<hbm>> -> memref<8x512xf32, #tpu.memory_space<hbm>>
      %dma_wait3A_429 = arith.constant 0 : i32
      %dma_wait3A_430 = arith.constant 0 : i32
      %dma_wait3A_431 = tpu.memref_slice %arg5[%dma_wait3A_429, %dma_wait3A_430] : memref<64x513xf32, #tpu.memory_space<vmem>> -> memref<8x512xf32, #tpu.memory_space<vmem>>
      %dma_wait3A_432 = arith.constant 0 : i32
      %dma_wait3A_433 = arith.constant 0 : i32
      %dma_wait3A_434 = tpu.memref_slice %arg2[%dma_wait3A_432, %dma_wait3A_433] : memref<64x1000000xf32, #tpu.memory_space<hbm>> -> memref<8x512xf32, #tpu.memory_space<hbm>>
      tpu.wait_dma2 semaphore(%arg10 : memref<!tpu.dma_semaphore, #tpu.memory_space<semaphore_mem>>) src(%dma_wait3A_434 : memref<8x512xf32, #tpu.memory_space<hbm>>) dst(%dma_wait3A_431 : memref<8x512xf32, #tpu.memory_space<vmem>>)
      %dma_wait3A_435 = arith.constant 0 : i32
      %dma_wait3A_436 = arith.constant 0 : i32
      %dma_wait3A_437 = tpu.memref_slice %arg5[%dma_wait3A_435, %dma_wait3A_436] : memref<64x513xf32, #tpu.memory_space<vmem>> -> memref<8x512xf32, #tpu.memory_space<vmem>>
      %dma_wait3A_438 = arith.constant 0 : i32
      %dma_wait3A_439 = arith.constant 0 : i32
      %dma_wait3A_440 = tpu.memref_slice %arg2[%dma_wait3A_438, %dma_wait3A_439] : memref<64x1000000xf32, #tpu.memory_space<hbm>> -> memref<8x512xf32, #tpu.memory_space<hbm>>
      %dma_wait3A_441 = arith.constant 0 : i32
      %dma_wait3A_442 = arith.constant 0 : i32
      %dma_wait3A_443 = tpu.memref_slice %arg5[%dma_wait3A_441, %dma_wait3A_442] : memref<64x513xf32, #tpu.memory_space<vmem>> -> memref<8x512xf32, #tpu.memory_space<vmem>>
      %dma_wait3A_444 = arith.constant 0 : i32
      %dma_wait3A_445 = arith.constant 0 : i32
      %dma_wait3A_446 = tpu.memref_slice %arg2[%dma_wait3A_444, %dma_wait3A_445] : memref<64x1000000xf32, #tpu.memory_space<hbm>> -> memref<8x512xf32, #tpu.memory_space<hbm>>
      tpu.wait_dma2 semaphore(%arg10 : memref<!tpu.dma_semaphore, #tpu.memory_space<semaphore_mem>>) src(%dma_wait3A_446 : memref<8x512xf32, #tpu.memory_space<hbm>>) dst(%dma_wait3A_443 : memref<8x512xf32, #tpu.memory_space<vmem>>)
      %dma_wait3A_447 = arith.constant 0 : i32
      %dma_wait3A_448 = arith.constant 0 : i32
      %dma_wait3A_449 = tpu.memref_slice %arg5[%dma_wait3A_447, %dma_wait3A_448] : memref<64x513xf32, #tpu.memory_space<vmem>> -> memref<8x512xf32, #tpu.memory_space<vmem>>
      %dma_wait3A_450 = arith.constant 0 : i32
      %dma_wait3A_451 = arith.constant 0 : i32
      %dma_wait3A_452 = tpu.memref_slice %arg2[%dma_wait3A_450, %dma_wait3A_451] : memref<64x1000000xf32, #tpu.memory_space<hbm>> -> memref<8x512xf32, #tpu.memory_space<hbm>>
      %dma_wait3A_453 = arith.constant 0 : i32
      %dma_wait3A_454 = arith.constant 0 : i32
      %dma_wait3A_455 = tpu.memref_slice %arg5[%dma_wait3A_453, %dma_wait3A_454] : memref<64x513xf32, #tpu.memory_space<vmem>> -> memref<8x512xf32, #tpu.memory_space<vmem>>
      %dma_wait3A_456 = arith.constant 0 : i32
      %dma_wait3A_457 = arith.constant 0 : i32
      %dma_wait3A_458 = tpu.memref_slice %arg2[%dma_wait3A_456, %dma_wait3A_457] : memref<64x1000000xf32, #tpu.memory_space<hbm>> -> memref<8x512xf32, #tpu.memory_space<hbm>>
      tpu.wait_dma2 semaphore(%arg10 : memref<!tpu.dma_semaphore, #tpu.memory_space<semaphore_mem>>) src(%dma_wait3A_458 : memref<8x512xf32, #tpu.memory_space<hbm>>) dst(%dma_wait3A_455 : memref<8x512xf32, #tpu.memory_space<vmem>>)
      %gt3A = arith.constant 0 : i32
      %gt3A_459 = arith.cmpi sgt, %mul3A_261, %gt3A : i32
      %convert_element_type3A_460 = arith.extui %gt3A_459 : i1 to i32
      %cond3A_461 = arith.constant 0 : i32
      %cond3A_462 = arith.cmpi ne, %convert_element_type3A_460, %cond3A_461 : i32
      scf.if %cond3A_462 {
        %dma_wait3A_639 = arith.constant 0 : i32
        %dma_wait3A_640 = tpu.memref_slice %arg4[%dma_wait3A_639] : memref<64000000xf32, #tpu.memory_space<hbm>> -> memref<16384xf32, #tpu.memory_space<hbm>>
        %dma_wait3A_641 = arith.constant 0 : i32
        %dma_wait3A_642 = tpu.memref_slice %arg4[%dma_wait3A_641] : memref<64000000xf32, #tpu.memory_space<hbm>> -> memref<16384xf32, #tpu.memory_space<hbm>>
        tpu.wait_dma2 semaphore(%arg12 : memref<!tpu.dma_semaphore, #tpu.memory_space<semaphore_mem>>) src(%arg7 : memref<16384xf32, #tpu.memory_space<vmem>>) dst(%dma_wait3A_642 : memref<16384xf32, #tpu.memory_space<hbm>>)
      } else {
      }
      %mul3A_463 = arith.constant 32 : i32
      %mul3A_464 = arith.muli %mul3A_261, %mul3A_463 : i32
      %add3A_465 = arith.addi %add3A, %mul3A_464 : i32
      %parallel_loop3A_466 = arith.constant 0 : i32
      %parallel_loop3A_467 = arith.constant 256 : i32
      %parallel_loop3A_468 = arith.constant 1 : i32
      scf.for %parallel_loop3A_639 = %parallel_loop3A_466 to %parallel_loop3A_467 step %parallel_loop3A_468  : i32 {
        %parallel_loop3A_640 = arith.constant 0 : i32
        %parallel_loop3A_641 = arith.addi %parallel_loop3A_640, %parallel_loop3A_639 : i32
        %parallel_loop3A_642 = vector.broadcast %parallel_loop3A_641 : i32 to vector<16xi32>
        %parallel_loop3A_643 = tpu.vector_load_idx %arg5[%add3A_2, %parallel_loop3A_642] : memref<64x513xf32, #tpu.memory_space<vmem>>[vector<16xi32>, vector<16xi32>], vector<16xf32>,
        %parallel_loop3A_644 = arith.constant 64 : i32
        %parallel_loop3A_645 = arith.muli %parallel_loop3A_639, %parallel_loop3A_644 : i32
        %parallel_loop3A_646 = arith.constant 0 : i32
        %parallel_loop3A_647 = arith.addi %parallel_loop3A_645, %parallel_loop3A_646 : i32
        %parallel_loop3A_648 = arith.index_cast %parallel_loop3A_647 : i32 to index
        %parallel_loop3A_649 = tpu.vector_load %arg7[%parallel_loop3A_648] {strides = array<i32>} : memref<16384xf32, #tpu.memory_space<vmem>>, vector<16xf32>,
        tpu.vector_store %arg7[%parallel_loop3A_648], %parallel_loop3A_643 {strides = array<i32>} : memref<16384xf32, #tpu.memory_space<vmem>>, vector<16xf32>,
        %parallel_loop3A_650 = tpu.vector_load_idx %arg5[%add3A_6, %parallel_loop3A_642] : memref<64x513xf32, #tpu.memory_space<vmem>>[vector<16xi32>, vector<16xi32>], vector<16xf32>,
        %parallel_loop3A_651 = arith.constant 64 : i32
        %parallel_loop3A_652 = arith.muli %parallel_loop3A_639, %parallel_loop3A_651 : i32
        %parallel_loop3A_653 = arith.constant 16 : i32
        %parallel_loop3A_654 = arith.addi %parallel_loop3A_652, %parallel_loop3A_653 : i32
        %parallel_loop3A_655 = arith.index_cast %parallel_loop3A_654 : i32 to index
        %parallel_loop3A_656 = tpu.vector_load %arg7[%parallel_loop3A_655] {strides = array<i32>} : memref<16384xf32, #tpu.memory_space<vmem>>, vector<16xf32>,
        tpu.vector_store %arg7[%parallel_loop3A_655], %parallel_loop3A_650 {strides = array<i32>} : memref<16384xf32, #tpu.memory_space<vmem>>, vector<16xf32>,
        %parallel_loop3A_657 = tpu.vector_load_idx %arg5[%add3A_10, %parallel_loop3A_642] : memref<64x513xf32, #tpu.memory_space<vmem>>[vector<16xi32>, vector<16xi32>], vector<16xf32>,
        %parallel_loop3A_658 = arith.constant 64 : i32
        %parallel_loop3A_659 = arith.muli %parallel_loop3A_639, %parallel_loop3A_658 : i32
        %parallel_loop3A_660 = arith.constant 32 : i32
        %parallel_loop3A_661 = arith.addi %parallel_loop3A_659, %parallel_loop3A_660 : i32
        %parallel_loop3A_662 = arith.index_cast %parallel_loop3A_661 : i32 to index
        %parallel_loop3A_663 = tpu.vector_load %arg7[%parallel_loop3A_662] {strides = array<i32>} : memref<16384xf32, #tpu.memory_space<vmem>>, vector<16xf32>,
        tpu.vector_store %arg7[%parallel_loop3A_662], %parallel_loop3A_657 {strides = array<i32>} : memref<16384xf32, #tpu.memory_space<vmem>>, vector<16xf32>,
        %parallel_loop3A_664 = tpu.vector_load_idx %arg5[%add3A_14, %parallel_loop3A_642] : memref<64x513xf32, #tpu.memory_space<vmem>>[vector<16xi32>, vector<16xi32>], vector<16xf32>,
        %parallel_loop3A_665 = arith.constant 64 : i32
        %parallel_loop3A_666 = arith.muli %parallel_loop3A_639, %parallel_loop3A_665 : i32
        %parallel_loop3A_667 = arith.constant 48 : i32
        %parallel_loop3A_668 = arith.addi %parallel_loop3A_666, %parallel_loop3A_667 : i32
        %parallel_loop3A_669 = arith.index_cast %parallel_loop3A_668 : i32 to index
        %parallel_loop3A_670 = tpu.vector_load %arg7[%parallel_loop3A_669] {strides = array<i32>} : memref<16384xf32, #tpu.memory_space<vmem>>, vector<16xf32>,
        tpu.vector_store %arg7[%parallel_loop3A_669], %parallel_loop3A_664 {strides = array<i32>} : memref<16384xf32, #tpu.memory_space<vmem>>, vector<16xf32>,
      } {sc.loop_unroll_factor = 8 : i64, sc.parallel_access}
      %mul3A_469 = arith.constant 512 : i32
      %mul3A_470 = arith.muli %add3A_465, %mul3A_469 : i32
      %add3A_471 = arith.constant 0 : i32
      %add3A_472 = arith.addi %mul3A_470, %add3A_471 : i32
      %mul3A_473 = arith.constant 64 : i32
      %mul3A_474 = arith.muli %add3A_472, %mul3A_473 : i32
      %dma_start3A_475 = tpu.memref_slice %arg4[%mul3A_474] : memref<64000000xf32, #tpu.memory_space<hbm>> -> memref<16384xf32, #tpu.memory_space<hbm>>
      %dma_start3A_476 = tpu.memref_slice %arg4[%mul3A_474] : memref<64000000xf32, #tpu.memory_space<hbm>> -> memref<16384xf32, #tpu.memory_space<hbm>>
      tpu.enqueue_dma source(%arg7 : memref<16384xf32, #tpu.memory_space<vmem>>) target(%dma_start3A_476 : memref<16384xf32, #tpu.memory_space<hbm>>) target_semaphore(%arg12 : memref<!tpu.dma_semaphore, #tpu.memory_space<semaphore_mem>>)
      %gt3A_477 = arith.constant 0 : i32
      %gt3A_478 = arith.cmpi sgt, %mul3A_261, %gt3A_477 : i32
      %convert_element_type3A_479 = arith.extui %gt3A_478 : i1 to i32
      %cond3A_480 = arith.constant 0 : i32
      %cond3A_481 = arith.cmpi ne, %convert_element_type3A_479, %cond3A_480 : i32
      scf.if %cond3A_481 {
        %dma_wait3A_639 = arith.constant 0 : i32
        %dma_wait3A_640 = tpu.memref_slice %arg4[%dma_wait3A_639] : memref<64000000xf32, #tpu.memory_space<hbm>> -> memref<16384xf32, #tpu.memory_space<hbm>>
        %dma_wait3A_641 = arith.constant 0 : i32
        %dma_wait3A_642 = tpu.memref_slice %arg4[%dma_wait3A_641] : memref<64000000xf32, #tpu.memory_space<hbm>> -> memref<16384xf32, #tpu.memory_space<hbm>>
        tpu.wait_dma2 semaphore(%arg13 : memref<!tpu.dma_semaphore, #tpu.memory_space<semaphore_mem>>) src(%arg8 : memref<16384xf32, #tpu.memory_space<vmem>>) dst(%dma_wait3A_642 : memref<16384xf32, #tpu.memory_space<hbm>>)
      } else {
      }
      %mul3A_482 = arith.constant 32 : i32
      %mul3A_483 = arith.muli %mul3A_261, %mul3A_482 : i32
      %add3A_484 = arith.addi %add3A, %mul3A_483 : i32
      %parallel_loop3A_485 = arith.constant 0 : i32
      %parallel_loop3A_486 = arith.constant 256 : i32
      %parallel_loop3A_487 = arith.constant 1 : i32
      scf.for %parallel_loop3A_639 = %parallel_loop3A_485 to %parallel_loop3A_486 step %parallel_loop3A_487  : i32 {
        %parallel_loop3A_640 = arith.constant 256 : i32
        %parallel_loop3A_641 = arith.addi %parallel_loop3A_640, %parallel_loop3A_639 : i32
        %parallel_loop3A_642 = vector.broadcast %parallel_loop3A_641 : i32 to vector<16xi32>
        %parallel_loop3A_643 = tpu.vector_load_idx %arg5[%add3A_2, %parallel_loop3A_642] : memref<64x513xf32, #tpu.memory_space<vmem>>[vector<16xi32>, vector<16xi32>], vector<16xf32>,
        %parallel_loop3A_644 = arith.constant 64 : i32
        %parallel_loop3A_645 = arith.muli %parallel_loop3A_639, %parallel_loop3A_644 : i32
        %parallel_loop3A_646 = arith.constant 0 : i32
        %parallel_loop3A_647 = arith.addi %parallel_loop3A_645, %parallel_loop3A_646 : i32
        %parallel_loop3A_648 = arith.index_cast %parallel_loop3A_647 : i32 to index
        %parallel_loop3A_649 = tpu.vector_load %arg8[%parallel_loop3A_648] {strides = array<i32>} : memref<16384xf32, #tpu.memory_space<vmem>>, vector<16xf32>,
        tpu.vector_store %arg8[%parallel_loop3A_648], %parallel_loop3A_643 {strides = array<i32>} : memref<16384xf32, #tpu.memory_space<vmem>>, vector<16xf32>,
        %parallel_loop3A_650 = tpu.vector_load_idx %arg5[%add3A_6, %parallel_loop3A_642] : memref<64x513xf32, #tpu.memory_space<vmem>>[vector<16xi32>, vector<16xi32>], vector<16xf32>,
        %parallel_loop3A_651 = arith.constant 64 : i32
        %parallel_loop3A_652 = arith.muli %parallel_loop3A_639, %parallel_loop3A_651 : i32
        %parallel_loop3A_653 = arith.constant 16 : i32
        %parallel_loop3A_654 = arith.addi %parallel_loop3A_652, %parallel_loop3A_653 : i32
        %parallel_loop3A_655 = arith.index_cast %parallel_loop3A_654 : i32 to index
        %parallel_loop3A_656 = tpu.vector_load %arg8[%parallel_loop3A_655] {strides = array<i32>} : memref<16384xf32, #tpu.memory_space<vmem>>, vector<16xf32>,
        tpu.vector_store %arg8[%parallel_loop3A_655], %parallel_loop3A_650 {strides = array<i32>} : memref<16384xf32, #tpu.memory_space<vmem>>, vector<16xf32>,
        %parallel_loop3A_657 = tpu.vector_load_idx %arg5[%add3A_10, %parallel_loop3A_642] : memref<64x513xf32, #tpu.memory_space<vmem>>[vector<16xi32>, vector<16xi32>], vector<16xf32>,
        %parallel_loop3A_658 = arith.constant 64 : i32
        %parallel_loop3A_659 = arith.muli %parallel_loop3A_639, %parallel_loop3A_658 : i32
        %parallel_loop3A_660 = arith.constant 32 : i32
        %parallel_loop3A_661 = arith.addi %parallel_loop3A_659, %parallel_loop3A_660 : i32
        %parallel_loop3A_662 = arith.index_cast %parallel_loop3A_661 : i32 to index
        %parallel_loop3A_663 = tpu.vector_load %arg8[%parallel_loop3A_662] {strides = array<i32>} : memref<16384xf32, #tpu.memory_space<vmem>>, vector<16xf32>,
        tpu.vector_store %arg8[%parallel_loop3A_662], %parallel_loop3A_657 {strides = array<i32>} : memref<16384xf32, #tpu.memory_space<vmem>>, vector<16xf32>,
        %parallel_loop3A_664 = tpu.vector_load_idx %arg5[%add3A_14, %parallel_loop3A_642] : memref<64x513xf32, #tpu.memory_space<vmem>>[vector<16xi32>, vector<16xi32>], vector<16xf32>,
        %parallel_loop3A_665 = arith.constant 64 : i32
        %parallel_loop3A_666 = arith.muli %parallel_loop3A_639, %parallel_loop3A_665 : i32
        %parallel_loop3A_667 = arith.constant 48 : i32
        %parallel_loop3A_668 = arith.addi %parallel_loop3A_666, %parallel_loop3A_667 : i32
        %parallel_loop3A_669 = arith.index_cast %parallel_loop3A_668 : i32 to index
        %parallel_loop3A_670 = tpu.vector_load %arg8[%parallel_loop3A_669] {strides = array<i32>} : memref<16384xf32, #tpu.memory_space<vmem>>, vector<16xf32>,
        tpu.vector_store %arg8[%parallel_loop3A_669], %parallel_loop3A_664 {strides = array<i32>} : memref<16384xf32, #tpu.memory_space<vmem>>, vector<16xf32>,
      } {sc.loop_unroll_factor = 8 : i64, sc.parallel_access}
      %mul3A_488 = arith.constant 512 : i32
      %mul3A_489 = arith.muli %add3A_484, %mul3A_488 : i32
      %add3A_490 = arith.constant 256 : i32
      %add3A_491 = arith.addi %mul3A_489, %add3A_490 : i32
      %mul3A_492 = arith.constant 64 : i32
      %mul3A_493 = arith.muli %add3A_491, %mul3A_492 : i32
      %dma_start3A_494 = tpu.memref_slice %arg4[%mul3A_493] : memref<64000000xf32, #tpu.memory_space<hbm>> -> memref<16384xf32, #tpu.memory_space<hbm>>
      %dma_start3A_495 = tpu.memref_slice %arg4[%mul3A_493] : memref<64000000xf32, #tpu.memory_space<hbm>> -> memref<16384xf32, #tpu.memory_space<hbm>>
      tpu.enqueue_dma source(%arg8 : memref<16384xf32, #tpu.memory_space<vmem>>) target(%dma_start3A_495 : memref<16384xf32, #tpu.memory_space<hbm>>) target_semaphore(%arg13 : memref<!tpu.dma_semaphore, #tpu.memory_space<semaphore_mem>>)
      %add3A_496 = arith.constant 2 : i32
      %add3A_497 = arith.addi %mul3A_261, %add3A_496 : i32
      %lt3A_498 = arith.constant 61 : i32
      %lt3A_499 = arith.cmpi slt, %add3A_497, %lt3A_498 : i32
      %convert_element_type3A_500 = arith.extui %lt3A_499 : i1 to i32
      %cond3A_501 = arith.constant 0 : i32
      %cond3A_502 = arith.cmpi ne, %convert_element_type3A_500, %cond3A_501 : i32
      scf.if %cond3A_502 {
        %add3A_639 = arith.constant 2 : i32
        %add3A_640 = arith.addi %mul3A_261, %add3A_639 : i32
        %mul3A_641 = arith.constant 32 : i32
        %mul3A_642 = arith.muli %add3A_640, %mul3A_641 : i32
        %add3A_643 = arith.addi %add3A, %mul3A_642 : i32
        %mul3A_644 = arith.constant 512 : i32
        %mul3A_645 = arith.muli %add3A_643, %mul3A_644 : i32
        %dma_start3A_646 = arith.constant 0 : i32
        %dma_start3A_647 = arith.constant 0 : i32
        %dma_start3A_648 = tpu.memref_slice %arg5[%dma_start3A_646, %dma_start3A_647] : memref<64x513xf32, #tpu.memory_space<vmem>> -> memref<8x512xf32, #tpu.memory_space<vmem>>
        %dma_start3A_649 = arith.constant 0 : i32
        %dma_start3A_650 = tpu.memref_slice %arg2[%dma_start3A_649, %mul3A_645] : memref<64x1000000xf32, #tpu.memory_space<hbm>> -> memref<8x512xf32, #tpu.memory_space<hbm>>
        %dma_start3A_651 = arith.constant 0 : i32
        %dma_start3A_652 = arith.constant 0 : i32
        %dma_start3A_653 = tpu.memref_slice %arg5[%dma_start3A_651, %dma_start3A_652] : memref<64x513xf32, #tpu.memory_space<vmem>> -> memref<8x512xf32, #tpu.memory_space<vmem>>
        %dma_start3A_654 = arith.constant 0 : i32
        %dma_start3A_655 = tpu.memref_slice %arg2[%dma_start3A_654, %mul3A_645] : memref<64x1000000xf32, #tpu.memory_space<hbm>> -> memref<8x512xf32, #tpu.memory_space<hbm>>
        tpu.enqueue_dma source(%dma_start3A_655 : memref<8x512xf32, #tpu.memory_space<hbm>>) target(%dma_start3A_653 : memref<8x512xf32, #tpu.memory_space<vmem>>) target_semaphore(%arg10 : memref<!tpu.dma_semaphore, #tpu.memory_space<semaphore_mem>>)
        %mul3A_656 = arith.constant 512 : i32
        %mul3A_657 = arith.muli %add3A_643, %mul3A_656 : i32
        %dma_start3A_658 = arith.constant 8 : i32
        %dma_start3A_659 = arith.constant 0 : i32
        %dma_start3A_660 = tpu.memref_slice %arg5[%dma_start3A_658, %dma_start3A_659] : memref<64x513xf32, #tpu.memory_space<vmem>> -> memref<8x512xf32, #tpu.memory_space<vmem>>
        %dma_start3A_661 = arith.constant 8 : i32
        %dma_start3A_662 = tpu.memref_slice %arg2[%dma_start3A_661, %mul3A_657] : memref<64x1000000xf32, #tpu.memory_space<hbm>> -> memref<8x512xf32, #tpu.memory_space<hbm>>
        %dma_start3A_663 = arith.constant 8 : i32
        %dma_start3A_664 = arith.constant 0 : i32
        %dma_start3A_665 = tpu.memref_slice %arg5[%dma_start3A_663, %dma_start3A_664] : memref<64x513xf32, #tpu.memory_space<vmem>> -> memref<8x512xf32, #tpu.memory_space<vmem>>
        %dma_start3A_666 = arith.constant 8 : i32
        %dma_start3A_667 = tpu.memref_slice %arg2[%dma_start3A_666, %mul3A_657] : memref<64x1000000xf32, #tpu.memory_space<hbm>> -> memref<8x512xf32, #tpu.memory_space<hbm>>
        tpu.enqueue_dma source(%dma_start3A_667 : memref<8x512xf32, #tpu.memory_space<hbm>>) target(%dma_start3A_665 : memref<8x512xf32, #tpu.memory_space<vmem>>) target_semaphore(%arg10 : memref<!tpu.dma_semaphore, #tpu.memory_space<semaphore_mem>>)
        %mul3A_668 = arith.constant 512 : i32
        %mul3A_669 = arith.muli %add3A_643, %mul3A_668 : i32
        %dma_start3A_670 = arith.constant 16 : i32
        %dma_start3A_671 = arith.constant 0 : i32
        %dma_start3A_672 = tpu.memref_slice %arg5[%dma_start3A_670, %dma_start3A_671] : memref<64x513xf32, #tpu.memory_space<vmem>> -> memref<8x512xf32, #tpu.memory_space<vmem>>
        %dma_start3A_673 = arith.constant 16 : i32
        %dma_start3A_674 = tpu.memref_slice %arg2[%dma_start3A_673, %mul3A_669] : memref<64x1000000xf32, #tpu.memory_space<hbm>> -> memref<8x512xf32, #tpu.memory_space<hbm>>
        %dma_start3A_675 = arith.constant 16 : i32
        %dma_start3A_676 = arith.constant 0 : i32
        %dma_start3A_677 = tpu.memref_slice %arg5[%dma_start3A_675, %dma_start3A_676] : memref<64x513xf32, #tpu.memory_space<vmem>> -> memref<8x512xf32, #tpu.memory_space<vmem>>
        %dma_start3A_678 = arith.constant 16 : i32
        %dma_start3A_679 = tpu.memref_slice %arg2[%dma_start3A_678, %mul3A_669] : memref<64x1000000xf32, #tpu.memory_space<hbm>> -> memref<8x512xf32, #tpu.memory_space<hbm>>
        tpu.enqueue_dma source(%dma_start3A_679 : memref<8x512xf32, #tpu.memory_space<hbm>>) target(%dma_start3A_677 : memref<8x512xf32, #tpu.memory_space<vmem>>) target_semaphore(%arg10 : memref<!tpu.dma_semaphore, #tpu.memory_space<semaphore_mem>>)
        %mul3A_680 = arith.constant 512 : i32
        %mul3A_681 = arith.muli %add3A_643, %mul3A_680 : i32
        %dma_start3A_682 = arith.constant 24 : i32
        %dma_start3A_683 = arith.constant 0 : i32
        %dma_start3A_684 = tpu.memref_slice %arg5[%dma_start3A_682, %dma_start3A_683] : memref<64x513xf32, #tpu.memory_space<vmem>> -> memref<8x512xf32, #tpu.memory_space<vmem>>
        %dma_start3A_685 = arith.constant 24 : i32
        %dma_start3A_686 = tpu.memref_slice %arg2[%dma_start3A_685, %mul3A_681] : memref<64x1000000xf32, #tpu.memory_space<hbm>> -> memref<8x512xf32, #tpu.memory_space<hbm>>
        %dma_start3A_687 = arith.constant 24 : i32
        %dma_start3A_688 = arith.constant 0 : i32
        %dma_start3A_689 = tpu.memref_slice %arg5[%dma_start3A_687, %dma_start3A_688] : memref<64x513xf32, #tpu.memory_space<vmem>> -> memref<8x512xf32, #tpu.memory_space<vmem>>
        %dma_start3A_690 = arith.constant 24 : i32
        %dma_start3A_691 = tpu.memref_slice %arg2[%dma_start3A_690, %mul3A_681] : memref<64x1000000xf32, #tpu.memory_space<hbm>> -> memref<8x512xf32, #tpu.memory_space<hbm>>
        tpu.enqueue_dma source(%dma_start3A_691 : memref<8x512xf32, #tpu.memory_space<hbm>>) target(%dma_start3A_689 : memref<8x512xf32, #tpu.memory_space<vmem>>) target_semaphore(%arg10 : memref<!tpu.dma_semaphore, #tpu.memory_space<semaphore_mem>>)
        %mul3A_692 = arith.constant 512 : i32
        %mul3A_693 = arith.muli %add3A_643, %mul3A_692 : i32
        %dma_start3A_694 = arith.constant 32 : i32
        %dma_start3A_695 = arith.constant 0 : i32
        %dma_start3A_696 = tpu.memref_slice %arg5[%dma_start3A_694, %dma_start3A_695] : memref<64x513xf32, #tpu.memory_space<vmem>> -> memref<8x512xf32, #tpu.memory_space<vmem>>
        %dma_start3A_697 = arith.constant 32 : i32
        %dma_start3A_698 = tpu.memref_slice %arg2[%dma_start3A_697, %mul3A_693] : memref<64x1000000xf32, #tpu.memory_space<hbm>> -> memref<8x512xf32, #tpu.memory_space<hbm>>
        %dma_start3A_699 = arith.constant 32 : i32
        %dma_start3A_700 = arith.constant 0 : i32
        %dma_start3A_701 = tpu.memref_slice %arg5[%dma_start3A_699, %dma_start3A_700] : memref<64x513xf32, #tpu.memory_space<vmem>> -> memref<8x512xf32, #tpu.memory_space<vmem>>
        %dma_start3A_702 = arith.constant 32 : i32
        %dma_start3A_703 = tpu.memref_slice %arg2[%dma_start3A_702, %mul3A_693] : memref<64x1000000xf32, #tpu.memory_space<hbm>> -> memref<8x512xf32, #tpu.memory_space<hbm>>
        tpu.enqueue_dma source(%dma_start3A_703 : memref<8x512xf32, #tpu.memory_space<hbm>>) target(%dma_start3A_701 : memref<8x512xf32, #tpu.memory_space<vmem>>) target_semaphore(%arg10 : memref<!tpu.dma_semaphore, #tpu.memory_space<semaphore_mem>>)
        %mul3A_704 = arith.constant 512 : i32
        %mul3A_705 = arith.muli %add3A_643, %mul3A_704 : i32
        %dma_start3A_706 = arith.constant 40 : i32
        %dma_start3A_707 = arith.constant 0 : i32
        %dma_start3A_708 = tpu.memref_slice %arg5[%dma_start3A_706, %dma_start3A_707] : memref<64x513xf32, #tpu.memory_space<vmem>> -> memref<8x512xf32, #tpu.memory_space<vmem>>
        %dma_start3A_709 = arith.constant 40 : i32
        %dma_start3A_710 = tpu.memref_slice %arg2[%dma_start3A_709, %mul3A_705] : memref<64x1000000xf32, #tpu.memory_space<hbm>> -> memref<8x512xf32, #tpu.memory_space<hbm>>
        %dma_start3A_711 = arith.constant 40 : i32
        %dma_start3A_712 = arith.constant 0 : i32
        %dma_start3A_713 = tpu.memref_slice %arg5[%dma_start3A_711, %dma_start3A_712] : memref<64x513xf32, #tpu.memory_space<vmem>> -> memref<8x512xf32, #tpu.memory_space<vmem>>
        %dma_start3A_714 = arith.constant 40 : i32
        %dma_start3A_715 = tpu.memref_slice %arg2[%dma_start3A_714, %mul3A_705] : memref<64x1000000xf32, #tpu.memory_space<hbm>> -> memref<8x512xf32, #tpu.memory_space<hbm>>
        tpu.enqueue_dma source(%dma_start3A_715 : memref<8x512xf32, #tpu.memory_space<hbm>>) target(%dma_start3A_713 : memref<8x512xf32, #tpu.memory_space<vmem>>) target_semaphore(%arg10 : memref<!tpu.dma_semaphore, #tpu.memory_space<semaphore_mem>>)
        %mul3A_716 = arith.constant 512 : i32
        %mul3A_717 = arith.muli %add3A_643, %mul3A_716 : i32
        %dma_start3A_718 = arith.constant 48 : i32
        %dma_start3A_719 = arith.constant 0 : i32
        %dma_start3A_720 = tpu.memref_slice %arg5[%dma_start3A_718, %dma_start3A_719] : memref<64x513xf32, #tpu.memory_space<vmem>> -> memref<8x512xf32, #tpu.memory_space<vmem>>
        %dma_start3A_721 = arith.constant 48 : i32
        %dma_start3A_722 = tpu.memref_slice %arg2[%dma_start3A_721, %mul3A_717] : memref<64x1000000xf32, #tpu.memory_space<hbm>> -> memref<8x512xf32, #tpu.memory_space<hbm>>
        %dma_start3A_723 = arith.constant 48 : i32
        %dma_start3A_724 = arith.constant 0 : i32
        %dma_start3A_725 = tpu.memref_slice %arg5[%dma_start3A_723, %dma_start3A_724] : memref<64x513xf32, #tpu.memory_space<vmem>> -> memref<8x512xf32, #tpu.memory_space<vmem>>
        %dma_start3A_726 = arith.constant 48 : i32
        %dma_start3A_727 = tpu.memref_slice %arg2[%dma_start3A_726, %mul3A_717] : memref<64x1000000xf32, #tpu.memory_space<hbm>> -> memref<8x512xf32, #tpu.memory_space<hbm>>
        tpu.enqueue_dma source(%dma_start3A_727 : memref<8x512xf32, #tpu.memory_space<hbm>>) target(%dma_start3A_725 : memref<8x512xf32, #tpu.memory_space<vmem>>) target_semaphore(%arg10 : memref<!tpu.dma_semaphore, #tpu.memory_space<semaphore_mem>>)
        %mul3A_728 = arith.constant 512 : i32
        %mul3A_729 = arith.muli %add3A_643, %mul3A_728 : i32
        %dma_start3A_730 = arith.constant 56 : i32
        %dma_start3A_731 = arith.constant 0 : i32
        %dma_start3A_732 = tpu.memref_slice %arg5[%dma_start3A_730, %dma_start3A_731] : memref<64x513xf32, #tpu.memory_space<vmem>> -> memref<8x512xf32, #tpu.memory_space<vmem>>
        %dma_start3A_733 = arith.constant 56 : i32
        %dma_start3A_734 = tpu.memref_slice %arg2[%dma_start3A_733, %mul3A_729] : memref<64x1000000xf32, #tpu.memory_space<hbm>> -> memref<8x512xf32, #tpu.memory_space<hbm>>
        %dma_start3A_735 = arith.constant 56 : i32
        %dma_start3A_736 = arith.constant 0 : i32
        %dma_start3A_737 = tpu.memref_slice %arg5[%dma_start3A_735, %dma_start3A_736] : memref<64x513xf32, #tpu.memory_space<vmem>> -> memref<8x512xf32, #tpu.memory_space<vmem>>
        %dma_start3A_738 = arith.constant 56 : i32
        %dma_start3A_739 = tpu.memref_slice %arg2[%dma_start3A_738, %mul3A_729] : memref<64x1000000xf32, #tpu.memory_space<hbm>> -> memref<8x512xf32, #tpu.memory_space<hbm>>
        tpu.enqueue_dma source(%dma_start3A_739 : memref<8x512xf32, #tpu.memory_space<hbm>>) target(%dma_start3A_737 : memref<8x512xf32, #tpu.memory_space<vmem>>) target_semaphore(%arg10 : memref<!tpu.dma_semaphore, #tpu.memory_space<semaphore_mem>>)
      } else {
      }
      %dma_wait3A_503 = arith.constant 0 : i32
      %dma_wait3A_504 = arith.constant 0 : i32
      %dma_wait3A_505 = tpu.memref_slice %arg6[%dma_wait3A_503, %dma_wait3A_504] : memref<64x513xf32, #tpu.memory_space<vmem>> -> memref<8x512xf32, #tpu.memory_space<vmem>>
      %dma_wait3A_506 = arith.constant 0 : i32
      %dma_wait3A_507 = arith.constant 0 : i32
      %dma_wait3A_508 = tpu.memref_slice %arg2[%dma_wait3A_506, %dma_wait3A_507] : memref<64x1000000xf32, #tpu.memory_space<hbm>> -> memref<8x512xf32, #tpu.memory_space<hbm>>
      %dma_wait3A_509 = arith.constant 0 : i32
      %dma_wait3A_510 = arith.constant 0 : i32
      %dma_wait3A_511 = tpu.memref_slice %arg6[%dma_wait3A_509, %dma_wait3A_510] : memref<64x513xf32, #tpu.memory_space<vmem>> -> memref<8x512xf32, #tpu.memory_space<vmem>>
      %dma_wait3A_512 = arith.constant 0 : i32
      %dma_wait3A_513 = arith.constant 0 : i32
      %dma_wait3A_514 = tpu.memref_slice %arg2[%dma_wait3A_512, %dma_wait3A_513] : memref<64x1000000xf32, #tpu.memory_space<hbm>> -> memref<8x512xf32, #tpu.memory_space<hbm>>
      tpu.wait_dma2 semaphore(%arg11 : memref<!tpu.dma_semaphore, #tpu.memory_space<semaphore_mem>>) src(%dma_wait3A_514 : memref<8x512xf32, #tpu.memory_space<hbm>>) dst(%dma_wait3A_511 : memref<8x512xf32, #tpu.memory_space<vmem>>)
      %dma_wait3A_515 = arith.constant 0 : i32
      %dma_wait3A_516 = arith.constant 0 : i32
      %dma_wait3A_517 = tpu.memref_slice %arg6[%dma_wait3A_515, %dma_wait3A_516] : memref<64x513xf32, #tpu.memory_space<vmem>> -> memref<8x512xf32, #tpu.memory_space<vmem>>
      %dma_wait3A_518 = arith.constant 0 : i32
      %dma_wait3A_519 = arith.constant 0 : i32
      %dma_wait3A_520 = tpu.memref_slice %arg2[%dma_wait3A_518, %dma_wait3A_519] : memref<64x1000000xf32, #tpu.memory_space<hbm>> -> memref<8x512xf32, #tpu.memory_space<hbm>>
      %dma_wait3A_521 = arith.constant 0 : i32
      %dma_wait3A_522 = arith.constant 0 : i32
      %dma_wait3A_523 = tpu.memref_slice %arg6[%dma_wait3A_521, %dma_wait3A_522] : memref<64x513xf32, #tpu.memory_space<vmem>> -> memref<8x512xf32, #tpu.memory_space<vmem>>
      %dma_wait3A_524 = arith.constant 0 : i32
      %dma_wait3A_525 = arith.constant 0 : i32
      %dma_wait3A_526 = tpu.memref_slice %arg2[%dma_wait3A_524, %dma_wait3A_525] : memref<64x1000000xf32, #tpu.memory_space<hbm>> -> memref<8x512xf32, #tpu.memory_space<hbm>>
      tpu.wait_dma2 semaphore(%arg11 : memref<!tpu.dma_semaphore, #tpu.memory_space<semaphore_mem>>) src(%dma_wait3A_526 : memref<8x512xf32, #tpu.memory_space<hbm>>) dst(%dma_wait3A_523 : memref<8x512xf32, #tpu.memory_space<vmem>>)
      %dma_wait3A_527 = arith.constant 0 : i32
      %dma_wait3A_528 = arith.constant 0 : i32
      %dma_wait3A_529 = tpu.memref_slice %arg6[%dma_wait3A_527, %dma_wait3A_528] : memref<64x513xf32, #tpu.memory_space<vmem>> -> memref<8x512xf32, #tpu.memory_space<vmem>>
      %dma_wait3A_530 = arith.constant 0 : i32
      %dma_wait3A_531 = arith.constant 0 : i32
      %dma_wait3A_532 = tpu.memref_slice %arg2[%dma_wait3A_530, %dma_wait3A_531] : memref<64x1000000xf32, #tpu.memory_space<hbm>> -> memref<8x512xf32, #tpu.memory_space<hbm>>
      %dma_wait3A_533 = arith.constant 0 : i32
      %dma_wait3A_534 = arith.constant 0 : i32
      %dma_wait3A_535 = tpu.memref_slice %arg6[%dma_wait3A_533, %dma_wait3A_534] : memref<64x513xf32, #tpu.memory_space<vmem>> -> memref<8x512xf32, #tpu.memory_space<vmem>>
      %dma_wait3A_536 = arith.constant 0 : i32
      %dma_wait3A_537 = arith.constant 0 : i32
      %dma_wait3A_538 = tpu.memref_slice %arg2[%dma_wait3A_536, %dma_wait3A_537] : memref<64x1000000xf32, #tpu.memory_space<hbm>> -> memref<8x512xf32, #tpu.memory_space<hbm>>
      tpu.wait_dma2 semaphore(%arg11 : memref<!tpu.dma_semaphore, #tpu.memory_space<semaphore_mem>>) src(%dma_wait3A_538 : memref<8x512xf32, #tpu.memory_space<hbm>>) dst(%dma_wait3A_535 : memref<8x512xf32, #tpu.memory_space<vmem>>)
      %dma_wait3A_539 = arith.constant 0 : i32
      %dma_wait3A_540 = arith.constant 0 : i32
      %dma_wait3A_541 = tpu.memref_slice %arg6[%dma_wait3A_539, %dma_wait3A_540] : memref<64x513xf32, #tpu.memory_space<vmem>> -> memref<8x512xf32, #tpu.memory_space<vmem>>
      %dma_wait3A_542 = arith.constant 0 : i32
      %dma_wait3A_543 = arith.constant 0 : i32
      %dma_wait3A_544 = tpu.memref_slice %arg2[%dma_wait3A_542, %dma_wait3A_543] : memref<64x1000000xf32, #tpu.memory_space<hbm>> -> memref<8x512xf32, #tpu.memory_space<hbm>>
      %dma_wait3A_545 = arith.constant 0 : i32
      %dma_wait3A_546 = arith.constant 0 : i32
      %dma_wait3A_547 = tpu.memref_slice %arg6[%dma_wait3A_545, %dma_wait3A_546] : memref<64x513xf32, #tpu.memory_space<vmem>> -> memref<8x512xf32, #tpu.memory_space<vmem>>
      %dma_wait3A_548 = arith.constant 0 : i32
      %dma_wait3A_549 = arith.constant 0 : i32
      %dma_wait3A_550 = tpu.memref_slice %arg2[%dma_wait3A_548, %dma_wait3A_549] : memref<64x1000000xf32, #tpu.memory_space<hbm>> -> memref<8x512xf32, #tpu.memory_space<hbm>>
      tpu.wait_dma2 semaphore(%arg11 : memref<!tpu.dma_semaphore, #tpu.memory_space<semaphore_mem>>) src(%dma_wait3A_550 : memref<8x512xf32, #tpu.memory_space<hbm>>) dst(%dma_wait3A_547 : memref<8x512xf32, #tpu.memory_space<vmem>>)
      %dma_wait3A_551 = arith.constant 0 : i32
      %dma_wait3A_552 = arith.constant 0 : i32
      %dma_wait3A_553 = tpu.memref_slice %arg6[%dma_wait3A_551, %dma_wait3A_552] : memref<64x513xf32, #tpu.memory_space<vmem>> -> memref<8x512xf32, #tpu.memory_space<vmem>>
      %dma_wait3A_554 = arith.constant 0 : i32
      %dma_wait3A_555 = arith.constant 0 : i32
      %dma_wait3A_556 = tpu.memref_slice %arg2[%dma_wait3A_554, %dma_wait3A_555] : memref<64x1000000xf32, #tpu.memory_space<hbm>> -> memref<8x512xf32, #tpu.memory_space<hbm>>
      %dma_wait3A_557 = arith.constant 0 : i32
      %dma_wait3A_558 = arith.constant 0 : i32
      %dma_wait3A_559 = tpu.memref_slice %arg6[%dma_wait3A_557, %dma_wait3A_558] : memref<64x513xf32, #tpu.memory_space<vmem>> -> memref<8x512xf32, #tpu.memory_space<vmem>>
      %dma_wait3A_560 = arith.constant 0 : i32
      %dma_wait3A_561 = arith.constant 0 : i32
      %dma_wait3A_562 = tpu.memref_slice %arg2[%dma_wait3A_560, %dma_wait3A_561] : memref<64x1000000xf32, #tpu.memory_space<hbm>> -> memref<8x512xf32, #tpu.memory_space<hbm>>
      tpu.wait_dma2 semaphore(%arg11 : memref<!tpu.dma_semaphore, #tpu.memory_space<semaphore_mem>>) src(%dma_wait3A_562 : memref<8x512xf32, #tpu.memory_space<hbm>>) dst(%dma_wait3A_559 : memref<8x512xf32, #tpu.memory_space<vmem>>)
      %dma_wait3A_563 = arith.constant 0 : i32
      %dma_wait3A_564 = arith.constant 0 : i32
      %dma_wait3A_565 = tpu.memref_slice %arg6[%dma_wait3A_563, %dma_wait3A_564] : memref<64x513xf32, #tpu.memory_space<vmem>> -> memref<8x512xf32, #tpu.memory_space<vmem>>
      %dma_wait3A_566 = arith.constant 0 : i32
      %dma_wait3A_567 = arith.constant 0 : i32
      %dma_wait3A_568 = tpu.memref_slice %arg2[%dma_wait3A_566, %dma_wait3A_567] : memref<64x1000000xf32, #tpu.memory_space<hbm>> -> memref<8x512xf32, #tpu.memory_space<hbm>>
      %dma_wait3A_569 = arith.constant 0 : i32
      %dma_wait3A_570 = arith.constant 0 : i32
      %dma_wait3A_571 = tpu.memref_slice %arg6[%dma_wait3A_569, %dma_wait3A_570] : memref<64x513xf32, #tpu.memory_space<vmem>> -> memref<8x512xf32, #tpu.memory_space<vmem>>
      %dma_wait3A_572 = arith.constant 0 : i32
      %dma_wait3A_573 = arith.constant 0 : i32
      %dma_wait3A_574 = tpu.memref_slice %arg2[%dma_wait3A_572, %dma_wait3A_573] : memref<64x1000000xf32, #tpu.memory_space<hbm>> -> memref<8x512xf32, #tpu.memory_space<hbm>>
      tpu.wait_dma2 semaphore(%arg11 : memref<!tpu.dma_semaphore, #tpu.memory_space<semaphore_mem>>) src(%dma_wait3A_574 : memref<8x512xf32, #tpu.memory_space<hbm>>) dst(%dma_wait3A_571 : memref<8x512xf32, #tpu.memory_space<vmem>>)
      %dma_wait3A_575 = arith.constant 0 : i32
      %dma_wait3A_576 = arith.constant 0 : i32
      %dma_wait3A_577 = tpu.memref_slice %arg6[%dma_wait3A_575, %dma_wait3A_576] : memref<64x513xf32, #tpu.memory_space<vmem>> -> memref<8x512xf32, #tpu.memory_space<vmem>>
      %dma_wait3A_578 = arith.constant 0 : i32
      %dma_wait3A_579 = arith.constant 0 : i32
      %dma_wait3A_580 = tpu.memref_slice %arg2[%dma_wait3A_578, %dma_wait3A_579] : memref<64x1000000xf32, #tpu.memory_space<hbm>> -> memref<8x512xf32, #tpu.memory_space<hbm>>
      %dma_wait3A_581 = arith.constant 0 : i32
      %dma_wait3A_582 = arith.constant 0 : i32
      %dma_wait3A_583 = tpu.memref_slice %arg6[%dma_wait3A_581, %dma_wait3A_582] : memref<64x513xf32, #tpu.memory_space<vmem>> -> memref<8x512xf32, #tpu.memory_space<vmem>>
      %dma_wait3A_584 = arith.constant 0 : i32
      %dma_wait3A_585 = arith.constant 0 : i32
      %dma_wait3A_586 = tpu.memref_slice %arg2[%dma_wait3A_584, %dma_wait3A_585] : memref<64x1000000xf32, #tpu.memory_space<hbm>> -> memref<8x512xf32, #tpu.memory_space<hbm>>
      tpu.wait_dma2 semaphore(%arg11 : memref<!tpu.dma_semaphore, #tpu.memory_space<semaphore_mem>>) src(%dma_wait3A_586 : memref<8x512xf32, #tpu.memory_space<hbm>>) dst(%dma_wait3A_583 : memref<8x512xf32, #tpu.memory_space<vmem>>)
      %dma_wait3A_587 = arith.constant 0 : i32
      %dma_wait3A_588 = arith.constant 0 : i32
      %dma_wait3A_589 = tpu.memref_slice %arg6[%dma_wait3A_587, %dma_wait3A_588] : memref<64x513xf32, #tpu.memory_space<vmem>> -> memref<8x512xf32, #tpu.memory_space<vmem>>
      %dma_wait3A_590 = arith.constant 0 : i32
      %dma_wait3A_591 = arith.constant 0 : i32
      %dma_wait3A_592 = tpu.memref_slice %arg2[%dma_wait3A_590, %dma_wait3A_591] : memref<64x1000000xf32, #tpu.memory_space<hbm>> -> memref<8x512xf32, #tpu.memory_space<hbm>>
      %dma_wait3A_593 = arith.constant 0 : i32
      %dma_wait3A_594 = arith.constant 0 : i32
      %dma_wait3A_595 = tpu.memref_slice %arg6[%dma_wait3A_593, %dma_wait3A_594] : memref<64x513xf32, #tpu.memory_space<vmem>> -> memref<8x512xf32, #tpu.memory_space<vmem>>
      %dma_wait3A_596 = arith.constant 0 : i32
      %dma_wait3A_597 = arith.constant 0 : i32
      %dma_wait3A_598 = tpu.memref_slice %arg2[%dma_wait3A_596, %dma_wait3A_597] : memref<64x1000000xf32, #tpu.memory_space<hbm>> -> memref<8x512xf32, #tpu.memory_space<hbm>>
      tpu.wait_dma2 semaphore(%arg11 : memref<!tpu.dma_semaphore, #tpu.memory_space<semaphore_mem>>) src(%dma_wait3A_598 : memref<8x512xf32, #tpu.memory_space<hbm>>) dst(%dma_wait3A_595 : memref<8x512xf32, #tpu.memory_space<vmem>>)
      %dma_wait3A_599 = arith.constant 0 : i32
      %dma_wait3A_600 = tpu.memref_slice %arg4[%dma_wait3A_599] : memref<64000000xf32, #tpu.memory_space<hbm>> -> memref<16384xf32, #tpu.memory_space<hbm>>
      %dma_wait3A_601 = arith.constant 0 : i32
      %dma_wait3A_602 = tpu.memref_slice %arg4[%dma_wait3A_601] : memref<64000000xf32, #tpu.memory_space<hbm>> -> memref<16384xf32, #tpu.memory_space<hbm>>
      tpu.wait_dma2 semaphore(%arg12 : memref<!tpu.dma_semaphore, #tpu.memory_space<semaphore_mem>>) src(%arg7 : memref<16384xf32, #tpu.memory_space<vmem>>) dst(%dma_wait3A_602 : memref<16384xf32, #tpu.memory_space<hbm>>)
      %add3A_603 = arith.constant 1 : i32
      %add3A_604 = arith.addi %mul3A_261, %add3A_603 : i32
      %mul3A_605 = arith.constant 32 : i32
      %mul3A_606 = arith.muli %add3A_604, %mul3A_605 : i32
      %add3A_607 = arith.addi %add3A, %mul3A_606 : i32
      %parallel_loop3A_608 = arith.constant 0 : i32
      %parallel_loop3A_609 = arith.constant 256 : i32
      %parallel_loop3A_610 = arith.constant 1 : i32
      scf.for %parallel_loop3A_639 = %parallel_loop3A_608 to %parallel_loop3A_609 step %parallel_loop3A_610  : i32 {
        %parallel_loop3A_640 = arith.constant 0 : i32
        %parallel_loop3A_641 = arith.addi %parallel_loop3A_640, %parallel_loop3A_639 : i32
        %parallel_loop3A_642 = vector.broadcast %parallel_loop3A_641 : i32 to vector<16xi32>
        %parallel_loop3A_643 = tpu.vector_load_idx %arg6[%add3A_2, %parallel_loop3A_642] : memref<64x513xf32, #tpu.memory_space<vmem>>[vector<16xi32>, vector<16xi32>], vector<16xf32>,
        %parallel_loop3A_644 = arith.constant 64 : i32
        %parallel_loop3A_645 = arith.muli %parallel_loop3A_639, %parallel_loop3A_644 : i32
        %parallel_loop3A_646 = arith.constant 0 : i32
        %parallel_loop3A_647 = arith.addi %parallel_loop3A_645, %parallel_loop3A_646 : i32
        %parallel_loop3A_648 = arith.index_cast %parallel_loop3A_647 : i32 to index
        %parallel_loop3A_649 = tpu.vector_load %arg7[%parallel_loop3A_648] {strides = array<i32>} : memref<16384xf32, #tpu.memory_space<vmem>>, vector<16xf32>,
        tpu.vector_store %arg7[%parallel_loop3A_648], %parallel_loop3A_643 {strides = array<i32>} : memref<16384xf32, #tpu.memory_space<vmem>>, vector<16xf32>,
        %parallel_loop3A_650 = tpu.vector_load_idx %arg6[%add3A_6, %parallel_loop3A_642] : memref<64x513xf32, #tpu.memory_space<vmem>>[vector<16xi32>, vector<16xi32>], vector<16xf32>,
        %parallel_loop3A_651 = arith.constant 64 : i32
        %parallel_loop3A_652 = arith.muli %parallel_loop3A_639, %parallel_loop3A_651 : i32
        %parallel_loop3A_653 = arith.constant 16 : i32
        %parallel_loop3A_654 = arith.addi %parallel_loop3A_652, %parallel_loop3A_653 : i32
        %parallel_loop3A_655 = arith.index_cast %parallel_loop3A_654 : i32 to index
        %parallel_loop3A_656 = tpu.vector_load %arg7[%parallel_loop3A_655] {strides = array<i32>} : memref<16384xf32, #tpu.memory_space<vmem>>, vector<16xf32>,
        tpu.vector_store %arg7[%parallel_loop3A_655], %parallel_loop3A_650 {strides = array<i32>} : memref<16384xf32, #tpu.memory_space<vmem>>, vector<16xf32>,
        %parallel_loop3A_657 = tpu.vector_load_idx %arg6[%add3A_10, %parallel_loop3A_642] : memref<64x513xf32, #tpu.memory_space<vmem>>[vector<16xi32>, vector<16xi32>], vector<16xf32>,
        %parallel_loop3A_658 = arith.constant 64 : i32
        %parallel_loop3A_659 = arith.muli %parallel_loop3A_639, %parallel_loop3A_658 : i32
        %parallel_loop3A_660 = arith.constant 32 : i32
        %parallel_loop3A_661 = arith.addi %parallel_loop3A_659, %parallel_loop3A_660 : i32
        %parallel_loop3A_662 = arith.index_cast %parallel_loop3A_661 : i32 to index
        %parallel_loop3A_663 = tpu.vector_load %arg7[%parallel_loop3A_662] {strides = array<i32>} : memref<16384xf32, #tpu.memory_space<vmem>>, vector<16xf32>,
        tpu.vector_store %arg7[%parallel_loop3A_662], %parallel_loop3A_657 {strides = array<i32>} : memref<16384xf32, #tpu.memory_space<vmem>>, vector<16xf32>,
        %parallel_loop3A_664 = tpu.vector_load_idx %arg6[%add3A_14, %parallel_loop3A_642] : memref<64x513xf32, #tpu.memory_space<vmem>>[vector<16xi32>, vector<16xi32>], vector<16xf32>,
        %parallel_loop3A_665 = arith.constant 64 : i32
        %parallel_loop3A_666 = arith.muli %parallel_loop3A_639, %parallel_loop3A_665 : i32
        %parallel_loop3A_667 = arith.constant 48 : i32
        %parallel_loop3A_668 = arith.addi %parallel_loop3A_666, %parallel_loop3A_667 : i32
        %parallel_loop3A_669 = arith.index_cast %parallel_loop3A_668 : i32 to index
        %parallel_loop3A_670 = tpu.vector_load %arg7[%parallel_loop3A_669] {strides = array<i32>} : memref<16384xf32, #tpu.memory_space<vmem>>, vector<16xf32>,
        tpu.vector_store %arg7[%parallel_loop3A_669], %parallel_loop3A_664 {strides = array<i32>} : memref<16384xf32, #tpu.memory_space<vmem>>, vector<16xf32>,
      } {sc.loop_unroll_factor = 8 : i64, sc.parallel_access}
      %mul3A_611 = arith.constant 512 : i32
      %mul3A_612 = arith.muli %add3A_607, %mul3A_611 : i32
      %add3A_613 = arith.constant 0 : i32
      %add3A_614 = arith.addi %mul3A_612, %add3A_613 : i32
      %mul3A_615 = arith.constant 64 : i32
      %mul3A_616 = arith.muli %add3A_614, %mul3A_615 : i32
      %dma_start3A_617 = tpu.memref_slice %arg4[%mul3A_616] : memref<64000000xf32, #tpu.memory_space<hbm>> -> memref<16384xf32, #tpu.memory_space<hbm>>
      %dma_start3A_618 = tpu.memref_slice %arg4[%mul3A_616] : memref<64000000xf32, #tpu.memory_space<hbm>> -> memref<16384xf32, #tpu.memory_space<hbm>>
      tpu.enqueue_dma source(%arg7 : memref<16384xf32, #tpu.memory_space<vmem>>) target(%dma_start3A_618 : memref<16384xf32, #tpu.memory_space<hbm>>) target_semaphore(%arg12 : memref<!tpu.dma_semaphore, #tpu.memory_space<semaphore_mem>>)
      %dma_wait3A_619 = arith.constant 0 : i32
      %dma_wait3A_620 = tpu.memref_slice %arg4[%dma_wait3A_619] : memref<64000000xf32, #tpu.memory_space<hbm>> -> memref<16384xf32, #tpu.memory_space<hbm>>
      %dma_wait3A_621 = arith.constant 0 : i32
      %dma_wait3A_622 = tpu.memref_slice %arg4[%dma_wait3A_621] : memref<64000000xf32, #tpu.memory_space<hbm>> -> memref<16384xf32, #tpu.memory_space<hbm>>
      tpu.wait_dma2 semaphore(%arg13 : memref<!tpu.dma_semaphore, #tpu.memory_space<semaphore_mem>>) src(%arg8 : memref<16384xf32, #tpu.memory_space<vmem>>) dst(%dma_wait3A_622 : memref<16384xf32, #tpu.memory_space<hbm>>)
      %add3A_623 = arith.constant 1 : i32
      %add3A_624 = arith.addi %mul3A_261, %add3A_623 : i32
      %mul3A_625 = arith.constant 32 : i32
      %mul3A_626 = arith.muli %add3A_624, %mul3A_625 : i32
      %add3A_627 = arith.addi %add3A, %mul3A_626 : i32
      %parallel_loop3A_628 = arith.constant 0 : i32
      %parallel_loop3A_629 = arith.constant 256 : i32
      %parallel_loop3A_630 = arith.constant 1 : i32
      scf.for %parallel_loop3A_639 = %parallel_loop3A_628 to %parallel_loop3A_629 step %parallel_loop3A_630  : i32 {
        %parallel_loop3A_640 = arith.constant 256 : i32
        %parallel_loop3A_641 = arith.addi %parallel_loop3A_640, %parallel_loop3A_639 : i32
        %parallel_loop3A_642 = vector.broadcast %parallel_loop3A_641 : i32 to vector<16xi32>
        %parallel_loop3A_643 = tpu.vector_load_idx %arg6[%add3A_2, %parallel_loop3A_642] : memref<64x513xf32, #tpu.memory_space<vmem>>[vector<16xi32>, vector<16xi32>], vector<16xf32>,
        %parallel_loop3A_644 = arith.constant 64 : i32
        %parallel_loop3A_645 = arith.muli %parallel_loop3A_639, %parallel_loop3A_644 : i32
        %parallel_loop3A_646 = arith.constant 0 : i32
        %parallel_loop3A_647 = arith.addi %parallel_loop3A_645, %parallel_loop3A_646 : i32
        %parallel_loop3A_648 = arith.index_cast %parallel_loop3A_647 : i32 to index
        %parallel_loop3A_649 = tpu.vector_load %arg8[%parallel_loop3A_648] {strides = array<i32>} : memref<16384xf32, #tpu.memory_space<vmem>>, vector<16xf32>,
        tpu.vector_store %arg8[%parallel_loop3A_648], %parallel_loop3A_643 {strides = array<i32>} : memref<16384xf32, #tpu.memory_space<vmem>>, vector<16xf32>,
        %parallel_loop3A_650 = tpu.vector_load_idx %arg6[%add3A_6, %parallel_loop3A_642] : memref<64x513xf32, #tpu.memory_space<vmem>>[vector<16xi32>, vector<16xi32>], vector<16xf32>,
        %parallel_loop3A_651 = arith.constant 64 : i32
        %parallel_loop3A_652 = arith.muli %parallel_loop3A_639, %parallel_loop3A_651 : i32
        %parallel_loop3A_653 = arith.constant 16 : i32
        %parallel_loop3A_654 = arith.addi %parallel_loop3A_652, %parallel_loop3A_653 : i32
        %parallel_loop3A_655 = arith.index_cast %parallel_loop3A_654 : i32 to index
        %parallel_loop3A_656 = tpu.vector_load %arg8[%parallel_loop3A_655] {strides = array<i32>} : memref<16384xf32, #tpu.memory_space<vmem>>, vector<16xf32>,
        tpu.vector_store %arg8[%parallel_loop3A_655], %parallel_loop3A_650 {strides = array<i32>} : memref<16384xf32, #tpu.memory_space<vmem>>, vector<16xf32>,
        %parallel_loop3A_657 = tpu.vector_load_idx %arg6[%add3A_10, %parallel_loop3A_642] : memref<64x513xf32, #tpu.memory_space<vmem>>[vector<16xi32>, vector<16xi32>], vector<16xf32>,
        %parallel_loop3A_658 = arith.constant 64 : i32
        %parallel_loop3A_659 = arith.muli %parallel_loop3A_639, %parallel_loop3A_658 : i32
        %parallel_loop3A_660 = arith.constant 32 : i32
        %parallel_loop3A_661 = arith.addi %parallel_loop3A_659, %parallel_loop3A_660 : i32
        %parallel_loop3A_662 = arith.index_cast %parallel_loop3A_661 : i32 to index
        %parallel_loop3A_663 = tpu.vector_load %arg8[%parallel_loop3A_662] {strides = array<i32>} : memref<16384xf32, #tpu.memory_space<vmem>>, vector<16xf32>,
        tpu.vector_store %arg8[%parallel_loop3A_662], %parallel_loop3A_657 {strides = array<i32>} : memref<16384xf32, #tpu.memory_space<vmem>>, vector<16xf32>,
        %parallel_loop3A_664 = tpu.vector_load_idx %arg6[%add3A_14, %parallel_loop3A_642] : memref<64x513xf32, #tpu.memory_space<vmem>>[vector<16xi32>, vector<16xi32>], vector<16xf32>,
        %parallel_loop3A_665 = arith.constant 64 : i32
        %parallel_loop3A_666 = arith.muli %parallel_loop3A_639, %parallel_loop3A_665 : i32
        %parallel_loop3A_667 = arith.constant 48 : i32
        %parallel_loop3A_668 = arith.addi %parallel_loop3A_666, %parallel_loop3A_667 : i32
        %parallel_loop3A_669 = arith.index_cast %parallel_loop3A_668 : i32 to index
        %parallel_loop3A_670 = tpu.vector_load %arg8[%parallel_loop3A_669] {strides = array<i32>} : memref<16384xf32, #tpu.memory_space<vmem>>, vector<16xf32>,
        tpu.vector_store %arg8[%parallel_loop3A_669], %parallel_loop3A_664 {strides = array<i32>} : memref<16384xf32, #tpu.memory_space<vmem>>, vector<16xf32>,
      } {sc.loop_unroll_factor = 8 : i64, sc.parallel_access}
      %mul3A_631 = arith.constant 512 : i32
      %mul3A_632 = arith.muli %add3A_627, %mul3A_631 : i32
      %add3A_633 = arith.constant 256 : i32
      %add3A_634 = arith.addi %mul3A_632, %add3A_633 : i32
      %mul3A_635 = arith.constant 64 : i32
      %mul3A_636 = arith.muli %add3A_634, %mul3A_635 : i32
      %dma_start3A_637 = tpu.memref_slice %arg4[%mul3A_636] : memref<64000000xf32, #tpu.memory_space<hbm>> -> memref<16384xf32, #tpu.memory_space<hbm>>
      %dma_start3A_638 = tpu.memref_slice %arg4[%mul3A_636] : memref<64000000xf32, #tpu.memory_space<hbm>> -> memref<16384xf32, #tpu.memory_space<hbm>>
      tpu.enqueue_dma source(%arg8 : memref<16384xf32, #tpu.memory_space<vmem>>) target(%dma_start3A_638 : memref<16384xf32, #tpu.memory_space<hbm>>) target_semaphore(%arg13 : memref<!tpu.dma_semaphore, #tpu.memory_space<semaphore_mem>>)
    }
    %scan3A_116 = arith.constant 30 : i32
    %dma_wait3A = arith.constant 0 : i32
    %dma_wait3A_117 = arith.constant 0 : i32
    %dma_wait3A_118 = tpu.memref_slice %arg5[%dma_wait3A, %dma_wait3A_117] : memref<64x513xf32, #tpu.memory_space<vmem>> -> memref<8x512xf32, #tpu.memory_space<vmem>>
    %dma_wait3A_119 = arith.constant 0 : i32
    %dma_wait3A_120 = arith.constant 0 : i32
    %dma_wait3A_121 = tpu.memref_slice %arg2[%dma_wait3A_119, %dma_wait3A_120] : memref<64x1000000xf32, #tpu.memory_space<hbm>> -> memref<8x512xf32, #tpu.memory_space<hbm>>
    %dma_wait3A_122 = arith.constant 0 : i32
    %dma_wait3A_123 = arith.constant 0 : i32
    %dma_wait3A_124 = tpu.memref_slice %arg5[%dma_wait3A_122, %dma_wait3A_123] : memref<64x513xf32, #tpu.memory_space<vmem>> -> memref<8x512xf32, #tpu.memory_space<vmem>>
    %dma_wait3A_125 = arith.constant 0 : i32
    %dma_wait3A_126 = arith.constant 0 : i32
    %dma_wait3A_127 = tpu.memref_slice %arg2[%dma_wait3A_125, %dma_wait3A_126] : memref<64x1000000xf32, #tpu.memory_space<hbm>> -> memref<8x512xf32, #tpu.memory_space<hbm>>
    tpu.wait_dma2 semaphore(%arg10 : memref<!tpu.dma_semaphore, #tpu.memory_space<semaphore_mem>>) src(%dma_wait3A_127 : memref<8x512xf32, #tpu.memory_space<hbm>>) dst(%dma_wait3A_124 : memref<8x512xf32, #tpu.memory_space<vmem>>)
    %dma_wait3A_128 = arith.constant 0 : i32
    %dma_wait3A_129 = arith.constant 0 : i32
    %dma_wait3A_130 = tpu.memref_slice %arg5[%dma_wait3A_128, %dma_wait3A_129] : memref<64x513xf32, #tpu.memory_space<vmem>> -> memref<8x512xf32, #tpu.memory_space<vmem>>
    %dma_wait3A_131 = arith.constant 0 : i32
    %dma_wait3A_132 = arith.constant 0 : i32
    %dma_wait3A_133 = tpu.memref_slice %arg2[%dma_wait3A_131, %dma_wait3A_132] : memref<64x1000000xf32, #tpu.memory_space<hbm>> -> memref<8x512xf32, #tpu.memory_space<hbm>>
    %dma_wait3A_134 = arith.constant 0 : i32
    %dma_wait3A_135 = arith.constant 0 : i32
    %dma_wait3A_136 = tpu.memref_slice %arg5[%dma_wait3A_134, %dma_wait3A_135] : memref<64x513xf32, #tpu.memory_space<vmem>> -> memref<8x512xf32, #tpu.memory_space<vmem>>
    %dma_wait3A_137 = arith.constant 0 : i32
    %dma_wait3A_138 = arith.constant 0 : i32
    %dma_wait3A_139 = tpu.memref_slice %arg2[%dma_wait3A_137, %dma_wait3A_138] : memref<64x1000000xf32, #tpu.memory_space<hbm>> -> memref<8x512xf32, #tpu.memory_space<hbm>>
    tpu.wait_dma2 semaphore(%arg10 : memref<!tpu.dma_semaphore, #tpu.memory_space<semaphore_mem>>) src(%dma_wait3A_139 : memref<8x512xf32, #tpu.memory_space<hbm>>) dst(%dma_wait3A_136 : memref<8x512xf32, #tpu.memory_space<vmem>>)
    %dma_wait3A_140 = arith.constant 0 : i32
    %dma_wait3A_141 = arith.constant 0 : i32
    %dma_wait3A_142 = tpu.memref_slice %arg5[%dma_wait3A_140, %dma_wait3A_141] : memref<64x513xf32, #tpu.memory_space<vmem>> -> memref<8x512xf32, #tpu.memory_space<vmem>>
    %dma_wait3A_143 = arith.constant 0 : i32
    %dma_wait3A_144 = arith.constant 0 : i32
    %dma_wait3A_145 = tpu.memref_slice %arg2[%dma_wait3A_143, %dma_wait3A_144] : memref<64x1000000xf32, #tpu.memory_space<hbm>> -> memref<8x512xf32, #tpu.memory_space<hbm>>
    %dma_wait3A_146 = arith.constant 0 : i32
    %dma_wait3A_147 = arith.constant 0 : i32
    %dma_wait3A_148 = tpu.memref_slice %arg5[%dma_wait3A_146, %dma_wait3A_147] : memref<64x513xf32, #tpu.memory_space<vmem>> -> memref<8x512xf32, #tpu.memory_space<vmem>>
    %dma_wait3A_149 = arith.constant 0 : i32
    %dma_wait3A_150 = arith.constant 0 : i32
    %dma_wait3A_151 = tpu.memref_slice %arg2[%dma_wait3A_149, %dma_wait3A_150] : memref<64x1000000xf32, #tpu.memory_space<hbm>> -> memref<8x512xf32, #tpu.memory_space<hbm>>
    tpu.wait_dma2 semaphore(%arg10 : memref<!tpu.dma_semaphore, #tpu.memory_space<semaphore_mem>>) src(%dma_wait3A_151 : memref<8x512xf32, #tpu.memory_space<hbm>>) dst(%dma_wait3A_148 : memref<8x512xf32, #tpu.memory_space<vmem>>)
    %dma_wait3A_152 = arith.constant 0 : i32
    %dma_wait3A_153 = arith.constant 0 : i32
    %dma_wait3A_154 = tpu.memref_slice %arg5[%dma_wait3A_152, %dma_wait3A_153] : memref<64x513xf32, #tpu.memory_space<vmem>> -> memref<8x512xf32, #tpu.memory_space<vmem>>
    %dma_wait3A_155 = arith.constant 0 : i32
    %dma_wait3A_156 = arith.constant 0 : i32
    %dma_wait3A_157 = tpu.memref_slice %arg2[%dma_wait3A_155, %dma_wait3A_156] : memref<64x1000000xf32, #tpu.memory_space<hbm>> -> memref<8x512xf32, #tpu.memory_space<hbm>>
    %dma_wait3A_158 = arith.constant 0 : i32
    %dma_wait3A_159 = arith.constant 0 : i32
    %dma_wait3A_160 = tpu.memref_slice %arg5[%dma_wait3A_158, %dma_wait3A_159] : memref<64x513xf32, #tpu.memory_space<vmem>> -> memref<8x512xf32, #tpu.memory_space<vmem>>
    %dma_wait3A_161 = arith.constant 0 : i32
    %dma_wait3A_162 = arith.constant 0 : i32
    %dma_wait3A_163 = tpu.memref_slice %arg2[%dma_wait3A_161, %dma_wait3A_162] : memref<64x1000000xf32, #tpu.memory_space<hbm>> -> memref<8x512xf32, #tpu.memory_space<hbm>>
    tpu.wait_dma2 semaphore(%arg10 : memref<!tpu.dma_semaphore, #tpu.memory_space<semaphore_mem>>) src(%dma_wait3A_163 : memref<8x512xf32, #tpu.memory_space<hbm>>) dst(%dma_wait3A_160 : memref<8x512xf32, #tpu.memory_space<vmem>>)
    %dma_wait3A_164 = arith.constant 0 : i32
    %dma_wait3A_165 = arith.constant 0 : i32
    %dma_wait3A_166 = tpu.memref_slice %arg5[%dma_wait3A_164, %dma_wait3A_165] : memref<64x513xf32, #tpu.memory_space<vmem>> -> memref<8x512xf32, #tpu.memory_space<vmem>>
    %dma_wait3A_167 = arith.constant 0 : i32
    %dma_wait3A_168 = arith.constant 0 : i32
    %dma_wait3A_169 = tpu.memref_slice %arg2[%dma_wait3A_167, %dma_wait3A_168] : memref<64x1000000xf32, #tpu.memory_space<hbm>> -> memref<8x512xf32, #tpu.memory_space<hbm>>
    %dma_wait3A_170 = arith.constant 0 : i32
    %dma_wait3A_171 = arith.constant 0 : i32
    %dma_wait3A_172 = tpu.memref_slice %arg5[%dma_wait3A_170, %dma_wait3A_171] : memref<64x513xf32, #tpu.memory_space<vmem>> -> memref<8x512xf32, #tpu.memory_space<vmem>>
    %dma_wait3A_173 = arith.constant 0 : i32
    %dma_wait3A_174 = arith.constant 0 : i32
    %dma_wait3A_175 = tpu.memref_slice %arg2[%dma_wait3A_173, %dma_wait3A_174] : memref<64x1000000xf32, #tpu.memory_space<hbm>> -> memref<8x512xf32, #tpu.memory_space<hbm>>
    tpu.wait_dma2 semaphore(%arg10 : memref<!tpu.dma_semaphore, #tpu.memory_space<semaphore_mem>>) src(%dma_wait3A_175 : memref<8x512xf32, #tpu.memory_space<hbm>>) dst(%dma_wait3A_172 : memref<8x512xf32, #tpu.memory_space<vmem>>)
    %dma_wait3A_176 = arith.constant 0 : i32
    %dma_wait3A_177 = arith.constant 0 : i32
    %dma_wait3A_178 = tpu.memref_slice %arg5[%dma_wait3A_176, %dma_wait3A_177] : memref<64x513xf32, #tpu.memory_space<vmem>> -> memref<8x512xf32, #tpu.memory_space<vmem>>
    %dma_wait3A_179 = arith.constant 0 : i32
    %dma_wait3A_180 = arith.constant 0 : i32
    %dma_wait3A_181 = tpu.memref_slice %arg2[%dma_wait3A_179, %dma_wait3A_180] : memref<64x1000000xf32, #tpu.memory_space<hbm>> -> memref<8x512xf32, #tpu.memory_space<hbm>>
    %dma_wait3A_182 = arith.constant 0 : i32
    %dma_wait3A_183 = arith.constant 0 : i32
    %dma_wait3A_184 = tpu.memref_slice %arg5[%dma_wait3A_182, %dma_wait3A_183] : memref<64x513xf32, #tpu.memory_space<vmem>> -> memref<8x512xf32, #tpu.memory_space<vmem>>
    %dma_wait3A_185 = arith.constant 0 : i32
    %dma_wait3A_186 = arith.constant 0 : i32
    %dma_wait3A_187 = tpu.memref_slice %arg2[%dma_wait3A_185, %dma_wait3A_186] : memref<64x1000000xf32, #tpu.memory_space<hbm>> -> memref<8x512xf32, #tpu.memory_space<hbm>>
    tpu.wait_dma2 semaphore(%arg10 : memref<!tpu.dma_semaphore, #tpu.memory_space<semaphore_mem>>) src(%dma_wait3A_187 : memref<8x512xf32, #tpu.memory_space<hbm>>) dst(%dma_wait3A_184 : memref<8x512xf32, #tpu.memory_space<vmem>>)
    %dma_wait3A_188 = arith.constant 0 : i32
    %dma_wait3A_189 = arith.constant 0 : i32
    %dma_wait3A_190 = tpu.memref_slice %arg5[%dma_wait3A_188, %dma_wait3A_189] : memref<64x513xf32, #tpu.memory_space<vmem>> -> memref<8x512xf32, #tpu.memory_space<vmem>>
    %dma_wait3A_191 = arith.constant 0 : i32
    %dma_wait3A_192 = arith.constant 0 : i32
    %dma_wait3A_193 = tpu.memref_slice %arg2[%dma_wait3A_191, %dma_wait3A_192] : memref<64x1000000xf32, #tpu.memory_space<hbm>> -> memref<8x512xf32, #tpu.memory_space<hbm>>
    %dma_wait3A_194 = arith.constant 0 : i32
    %dma_wait3A_195 = arith.constant 0 : i32
    %dma_wait3A_196 = tpu.memref_slice %arg5[%dma_wait3A_194, %dma_wait3A_195] : memref<64x513xf32, #tpu.memory_space<vmem>> -> memref<8x512xf32, #tpu.memory_space<vmem>>
    %dma_wait3A_197 = arith.constant 0 : i32
    %dma_wait3A_198 = arith.constant 0 : i32
    %dma_wait3A_199 = tpu.memref_slice %arg2[%dma_wait3A_197, %dma_wait3A_198] : memref<64x1000000xf32, #tpu.memory_space<hbm>> -> memref<8x512xf32, #tpu.memory_space<hbm>>
    tpu.wait_dma2 semaphore(%arg10 : memref<!tpu.dma_semaphore, #tpu.memory_space<semaphore_mem>>) src(%dma_wait3A_199 : memref<8x512xf32, #tpu.memory_space<hbm>>) dst(%dma_wait3A_196 : memref<8x512xf32, #tpu.memory_space<vmem>>)
    %dma_wait3A_200 = arith.constant 0 : i32
    %dma_wait3A_201 = arith.constant 0 : i32
    %dma_wait3A_202 = tpu.memref_slice %arg5[%dma_wait3A_200, %dma_wait3A_201] : memref<64x513xf32, #tpu.memory_space<vmem>> -> memref<8x512xf32, #tpu.memory_space<vmem>>
    %dma_wait3A_203 = arith.constant 0 : i32
    %dma_wait3A_204 = arith.constant 0 : i32
    %dma_wait3A_205 = tpu.memref_slice %arg2[%dma_wait3A_203, %dma_wait3A_204] : memref<64x1000000xf32, #tpu.memory_space<hbm>> -> memref<8x512xf32, #tpu.memory_space<hbm>>
    %dma_wait3A_206 = arith.constant 0 : i32
    %dma_wait3A_207 = arith.constant 0 : i32
    %dma_wait3A_208 = tpu.memref_slice %arg5[%dma_wait3A_206, %dma_wait3A_207] : memref<64x513xf32, #tpu.memory_space<vmem>> -> memref<8x512xf32, #tpu.memory_space<vmem>>
    %dma_wait3A_209 = arith.constant 0 : i32
    %dma_wait3A_210 = arith.constant 0 : i32
    %dma_wait3A_211 = tpu.memref_slice %arg2[%dma_wait3A_209, %dma_wait3A_210] : memref<64x1000000xf32, #tpu.memory_space<hbm>> -> memref<8x512xf32, #tpu.memory_space<hbm>>
    tpu.wait_dma2 semaphore(%arg10 : memref<!tpu.dma_semaphore, #tpu.memory_space<semaphore_mem>>) src(%dma_wait3A_211 : memref<8x512xf32, #tpu.memory_space<hbm>>) dst(%dma_wait3A_208 : memref<8x512xf32, #tpu.memory_space<vmem>>)
    %dma_wait3A_212 = arith.constant 0 : i32
    %dma_wait3A_213 = tpu.memref_slice %arg4[%dma_wait3A_212] : memref<64000000xf32, #tpu.memory_space<hbm>> -> memref<16384xf32, #tpu.memory_space<hbm>>
    %dma_wait3A_214 = arith.constant 0 : i32
    %dma_wait3A_215 = tpu.memref_slice %arg4[%dma_wait3A_214] : memref<64000000xf32, #tpu.memory_space<hbm>> -> memref<16384xf32, #tpu.memory_space<hbm>>
    tpu.wait_dma2 semaphore(%arg12 : memref<!tpu.dma_semaphore, #tpu.memory_space<semaphore_mem>>) src(%arg7 : memref<16384xf32, #tpu.memory_space<vmem>>) dst(%dma_wait3A_215 : memref<16384xf32, #tpu.memory_space<hbm>>)
    %add3A_216 = arith.constant 1920 : i32
    %add3A_217 = arith.addi %add3A, %add3A_216 : i32
    %parallel_loop3A = arith.constant 0 : i32
    %parallel_loop3A_218 = arith.constant 256 : i32
    %parallel_loop3A_219 = arith.constant 1 : i32
    scf.for %parallel_loop3A_259 = %parallel_loop3A to %parallel_loop3A_218 step %parallel_loop3A_219  : i32 {
      %parallel_loop3A_260 = arith.constant 0 : i32
      %parallel_loop3A_261 = arith.addi %parallel_loop3A_260, %parallel_loop3A_259 : i32
      %parallel_loop3A_262 = vector.broadcast %parallel_loop3A_261 : i32 to vector<16xi32>
      %parallel_loop3A_263 = tpu.vector_load_idx %arg5[%add3A_2, %parallel_loop3A_262] : memref<64x513xf32, #tpu.memory_space<vmem>>[vector<16xi32>, vector<16xi32>], vector<16xf32>,
      %parallel_loop3A_264 = arith.constant 64 : i32
      %parallel_loop3A_265 = arith.muli %parallel_loop3A_259, %parallel_loop3A_264 : i32
      %parallel_loop3A_266 = arith.constant 0 : i32
      %parallel_loop3A_267 = arith.addi %parallel_loop3A_265, %parallel_loop3A_266 : i32
      %parallel_loop3A_268 = arith.index_cast %parallel_loop3A_267 : i32 to index
      %parallel_loop3A_269 = tpu.vector_load %arg7[%parallel_loop3A_268] {strides = array<i32>} : memref<16384xf32, #tpu.memory_space<vmem>>, vector<16xf32>,
      tpu.vector_store %arg7[%parallel_loop3A_268], %parallel_loop3A_263 {strides = array<i32>} : memref<16384xf32, #tpu.memory_space<vmem>>, vector<16xf32>,
      %parallel_loop3A_270 = tpu.vector_load_idx %arg5[%add3A_6, %parallel_loop3A_262] : memref<64x513xf32, #tpu.memory_space<vmem>>[vector<16xi32>, vector<16xi32>], vector<16xf32>,
      %parallel_loop3A_271 = arith.constant 64 : i32
      %parallel_loop3A_272 = arith.muli %parallel_loop3A_259, %parallel_loop3A_271 : i32
      %parallel_loop3A_273 = arith.constant 16 : i32
      %parallel_loop3A_274 = arith.addi %parallel_loop3A_272, %parallel_loop3A_273 : i32
      %parallel_loop3A_275 = arith.index_cast %parallel_loop3A_274 : i32 to index
      %parallel_loop3A_276 = tpu.vector_load %arg7[%parallel_loop3A_275] {strides = array<i32>} : memref<16384xf32, #tpu.memory_space<vmem>>, vector<16xf32>,
      tpu.vector_store %arg7[%parallel_loop3A_275], %parallel_loop3A_270 {strides = array<i32>} : memref<16384xf32, #tpu.memory_space<vmem>>, vector<16xf32>,
      %parallel_loop3A_277 = tpu.vector_load_idx %arg5[%add3A_10, %parallel_loop3A_262] : memref<64x513xf32, #tpu.memory_space<vmem>>[vector<16xi32>, vector<16xi32>], vector<16xf32>,
      %parallel_loop3A_278 = arith.constant 64 : i32
      %parallel_loop3A_279 = arith.muli %parallel_loop3A_259, %parallel_loop3A_278 : i32
      %parallel_loop3A_280 = arith.constant 32 : i32
      %parallel_loop3A_281 = arith.addi %parallel_loop3A_279, %parallel_loop3A_280 : i32
      %parallel_loop3A_282 = arith.index_cast %parallel_loop3A_281 : i32 to index
      %parallel_loop3A_283 = tpu.vector_load %arg7[%parallel_loop3A_282] {strides = array<i32>} : memref<16384xf32, #tpu.memory_space<vmem>>, vector<16xf32>,
      tpu.vector_store %arg7[%parallel_loop3A_282], %parallel_loop3A_277 {strides = array<i32>} : memref<16384xf32, #tpu.memory_space<vmem>>, vector<16xf32>,
      %parallel_loop3A_284 = tpu.vector_load_idx %arg5[%add3A_14, %parallel_loop3A_262] : memref<64x513xf32, #tpu.memory_space<vmem>>[vector<16xi32>, vector<16xi32>], vector<16xf32>,
      %parallel_loop3A_285 = arith.constant 64 : i32
      %parallel_loop3A_286 = arith.muli %parallel_loop3A_259, %parallel_loop3A_285 : i32
      %parallel_loop3A_287 = arith.constant 48 : i32
      %parallel_loop3A_288 = arith.addi %parallel_loop3A_286, %parallel_loop3A_287 : i32
      %parallel_loop3A_289 = arith.index_cast %parallel_loop3A_288 : i32 to index
      %parallel_loop3A_290 = tpu.vector_load %arg7[%parallel_loop3A_289] {strides = array<i32>} : memref<16384xf32, #tpu.memory_space<vmem>>, vector<16xf32>,
      tpu.vector_store %arg7[%parallel_loop3A_289], %parallel_loop3A_284 {strides = array<i32>} : memref<16384xf32, #tpu.memory_space<vmem>>, vector<16xf32>,
    } {sc.loop_unroll_factor = 8 : i64, sc.parallel_access}
    %mul3A_220 = arith.constant 512 : i32
    %mul3A_221 = arith.muli %add3A_217, %mul3A_220 : i32
    %add3A_222 = arith.constant 0 : i32
    %add3A_223 = arith.addi %mul3A_221, %add3A_222 : i32
    %mul3A_224 = arith.constant 64 : i32
    %mul3A_225 = arith.muli %add3A_223, %mul3A_224 : i32
    %dma_start3A_226 = tpu.memref_slice %arg4[%mul3A_225] : memref<64000000xf32, #tpu.memory_space<hbm>> -> memref<16384xf32, #tpu.memory_space<hbm>>
    %dma_start3A_227 = tpu.memref_slice %arg4[%mul3A_225] : memref<64000000xf32, #tpu.memory_space<hbm>> -> memref<16384xf32, #tpu.memory_space<hbm>>
    tpu.enqueue_dma source(%arg7 : memref<16384xf32, #tpu.memory_space<vmem>>) target(%dma_start3A_227 : memref<16384xf32, #tpu.memory_space<hbm>>) target_semaphore(%arg12 : memref<!tpu.dma_semaphore, #tpu.memory_space<semaphore_mem>>)
    %dma_wait3A_228 = arith.constant 0 : i32
    %dma_wait3A_229 = tpu.memref_slice %arg4[%dma_wait3A_228] : memref<64000000xf32, #tpu.memory_space<hbm>> -> memref<16384xf32, #tpu.memory_space<hbm>>
    %dma_wait3A_230 = arith.constant 0 : i32
    %dma_wait3A_231 = tpu.memref_slice %arg4[%dma_wait3A_230] : memref<64000000xf32, #tpu.memory_space<hbm>> -> memref<16384xf32, #tpu.memory_space<hbm>>
    tpu.wait_dma2 semaphore(%arg13 : memref<!tpu.dma_semaphore, #tpu.memory_space<semaphore_mem>>) src(%arg8 : memref<16384xf32, #tpu.memory_space<vmem>>) dst(%dma_wait3A_231 : memref<16384xf32, #tpu.memory_space<hbm>>)
    %add3A_232 = arith.constant 1920 : i32
    %add3A_233 = arith.addi %add3A, %add3A_232 : i32
    %parallel_loop3A_234 = arith.constant 0 : i32
    %parallel_loop3A_235 = arith.constant 256 : i32
    %parallel_loop3A_236 = arith.constant 1 : i32
    scf.for %parallel_loop3A_259 = %parallel_loop3A_234 to %parallel_loop3A_235 step %parallel_loop3A_236  : i32 {
      %parallel_loop3A_260 = arith.constant 256 : i32
      %parallel_loop3A_261 = arith.addi %parallel_loop3A_260, %parallel_loop3A_259 : i32
      %parallel_loop3A_262 = vector.broadcast %parallel_loop3A_261 : i32 to vector<16xi32>
      %parallel_loop3A_263 = tpu.vector_load_idx %arg5[%add3A_2, %parallel_loop3A_262] : memref<64x513xf32, #tpu.memory_space<vmem>>[vector<16xi32>, vector<16xi32>], vector<16xf32>,
      %parallel_loop3A_264 = arith.constant 64 : i32
      %parallel_loop3A_265 = arith.muli %parallel_loop3A_259, %parallel_loop3A_264 : i32
      %parallel_loop3A_266 = arith.constant 0 : i32
      %parallel_loop3A_267 = arith.addi %parallel_loop3A_265, %parallel_loop3A_266 : i32
      %parallel_loop3A_268 = arith.index_cast %parallel_loop3A_267 : i32 to index
      %parallel_loop3A_269 = tpu.vector_load %arg8[%parallel_loop3A_268] {strides = array<i32>} : memref<16384xf32, #tpu.memory_space<vmem>>, vector<16xf32>,
      tpu.vector_store %arg8[%parallel_loop3A_268], %parallel_loop3A_263 {strides = array<i32>} : memref<16384xf32, #tpu.memory_space<vmem>>, vector<16xf32>,
      %parallel_loop3A_270 = tpu.vector_load_idx %arg5[%add3A_6, %parallel_loop3A_262] : memref<64x513xf32, #tpu.memory_space<vmem>>[vector<16xi32>, vector<16xi32>], vector<16xf32>,
      %parallel_loop3A_271 = arith.constant 64 : i32
      %parallel_loop3A_272 = arith.muli %parallel_loop3A_259, %parallel_loop3A_271 : i32
      %parallel_loop3A_273 = arith.constant 16 : i32
      %parallel_loop3A_274 = arith.addi %parallel_loop3A_272, %parallel_loop3A_273 : i32
      %parallel_loop3A_275 = arith.index_cast %parallel_loop3A_274 : i32 to index
      %parallel_loop3A_276 = tpu.vector_load %arg8[%parallel_loop3A_275] {strides = array<i32>} : memref<16384xf32, #tpu.memory_space<vmem>>, vector<16xf32>,
      tpu.vector_store %arg8[%parallel_loop3A_275], %parallel_loop3A_270 {strides = array<i32>} : memref<16384xf32, #tpu.memory_space<vmem>>, vector<16xf32>,
      %parallel_loop3A_277 = tpu.vector_load_idx %arg5[%add3A_10, %parallel_loop3A_262] : memref<64x513xf32, #tpu.memory_space<vmem>>[vector<16xi32>, vector<16xi32>], vector<16xf32>,
      %parallel_loop3A_278 = arith.constant 64 : i32
      %parallel_loop3A_279 = arith.muli %parallel_loop3A_259, %parallel_loop3A_278 : i32
      %parallel_loop3A_280 = arith.constant 32 : i32
      %parallel_loop3A_281 = arith.addi %parallel_loop3A_279, %parallel_loop3A_280 : i32
      %parallel_loop3A_282 = arith.index_cast %parallel_loop3A_281 : i32 to index
      %parallel_loop3A_283 = tpu.vector_load %arg8[%parallel_loop3A_282] {strides = array<i32>} : memref<16384xf32, #tpu.memory_space<vmem>>, vector<16xf32>,
      tpu.vector_store %arg8[%parallel_loop3A_282], %parallel_loop3A_277 {strides = array<i32>} : memref<16384xf32, #tpu.memory_space<vmem>>, vector<16xf32>,
      %parallel_loop3A_284 = tpu.vector_load_idx %arg5[%add3A_14, %parallel_loop3A_262] : memref<64x513xf32, #tpu.memory_space<vmem>>[vector<16xi32>, vector<16xi32>], vector<16xf32>,
      %parallel_loop3A_285 = arith.constant 64 : i32
      %parallel_loop3A_286 = arith.muli %parallel_loop3A_259, %parallel_loop3A_285 : i32
      %parallel_loop3A_287 = arith.constant 48 : i32
      %parallel_loop3A_288 = arith.addi %parallel_loop3A_286, %parallel_loop3A_287 : i32
      %parallel_loop3A_289 = arith.index_cast %parallel_loop3A_288 : i32 to index
      %parallel_loop3A_290 = tpu.vector_load %arg8[%parallel_loop3A_289] {strides = array<i32>} : memref<16384xf32, #tpu.memory_space<vmem>>, vector<16xf32>,
      tpu.vector_store %arg8[%parallel_loop3A_289], %parallel_loop3A_284 {strides = array<i32>} : memref<16384xf32, #tpu.memory_space<vmem>>, vector<16xf32>,
    } {sc.loop_unroll_factor = 8 : i64, sc.parallel_access}
    %mul3A_237 = arith.constant 512 : i32
    %mul3A_238 = arith.muli %add3A_233, %mul3A_237 : i32
    %add3A_239 = arith.constant 256 : i32
    %add3A_240 = arith.addi %mul3A_238, %add3A_239 : i32
    %mul3A_241 = arith.constant 64 : i32
    %mul3A_242 = arith.muli %add3A_240, %mul3A_241 : i32
    %dma_start3A_243 = tpu.memref_slice %arg4[%mul3A_242] : memref<64000000xf32, #tpu.memory_space<hbm>> -> memref<16384xf32, #tpu.memory_space<hbm>>
    %dma_start3A_244 = tpu.memref_slice %arg4[%mul3A_242] : memref<64000000xf32, #tpu.memory_space<hbm>> -> memref<16384xf32, #tpu.memory_space<hbm>>
    tpu.enqueue_dma source(%arg8 : memref<16384xf32, #tpu.memory_space<vmem>>) target(%dma_start3A_244 : memref<16384xf32, #tpu.memory_space<hbm>>) target_semaphore(%arg13 : memref<!tpu.dma_semaphore, #tpu.memory_space<semaphore_mem>>)
    %dma_wait3A_245 = arith.constant 0 : i32
    %dma_wait3A_246 = tpu.memref_slice %arg4[%dma_wait3A_245] : memref<64000000xf32, #tpu.memory_space<hbm>> -> memref<16384xf32, #tpu.memory_space<hbm>>
    %dma_wait3A_247 = arith.constant 0 : i32
    %dma_wait3A_248 = tpu.memref_slice %arg4[%dma_wait3A_247] : memref<64000000xf32, #tpu.memory_space<hbm>> -> memref<16384xf32, #tpu.memory_space<hbm>>
    tpu.wait_dma2 semaphore(%arg12 : memref<!tpu.dma_semaphore, #tpu.memory_space<semaphore_mem>>) src(%arg7 : memref<16384xf32, #tpu.memory_space<vmem>>) dst(%dma_wait3A_248 : memref<16384xf32, #tpu.memory_space<hbm>>)
    %dma_wait3A_249 = arith.constant 0 : i32
    %dma_wait3A_250 = tpu.memref_slice %arg4[%dma_wait3A_249] : memref<64000000xf32, #tpu.memory_space<hbm>> -> memref<16384xf32, #tpu.memory_space<hbm>>
    %dma_wait3A_251 = arith.constant 0 : i32
    %dma_wait3A_252 = tpu.memref_slice %arg4[%dma_wait3A_251] : memref<64000000xf32, #tpu.memory_space<hbm>> -> memref<16384xf32, #tpu.memory_space<hbm>>
    tpu.wait_dma2 semaphore(%arg13 : memref<!tpu.dma_semaphore, #tpu.memory_space<semaphore_mem>>) src(%arg8 : memref<16384xf32, #tpu.memory_space<vmem>>) dst(%dma_wait3A_252 : memref<16384xf32, #tpu.memory_space<hbm>>)
    %lt3A = arith.constant 4 : i32
    %lt3A_253 = arith.cmpi slt, %add3A, %lt3A : i32
    %convert_element_type3A = arith.extui %lt3A_253 : i1 to i32
    %cond3A = arith.constant 0 : i32
    %cond3A_254 = arith.cmpi ne, %convert_element_type3A, %cond3A : i32
    scf.if %cond3A_254 {
      %add3A_259 = arith.constant 7808 : i32
      %add3A_260 = arith.addi %add3A_259, %add3A : i32
      %mul3A_261 = arith.constant 128 : i32
      %mul3A_262 = arith.muli %add3A_260, %mul3A_261 : i32
      "tpu.region"() ({
        %run_scoped3A = tpu.sem_alloc : memref<!tpu.dma_semaphore, #tpu.memory_space<semaphore_mem>>
        %dma_start3A_270 = arith.constant 0 : i32
        %dma_start3A_271 = arith.constant 0 : i32
        %dma_start3A_272 = tpu.memref_slice %arg5[%dma_start3A_270, %dma_start3A_271] : memref<64x513xf32, #tpu.memory_space<vmem>> -> memref<64x128xf32, #tpu.memory_space<vmem>>
        %dma_start3A_273 = arith.constant 0 : i32
        %dma_start3A_274 = tpu.memref_slice %arg2[%dma_start3A_273, %mul3A_262] : memref<64x1000000xf32, #tpu.memory_space<hbm>> -> memref<64x128xf32, #tpu.memory_space<hbm>>
        %dma_start3A_275 = arith.constant 0 : i32
        %dma_start3A_276 = arith.constant 0 : i32
        %dma_start3A_277 = tpu.memref_slice %arg5[%dma_start3A_275, %dma_start3A_276] : memref<64x513xf32, #tpu.memory_space<vmem>> -> memref<64x128xf32, #tpu.memory_space<vmem>>
        %dma_start3A_278 = arith.constant 0 : i32
        %dma_start3A_279 = tpu.memref_slice %arg2[%dma_start3A_278, %mul3A_262] : memref<64x1000000xf32, #tpu.memory_space<hbm>> -> memref<64x128xf32, #tpu.memory_space<hbm>>
        tpu.enqueue_dma source(%dma_start3A_279 : memref<64x128xf32, #tpu.memory_space<hbm>>) target(%dma_start3A_277 : memref<64x128xf32, #tpu.memory_space<vmem>>) target_semaphore(%run_scoped3A : memref<!tpu.dma_semaphore, #tpu.memory_space<semaphore_mem>>)
        %dma_wait3A_280 = arith.constant 0 : i32
        %dma_wait3A_281 = arith.constant 0 : i32
        %dma_wait3A_282 = tpu.memref_slice %arg5[%dma_wait3A_280, %dma_wait3A_281] : memref<64x513xf32, #tpu.memory_space<vmem>> -> memref<64x128xf32, #tpu.memory_space<vmem>>
        %dma_wait3A_283 = arith.constant 0 : i32
        %dma_wait3A_284 = tpu.memref_slice %arg2[%dma_wait3A_283, %mul3A_262] : memref<64x1000000xf32, #tpu.memory_space<hbm>> -> memref<64x128xf32, #tpu.memory_space<hbm>>
        %dma_wait3A_285 = arith.constant 0 : i32
        %dma_wait3A_286 = arith.constant 0 : i32
        %dma_wait3A_287 = tpu.memref_slice %arg5[%dma_wait3A_285, %dma_wait3A_286] : memref<64x513xf32, #tpu.memory_space<vmem>> -> memref<64x128xf32, #tpu.memory_space<vmem>>
        %dma_wait3A_288 = arith.constant 0 : i32
        %dma_wait3A_289 = tpu.memref_slice %arg2[%dma_wait3A_288, %mul3A_262] : memref<64x1000000xf32, #tpu.memory_space<hbm>> -> memref<64x128xf32, #tpu.memory_space<hbm>>
        tpu.wait_dma2 semaphore(%run_scoped3A : memref<!tpu.dma_semaphore, #tpu.memory_space<semaphore_mem>>) src(%dma_wait3A_289 : memref<64x128xf32, #tpu.memory_space<hbm>>) dst(%dma_wait3A_287 : memref<64x128xf32, #tpu.memory_space<vmem>>)
        tpu.yield
      }) : () -> ()
      %parallel_loop3A_263 = arith.constant 0 : i32
      %parallel_loop3A_264 = arith.constant 128 : i32
      %parallel_loop3A_265 = arith.constant 1 : i32
      scf.for %parallel_loop3A_270 = %parallel_loop3A_263 to %parallel_loop3A_264 step %parallel_loop3A_265  : i32 {
        %parallel_loop3A_271 = vector.broadcast %parallel_loop3A_270 : i32 to vector<16xi32>
        %parallel_loop3A_272 = tpu.vector_load_idx %arg5[%add3A_2, %parallel_loop3A_271] : memref<64x513xf32, #tpu.memory_space<vmem>>[vector<16xi32>, vector<16xi32>], vector<16xf32>,
        %parallel_loop3A_273 = arith.constant 64 : i32
        %parallel_loop3A_274 = arith.muli %parallel_loop3A_270, %parallel_loop3A_273 : i32
        %parallel_loop3A_275 = arith.constant 0 : i32
        %parallel_loop3A_276 = arith.addi %parallel_loop3A_274, %parallel_loop3A_275 : i32
        %parallel_loop3A_277 = arith.index_cast %parallel_loop3A_276 : i32 to index
        %parallel_loop3A_278 = tpu.vector_load %arg7[%parallel_loop3A_277] {strides = array<i32>} : memref<16384xf32, #tpu.memory_space<vmem>>, vector<16xf32>,
        tpu.vector_store %arg7[%parallel_loop3A_277], %parallel_loop3A_272 {strides = array<i32>} : memref<16384xf32, #tpu.memory_space<vmem>>, vector<16xf32>,
        %parallel_loop3A_279 = tpu.vector_load_idx %arg5[%add3A_6, %parallel_loop3A_271] : memref<64x513xf32, #tpu.memory_space<vmem>>[vector<16xi32>, vector<16xi32>], vector<16xf32>,
        %parallel_loop3A_280 = arith.constant 64 : i32
        %parallel_loop3A_281 = arith.muli %parallel_loop3A_270, %parallel_loop3A_280 : i32
        %parallel_loop3A_282 = arith.constant 16 : i32
        %parallel_loop3A_283 = arith.addi %parallel_loop3A_281, %parallel_loop3A_282 : i32
        %parallel_loop3A_284 = arith.index_cast %parallel_loop3A_283 : i32 to index
        %parallel_loop3A_285 = tpu.vector_load %arg7[%parallel_loop3A_284] {strides = array<i32>} : memref<16384xf32, #tpu.memory_space<vmem>>, vector<16xf32>,
        tpu.vector_store %arg7[%parallel_loop3A_284], %parallel_loop3A_279 {strides = array<i32>} : memref<16384xf32, #tpu.memory_space<vmem>>, vector<16xf32>,
        %parallel_loop3A_286 = tpu.vector_load_idx %arg5[%add3A_10, %parallel_loop3A_271] : memref<64x513xf32, #tpu.memory_space<vmem>>[vector<16xi32>, vector<16xi32>], vector<16xf32>,
        %parallel_loop3A_287 = arith.constant 64 : i32
        %parallel_loop3A_288 = arith.muli %parallel_loop3A_270, %parallel_loop3A_287 : i32
        %parallel_loop3A_289 = arith.constant 32 : i32
        %parallel_loop3A_290 = arith.addi %parallel_loop3A_288, %parallel_loop3A_289 : i32
        %parallel_loop3A_291 = arith.index_cast %parallel_loop3A_290 : i32 to index
        %parallel_loop3A_292 = tpu.vector_load %arg7[%parallel_loop3A_291] {strides = array<i32>} : memref<16384xf32, #tpu.memory_space<vmem>>, vector<16xf32>,
        tpu.vector_store %arg7[%parallel_loop3A_291], %parallel_loop3A_286 {strides = array<i32>} : memref<16384xf32, #tpu.memory_space<vmem>>, vector<16xf32>,
        %parallel_loop3A_293 = tpu.vector_load_idx %arg5[%add3A_14, %parallel_loop3A_271] : memref<64x513xf32, #tpu.memory_space<vmem>>[vector<16xi32>, vector<16xi32>], vector<16xf32>,
        %parallel_loop3A_294 = arith.constant 64 : i32
        %parallel_loop3A_295 = arith.muli %parallel_loop3A_270, %parallel_loop3A_294 : i32
        %parallel_loop3A_296 = arith.constant 48 : i32
        %parallel_loop3A_297 = arith.addi %parallel_loop3A_295, %parallel_loop3A_296 : i32
        %parallel_loop3A_298 = arith.index_cast %parallel_loop3A_297 : i32 to index
        %parallel_loop3A_299 = tpu.vector_load %arg7[%parallel_loop3A_298] {strides = array<i32>} : memref<16384xf32, #tpu.memory_space<vmem>>, vector<16xf32>,
        tpu.vector_store %arg7[%parallel_loop3A_298], %parallel_loop3A_293 {strides = array<i32>} : memref<16384xf32, #tpu.memory_space<vmem>>, vector<16xf32>,
      } {sc.loop_unroll_factor = 8 : i64, sc.parallel_access}
      %mul3A_266 = arith.constant 128 : i32
      %mul3A_267 = arith.muli %add3A_260, %mul3A_266 : i32
      %mul3A_268 = arith.constant 64 : i32
      %mul3A_269 = arith.muli %mul3A_267, %mul3A_268 : i32
      "tpu.region"() ({
        %run_scoped3A = tpu.sem_alloc : memref<!tpu.dma_semaphore, #tpu.memory_space<semaphore_mem>>
        %dma_start3A_270 = arith.constant 0 : i32
        %dma_start3A_271 = tpu.memref_slice %arg7[%dma_start3A_270] : memref<16384xf32, #tpu.memory_space<vmem>> -> memref<8192xf32, #tpu.memory_space<vmem>>
        %dma_start3A_272 = tpu.memref_slice %arg4[%mul3A_269] : memref<64000000xf32, #tpu.memory_space<hbm>> -> memref<8192xf32, #tpu.memory_space<hbm>>
        %dma_start3A_273 = tpu.memref_slice %arg4[%mul3A_269] : memref<64000000xf32, #tpu.memory_space<hbm>> -> memref<8192xf32, #tpu.memory_space<hbm>>
        %dma_start3A_274 = arith.constant 0 : i32
        %dma_start3A_275 = tpu.memref_slice %arg7[%dma_start3A_274] : memref<16384xf32, #tpu.memory_space<vmem>> -> memref<8192xf32, #tpu.memory_space<vmem>>
        tpu.enqueue_dma source(%dma_start3A_275 : memref<8192xf32, #tpu.memory_space<vmem>>) target(%dma_start3A_273 : memref<8192xf32, #tpu.memory_space<hbm>>) target_semaphore(%run_scoped3A : memref<!tpu.dma_semaphore, #tpu.memory_space<semaphore_mem>>)
        %dma_wait3A_276 = arith.constant 0 : i32
        %dma_wait3A_277 = tpu.memref_slice %arg7[%dma_wait3A_276] : memref<16384xf32, #tpu.memory_space<vmem>> -> memref<8192xf32, #tpu.memory_space<vmem>>
        %dma_wait3A_278 = tpu.memref_slice %arg4[%mul3A_269] : memref<64000000xf32, #tpu.memory_space<hbm>> -> memref<8192xf32, #tpu.memory_space<hbm>>
        %dma_wait3A_279 = tpu.memref_slice %arg4[%mul3A_269] : memref<64000000xf32, #tpu.memory_space<hbm>> -> memref<8192xf32, #tpu.memory_space<hbm>>
        %dma_wait3A_280 = arith.constant 0 : i32
        %dma_wait3A_281 = tpu.memref_slice %arg7[%dma_wait3A_280] : memref<16384xf32, #tpu.memory_space<vmem>> -> memref<8192xf32, #tpu.memory_space<vmem>>
        tpu.wait_dma2 semaphore(%run_scoped3A : memref<!tpu.dma_semaphore, #tpu.memory_space<semaphore_mem>>) src(%dma_wait3A_281 : memref<8192xf32, #tpu.memory_space<vmem>>) dst(%dma_wait3A_279 : memref<8192xf32, #tpu.memory_space<hbm>>)
        tpu.yield
      }) : () -> ()
    } else {
    }
    %eq3A = arith.constant 31 : i32
    %eq3A_255 = arith.cmpi eq, %add3A, %eq3A : i32
    %convert_element_type3A_256 = arith.extui %eq3A_255 : i1 to i32
    %cond3A_257 = arith.constant 0 : i32
    %cond3A_258 = arith.cmpi ne, %convert_element_type3A_256, %cond3A_257 : i32
    scf.if %cond3A_258 {
      "tpu.region"() ({
        %run_scoped3A = tpu.sem_alloc : memref<!tpu.dma_semaphore, #tpu.memory_space<semaphore_mem>>
        %dma_start3A_259 = arith.constant 0 : i32
        %dma_start3A_260 = tpu.memref_slice %arg9[%dma_start3A_259] : memref<4096xf32, #tpu.memory_space<vmem>> -> memref<4096xf32, #tpu.memory_space<vmem>>
        %dma_start3A_261 = arith.constant 0 : i32
        %dma_start3A_262 = tpu.memref_slice %arg9[%dma_start3A_261] : memref<4096xf32, #tpu.memory_space<vmem>> -> memref<4096xf32, #tpu.memory_space<vmem>>
        tpu.enqueue_dma source(%arg3 : memref<4096xf32, #tpu.memory_space<hbm>>) target(%dma_start3A_262 : memref<4096xf32, #tpu.memory_space<vmem>>) target_semaphore(%run_scoped3A : memref<!tpu.dma_semaphore, #tpu.memory_space<semaphore_mem>>)
        %dma_wait3A_263 = arith.constant 0 : i32
        %dma_wait3A_264 = tpu.memref_slice %arg9[%dma_wait3A_263] : memref<4096xf32, #tpu.memory_space<vmem>> -> memref<4096xf32, #tpu.memory_space<vmem>>
        %dma_wait3A_265 = arith.constant 0 : i32
        %dma_wait3A_266 = tpu.memref_slice %arg9[%dma_wait3A_265] : memref<4096xf32, #tpu.memory_space<vmem>> -> memref<4096xf32, #tpu.memory_space<vmem>>
        tpu.wait_dma2 semaphore(%run_scoped3A : memref<!tpu.dma_semaphore, #tpu.memory_space<semaphore_mem>>) src(%arg3 : memref<4096xf32, #tpu.memory_space<hbm>>) dst(%dma_wait3A_266 : memref<4096xf32, #tpu.memory_space<vmem>>)
        tpu.yield
      }) : () -> ()
      "tpu.region"() ({
        %run_scoped3A = tpu.sem_alloc : memref<!tpu.dma_semaphore, #tpu.memory_space<semaphore_mem>>
        %dma_start3A_259 = arith.constant 0 : i32
        %dma_start3A_260 = tpu.memref_slice %arg9[%dma_start3A_259] : memref<4096xf32, #tpu.memory_space<vmem>> -> memref<4096xf32, #tpu.memory_space<vmem>>
        %dma_start3A_261 = arith.constant 63995904 : i32
        %dma_start3A_262 = tpu.memref_slice %arg4[%dma_start3A_261] : memref<64000000xf32, #tpu.memory_space<hbm>> -> memref<4096xf32, #tpu.memory_space<hbm>>
        %dma_start3A_263 = arith.constant 63995904 : i32
        %dma_start3A_264 = tpu.memref_slice %arg4[%dma_start3A_263] : memref<64000000xf32, #tpu.memory_space<hbm>> -> memref<4096xf32, #tpu.memory_space<hbm>>
        %dma_start3A_265 = arith.constant 0 : i32
        %dma_start3A_266 = tpu.memref_slice %arg9[%dma_start3A_265] : memref<4096xf32, #tpu.memory_space<vmem>> -> memref<4096xf32, #tpu.memory_space<vmem>>
        tpu.enqueue_dma source(%dma_start3A_266 : memref<4096xf32, #tpu.memory_space<vmem>>) target(%dma_start3A_264 : memref<4096xf32, #tpu.memory_space<hbm>>) target_semaphore(%run_scoped3A : memref<!tpu.dma_semaphore, #tpu.memory_space<semaphore_mem>>)
        %dma_wait3A_267 = arith.constant 0 : i32
        %dma_wait3A_268 = tpu.memref_slice %arg9[%dma_wait3A_267] : memref<4096xf32, #tpu.memory_space<vmem>> -> memref<4096xf32, #tpu.memory_space<vmem>>
        %dma_wait3A_269 = arith.constant 63995904 : i32
        %dma_wait3A_270 = tpu.memref_slice %arg4[%dma_wait3A_269] : memref<64000000xf32, #tpu.memory_space<hbm>> -> memref<4096xf32, #tpu.memory_space<hbm>>
        %dma_wait3A_271 = arith.constant 63995904 : i32
        %dma_wait3A_272 = tpu.memref_slice %arg4[%dma_wait3A_271] : memref<64000000xf32, #tpu.memory_space<hbm>> -> memref<4096xf32, #tpu.memory_space<hbm>>
        %dma_wait3A_273 = arith.constant 0 : i32
        %dma_wait3A_274 = tpu.memref_slice %arg9[%dma_wait3A_273] : memref<4096xf32, #tpu.memory_space<vmem>> -> memref<4096xf32, #tpu.memory_space<vmem>>
        tpu.wait_dma2 semaphore(%run_scoped3A : memref<!tpu.dma_semaphore, #tpu.memory_space<semaphore_mem>>) src(%dma_wait3A_274 : memref<4096xf32, #tpu.memory_space<vmem>>) dst(%dma_wait3A_272 : memref<4096xf32, #tpu.memory_space<hbm>>)
        tpu.yield
      }) : () -> ()
    } else {
    }
    return
  }
}

#map = affine_map<(d0, d1) -> (0, 0, 0)>
#map1 = affine_map<(d0, d1) -> (0, 0)>
#map2 = affine_map<(d0, d1) -> (0, 0, 0, 0, 0)>
module attributes {stable_mosaic.version = 14 : i64} {
  func.func @kgath(%arg0: i32, %arg1: i32, %arg2: memref<200x32x128xi32, #tpu.memory_space<hbm>>, %arg3: memref<1000000x64xf32, #tpu.memory_space<hbm>>, %arg4: memref<200x64xf32, #tpu.memory_space<hbm>>, %arg5: memref<200x8x32x8x128xf32, #tpu.memory_space<hbm>>, %arg6: memref<200x128xi32, #tpu.memory_space<vmem>>, %arg7: memref<128x64xf32, #tpu.memory_space<vmem>>, %arg8: memref<128x64xf32, #tpu.memory_space<vmem>>, %arg9: memref<128x64xf32, #tpu.memory_space<vmem>>, %arg10: memref<128x64xf32, #tpu.memory_space<vmem>>, %arg11: memref<8x8x129xf32, #tpu.memory_space<vmem>>, %arg12: memref<8x8x129xf32, #tpu.memory_space<vmem>>, %arg13: memref<8x8x129xf32, #tpu.memory_space<vmem>>, %arg14: memref<8x8x129xf32, #tpu.memory_space<vmem>>, %arg15: memref<200x64xf32, #tpu.memory_space<vmem>>, %arg16: memref<!tpu.dma_semaphore, #tpu.memory_space<semaphore_mem>>, %arg17: memref<!tpu.dma_semaphore, #tpu.memory_space<semaphore_mem>>, %arg18: memref<!tpu.dma_semaphore, #tpu.memory_space<semaphore_mem>>, %arg19: memref<!tpu.dma_semaphore, #tpu.memory_space<semaphore_mem>>, %arg20: memref<!tpu.dma_semaphore, #tpu.memory_space<semaphore_mem>>, %arg21: memref<!tpu.dma_semaphore, #tpu.memory_space<semaphore_mem>>, %arg22: memref<!tpu.dma_semaphore, #tpu.memory_space<semaphore_mem>>, %arg23: memref<!tpu.dma_semaphore, #tpu.memory_space<semaphore_mem>>) attributes {dimension_semantics = [#tpu.dimension_semantics<core_parallel>, #tpu.dimension_semantics<subcore_parallel>], iteration_bounds = array<i64: 2, 16>, scalar_prefetch = 0 : i64, scratch_operands = 18 : i64, tpu.core_type = #tpu.core_type<sc_vector_subcore>, window_params = [{transform_indices = #map}, {transform_indices = #map1}, {transform_indices = #map1}, {transform_indices = #map2}]} {
    %mul3A = arith.constant 2 : i32
    %mul3A_0 = arith.muli %arg1, %mul3A : i32
    %add3A = arith.addi %mul3A_0, %arg0 : i32
    "tpu.region"() ({
      %run_scoped3A = tpu.sem_alloc : memref<!tpu.dma_semaphore, #tpu.memory_space<semaphore_mem>>
      tpu.enqueue_dma source(%arg4 : memref<200x64xf32, #tpu.memory_space<hbm>>) target(%arg15 : memref<200x64xf32, #tpu.memory_space<vmem>>) target_semaphore(%run_scoped3A : memref<!tpu.dma_semaphore, #tpu.memory_space<semaphore_mem>>)
      tpu.wait_dma2 semaphore(%run_scoped3A : memref<!tpu.dma_semaphore, #tpu.memory_space<semaphore_mem>>) src(%arg4 : memref<200x64xf32, #tpu.memory_space<hbm>>) dst(%arg15 : memref<200x64xf32, #tpu.memory_space<vmem>>)
      tpu.yield
    }) : () -> ()
    "tpu.region"() ({
      %run_scoped3A = tpu.sem_alloc : memref<!tpu.dma_semaphore, #tpu.memory_space<semaphore_mem>>
      %dma_start3A_333 = arith.constant 0 : i32
      %dma_start3A_334 = arith.constant 0 : i32
      %dma_start3A_335 = tpu.memref_slice %arg2[%dma_start3A_333, %add3A, %dma_start3A_334] : memref<200x32x128xi32, #tpu.memory_space<hbm>> -> memref<200x1x128xi32, #tpu.memory_space<hbm>>
      %dma_start3A_336 = tpu.memref_squeeze %dma_start3A_335 : memref<200x1x128xi32, #tpu.memory_space<hbm>> -> memref<200x128xi32, #tpu.memory_space<hbm>>
      %dma_start3A_337 = arith.constant 0 : i32
      %dma_start3A_338 = arith.constant 0 : i32
      %dma_start3A_339 = tpu.memref_slice %arg2[%dma_start3A_337, %add3A, %dma_start3A_338] : memref<200x32x128xi32, #tpu.memory_space<hbm>> -> memref<200x1x128xi32, #tpu.memory_space<hbm>>
      %dma_start3A_340 = tpu.memref_squeeze %dma_start3A_339 : memref<200x1x128xi32, #tpu.memory_space<hbm>> -> memref<200x128xi32, #tpu.memory_space<hbm>>
      tpu.enqueue_dma source(%dma_start3A_340 : memref<200x128xi32, #tpu.memory_space<hbm>>) target(%arg6 : memref<200x128xi32, #tpu.memory_space<vmem>>) target_semaphore(%run_scoped3A : memref<!tpu.dma_semaphore, #tpu.memory_space<semaphore_mem>>)
      %dma_wait3A_341 = arith.constant 0 : i32
      %dma_wait3A_342 = arith.constant 0 : i32
      %dma_wait3A_343 = tpu.memref_slice %arg2[%dma_wait3A_341, %add3A, %dma_wait3A_342] : memref<200x32x128xi32, #tpu.memory_space<hbm>> -> memref<200x1x128xi32, #tpu.memory_space<hbm>>
      %dma_wait3A_344 = tpu.memref_squeeze %dma_wait3A_343 : memref<200x1x128xi32, #tpu.memory_space<hbm>> -> memref<200x128xi32, #tpu.memory_space<hbm>>
      %dma_wait3A_345 = arith.constant 0 : i32
      %dma_wait3A_346 = arith.constant 0 : i32
      %dma_wait3A_347 = tpu.memref_slice %arg2[%dma_wait3A_345, %add3A, %dma_wait3A_346] : memref<200x32x128xi32, #tpu.memory_space<hbm>> -> memref<200x1x128xi32, #tpu.memory_space<hbm>>
      %dma_wait3A_348 = tpu.memref_squeeze %dma_wait3A_347 : memref<200x1x128xi32, #tpu.memory_space<hbm>> -> memref<200x128xi32, #tpu.memory_space<hbm>>
      tpu.wait_dma2 semaphore(%run_scoped3A : memref<!tpu.dma_semaphore, #tpu.memory_space<semaphore_mem>>) src(%dma_wait3A_348 : memref<200x128xi32, #tpu.memory_space<hbm>>) dst(%arg6 : memref<200x128xi32, #tpu.memory_space<vmem>>)
      tpu.yield
    }) : () -> ()
    %broadcast_in_dim3A = arith.constant 0 : i32
    %broadcast_in_dim3A_1 = vector.broadcast %broadcast_in_dim3A : i32 to vector<16xi32>
    %iota3A = tpu.iota {dimensions = array<i32: 0>} : vector<16xi32>
    %add3A_2 = arith.addi %broadcast_in_dim3A_1, %iota3A : vector<16xi32>
    %jit3A = arith.constant 8 : i32
    %div3A = vector.broadcast %jit3A : i32 to vector<16xi32>
    %div3A_3 = arith.divsi %add3A_2, %div3A : vector<16xi32>
    %sign3A = arith.constant 0 : i32
    %sign3A_4 = vector.broadcast %sign3A : i32 to vector<16xi32>
    %sign3A_5 = arith.cmpi sgt, %add3A_2, %sign3A_4 : vector<16xi32>
    %sign3A_6 = arith.extui %sign3A_5 : vector<16xi1> to vector<16xi32>
    %sign3A_7 = arith.constant 0 : i32
    %sign3A_8 = vector.broadcast %sign3A_7 : i32 to vector<16xi32>
    %sign3A_9 = arith.cmpi slt, %add3A_2, %sign3A_8 : vector<16xi32>
    %sign3A_10 = arith.extui %sign3A_9 : vector<16xi1> to vector<16xi32>
    %sign3A_11 = arith.subi %sign3A_6, %sign3A_10 : vector<16xi32>
    %sign3A_12 = arith.constant 0 : i32
    %sign3A_13 = arith.cmpi sgt, %jit3A, %sign3A_12 : i32
    %sign3A_14 = arith.extui %sign3A_13 : i1 to i32
    %sign3A_15 = arith.constant 0 : i32
    %sign3A_16 = arith.cmpi slt, %jit3A, %sign3A_15 : i32
    %sign3A_17 = arith.extui %sign3A_16 : i1 to i32
    %sign3A_18 = arith.subi %sign3A_14, %sign3A_17 : i32
    %ne3A = vector.broadcast %sign3A_18 : i32 to vector<16xi32>
    %ne3A_19 = arith.cmpi ne, %sign3A_11, %ne3A : vector<16xi32>
    %rem3A = vector.broadcast %jit3A : i32 to vector<16xi32>
    %rem3A_20 = arith.remsi %add3A_2, %rem3A : vector<16xi32>
    %ne3A_21 = arith.constant 0 : i32
    %ne3A_22 = vector.broadcast %ne3A_21 : i32 to vector<16xi32>
    %ne3A_23 = arith.cmpi ne, %rem3A_20, %ne3A_22 : vector<16xi32>
    %and3A = arith.andi %ne3A_19, %ne3A_23 : vector<16xi1>
    %sub3A = arith.constant 1 : i32
    %sub3A_24 = vector.broadcast %sub3A : i32 to vector<16xi32>
    %sub3A_25 = arith.subi %div3A_3, %sub3A_24 : vector<16xi32>
    %select_n3A = arith.select %and3A, %sub3A_25, %div3A_3 : vector<16xi1>, vector<16xi32>
    %broadcast_in_dim3A_26 = arith.constant 16 : i32
    %broadcast_in_dim3A_27 = vector.broadcast %broadcast_in_dim3A_26 : i32 to vector<16xi32>
    %iota3A_28 = tpu.iota {dimensions = array<i32: 0>} : vector<16xi32>
    %add3A_29 = arith.addi %broadcast_in_dim3A_27, %iota3A_28 : vector<16xi32>
    %jit3A_30 = arith.constant 8 : i32
    %div3A_31 = vector.broadcast %jit3A_30 : i32 to vector<16xi32>
    %div3A_32 = arith.divsi %add3A_29, %div3A_31 : vector<16xi32>
    %sign3A_33 = arith.constant 0 : i32
    %sign3A_34 = vector.broadcast %sign3A_33 : i32 to vector<16xi32>
    %sign3A_35 = arith.cmpi sgt, %add3A_29, %sign3A_34 : vector<16xi32>
    %sign3A_36 = arith.extui %sign3A_35 : vector<16xi1> to vector<16xi32>
    %sign3A_37 = arith.constant 0 : i32
    %sign3A_38 = vector.broadcast %sign3A_37 : i32 to vector<16xi32>
    %sign3A_39 = arith.cmpi slt, %add3A_29, %sign3A_38 : vector<16xi32>
    %sign3A_40 = arith.extui %sign3A_39 : vector<16xi1> to vector<16xi32>
    %sign3A_41 = arith.subi %sign3A_36, %sign3A_40 : vector<16xi32>
    %sign3A_42 = arith.constant 0 : i32
    %sign3A_43 = arith.cmpi sgt, %jit3A_30, %sign3A_42 : i32
    %sign3A_44 = arith.extui %sign3A_43 : i1 to i32
    %sign3A_45 = arith.constant 0 : i32
    %sign3A_46 = arith.cmpi slt, %jit3A_30, %sign3A_45 : i32
    %sign3A_47 = arith.extui %sign3A_46 : i1 to i32
    %sign3A_48 = arith.subi %sign3A_44, %sign3A_47 : i32
    %ne3A_49 = vector.broadcast %sign3A_48 : i32 to vector<16xi32>
    %ne3A_50 = arith.cmpi ne, %sign3A_41, %ne3A_49 : vector<16xi32>
    %rem3A_51 = vector.broadcast %jit3A_30 : i32 to vector<16xi32>
    %rem3A_52 = arith.remsi %add3A_29, %rem3A_51 : vector<16xi32>
    %ne3A_53 = arith.constant 0 : i32
    %ne3A_54 = vector.broadcast %ne3A_53 : i32 to vector<16xi32>
    %ne3A_55 = arith.cmpi ne, %rem3A_52, %ne3A_54 : vector<16xi32>
    %and3A_56 = arith.andi %ne3A_50, %ne3A_55 : vector<16xi1>
    %sub3A_57 = arith.constant 1 : i32
    %sub3A_58 = vector.broadcast %sub3A_57 : i32 to vector<16xi32>
    %sub3A_59 = arith.subi %div3A_32, %sub3A_58 : vector<16xi32>
    %select_n3A_60 = arith.select %and3A_56, %sub3A_59, %div3A_32 : vector<16xi1>, vector<16xi32>
    %broadcast_in_dim3A_61 = arith.constant 32 : i32
    %broadcast_in_dim3A_62 = vector.broadcast %broadcast_in_dim3A_61 : i32 to vector<16xi32>
    %iota3A_63 = tpu.iota {dimensions = array<i32: 0>} : vector<16xi32>
    %add3A_64 = arith.addi %broadcast_in_dim3A_62, %iota3A_63 : vector<16xi32>
    %jit3A_65 = arith.constant 8 : i32
    %div3A_66 = vector.broadcast %jit3A_65 : i32 to vector<16xi32>
    %div3A_67 = arith.divsi %add3A_64, %div3A_66 : vector<16xi32>
    %sign3A_68 = arith.constant 0 : i32
    %sign3A_69 = vector.broadcast %sign3A_68 : i32 to vector<16xi32>
    %sign3A_70 = arith.cmpi sgt, %add3A_64, %sign3A_69 : vector<16xi32>
    %sign3A_71 = arith.extui %sign3A_70 : vector<16xi1> to vector<16xi32>
    %sign3A_72 = arith.constant 0 : i32
    %sign3A_73 = vector.broadcast %sign3A_72 : i32 to vector<16xi32>
    %sign3A_74 = arith.cmpi slt, %add3A_64, %sign3A_73 : vector<16xi32>
    %sign3A_75 = arith.extui %sign3A_74 : vector<16xi1> to vector<16xi32>
    %sign3A_76 = arith.subi %sign3A_71, %sign3A_75 : vector<16xi32>
    %sign3A_77 = arith.constant 0 : i32
    %sign3A_78 = arith.cmpi sgt, %jit3A_65, %sign3A_77 : i32
    %sign3A_79 = arith.extui %sign3A_78 : i1 to i32
    %sign3A_80 = arith.constant 0 : i32
    %sign3A_81 = arith.cmpi slt, %jit3A_65, %sign3A_80 : i32
    %sign3A_82 = arith.extui %sign3A_81 : i1 to i32
    %sign3A_83 = arith.subi %sign3A_79, %sign3A_82 : i32
    %ne3A_84 = vector.broadcast %sign3A_83 : i32 to vector<16xi32>
    %ne3A_85 = arith.cmpi ne, %sign3A_76, %ne3A_84 : vector<16xi32>
    %rem3A_86 = vector.broadcast %jit3A_65 : i32 to vector<16xi32>
    %rem3A_87 = arith.remsi %add3A_64, %rem3A_86 : vector<16xi32>
    %ne3A_88 = arith.constant 0 : i32
    %ne3A_89 = vector.broadcast %ne3A_88 : i32 to vector<16xi32>
    %ne3A_90 = arith.cmpi ne, %rem3A_87, %ne3A_89 : vector<16xi32>
    %and3A_91 = arith.andi %ne3A_85, %ne3A_90 : vector<16xi1>
    %sub3A_92 = arith.constant 1 : i32
    %sub3A_93 = vector.broadcast %sub3A_92 : i32 to vector<16xi32>
    %sub3A_94 = arith.subi %div3A_67, %sub3A_93 : vector<16xi32>
    %select_n3A_95 = arith.select %and3A_91, %sub3A_94, %div3A_67 : vector<16xi1>, vector<16xi32>
    %broadcast_in_dim3A_96 = arith.constant 48 : i32
    %broadcast_in_dim3A_97 = vector.broadcast %broadcast_in_dim3A_96 : i32 to vector<16xi32>
    %iota3A_98 = tpu.iota {dimensions = array<i32: 0>} : vector<16xi32>
    %add3A_99 = arith.addi %broadcast_in_dim3A_97, %iota3A_98 : vector<16xi32>
    %jit3A_100 = arith.constant 8 : i32
    %div3A_101 = vector.broadcast %jit3A_100 : i32 to vector<16xi32>
    %div3A_102 = arith.divsi %add3A_99, %div3A_101 : vector<16xi32>
    %sign3A_103 = arith.constant 0 : i32
    %sign3A_104 = vector.broadcast %sign3A_103 : i32 to vector<16xi32>
    %sign3A_105 = arith.cmpi sgt, %add3A_99, %sign3A_104 : vector<16xi32>
    %sign3A_106 = arith.extui %sign3A_105 : vector<16xi1> to vector<16xi32>
    %sign3A_107 = arith.constant 0 : i32
    %sign3A_108 = vector.broadcast %sign3A_107 : i32 to vector<16xi32>
    %sign3A_109 = arith.cmpi slt, %add3A_99, %sign3A_108 : vector<16xi32>
    %sign3A_110 = arith.extui %sign3A_109 : vector<16xi1> to vector<16xi32>
    %sign3A_111 = arith.subi %sign3A_106, %sign3A_110 : vector<16xi32>
    %sign3A_112 = arith.constant 0 : i32
    %sign3A_113 = arith.cmpi sgt, %jit3A_100, %sign3A_112 : i32
    %sign3A_114 = arith.extui %sign3A_113 : i1 to i32
    %sign3A_115 = arith.constant 0 : i32
    %sign3A_116 = arith.cmpi slt, %jit3A_100, %sign3A_115 : i32
    %sign3A_117 = arith.extui %sign3A_116 : i1 to i32
    %sign3A_118 = arith.subi %sign3A_114, %sign3A_117 : i32
    %ne3A_119 = vector.broadcast %sign3A_118 : i32 to vector<16xi32>
    %ne3A_120 = arith.cmpi ne, %sign3A_111, %ne3A_119 : vector<16xi32>
    %rem3A_121 = vector.broadcast %jit3A_100 : i32 to vector<16xi32>
    %rem3A_122 = arith.remsi %add3A_99, %rem3A_121 : vector<16xi32>
    %ne3A_123 = arith.constant 0 : i32
    %ne3A_124 = vector.broadcast %ne3A_123 : i32 to vector<16xi32>
    %ne3A_125 = arith.cmpi ne, %rem3A_122, %ne3A_124 : vector<16xi32>
    %and3A_126 = arith.andi %ne3A_120, %ne3A_125 : vector<16xi1>
    %sub3A_127 = arith.constant 1 : i32
    %sub3A_128 = vector.broadcast %sub3A_127 : i32 to vector<16xi32>
    %sub3A_129 = arith.subi %div3A_102, %sub3A_128 : vector<16xi32>
    %select_n3A_130 = arith.select %and3A_126, %sub3A_129, %div3A_102 : vector<16xi1>, vector<16xi32>
    %broadcast_in_dim3A_131 = arith.constant 0 : i32
    %broadcast_in_dim3A_132 = vector.broadcast %broadcast_in_dim3A_131 : i32 to vector<16xi32>
    %iota3A_133 = tpu.iota {dimensions = array<i32: 0>} : vector<16xi32>
    %add3A_134 = arith.addi %broadcast_in_dim3A_132, %iota3A_133 : vector<16xi32>
    %jit3A_135 = arith.constant 8 : i32
    %eq3A = arith.constant 0 : i32
    %eq3A_136 = arith.cmpi eq, %jit3A_135, %eq3A : i32
    %jit3A_137 = arith.constant 1 : i32
    %select_n3A_138 = arith.select %eq3A_136, %jit3A_137, %jit3A_135 : i32
    %rem3A_139 = vector.broadcast %select_n3A_138 : i32 to vector<16xi32>
    %rem3A_140 = arith.remsi %add3A_134, %rem3A_139 : vector<16xi32>
    %ne3A_141 = arith.constant 0 : i32
    %ne3A_142 = vector.broadcast %ne3A_141 : i32 to vector<16xi32>
    %ne3A_143 = arith.cmpi ne, %rem3A_140, %ne3A_142 : vector<16xi32>
    %lt3A = arith.constant 0 : i32
    %lt3A_144 = vector.broadcast %lt3A : i32 to vector<16xi32>
    %lt3A_145 = arith.cmpi slt, %rem3A_140, %lt3A_144 : vector<16xi32>
    %lt3A_146 = arith.constant 0 : i32
    %lt3A_147 = arith.cmpi slt, %select_n3A_138, %lt3A_146 : i32
    %ne3A_148 = vector.broadcast %lt3A_147 : i1 to vector<16xi1>
    %ne3A_149 = vector.broadcast %ne3A_148 : vector<16xi1> to vector<16xi1>
    %ne3A_150 = arith.xori %lt3A_145, %ne3A_149 : vector<16xi1>
    %and3A_151 = arith.andi %ne3A_150, %ne3A_143 : vector<16xi1>
    %add3A_152 = vector.broadcast %select_n3A_138 : i32 to vector<16xi32>
    %add3A_153 = arith.addi %rem3A_140, %add3A_152 : vector<16xi32>
    %select_n3A_154 = arith.select %and3A_151, %add3A_153, %rem3A_140 : vector<16xi1>, vector<16xi32>
    %broadcast_in_dim3A_155 = arith.constant 16 : i32
    %broadcast_in_dim3A_156 = vector.broadcast %broadcast_in_dim3A_155 : i32 to vector<16xi32>
    %iota3A_157 = tpu.iota {dimensions = array<i32: 0>} : vector<16xi32>
    %add3A_158 = arith.addi %broadcast_in_dim3A_156, %iota3A_157 : vector<16xi32>
    %jit3A_159 = arith.constant 8 : i32
    %eq3A_160 = arith.constant 0 : i32
    %eq3A_161 = arith.cmpi eq, %jit3A_159, %eq3A_160 : i32
    %jit3A_162 = arith.constant 1 : i32
    %select_n3A_163 = arith.select %eq3A_161, %jit3A_162, %jit3A_159 : i32
    %rem3A_164 = vector.broadcast %select_n3A_163 : i32 to vector<16xi32>
    %rem3A_165 = arith.remsi %add3A_158, %rem3A_164 : vector<16xi32>
    %ne3A_166 = arith.constant 0 : i32
    %ne3A_167 = vector.broadcast %ne3A_166 : i32 to vector<16xi32>
    %ne3A_168 = arith.cmpi ne, %rem3A_165, %ne3A_167 : vector<16xi32>
    %lt3A_169 = arith.constant 0 : i32
    %lt3A_170 = vector.broadcast %lt3A_169 : i32 to vector<16xi32>
    %lt3A_171 = arith.cmpi slt, %rem3A_165, %lt3A_170 : vector<16xi32>
    %lt3A_172 = arith.constant 0 : i32
    %lt3A_173 = arith.cmpi slt, %select_n3A_163, %lt3A_172 : i32
    %ne3A_174 = vector.broadcast %lt3A_173 : i1 to vector<16xi1>
    %ne3A_175 = vector.broadcast %ne3A_174 : vector<16xi1> to vector<16xi1>
    %ne3A_176 = arith.xori %lt3A_171, %ne3A_175 : vector<16xi1>
    %and3A_177 = arith.andi %ne3A_176, %ne3A_168 : vector<16xi1>
    %add3A_178 = vector.broadcast %select_n3A_163 : i32 to vector<16xi32>
    %add3A_179 = arith.addi %rem3A_165, %add3A_178 : vector<16xi32>
    %select_n3A_180 = arith.select %and3A_177, %add3A_179, %rem3A_165 : vector<16xi1>, vector<16xi32>
    %broadcast_in_dim3A_181 = arith.constant 32 : i32
    %broadcast_in_dim3A_182 = vector.broadcast %broadcast_in_dim3A_181 : i32 to vector<16xi32>
    %iota3A_183 = tpu.iota {dimensions = array<i32: 0>} : vector<16xi32>
    %add3A_184 = arith.addi %broadcast_in_dim3A_182, %iota3A_183 : vector<16xi32>
    %jit3A_185 = arith.constant 8 : i32
    %eq3A_186 = arith.constant 0 : i32
    %eq3A_187 = arith.cmpi eq, %jit3A_185, %eq3A_186 : i32
    %jit3A_188 = arith.constant 1 : i32
    %select_n3A_189 = arith.select %eq3A_187, %jit3A_188, %jit3A_185 : i32
    %rem3A_190 = vector.broadcast %select_n3A_189 : i32 to vector<16xi32>
    %rem3A_191 = arith.remsi %add3A_184, %rem3A_190 : vector<16xi32>
    %ne3A_192 = arith.constant 0 : i32
    %ne3A_193 = vector.broadcast %ne3A_192 : i32 to vector<16xi32>
    %ne3A_194 = arith.cmpi ne, %rem3A_191, %ne3A_193 : vector<16xi32>
    %lt3A_195 = arith.constant 0 : i32
    %lt3A_196 = vector.broadcast %lt3A_195 : i32 to vector<16xi32>
    %lt3A_197 = arith.cmpi slt, %rem3A_191, %lt3A_196 : vector<16xi32>
    %lt3A_198 = arith.constant 0 : i32
    %lt3A_199 = arith.cmpi slt, %select_n3A_189, %lt3A_198 : i32
    %ne3A_200 = vector.broadcast %lt3A_199 : i1 to vector<16xi1>
    %ne3A_201 = vector.broadcast %ne3A_200 : vector<16xi1> to vector<16xi1>
    %ne3A_202 = arith.xori %lt3A_197, %ne3A_201 : vector<16xi1>
    %and3A_203 = arith.andi %ne3A_202, %ne3A_194 : vector<16xi1>
    %add3A_204 = vector.broadcast %select_n3A_189 : i32 to vector<16xi32>
    %add3A_205 = arith.addi %rem3A_191, %add3A_204 : vector<16xi32>
    %select_n3A_206 = arith.select %and3A_203, %add3A_205, %rem3A_191 : vector<16xi1>, vector<16xi32>
    %broadcast_in_dim3A_207 = arith.constant 48 : i32
    %broadcast_in_dim3A_208 = vector.broadcast %broadcast_in_dim3A_207 : i32 to vector<16xi32>
    %iota3A_209 = tpu.iota {dimensions = array<i32: 0>} : vector<16xi32>
    %add3A_210 = arith.addi %broadcast_in_dim3A_208, %iota3A_209 : vector<16xi32>
    %jit3A_211 = arith.constant 8 : i32
    %eq3A_212 = arith.constant 0 : i32
    %eq3A_213 = arith.cmpi eq, %jit3A_211, %eq3A_212 : i32
    %jit3A_214 = arith.constant 1 : i32
    %select_n3A_215 = arith.select %eq3A_213, %jit3A_214, %jit3A_211 : i32
    %rem3A_216 = vector.broadcast %select_n3A_215 : i32 to vector<16xi32>
    %rem3A_217 = arith.remsi %add3A_210, %rem3A_216 : vector<16xi32>
    %ne3A_218 = arith.constant 0 : i32
    %ne3A_219 = vector.broadcast %ne3A_218 : i32 to vector<16xi32>
    %ne3A_220 = arith.cmpi ne, %rem3A_217, %ne3A_219 : vector<16xi32>
    %lt3A_221 = arith.constant 0 : i32
    %lt3A_222 = vector.broadcast %lt3A_221 : i32 to vector<16xi32>
    %lt3A_223 = arith.cmpi slt, %rem3A_217, %lt3A_222 : vector<16xi32>
    %lt3A_224 = arith.constant 0 : i32
    %lt3A_225 = arith.cmpi slt, %select_n3A_215, %lt3A_224 : i32
    %ne3A_226 = vector.broadcast %lt3A_225 : i1 to vector<16xi1>
    %ne3A_227 = vector.broadcast %ne3A_226 : vector<16xi1> to vector<16xi1>
    %ne3A_228 = arith.xori %lt3A_223, %ne3A_227 : vector<16xi1>
    %and3A_229 = arith.andi %ne3A_228, %ne3A_220 : vector<16xi1>
    %add3A_230 = vector.broadcast %select_n3A_215 : i32 to vector<16xi32>
    %add3A_231 = arith.addi %rem3A_217, %add3A_230 : vector<16xi32>
    %select_n3A_232 = arith.select %and3A_229, %add3A_231, %rem3A_217 : vector<16xi1>, vector<16xi32>
    %dma_start3A = arith.constant 0 : i32
    %dma_start3A_233 = arith.constant 0 : i32
    %dma_start3A_234 = tpu.memref_slice %arg6[%dma_start3A, %dma_start3A_233] : memref<200x128xi32, #tpu.memory_space<vmem>> -> memref<1x128xi32, #tpu.memory_space<vmem>>
    %dma_start3A_235 = tpu.memref_squeeze %dma_start3A_234 : memref<1x128xi32, #tpu.memory_space<vmem>> -> memref<128xi32, #tpu.memory_space<vmem>>
    %dma_start3A_236 = arith.constant 0 : i32
    %dma_start3A_237 = arith.constant 0 : i32
    %dma_start3A_238 = tpu.memref_slice %arg3[%dma_start3A_236, %dma_start3A_237] : memref<1000000x64xf32, #tpu.memory_space<hbm>> -> memref<1000000x64xf32, #tpu.memory_space<hbm>>
    tpu.enqueue_indirect_dma source(%dma_start3A_238 : memref<1000000x64xf32, #tpu.memory_space<hbm>>) target(%arg7 : memref<128x64xf32, #tpu.memory_space<vmem>>) offsets(%dma_start3A_235 : memref<128xi32, #tpu.memory_space<vmem>>) semaphore(%arg16 : memref<!tpu.dma_semaphore, #tpu.memory_space<semaphore_mem>>)
    %dma_start3A_239 = arith.constant 1 : i32
    %dma_start3A_240 = arith.constant 0 : i32
    %dma_start3A_241 = tpu.memref_slice %arg6[%dma_start3A_239, %dma_start3A_240] : memref<200x128xi32, #tpu.memory_space<vmem>> -> memref<1x128xi32, #tpu.memory_space<vmem>>
    %dma_start3A_242 = tpu.memref_squeeze %dma_start3A_241 : memref<1x128xi32, #tpu.memory_space<vmem>> -> memref<128xi32, #tpu.memory_space<vmem>>
    %dma_start3A_243 = arith.constant 0 : i32
    %dma_start3A_244 = arith.constant 0 : i32
    %dma_start3A_245 = tpu.memref_slice %arg3[%dma_start3A_243, %dma_start3A_244] : memref<1000000x64xf32, #tpu.memory_space<hbm>> -> memref<1000000x64xf32, #tpu.memory_space<hbm>>
    tpu.enqueue_indirect_dma source(%dma_start3A_245 : memref<1000000x64xf32, #tpu.memory_space<hbm>>) target(%arg8 : memref<128x64xf32, #tpu.memory_space<vmem>>) offsets(%dma_start3A_242 : memref<128xi32, #tpu.memory_space<vmem>>) semaphore(%arg17 : memref<!tpu.dma_semaphore, #tpu.memory_space<semaphore_mem>>)
    %dma_start3A_246 = arith.constant 2 : i32
    %dma_start3A_247 = arith.constant 0 : i32
    %dma_start3A_248 = tpu.memref_slice %arg6[%dma_start3A_246, %dma_start3A_247] : memref<200x128xi32, #tpu.memory_space<vmem>> -> memref<1x128xi32, #tpu.memory_space<vmem>>
    %dma_start3A_249 = tpu.memref_squeeze %dma_start3A_248 : memref<1x128xi32, #tpu.memory_space<vmem>> -> memref<128xi32, #tpu.memory_space<vmem>>
    %dma_start3A_250 = arith.constant 0 : i32
    %dma_start3A_251 = arith.constant 0 : i32
    %dma_start3A_252 = tpu.memref_slice %arg3[%dma_start3A_250, %dma_start3A_251] : memref<1000000x64xf32, #tpu.memory_space<hbm>> -> memref<1000000x64xf32, #tpu.memory_space<hbm>>
    tpu.enqueue_indirect_dma source(%dma_start3A_252 : memref<1000000x64xf32, #tpu.memory_space<hbm>>) target(%arg9 : memref<128x64xf32, #tpu.memory_space<vmem>>) offsets(%dma_start3A_249 : memref<128xi32, #tpu.memory_space<vmem>>) semaphore(%arg18 : memref<!tpu.dma_semaphore, #tpu.memory_space<semaphore_mem>>)
    %scan3A = arith.constant 0 : i32
    %scan3A_253 = arith.constant 0 : i32
    %scan3A_254 = arith.constant 50 : i32
    %scan3A_255 = arith.addi %scan3A_253, %scan3A_254 : i32
    %scan3A_256 = arith.constant 1 : i32
    scf.for %scan3A_333 = %scan3A_253 to %scan3A_255 step %scan3A_256  : i32 {
      %mul3A_334 = arith.constant 4 : i32
      %mul3A_335 = arith.muli %scan3A_333, %mul3A_334 : i32
      %add3A_336 = arith.constant 0 : i32
      %add3A_337 = arith.addi %mul3A_335, %add3A_336 : i32
      %dma_wait3A_338 = arith.constant 0 : i32
      %dma_wait3A_339 = arith.constant 0 : i32
      %dma_wait3A_340 = tpu.memref_slice %arg6[%dma_wait3A_338, %dma_wait3A_339] : memref<200x128xi32, #tpu.memory_space<vmem>> -> memref<1x128xi32, #tpu.memory_space<vmem>>
      %dma_wait3A_341 = tpu.memref_squeeze %dma_wait3A_340 : memref<1x128xi32, #tpu.memory_space<vmem>> -> memref<128xi32, #tpu.memory_space<vmem>>
      %dma_wait3A_342 = arith.constant 0 : i32
      %dma_wait3A_343 = arith.constant 0 : i32
      %dma_wait3A_344 = tpu.memref_slice %arg3[%dma_wait3A_342, %dma_wait3A_343] : memref<1000000x64xf32, #tpu.memory_space<hbm>> -> memref<1000000x64xf32, #tpu.memory_space<hbm>>
      tpu.wait_indirect_dma semaphore(%arg16 : memref<!tpu.dma_semaphore, #tpu.memory_space<semaphore_mem>>) src(%dma_wait3A_344 : memref<1000000x64xf32, #tpu.memory_space<hbm>>) dst(%arg7 : memref<128x64xf32, #tpu.memory_space<vmem>>)
      %ge3A = arith.constant 4 : i32
      %ge3A_345 = arith.cmpi sge, %add3A_337, %ge3A : i32
      %convert_element_type3A = arith.extui %ge3A_345 : i1 to i32
      %cond3A = arith.constant 0 : i32
      %cond3A_346 = arith.cmpi ne, %convert_element_type3A, %cond3A : i32
      scf.if %cond3A_346 {
        %dma_wait3A_561 = arith.constant 0 : i32
        %dma_wait3A_562 = arith.constant 0 : i32
        %dma_wait3A_563 = arith.constant 0 : i32
        %dma_wait3A_564 = arith.constant 0 : i32
        %dma_wait3A_565 = tpu.memref_slice %arg11[%dma_wait3A_562, %dma_wait3A_563, %dma_wait3A_564] : memref<8x8x129xf32, #tpu.memory_space<vmem>> -> memref<8x8x128xf32, #tpu.memory_space<vmem>>
        %dma_wait3A_566 = arith.constant 0 : i32
        %dma_wait3A_567 = arith.constant 0 : i32
        %dma_wait3A_568 = arith.constant 0 : i32
        %dma_wait3A_569 = tpu.memref_slice %arg5[%dma_wait3A_561, %dma_wait3A_566, %add3A, %dma_wait3A_567, %dma_wait3A_568] : memref<200x8x32x8x128xf32, #tpu.memory_space<hbm>> -> memref<1x8x1x8x128xf32, #tpu.memory_space<hbm>>
        %dma_wait3A_570 = tpu.memref_squeeze %dma_wait3A_569 : memref<1x8x1x8x128xf32, #tpu.memory_space<hbm>> -> memref<8x8x128xf32, #tpu.memory_space<hbm>>
        %dma_wait3A_571 = arith.constant 0 : i32
        %dma_wait3A_572 = arith.constant 0 : i32
        %dma_wait3A_573 = arith.constant 0 : i32
        %dma_wait3A_574 = tpu.memref_slice %arg5[%dma_wait3A_561, %dma_wait3A_571, %add3A, %dma_wait3A_572, %dma_wait3A_573] : memref<200x8x32x8x128xf32, #tpu.memory_space<hbm>> -> memref<1x8x1x8x128xf32, #tpu.memory_space<hbm>>
        %dma_wait3A_575 = tpu.memref_squeeze %dma_wait3A_574 : memref<1x8x1x8x128xf32, #tpu.memory_space<hbm>> -> memref<8x8x128xf32, #tpu.memory_space<hbm>>
        %dma_wait3A_576 = arith.constant 0 : i32
        %dma_wait3A_577 = arith.constant 0 : i32
        %dma_wait3A_578 = arith.constant 0 : i32
        %dma_wait3A_579 = tpu.memref_slice %arg11[%dma_wait3A_576, %dma_wait3A_577, %dma_wait3A_578] : memref<8x8x129xf32, #tpu.memory_space<vmem>> -> memref<8x8x128xf32, #tpu.memory_space<vmem>>
        tpu.wait_dma2 semaphore(%arg20 : memref<!tpu.dma_semaphore, #tpu.memory_space<semaphore_mem>>) src(%dma_wait3A_579 : memref<8x8x128xf32, #tpu.memory_space<vmem>>) dst(%dma_wait3A_575 : memref<8x8x128xf32, #tpu.memory_space<hbm>>)
      } else {
      }
      %get3A = arith.index_cast %add3A_337 : i32 to index
      %get3A_347 = arith.constant 0 : index
      %get3A_348 = tpu.vector_load %arg15[%get3A, %get3A_347] {strides = array<i32>} : memref<200x64xf32, #tpu.memory_space<vmem>>, vector<16xf32>,
      %get3A_349 = arith.index_cast %add3A_337 : i32 to index
      %get3A_350 = arith.constant 16 : index
      %get3A_351 = tpu.vector_load %arg15[%get3A_349, %get3A_350] {strides = array<i32>} : memref<200x64xf32, #tpu.memory_space<vmem>>, vector<16xf32>,
      %get3A_352 = arith.index_cast %add3A_337 : i32 to index
      %get3A_353 = arith.constant 32 : index
      %get3A_354 = tpu.vector_load %arg15[%get3A_352, %get3A_353] {strides = array<i32>} : memref<200x64xf32, #tpu.memory_space<vmem>>, vector<16xf32>,
      %get3A_355 = arith.index_cast %add3A_337 : i32 to index
      %get3A_356 = arith.constant 48 : index
      %get3A_357 = tpu.vector_load %arg15[%get3A_355, %get3A_356] {strides = array<i32>} : memref<200x64xf32, #tpu.memory_space<vmem>>, vector<16xf32>,
      %parallel_loop3A = arith.constant 0 : i32
      %parallel_loop3A_358 = arith.constant 128 : i32
      %parallel_loop3A_359 = arith.constant 1 : i32
      scf.for %parallel_loop3A_561 = %parallel_loop3A to %parallel_loop3A_358 step %parallel_loop3A_359  : i32 {
        %parallel_loop3A_562 = vector.broadcast %parallel_loop3A_561 : i32 to vector<16xi32>
        %parallel_loop3A_563 = arith.index_cast %parallel_loop3A_561 : i32 to index
        %parallel_loop3A_564 = arith.constant 0 : index
        %parallel_loop3A_565 = tpu.vector_load %arg7[%parallel_loop3A_563, %parallel_loop3A_564] {strides = array<i32>} : memref<128x64xf32, #tpu.memory_space<vmem>>, vector<16xf32>,
        %parallel_loop3A_566 = arith.addf %parallel_loop3A_565, %get3A_348 : vector<16xf32>
        tpu.vector_store_idx %arg11[%select_n3A, %select_n3A_154, %parallel_loop3A_562], %parallel_loop3A_566 : memref<8x8x129xf32, #tpu.memory_space<vmem>>[vector<16xi32>, vector<16xi32>, vector<16xi32>], vector<16xf32>,
        %parallel_loop3A_567 = arith.index_cast %parallel_loop3A_561 : i32 to index
        %parallel_loop3A_568 = arith.constant 16 : index
        %parallel_loop3A_569 = tpu.vector_load %arg7[%parallel_loop3A_567, %parallel_loop3A_568] {strides = array<i32>} : memref<128x64xf32, #tpu.memory_space<vmem>>, vector<16xf32>,
        %parallel_loop3A_570 = arith.addf %parallel_loop3A_569, %get3A_351 : vector<16xf32>
        tpu.vector_store_idx %arg11[%select_n3A_60, %select_n3A_180, %parallel_loop3A_562], %parallel_loop3A_570 : memref<8x8x129xf32, #tpu.memory_space<vmem>>[vector<16xi32>, vector<16xi32>, vector<16xi32>], vector<16xf32>,
        %parallel_loop3A_571 = arith.index_cast %parallel_loop3A_561 : i32 to index
        %parallel_loop3A_572 = arith.constant 32 : index
        %parallel_loop3A_573 = tpu.vector_load %arg7[%parallel_loop3A_571, %parallel_loop3A_572] {strides = array<i32>} : memref<128x64xf32, #tpu.memory_space<vmem>>, vector<16xf32>,
        %parallel_loop3A_574 = arith.addf %parallel_loop3A_573, %get3A_354 : vector<16xf32>
        tpu.vector_store_idx %arg11[%select_n3A_95, %select_n3A_206, %parallel_loop3A_562], %parallel_loop3A_574 : memref<8x8x129xf32, #tpu.memory_space<vmem>>[vector<16xi32>, vector<16xi32>, vector<16xi32>], vector<16xf32>,
        %parallel_loop3A_575 = arith.index_cast %parallel_loop3A_561 : i32 to index
        %parallel_loop3A_576 = arith.constant 48 : index
        %parallel_loop3A_577 = tpu.vector_load %arg7[%parallel_loop3A_575, %parallel_loop3A_576] {strides = array<i32>} : memref<128x64xf32, #tpu.memory_space<vmem>>, vector<16xf32>,
        %parallel_loop3A_578 = arith.addf %parallel_loop3A_577, %get3A_357 : vector<16xf32>
        tpu.vector_store_idx %arg11[%select_n3A_130, %select_n3A_232, %parallel_loop3A_562], %parallel_loop3A_578 : memref<8x8x129xf32, #tpu.memory_space<vmem>>[vector<16xi32>, vector<16xi32>, vector<16xi32>], vector<16xf32>,
      } {sc.loop_unroll_factor = 4 : i64, sc.parallel_access}
      %dma_start3A_360 = arith.constant 0 : i32
      %dma_start3A_361 = arith.constant 0 : i32
      %dma_start3A_362 = arith.constant 0 : i32
      %dma_start3A_363 = tpu.memref_slice %arg11[%dma_start3A_360, %dma_start3A_361, %dma_start3A_362] : memref<8x8x129xf32, #tpu.memory_space<vmem>> -> memref<8x8x128xf32, #tpu.memory_space<vmem>>
      %dma_start3A_364 = arith.constant 0 : i32
      %dma_start3A_365 = arith.constant 0 : i32
      %dma_start3A_366 = arith.constant 0 : i32
      %dma_start3A_367 = tpu.memref_slice %arg5[%add3A_337, %dma_start3A_364, %add3A, %dma_start3A_365, %dma_start3A_366] : memref<200x8x32x8x128xf32, #tpu.memory_space<hbm>> -> memref<1x8x1x8x128xf32, #tpu.memory_space<hbm>>
      %dma_start3A_368 = tpu.memref_squeeze %dma_start3A_367 : memref<1x8x1x8x128xf32, #tpu.memory_space<hbm>> -> memref<8x8x128xf32, #tpu.memory_space<hbm>>
      %dma_start3A_369 = arith.constant 0 : i32
      %dma_start3A_370 = arith.constant 0 : i32
      %dma_start3A_371 = arith.constant 0 : i32
      %dma_start3A_372 = tpu.memref_slice %arg5[%add3A_337, %dma_start3A_369, %add3A, %dma_start3A_370, %dma_start3A_371] : memref<200x8x32x8x128xf32, #tpu.memory_space<hbm>> -> memref<1x8x1x8x128xf32, #tpu.memory_space<hbm>>
      %dma_start3A_373 = tpu.memref_squeeze %dma_start3A_372 : memref<1x8x1x8x128xf32, #tpu.memory_space<hbm>> -> memref<8x8x128xf32, #tpu.memory_space<hbm>>
      %dma_start3A_374 = arith.constant 0 : i32
      %dma_start3A_375 = arith.constant 0 : i32
      %dma_start3A_376 = arith.constant 0 : i32
      %dma_start3A_377 = tpu.memref_slice %arg11[%dma_start3A_374, %dma_start3A_375, %dma_start3A_376] : memref<8x8x129xf32, #tpu.memory_space<vmem>> -> memref<8x8x128xf32, #tpu.memory_space<vmem>>
      tpu.enqueue_dma source(%dma_start3A_377 : memref<8x8x128xf32, #tpu.memory_space<vmem>>) target(%dma_start3A_373 : memref<8x8x128xf32, #tpu.memory_space<hbm>>) target_semaphore(%arg20 : memref<!tpu.dma_semaphore, #tpu.memory_space<semaphore_mem>>)
      %add3A_378 = arith.constant 4 : i32
      %add3A_379 = arith.addi %add3A_337, %add3A_378 : i32
      %sub3A_380 = arith.constant 1 : i32
      %sub3A_381 = arith.subi %add3A_379, %sub3A_380 : i32
      %lt3A_382 = arith.constant 200 : i32
      %lt3A_383 = arith.cmpi slt, %sub3A_381, %lt3A_382 : i32
      %convert_element_type3A_384 = arith.extui %lt3A_383 : i1 to i32
      %cond3A_385 = arith.constant 0 : i32
      %cond3A_386 = arith.cmpi ne, %convert_element_type3A_384, %cond3A_385 : i32
      scf.if %cond3A_386 {
        %dma_start3A_561 = arith.constant 0 : i32
        %dma_start3A_562 = tpu.memref_slice %arg6[%sub3A_381, %dma_start3A_561] : memref<200x128xi32, #tpu.memory_space<vmem>> -> memref<1x128xi32, #tpu.memory_space<vmem>>
        %dma_start3A_563 = tpu.memref_squeeze %dma_start3A_562 : memref<1x128xi32, #tpu.memory_space<vmem>> -> memref<128xi32, #tpu.memory_space<vmem>>
        %dma_start3A_564 = arith.constant 0 : i32
        %dma_start3A_565 = arith.constant 0 : i32
        %dma_start3A_566 = tpu.memref_slice %arg3[%dma_start3A_564, %dma_start3A_565] : memref<1000000x64xf32, #tpu.memory_space<hbm>> -> memref<1000000x64xf32, #tpu.memory_space<hbm>>
        tpu.enqueue_indirect_dma source(%dma_start3A_566 : memref<1000000x64xf32, #tpu.memory_space<hbm>>) target(%arg10 : memref<128x64xf32, #tpu.memory_space<vmem>>) offsets(%dma_start3A_563 : memref<128xi32, #tpu.memory_space<vmem>>) semaphore(%arg19 : memref<!tpu.dma_semaphore, #tpu.memory_space<semaphore_mem>>)
      } else {
      }
      %mul3A_387 = arith.constant 4 : i32
      %mul3A_388 = arith.muli %scan3A_333, %mul3A_387 : i32
      %add3A_389 = arith.constant 1 : i32
      %add3A_390 = arith.addi %mul3A_388, %add3A_389 : i32
      %dma_wait3A_391 = arith.constant 0 : i32
      %dma_wait3A_392 = arith.constant 0 : i32
      %dma_wait3A_393 = tpu.memref_slice %arg6[%dma_wait3A_391, %dma_wait3A_392] : memref<200x128xi32, #tpu.memory_space<vmem>> -> memref<1x128xi32, #tpu.memory_space<vmem>>
      %dma_wait3A_394 = tpu.memref_squeeze %dma_wait3A_393 : memref<1x128xi32, #tpu.memory_space<vmem>> -> memref<128xi32, #tpu.memory_space<vmem>>
      %dma_wait3A_395 = arith.constant 0 : i32
      %dma_wait3A_396 = arith.constant 0 : i32
      %dma_wait3A_397 = tpu.memref_slice %arg3[%dma_wait3A_395, %dma_wait3A_396] : memref<1000000x64xf32, #tpu.memory_space<hbm>> -> memref<1000000x64xf32, #tpu.memory_space<hbm>>
      tpu.wait_indirect_dma semaphore(%arg17 : memref<!tpu.dma_semaphore, #tpu.memory_space<semaphore_mem>>) src(%dma_wait3A_397 : memref<1000000x64xf32, #tpu.memory_space<hbm>>) dst(%arg8 : memref<128x64xf32, #tpu.memory_space<vmem>>)
      %ge3A_398 = arith.constant 4 : i32
      %ge3A_399 = arith.cmpi sge, %add3A_390, %ge3A_398 : i32
      %convert_element_type3A_400 = arith.extui %ge3A_399 : i1 to i32
      %cond3A_401 = arith.constant 0 : i32
      %cond3A_402 = arith.cmpi ne, %convert_element_type3A_400, %cond3A_401 : i32
      scf.if %cond3A_402 {
        %dma_wait3A_561 = arith.constant 0 : i32
        %dma_wait3A_562 = arith.constant 0 : i32
        %dma_wait3A_563 = arith.constant 0 : i32
        %dma_wait3A_564 = arith.constant 0 : i32
        %dma_wait3A_565 = tpu.memref_slice %arg12[%dma_wait3A_562, %dma_wait3A_563, %dma_wait3A_564] : memref<8x8x129xf32, #tpu.memory_space<vmem>> -> memref<8x8x128xf32, #tpu.memory_space<vmem>>
        %dma_wait3A_566 = arith.constant 0 : i32
        %dma_wait3A_567 = arith.constant 0 : i32
        %dma_wait3A_568 = arith.constant 0 : i32
        %dma_wait3A_569 = tpu.memref_slice %arg5[%dma_wait3A_561, %dma_wait3A_566, %add3A, %dma_wait3A_567, %dma_wait3A_568] : memref<200x8x32x8x128xf32, #tpu.memory_space<hbm>> -> memref<1x8x1x8x128xf32, #tpu.memory_space<hbm>>
        %dma_wait3A_570 = tpu.memref_squeeze %dma_wait3A_569 : memref<1x8x1x8x128xf32, #tpu.memory_space<hbm>> -> memref<8x8x128xf32, #tpu.memory_space<hbm>>
        %dma_wait3A_571 = arith.constant 0 : i32
        %dma_wait3A_572 = arith.constant 0 : i32
        %dma_wait3A_573 = arith.constant 0 : i32
        %dma_wait3A_574 = tpu.memref_slice %arg5[%dma_wait3A_561, %dma_wait3A_571, %add3A, %dma_wait3A_572, %dma_wait3A_573] : memref<200x8x32x8x128xf32, #tpu.memory_space<hbm>> -> memref<1x8x1x8x128xf32, #tpu.memory_space<hbm>>
        %dma_wait3A_575 = tpu.memref_squeeze %dma_wait3A_574 : memref<1x8x1x8x128xf32, #tpu.memory_space<hbm>> -> memref<8x8x128xf32, #tpu.memory_space<hbm>>
        %dma_wait3A_576 = arith.constant 0 : i32
        %dma_wait3A_577 = arith.constant 0 : i32
        %dma_wait3A_578 = arith.constant 0 : i32
        %dma_wait3A_579 = tpu.memref_slice %arg12[%dma_wait3A_576, %dma_wait3A_577, %dma_wait3A_578] : memref<8x8x129xf32, #tpu.memory_space<vmem>> -> memref<8x8x128xf32, #tpu.memory_space<vmem>>
        tpu.wait_dma2 semaphore(%arg21 : memref<!tpu.dma_semaphore, #tpu.memory_space<semaphore_mem>>) src(%dma_wait3A_579 : memref<8x8x128xf32, #tpu.memory_space<vmem>>) dst(%dma_wait3A_575 : memref<8x8x128xf32, #tpu.memory_space<hbm>>)
      } else {
      }
      %get3A_403 = arith.index_cast %add3A_390 : i32 to index
      %get3A_404 = arith.constant 0 : index
      %get3A_405 = tpu.vector_load %arg15[%get3A_403, %get3A_404] {strides = array<i32>} : memref<200x64xf32, #tpu.memory_space<vmem>>, vector<16xf32>,
      %get3A_406 = arith.index_cast %add3A_390 : i32 to index
      %get3A_407 = arith.constant 16 : index
      %get3A_408 = tpu.vector_load %arg15[%get3A_406, %get3A_407] {strides = array<i32>} : memref<200x64xf32, #tpu.memory_space<vmem>>, vector<16xf32>,
      %get3A_409 = arith.index_cast %add3A_390 : i32 to index
      %get3A_410 = arith.constant 32 : index
      %get3A_411 = tpu.vector_load %arg15[%get3A_409, %get3A_410] {strides = array<i32>} : memref<200x64xf32, #tpu.memory_space<vmem>>, vector<16xf32>,
      %get3A_412 = arith.index_cast %add3A_390 : i32 to index
      %get3A_413 = arith.constant 48 : index
      %get3A_414 = tpu.vector_load %arg15[%get3A_412, %get3A_413] {strides = array<i32>} : memref<200x64xf32, #tpu.memory_space<vmem>>, vector<16xf32>,
      %parallel_loop3A_415 = arith.constant 0 : i32
      %parallel_loop3A_416 = arith.constant 128 : i32
      %parallel_loop3A_417 = arith.constant 1 : i32
      scf.for %parallel_loop3A_561 = %parallel_loop3A_415 to %parallel_loop3A_416 step %parallel_loop3A_417  : i32 {
        %parallel_loop3A_562 = vector.broadcast %parallel_loop3A_561 : i32 to vector<16xi32>
        %parallel_loop3A_563 = arith.index_cast %parallel_loop3A_561 : i32 to index
        %parallel_loop3A_564 = arith.constant 0 : index
        %parallel_loop3A_565 = tpu.vector_load %arg8[%parallel_loop3A_563, %parallel_loop3A_564] {strides = array<i32>} : memref<128x64xf32, #tpu.memory_space<vmem>>, vector<16xf32>,
        %parallel_loop3A_566 = arith.addf %parallel_loop3A_565, %get3A_405 : vector<16xf32>
        tpu.vector_store_idx %arg12[%select_n3A, %select_n3A_154, %parallel_loop3A_562], %parallel_loop3A_566 : memref<8x8x129xf32, #tpu.memory_space<vmem>>[vector<16xi32>, vector<16xi32>, vector<16xi32>], vector<16xf32>,
        %parallel_loop3A_567 = arith.index_cast %parallel_loop3A_561 : i32 to index
        %parallel_loop3A_568 = arith.constant 16 : index
        %parallel_loop3A_569 = tpu.vector_load %arg8[%parallel_loop3A_567, %parallel_loop3A_568] {strides = array<i32>} : memref<128x64xf32, #tpu.memory_space<vmem>>, vector<16xf32>,
        %parallel_loop3A_570 = arith.addf %parallel_loop3A_569, %get3A_408 : vector<16xf32>
        tpu.vector_store_idx %arg12[%select_n3A_60, %select_n3A_180, %parallel_loop3A_562], %parallel_loop3A_570 : memref<8x8x129xf32, #tpu.memory_space<vmem>>[vector<16xi32>, vector<16xi32>, vector<16xi32>], vector<16xf32>,
        %parallel_loop3A_571 = arith.index_cast %parallel_loop3A_561 : i32 to index
        %parallel_loop3A_572 = arith.constant 32 : index
        %parallel_loop3A_573 = tpu.vector_load %arg8[%parallel_loop3A_571, %parallel_loop3A_572] {strides = array<i32>} : memref<128x64xf32, #tpu.memory_space<vmem>>, vector<16xf32>,
        %parallel_loop3A_574 = arith.addf %parallel_loop3A_573, %get3A_411 : vector<16xf32>
        tpu.vector_store_idx %arg12[%select_n3A_95, %select_n3A_206, %parallel_loop3A_562], %parallel_loop3A_574 : memref<8x8x129xf32, #tpu.memory_space<vmem>>[vector<16xi32>, vector<16xi32>, vector<16xi32>], vector<16xf32>,
        %parallel_loop3A_575 = arith.index_cast %parallel_loop3A_561 : i32 to index
        %parallel_loop3A_576 = arith.constant 48 : index
        %parallel_loop3A_577 = tpu.vector_load %arg8[%parallel_loop3A_575, %parallel_loop3A_576] {strides = array<i32>} : memref<128x64xf32, #tpu.memory_space<vmem>>, vector<16xf32>,
        %parallel_loop3A_578 = arith.addf %parallel_loop3A_577, %get3A_414 : vector<16xf32>
        tpu.vector_store_idx %arg12[%select_n3A_130, %select_n3A_232, %parallel_loop3A_562], %parallel_loop3A_578 : memref<8x8x129xf32, #tpu.memory_space<vmem>>[vector<16xi32>, vector<16xi32>, vector<16xi32>], vector<16xf32>,
      } {sc.loop_unroll_factor = 4 : i64, sc.parallel_access}
      %dma_start3A_418 = arith.constant 0 : i32
      %dma_start3A_419 = arith.constant 0 : i32
      %dma_start3A_420 = arith.constant 0 : i32
      %dma_start3A_421 = tpu.memref_slice %arg12[%dma_start3A_418, %dma_start3A_419, %dma_start3A_420] : memref<8x8x129xf32, #tpu.memory_space<vmem>> -> memref<8x8x128xf32, #tpu.memory_space<vmem>>
      %dma_start3A_422 = arith.constant 0 : i32
      %dma_start3A_423 = arith.constant 0 : i32
      %dma_start3A_424 = arith.constant 0 : i32
      %dma_start3A_425 = tpu.memref_slice %arg5[%add3A_390, %dma_start3A_422, %add3A, %dma_start3A_423, %dma_start3A_424] : memref<200x8x32x8x128xf32, #tpu.memory_space<hbm>> -> memref<1x8x1x8x128xf32, #tpu.memory_space<hbm>>
      %dma_start3A_426 = tpu.memref_squeeze %dma_start3A_425 : memref<1x8x1x8x128xf32, #tpu.memory_space<hbm>> -> memref<8x8x128xf32, #tpu.memory_space<hbm>>
      %dma_start3A_427 = arith.constant 0 : i32
      %dma_start3A_428 = arith.constant 0 : i32
      %dma_start3A_429 = arith.constant 0 : i32
      %dma_start3A_430 = tpu.memref_slice %arg5[%add3A_390, %dma_start3A_427, %add3A, %dma_start3A_428, %dma_start3A_429] : memref<200x8x32x8x128xf32, #tpu.memory_space<hbm>> -> memref<1x8x1x8x128xf32, #tpu.memory_space<hbm>>
      %dma_start3A_431 = tpu.memref_squeeze %dma_start3A_430 : memref<1x8x1x8x128xf32, #tpu.memory_space<hbm>> -> memref<8x8x128xf32, #tpu.memory_space<hbm>>
      %dma_start3A_432 = arith.constant 0 : i32
      %dma_start3A_433 = arith.constant 0 : i32
      %dma_start3A_434 = arith.constant 0 : i32
      %dma_start3A_435 = tpu.memref_slice %arg12[%dma_start3A_432, %dma_start3A_433, %dma_start3A_434] : memref<8x8x129xf32, #tpu.memory_space<vmem>> -> memref<8x8x128xf32, #tpu.memory_space<vmem>>
      tpu.enqueue_dma source(%dma_start3A_435 : memref<8x8x128xf32, #tpu.memory_space<vmem>>) target(%dma_start3A_431 : memref<8x8x128xf32, #tpu.memory_space<hbm>>) target_semaphore(%arg21 : memref<!tpu.dma_semaphore, #tpu.memory_space<semaphore_mem>>)
      %add3A_436 = arith.constant 4 : i32
      %add3A_437 = arith.addi %add3A_390, %add3A_436 : i32
      %sub3A_438 = arith.constant 1 : i32
      %sub3A_439 = arith.subi %add3A_437, %sub3A_438 : i32
      %lt3A_440 = arith.constant 200 : i32
      %lt3A_441 = arith.cmpi slt, %sub3A_439, %lt3A_440 : i32
      %convert_element_type3A_442 = arith.extui %lt3A_441 : i1 to i32
      %cond3A_443 = arith.constant 0 : i32
      %cond3A_444 = arith.cmpi ne, %convert_element_type3A_442, %cond3A_443 : i32
      scf.if %cond3A_444 {
        %dma_start3A_561 = arith.constant 0 : i32
        %dma_start3A_562 = tpu.memref_slice %arg6[%sub3A_439, %dma_start3A_561] : memref<200x128xi32, #tpu.memory_space<vmem>> -> memref<1x128xi32, #tpu.memory_space<vmem>>
        %dma_start3A_563 = tpu.memref_squeeze %dma_start3A_562 : memref<1x128xi32, #tpu.memory_space<vmem>> -> memref<128xi32, #tpu.memory_space<vmem>>
        %dma_start3A_564 = arith.constant 0 : i32
        %dma_start3A_565 = arith.constant 0 : i32
        %dma_start3A_566 = tpu.memref_slice %arg3[%dma_start3A_564, %dma_start3A_565] : memref<1000000x64xf32, #tpu.memory_space<hbm>> -> memref<1000000x64xf32, #tpu.memory_space<hbm>>
        tpu.enqueue_indirect_dma source(%dma_start3A_566 : memref<1000000x64xf32, #tpu.memory_space<hbm>>) target(%arg7 : memref<128x64xf32, #tpu.memory_space<vmem>>) offsets(%dma_start3A_563 : memref<128xi32, #tpu.memory_space<vmem>>) semaphore(%arg16 : memref<!tpu.dma_semaphore, #tpu.memory_space<semaphore_mem>>)
      } else {
      }
      %mul3A_445 = arith.constant 4 : i32
      %mul3A_446 = arith.muli %scan3A_333, %mul3A_445 : i32
      %add3A_447 = arith.constant 2 : i32
      %add3A_448 = arith.addi %mul3A_446, %add3A_447 : i32
      %dma_wait3A_449 = arith.constant 0 : i32
      %dma_wait3A_450 = arith.constant 0 : i32
      %dma_wait3A_451 = tpu.memref_slice %arg6[%dma_wait3A_449, %dma_wait3A_450] : memref<200x128xi32, #tpu.memory_space<vmem>> -> memref<1x128xi32, #tpu.memory_space<vmem>>
      %dma_wait3A_452 = tpu.memref_squeeze %dma_wait3A_451 : memref<1x128xi32, #tpu.memory_space<vmem>> -> memref<128xi32, #tpu.memory_space<vmem>>
      %dma_wait3A_453 = arith.constant 0 : i32
      %dma_wait3A_454 = arith.constant 0 : i32
      %dma_wait3A_455 = tpu.memref_slice %arg3[%dma_wait3A_453, %dma_wait3A_454] : memref<1000000x64xf32, #tpu.memory_space<hbm>> -> memref<1000000x64xf32, #tpu.memory_space<hbm>>
      tpu.wait_indirect_dma semaphore(%arg18 : memref<!tpu.dma_semaphore, #tpu.memory_space<semaphore_mem>>) src(%dma_wait3A_455 : memref<1000000x64xf32, #tpu.memory_space<hbm>>) dst(%arg9 : memref<128x64xf32, #tpu.memory_space<vmem>>)
      %ge3A_456 = arith.constant 4 : i32
      %ge3A_457 = arith.cmpi sge, %add3A_448, %ge3A_456 : i32
      %convert_element_type3A_458 = arith.extui %ge3A_457 : i1 to i32
      %cond3A_459 = arith.constant 0 : i32
      %cond3A_460 = arith.cmpi ne, %convert_element_type3A_458, %cond3A_459 : i32
      scf.if %cond3A_460 {
        %dma_wait3A_561 = arith.constant 0 : i32
        %dma_wait3A_562 = arith.constant 0 : i32
        %dma_wait3A_563 = arith.constant 0 : i32
        %dma_wait3A_564 = arith.constant 0 : i32
        %dma_wait3A_565 = tpu.memref_slice %arg13[%dma_wait3A_562, %dma_wait3A_563, %dma_wait3A_564] : memref<8x8x129xf32, #tpu.memory_space<vmem>> -> memref<8x8x128xf32, #tpu.memory_space<vmem>>
        %dma_wait3A_566 = arith.constant 0 : i32
        %dma_wait3A_567 = arith.constant 0 : i32
        %dma_wait3A_568 = arith.constant 0 : i32
        %dma_wait3A_569 = tpu.memref_slice %arg5[%dma_wait3A_561, %dma_wait3A_566, %add3A, %dma_wait3A_567, %dma_wait3A_568] : memref<200x8x32x8x128xf32, #tpu.memory_space<hbm>> -> memref<1x8x1x8x128xf32, #tpu.memory_space<hbm>>
        %dma_wait3A_570 = tpu.memref_squeeze %dma_wait3A_569 : memref<1x8x1x8x128xf32, #tpu.memory_space<hbm>> -> memref<8x8x128xf32, #tpu.memory_space<hbm>>
        %dma_wait3A_571 = arith.constant 0 : i32
        %dma_wait3A_572 = arith.constant 0 : i32
        %dma_wait3A_573 = arith.constant 0 : i32
        %dma_wait3A_574 = tpu.memref_slice %arg5[%dma_wait3A_561, %dma_wait3A_571, %add3A, %dma_wait3A_572, %dma_wait3A_573] : memref<200x8x32x8x128xf32, #tpu.memory_space<hbm>> -> memref<1x8x1x8x128xf32, #tpu.memory_space<hbm>>
        %dma_wait3A_575 = tpu.memref_squeeze %dma_wait3A_574 : memref<1x8x1x8x128xf32, #tpu.memory_space<hbm>> -> memref<8x8x128xf32, #tpu.memory_space<hbm>>
        %dma_wait3A_576 = arith.constant 0 : i32
        %dma_wait3A_577 = arith.constant 0 : i32
        %dma_wait3A_578 = arith.constant 0 : i32
        %dma_wait3A_579 = tpu.memref_slice %arg13[%dma_wait3A_576, %dma_wait3A_577, %dma_wait3A_578] : memref<8x8x129xf32, #tpu.memory_space<vmem>> -> memref<8x8x128xf32, #tpu.memory_space<vmem>>
        tpu.wait_dma2 semaphore(%arg22 : memref<!tpu.dma_semaphore, #tpu.memory_space<semaphore_mem>>) src(%dma_wait3A_579 : memref<8x8x128xf32, #tpu.memory_space<vmem>>) dst(%dma_wait3A_575 : memref<8x8x128xf32, #tpu.memory_space<hbm>>)
      } else {
      }
      %get3A_461 = arith.index_cast %add3A_448 : i32 to index
      %get3A_462 = arith.constant 0 : index
      %get3A_463 = tpu.vector_load %arg15[%get3A_461, %get3A_462] {strides = array<i32>} : memref<200x64xf32, #tpu.memory_space<vmem>>, vector<16xf32>,
      %get3A_464 = arith.index_cast %add3A_448 : i32 to index
      %get3A_465 = arith.constant 16 : index
      %get3A_466 = tpu.vector_load %arg15[%get3A_464, %get3A_465] {strides = array<i32>} : memref<200x64xf32, #tpu.memory_space<vmem>>, vector<16xf32>,
      %get3A_467 = arith.index_cast %add3A_448 : i32 to index
      %get3A_468 = arith.constant 32 : index
      %get3A_469 = tpu.vector_load %arg15[%get3A_467, %get3A_468] {strides = array<i32>} : memref<200x64xf32, #tpu.memory_space<vmem>>, vector<16xf32>,
      %get3A_470 = arith.index_cast %add3A_448 : i32 to index
      %get3A_471 = arith.constant 48 : index
      %get3A_472 = tpu.vector_load %arg15[%get3A_470, %get3A_471] {strides = array<i32>} : memref<200x64xf32, #tpu.memory_space<vmem>>, vector<16xf32>,
      %parallel_loop3A_473 = arith.constant 0 : i32
      %parallel_loop3A_474 = arith.constant 128 : i32
      %parallel_loop3A_475 = arith.constant 1 : i32
      scf.for %parallel_loop3A_561 = %parallel_loop3A_473 to %parallel_loop3A_474 step %parallel_loop3A_475  : i32 {
        %parallel_loop3A_562 = vector.broadcast %parallel_loop3A_561 : i32 to vector<16xi32>
        %parallel_loop3A_563 = arith.index_cast %parallel_loop3A_561 : i32 to index
        %parallel_loop3A_564 = arith.constant 0 : index
        %parallel_loop3A_565 = tpu.vector_load %arg9[%parallel_loop3A_563, %parallel_loop3A_564] {strides = array<i32>} : memref<128x64xf32, #tpu.memory_space<vmem>>, vector<16xf32>,
        %parallel_loop3A_566 = arith.addf %parallel_loop3A_565, %get3A_463 : vector<16xf32>
        tpu.vector_store_idx %arg13[%select_n3A, %select_n3A_154, %parallel_loop3A_562], %parallel_loop3A_566 : memref<8x8x129xf32, #tpu.memory_space<vmem>>[vector<16xi32>, vector<16xi32>, vector<16xi32>], vector<16xf32>,
        %parallel_loop3A_567 = arith.index_cast %parallel_loop3A_561 : i32 to index
        %parallel_loop3A_568 = arith.constant 16 : index
        %parallel_loop3A_569 = tpu.vector_load %arg9[%parallel_loop3A_567, %parallel_loop3A_568] {strides = array<i32>} : memref<128x64xf32, #tpu.memory_space<vmem>>, vector<16xf32>,
        %parallel_loop3A_570 = arith.addf %parallel_loop3A_569, %get3A_466 : vector<16xf32>
        tpu.vector_store_idx %arg13[%select_n3A_60, %select_n3A_180, %parallel_loop3A_562], %parallel_loop3A_570 : memref<8x8x129xf32, #tpu.memory_space<vmem>>[vector<16xi32>, vector<16xi32>, vector<16xi32>], vector<16xf32>,
        %parallel_loop3A_571 = arith.index_cast %parallel_loop3A_561 : i32 to index
        %parallel_loop3A_572 = arith.constant 32 : index
        %parallel_loop3A_573 = tpu.vector_load %arg9[%parallel_loop3A_571, %parallel_loop3A_572] {strides = array<i32>} : memref<128x64xf32, #tpu.memory_space<vmem>>, vector<16xf32>,
        %parallel_loop3A_574 = arith.addf %parallel_loop3A_573, %get3A_469 : vector<16xf32>
        tpu.vector_store_idx %arg13[%select_n3A_95, %select_n3A_206, %parallel_loop3A_562], %parallel_loop3A_574 : memref<8x8x129xf32, #tpu.memory_space<vmem>>[vector<16xi32>, vector<16xi32>, vector<16xi32>], vector<16xf32>,
        %parallel_loop3A_575 = arith.index_cast %parallel_loop3A_561 : i32 to index
        %parallel_loop3A_576 = arith.constant 48 : index
        %parallel_loop3A_577 = tpu.vector_load %arg9[%parallel_loop3A_575, %parallel_loop3A_576] {strides = array<i32>} : memref<128x64xf32, #tpu.memory_space<vmem>>, vector<16xf32>,
        %parallel_loop3A_578 = arith.addf %parallel_loop3A_577, %get3A_472 : vector<16xf32>
        tpu.vector_store_idx %arg13[%select_n3A_130, %select_n3A_232, %parallel_loop3A_562], %parallel_loop3A_578 : memref<8x8x129xf32, #tpu.memory_space<vmem>>[vector<16xi32>, vector<16xi32>, vector<16xi32>], vector<16xf32>,
      } {sc.loop_unroll_factor = 4 : i64, sc.parallel_access}
      %dma_start3A_476 = arith.constant 0 : i32
      %dma_start3A_477 = arith.constant 0 : i32
      %dma_start3A_478 = arith.constant 0 : i32
      %dma_start3A_479 = tpu.memref_slice %arg13[%dma_start3A_476, %dma_start3A_477, %dma_start3A_478] : memref<8x8x129xf32, #tpu.memory_space<vmem>> -> memref<8x8x128xf32, #tpu.memory_space<vmem>>
      %dma_start3A_480 = arith.constant 0 : i32
      %dma_start3A_481 = arith.constant 0 : i32
      %dma_start3A_482 = arith.constant 0 : i32
      %dma_start3A_483 = tpu.memref_slice %arg5[%add3A_448, %dma_start3A_480, %add3A, %dma_start3A_481, %dma_start3A_482] : memref<200x8x32x8x128xf32, #tpu.memory_space<hbm>> -> memref<1x8x1x8x128xf32, #tpu.memory_space<hbm>>
      %dma_start3A_484 = tpu.memref_squeeze %dma_start3A_483 : memref<1x8x1x8x128xf32, #tpu.memory_space<hbm>> -> memref<8x8x128xf32, #tpu.memory_space<hbm>>
      %dma_start3A_485 = arith.constant 0 : i32
      %dma_start3A_486 = arith.constant 0 : i32
      %dma_start3A_487 = arith.constant 0 : i32
      %dma_start3A_488 = tpu.memref_slice %arg5[%add3A_448, %dma_start3A_485, %add3A, %dma_start3A_486, %dma_start3A_487] : memref<200x8x32x8x128xf32, #tpu.memory_space<hbm>> -> memref<1x8x1x8x128xf32, #tpu.memory_space<hbm>>
      %dma_start3A_489 = tpu.memref_squeeze %dma_start3A_488 : memref<1x8x1x8x128xf32, #tpu.memory_space<hbm>> -> memref<8x8x128xf32, #tpu.memory_space<hbm>>
      %dma_start3A_490 = arith.constant 0 : i32
      %dma_start3A_491 = arith.constant 0 : i32
      %dma_start3A_492 = arith.constant 0 : i32
      %dma_start3A_493 = tpu.memref_slice %arg13[%dma_start3A_490, %dma_start3A_491, %dma_start3A_492] : memref<8x8x129xf32, #tpu.memory_space<vmem>> -> memref<8x8x128xf32, #tpu.memory_space<vmem>>
      tpu.enqueue_dma source(%dma_start3A_493 : memref<8x8x128xf32, #tpu.memory_space<vmem>>) target(%dma_start3A_489 : memref<8x8x128xf32, #tpu.memory_space<hbm>>) target_semaphore(%arg22 : memref<!tpu.dma_semaphore, #tpu.memory_space<semaphore_mem>>)
      %add3A_494 = arith.constant 4 : i32
      %add3A_495 = arith.addi %add3A_448, %add3A_494 : i32
      %sub3A_496 = arith.constant 1 : i32
      %sub3A_497 = arith.subi %add3A_495, %sub3A_496 : i32
      %lt3A_498 = arith.constant 200 : i32
      %lt3A_499 = arith.cmpi slt, %sub3A_497, %lt3A_498 : i32
      %convert_element_type3A_500 = arith.extui %lt3A_499 : i1 to i32
      %cond3A_501 = arith.constant 0 : i32
      %cond3A_502 = arith.cmpi ne, %convert_element_type3A_500, %cond3A_501 : i32
      scf.if %cond3A_502 {
        %dma_start3A_561 = arith.constant 0 : i32
        %dma_start3A_562 = tpu.memref_slice %arg6[%sub3A_497, %dma_start3A_561] : memref<200x128xi32, #tpu.memory_space<vmem>> -> memref<1x128xi32, #tpu.memory_space<vmem>>
        %dma_start3A_563 = tpu.memref_squeeze %dma_start3A_562 : memref<1x128xi32, #tpu.memory_space<vmem>> -> memref<128xi32, #tpu.memory_space<vmem>>
        %dma_start3A_564 = arith.constant 0 : i32
        %dma_start3A_565 = arith.constant 0 : i32
        %dma_start3A_566 = tpu.memref_slice %arg3[%dma_start3A_564, %dma_start3A_565] : memref<1000000x64xf32, #tpu.memory_space<hbm>> -> memref<1000000x64xf32, #tpu.memory_space<hbm>>
        tpu.enqueue_indirect_dma source(%dma_start3A_566 : memref<1000000x64xf32, #tpu.memory_space<hbm>>) target(%arg8 : memref<128x64xf32, #tpu.memory_space<vmem>>) offsets(%dma_start3A_563 : memref<128xi32, #tpu.memory_space<vmem>>) semaphore(%arg17 : memref<!tpu.dma_semaphore, #tpu.memory_space<semaphore_mem>>)
      } else {
      }
      %mul3A_503 = arith.constant 4 : i32
      %mul3A_504 = arith.muli %scan3A_333, %mul3A_503 : i32
      %add3A_505 = arith.constant 3 : i32
      %add3A_506 = arith.addi %mul3A_504, %add3A_505 : i32
      %dma_wait3A_507 = arith.constant 0 : i32
      %dma_wait3A_508 = arith.constant 0 : i32
      %dma_wait3A_509 = tpu.memref_slice %arg6[%dma_wait3A_507, %dma_wait3A_508] : memref<200x128xi32, #tpu.memory_space<vmem>> -> memref<1x128xi32, #tpu.memory_space<vmem>>
      %dma_wait3A_510 = tpu.memref_squeeze %dma_wait3A_509 : memref<1x128xi32, #tpu.memory_space<vmem>> -> memref<128xi32, #tpu.memory_space<vmem>>
      %dma_wait3A_511 = arith.constant 0 : i32
      %dma_wait3A_512 = arith.constant 0 : i32
      %dma_wait3A_513 = tpu.memref_slice %arg3[%dma_wait3A_511, %dma_wait3A_512] : memref<1000000x64xf32, #tpu.memory_space<hbm>> -> memref<1000000x64xf32, #tpu.memory_space<hbm>>
      tpu.wait_indirect_dma semaphore(%arg19 : memref<!tpu.dma_semaphore, #tpu.memory_space<semaphore_mem>>) src(%dma_wait3A_513 : memref<1000000x64xf32, #tpu.memory_space<hbm>>) dst(%arg10 : memref<128x64xf32, #tpu.memory_space<vmem>>)
      %ge3A_514 = arith.constant 4 : i32
      %ge3A_515 = arith.cmpi sge, %add3A_506, %ge3A_514 : i32
      %convert_element_type3A_516 = arith.extui %ge3A_515 : i1 to i32
      %cond3A_517 = arith.constant 0 : i32
      %cond3A_518 = arith.cmpi ne, %convert_element_type3A_516, %cond3A_517 : i32
      scf.if %cond3A_518 {
        %dma_wait3A_561 = arith.constant 0 : i32
        %dma_wait3A_562 = arith.constant 0 : i32
        %dma_wait3A_563 = arith.constant 0 : i32
        %dma_wait3A_564 = arith.constant 0 : i32
        %dma_wait3A_565 = tpu.memref_slice %arg14[%dma_wait3A_562, %dma_wait3A_563, %dma_wait3A_564] : memref<8x8x129xf32, #tpu.memory_space<vmem>> -> memref<8x8x128xf32, #tpu.memory_space<vmem>>
        %dma_wait3A_566 = arith.constant 0 : i32
        %dma_wait3A_567 = arith.constant 0 : i32
        %dma_wait3A_568 = arith.constant 0 : i32
        %dma_wait3A_569 = tpu.memref_slice %arg5[%dma_wait3A_561, %dma_wait3A_566, %add3A, %dma_wait3A_567, %dma_wait3A_568] : memref<200x8x32x8x128xf32, #tpu.memory_space<hbm>> -> memref<1x8x1x8x128xf32, #tpu.memory_space<hbm>>
        %dma_wait3A_570 = tpu.memref_squeeze %dma_wait3A_569 : memref<1x8x1x8x128xf32, #tpu.memory_space<hbm>> -> memref<8x8x128xf32, #tpu.memory_space<hbm>>
        %dma_wait3A_571 = arith.constant 0 : i32
        %dma_wait3A_572 = arith.constant 0 : i32
        %dma_wait3A_573 = arith.constant 0 : i32
        %dma_wait3A_574 = tpu.memref_slice %arg5[%dma_wait3A_561, %dma_wait3A_571, %add3A, %dma_wait3A_572, %dma_wait3A_573] : memref<200x8x32x8x128xf32, #tpu.memory_space<hbm>> -> memref<1x8x1x8x128xf32, #tpu.memory_space<hbm>>
        %dma_wait3A_575 = tpu.memref_squeeze %dma_wait3A_574 : memref<1x8x1x8x128xf32, #tpu.memory_space<hbm>> -> memref<8x8x128xf32, #tpu.memory_space<hbm>>
        %dma_wait3A_576 = arith.constant 0 : i32
        %dma_wait3A_577 = arith.constant 0 : i32
        %dma_wait3A_578 = arith.constant 0 : i32
        %dma_wait3A_579 = tpu.memref_slice %arg14[%dma_wait3A_576, %dma_wait3A_577, %dma_wait3A_578] : memref<8x8x129xf32, #tpu.memory_space<vmem>> -> memref<8x8x128xf32, #tpu.memory_space<vmem>>
        tpu.wait_dma2 semaphore(%arg23 : memref<!tpu.dma_semaphore, #tpu.memory_space<semaphore_mem>>) src(%dma_wait3A_579 : memref<8x8x128xf32, #tpu.memory_space<vmem>>) dst(%dma_wait3A_575 : memref<8x8x128xf32, #tpu.memory_space<hbm>>)
      } else {
      }
      %get3A_519 = arith.index_cast %add3A_506 : i32 to index
      %get3A_520 = arith.constant 0 : index
      %get3A_521 = tpu.vector_load %arg15[%get3A_519, %get3A_520] {strides = array<i32>} : memref<200x64xf32, #tpu.memory_space<vmem>>, vector<16xf32>,
      %get3A_522 = arith.index_cast %add3A_506 : i32 to index
      %get3A_523 = arith.constant 16 : index
      %get3A_524 = tpu.vector_load %arg15[%get3A_522, %get3A_523] {strides = array<i32>} : memref<200x64xf32, #tpu.memory_space<vmem>>, vector<16xf32>,
      %get3A_525 = arith.index_cast %add3A_506 : i32 to index
      %get3A_526 = arith.constant 32 : index
      %get3A_527 = tpu.vector_load %arg15[%get3A_525, %get3A_526] {strides = array<i32>} : memref<200x64xf32, #tpu.memory_space<vmem>>, vector<16xf32>,
      %get3A_528 = arith.index_cast %add3A_506 : i32 to index
      %get3A_529 = arith.constant 48 : index
      %get3A_530 = tpu.vector_load %arg15[%get3A_528, %get3A_529] {strides = array<i32>} : memref<200x64xf32, #tpu.memory_space<vmem>>, vector<16xf32>,
      %parallel_loop3A_531 = arith.constant 0 : i32
      %parallel_loop3A_532 = arith.constant 128 : i32
      %parallel_loop3A_533 = arith.constant 1 : i32
      scf.for %parallel_loop3A_561 = %parallel_loop3A_531 to %parallel_loop3A_532 step %parallel_loop3A_533  : i32 {
        %parallel_loop3A_562 = vector.broadcast %parallel_loop3A_561 : i32 to vector<16xi32>
        %parallel_loop3A_563 = arith.index_cast %parallel_loop3A_561 : i32 to index
        %parallel_loop3A_564 = arith.constant 0 : index
        %parallel_loop3A_565 = tpu.vector_load %arg10[%parallel_loop3A_563, %parallel_loop3A_564] {strides = array<i32>} : memref<128x64xf32, #tpu.memory_space<vmem>>, vector<16xf32>,
        %parallel_loop3A_566 = arith.addf %parallel_loop3A_565, %get3A_521 : vector<16xf32>
        tpu.vector_store_idx %arg14[%select_n3A, %select_n3A_154, %parallel_loop3A_562], %parallel_loop3A_566 : memref<8x8x129xf32, #tpu.memory_space<vmem>>[vector<16xi32>, vector<16xi32>, vector<16xi32>], vector<16xf32>,
        %parallel_loop3A_567 = arith.index_cast %parallel_loop3A_561 : i32 to index
        %parallel_loop3A_568 = arith.constant 16 : index
        %parallel_loop3A_569 = tpu.vector_load %arg10[%parallel_loop3A_567, %parallel_loop3A_568] {strides = array<i32>} : memref<128x64xf32, #tpu.memory_space<vmem>>, vector<16xf32>,
        %parallel_loop3A_570 = arith.addf %parallel_loop3A_569, %get3A_524 : vector<16xf32>
        tpu.vector_store_idx %arg14[%select_n3A_60, %select_n3A_180, %parallel_loop3A_562], %parallel_loop3A_570 : memref<8x8x129xf32, #tpu.memory_space<vmem>>[vector<16xi32>, vector<16xi32>, vector<16xi32>], vector<16xf32>,
        %parallel_loop3A_571 = arith.index_cast %parallel_loop3A_561 : i32 to index
        %parallel_loop3A_572 = arith.constant 32 : index
        %parallel_loop3A_573 = tpu.vector_load %arg10[%parallel_loop3A_571, %parallel_loop3A_572] {strides = array<i32>} : memref<128x64xf32, #tpu.memory_space<vmem>>, vector<16xf32>,
        %parallel_loop3A_574 = arith.addf %parallel_loop3A_573, %get3A_527 : vector<16xf32>
        tpu.vector_store_idx %arg14[%select_n3A_95, %select_n3A_206, %parallel_loop3A_562], %parallel_loop3A_574 : memref<8x8x129xf32, #tpu.memory_space<vmem>>[vector<16xi32>, vector<16xi32>, vector<16xi32>], vector<16xf32>,
        %parallel_loop3A_575 = arith.index_cast %parallel_loop3A_561 : i32 to index
        %parallel_loop3A_576 = arith.constant 48 : index
        %parallel_loop3A_577 = tpu.vector_load %arg10[%parallel_loop3A_575, %parallel_loop3A_576] {strides = array<i32>} : memref<128x64xf32, #tpu.memory_space<vmem>>, vector<16xf32>,
        %parallel_loop3A_578 = arith.addf %parallel_loop3A_577, %get3A_530 : vector<16xf32>
        tpu.vector_store_idx %arg14[%select_n3A_130, %select_n3A_232, %parallel_loop3A_562], %parallel_loop3A_578 : memref<8x8x129xf32, #tpu.memory_space<vmem>>[vector<16xi32>, vector<16xi32>, vector<16xi32>], vector<16xf32>,
      } {sc.loop_unroll_factor = 4 : i64, sc.parallel_access}
      %dma_start3A_534 = arith.constant 0 : i32
      %dma_start3A_535 = arith.constant 0 : i32
      %dma_start3A_536 = arith.constant 0 : i32
      %dma_start3A_537 = tpu.memref_slice %arg14[%dma_start3A_534, %dma_start3A_535, %dma_start3A_536] : memref<8x8x129xf32, #tpu.memory_space<vmem>> -> memref<8x8x128xf32, #tpu.memory_space<vmem>>
      %dma_start3A_538 = arith.constant 0 : i32
      %dma_start3A_539 = arith.constant 0 : i32
      %dma_start3A_540 = arith.constant 0 : i32
      %dma_start3A_541 = tpu.memref_slice %arg5[%add3A_506, %dma_start3A_538, %add3A, %dma_start3A_539, %dma_start3A_540] : memref<200x8x32x8x128xf32, #tpu.memory_space<hbm>> -> memref<1x8x1x8x128xf32, #tpu.memory_space<hbm>>
      %dma_start3A_542 = tpu.memref_squeeze %dma_start3A_541 : memref<1x8x1x8x128xf32, #tpu.memory_space<hbm>> -> memref<8x8x128xf32, #tpu.memory_space<hbm>>
      %dma_start3A_543 = arith.constant 0 : i32
      %dma_start3A_544 = arith.constant 0 : i32
      %dma_start3A_545 = arith.constant 0 : i32
      %dma_start3A_546 = tpu.memref_slice %arg5[%add3A_506, %dma_start3A_543, %add3A, %dma_start3A_544, %dma_start3A_545] : memref<200x8x32x8x128xf32, #tpu.memory_space<hbm>> -> memref<1x8x1x8x128xf32, #tpu.memory_space<hbm>>
      %dma_start3A_547 = tpu.memref_squeeze %dma_start3A_546 : memref<1x8x1x8x128xf32, #tpu.memory_space<hbm>> -> memref<8x8x128xf32, #tpu.memory_space<hbm>>
      %dma_start3A_548 = arith.constant 0 : i32
      %dma_start3A_549 = arith.constant 0 : i32
      %dma_start3A_550 = arith.constant 0 : i32
      %dma_start3A_551 = tpu.memref_slice %arg14[%dma_start3A_548, %dma_start3A_549, %dma_start3A_550] : memref<8x8x129xf32, #tpu.memory_space<vmem>> -> memref<8x8x128xf32, #tpu.memory_space<vmem>>
      tpu.enqueue_dma source(%dma_start3A_551 : memref<8x8x128xf32, #tpu.memory_space<vmem>>) target(%dma_start3A_547 : memref<8x8x128xf32, #tpu.memory_space<hbm>>) target_semaphore(%arg23 : memref<!tpu.dma_semaphore, #tpu.memory_space<semaphore_mem>>)
      %add3A_552 = arith.constant 4 : i32
      %add3A_553 = arith.addi %add3A_506, %add3A_552 : i32
      %sub3A_554 = arith.constant 1 : i32
      %sub3A_555 = arith.subi %add3A_553, %sub3A_554 : i32
      %lt3A_556 = arith.constant 200 : i32
      %lt3A_557 = arith.cmpi slt, %sub3A_555, %lt3A_556 : i32
      %convert_element_type3A_558 = arith.extui %lt3A_557 : i1 to i32
      %cond3A_559 = arith.constant 0 : i32
      %cond3A_560 = arith.cmpi ne, %convert_element_type3A_558, %cond3A_559 : i32
      scf.if %cond3A_560 {
        %dma_start3A_561 = arith.constant 0 : i32
        %dma_start3A_562 = tpu.memref_slice %arg6[%sub3A_555, %dma_start3A_561] : memref<200x128xi32, #tpu.memory_space<vmem>> -> memref<1x128xi32, #tpu.memory_space<vmem>>
        %dma_start3A_563 = tpu.memref_squeeze %dma_start3A_562 : memref<1x128xi32, #tpu.memory_space<vmem>> -> memref<128xi32, #tpu.memory_space<vmem>>
        %dma_start3A_564 = arith.constant 0 : i32
        %dma_start3A_565 = arith.constant 0 : i32
        %dma_start3A_566 = tpu.memref_slice %arg3[%dma_start3A_564, %dma_start3A_565] : memref<1000000x64xf32, #tpu.memory_space<hbm>> -> memref<1000000x64xf32, #tpu.memory_space<hbm>>
        tpu.enqueue_indirect_dma source(%dma_start3A_566 : memref<1000000x64xf32, #tpu.memory_space<hbm>>) target(%arg9 : memref<128x64xf32, #tpu.memory_space<vmem>>) offsets(%dma_start3A_563 : memref<128xi32, #tpu.memory_space<vmem>>) semaphore(%arg18 : memref<!tpu.dma_semaphore, #tpu.memory_space<semaphore_mem>>)
      } else {
      }
    }
    %scan3A_257 = arith.constant 50 : i32
    %dma_wait3A = arith.constant 0 : i32
    %dma_wait3A_258 = arith.constant 0 : i32
    %dma_wait3A_259 = arith.constant 0 : i32
    %dma_wait3A_260 = arith.constant 0 : i32
    %dma_wait3A_261 = tpu.memref_slice %arg11[%dma_wait3A_258, %dma_wait3A_259, %dma_wait3A_260] : memref<8x8x129xf32, #tpu.memory_space<vmem>> -> memref<8x8x128xf32, #tpu.memory_space<vmem>>
    %dma_wait3A_262 = arith.constant 0 : i32
    %dma_wait3A_263 = arith.constant 0 : i32
    %dma_wait3A_264 = arith.constant 0 : i32
    %dma_wait3A_265 = tpu.memref_slice %arg5[%dma_wait3A, %dma_wait3A_262, %add3A, %dma_wait3A_263, %dma_wait3A_264] : memref<200x8x32x8x128xf32, #tpu.memory_space<hbm>> -> memref<1x8x1x8x128xf32, #tpu.memory_space<hbm>>
    %dma_wait3A_266 = tpu.memref_squeeze %dma_wait3A_265 : memref<1x8x1x8x128xf32, #tpu.memory_space<hbm>> -> memref<8x8x128xf32, #tpu.memory_space<hbm>>
    %dma_wait3A_267 = arith.constant 0 : i32
    %dma_wait3A_268 = arith.constant 0 : i32
    %dma_wait3A_269 = arith.constant 0 : i32
    %dma_wait3A_270 = tpu.memref_slice %arg5[%dma_wait3A, %dma_wait3A_267, %add3A, %dma_wait3A_268, %dma_wait3A_269] : memref<200x8x32x8x128xf32, #tpu.memory_space<hbm>> -> memref<1x8x1x8x128xf32, #tpu.memory_space<hbm>>
    %dma_wait3A_271 = tpu.memref_squeeze %dma_wait3A_270 : memref<1x8x1x8x128xf32, #tpu.memory_space<hbm>> -> memref<8x8x128xf32, #tpu.memory_space<hbm>>
    %dma_wait3A_272 = arith.constant 0 : i32
    %dma_wait3A_273 = arith.constant 0 : i32
    %dma_wait3A_274 = arith.constant 0 : i32
    %dma_wait3A_275 = tpu.memref_slice %arg11[%dma_wait3A_272, %dma_wait3A_273, %dma_wait3A_274] : memref<8x8x129xf32, #tpu.memory_space<vmem>> -> memref<8x8x128xf32, #tpu.memory_space<vmem>>
    tpu.wait_dma2 semaphore(%arg20 : memref<!tpu.dma_semaphore, #tpu.memory_space<semaphore_mem>>) src(%dma_wait3A_275 : memref<8x8x128xf32, #tpu.memory_space<vmem>>) dst(%dma_wait3A_271 : memref<8x8x128xf32, #tpu.memory_space<hbm>>)
    %dma_wait3A_276 = arith.constant 0 : i32
    %dma_wait3A_277 = arith.constant 0 : i32
    %dma_wait3A_278 = arith.constant 0 : i32
    %dma_wait3A_279 = arith.constant 0 : i32
    %dma_wait3A_280 = tpu.memref_slice %arg12[%dma_wait3A_277, %dma_wait3A_278, %dma_wait3A_279] : memref<8x8x129xf32, #tpu.memory_space<vmem>> -> memref<8x8x128xf32, #tpu.memory_space<vmem>>
    %dma_wait3A_281 = arith.constant 0 : i32
    %dma_wait3A_282 = arith.constant 0 : i32
    %dma_wait3A_283 = arith.constant 0 : i32
    %dma_wait3A_284 = tpu.memref_slice %arg5[%dma_wait3A_276, %dma_wait3A_281, %add3A, %dma_wait3A_282, %dma_wait3A_283] : memref<200x8x32x8x128xf32, #tpu.memory_space<hbm>> -> memref<1x8x1x8x128xf32, #tpu.memory_space<hbm>>
    %dma_wait3A_285 = tpu.memref_squeeze %dma_wait3A_284 : memref<1x8x1x8x128xf32, #tpu.memory_space<hbm>> -> memref<8x8x128xf32, #tpu.memory_space<hbm>>
    %dma_wait3A_286 = arith.constant 0 : i32
    %dma_wait3A_287 = arith.constant 0 : i32
    %dma_wait3A_288 = arith.constant 0 : i32
    %dma_wait3A_289 = tpu.memref_slice %arg5[%dma_wait3A_276, %dma_wait3A_286, %add3A, %dma_wait3A_287, %dma_wait3A_288] : memref<200x8x32x8x128xf32, #tpu.memory_space<hbm>> -> memref<1x8x1x8x128xf32, #tpu.memory_space<hbm>>
    %dma_wait3A_290 = tpu.memref_squeeze %dma_wait3A_289 : memref<1x8x1x8x128xf32, #tpu.memory_space<hbm>> -> memref<8x8x128xf32, #tpu.memory_space<hbm>>
    %dma_wait3A_291 = arith.constant 0 : i32
    %dma_wait3A_292 = arith.constant 0 : i32
    %dma_wait3A_293 = arith.constant 0 : i32
    %dma_wait3A_294 = tpu.memref_slice %arg12[%dma_wait3A_291, %dma_wait3A_292, %dma_wait3A_293] : memref<8x8x129xf32, #tpu.memory_space<vmem>> -> memref<8x8x128xf32, #tpu.memory_space<vmem>>
    tpu.wait_dma2 semaphore(%arg21 : memref<!tpu.dma_semaphore, #tpu.memory_space<semaphore_mem>>) src(%dma_wait3A_294 : memref<8x8x128xf32, #tpu.memory_space<vmem>>) dst(%dma_wait3A_290 : memref<8x8x128xf32, #tpu.memory_space<hbm>>)
    %dma_wait3A_295 = arith.constant 0 : i32
    %dma_wait3A_296 = arith.constant 0 : i32
    %dma_wait3A_297 = arith.constant 0 : i32
    %dma_wait3A_298 = arith.constant 0 : i32
    %dma_wait3A_299 = tpu.memref_slice %arg13[%dma_wait3A_296, %dma_wait3A_297, %dma_wait3A_298] : memref<8x8x129xf32, #tpu.memory_space<vmem>> -> memref<8x8x128xf32, #tpu.memory_space<vmem>>
    %dma_wait3A_300 = arith.constant 0 : i32
    %dma_wait3A_301 = arith.constant 0 : i32
    %dma_wait3A_302 = arith.constant 0 : i32
    %dma_wait3A_303 = tpu.memref_slice %arg5[%dma_wait3A_295, %dma_wait3A_300, %add3A, %dma_wait3A_301, %dma_wait3A_302] : memref<200x8x32x8x128xf32, #tpu.memory_space<hbm>> -> memref<1x8x1x8x128xf32, #tpu.memory_space<hbm>>
    %dma_wait3A_304 = tpu.memref_squeeze %dma_wait3A_303 : memref<1x8x1x8x128xf32, #tpu.memory_space<hbm>> -> memref<8x8x128xf32, #tpu.memory_space<hbm>>
    %dma_wait3A_305 = arith.constant 0 : i32
    %dma_wait3A_306 = arith.constant 0 : i32
    %dma_wait3A_307 = arith.constant 0 : i32
    %dma_wait3A_308 = tpu.memref_slice %arg5[%dma_wait3A_295, %dma_wait3A_305, %add3A, %dma_wait3A_306, %dma_wait3A_307] : memref<200x8x32x8x128xf32, #tpu.memory_space<hbm>> -> memref<1x8x1x8x128xf32, #tpu.memory_space<hbm>>
    %dma_wait3A_309 = tpu.memref_squeeze %dma_wait3A_308 : memref<1x8x1x8x128xf32, #tpu.memory_space<hbm>> -> memref<8x8x128xf32, #tpu.memory_space<hbm>>
    %dma_wait3A_310 = arith.constant 0 : i32
    %dma_wait3A_311 = arith.constant 0 : i32
    %dma_wait3A_312 = arith.constant 0 : i32
    %dma_wait3A_313 = tpu.memref_slice %arg13[%dma_wait3A_310, %dma_wait3A_311, %dma_wait3A_312] : memref<8x8x129xf32, #tpu.memory_space<vmem>> -> memref<8x8x128xf32, #tpu.memory_space<vmem>>
    tpu.wait_dma2 semaphore(%arg22 : memref<!tpu.dma_semaphore, #tpu.memory_space<semaphore_mem>>) src(%dma_wait3A_313 : memref<8x8x128xf32, #tpu.memory_space<vmem>>) dst(%dma_wait3A_309 : memref<8x8x128xf32, #tpu.memory_space<hbm>>)
    %dma_wait3A_314 = arith.constant 0 : i32
    %dma_wait3A_315 = arith.constant 0 : i32
    %dma_wait3A_316 = arith.constant 0 : i32
    %dma_wait3A_317 = arith.constant 0 : i32
    %dma_wait3A_318 = tpu.memref_slice %arg14[%dma_wait3A_315, %dma_wait3A_316, %dma_wait3A_317] : memref<8x8x129xf32, #tpu.memory_space<vmem>> -> memref<8x8x128xf32, #tpu.memory_space<vmem>>
    %dma_wait3A_319 = arith.constant 0 : i32
    %dma_wait3A_320 = arith.constant 0 : i32
    %dma_wait3A_321 = arith.constant 0 : i32
    %dma_wait3A_322 = tpu.memref_slice %arg5[%dma_wait3A_314, %dma_wait3A_319, %add3A, %dma_wait3A_320, %dma_wait3A_321] : memref<200x8x32x8x128xf32, #tpu.memory_space<hbm>> -> memref<1x8x1x8x128xf32, #tpu.memory_space<hbm>>
    %dma_wait3A_323 = tpu.memref_squeeze %dma_wait3A_322 : memref<1x8x1x8x128xf32, #tpu.memory_space<hbm>> -> memref<8x8x128xf32, #tpu.memory_space<hbm>>
    %dma_wait3A_324 = arith.constant 0 : i32
    %dma_wait3A_325 = arith.constant 0 : i32
    %dma_wait3A_326 = arith.constant 0 : i32
    %dma_wait3A_327 = tpu.memref_slice %arg5[%dma_wait3A_314, %dma_wait3A_324, %add3A, %dma_wait3A_325, %dma_wait3A_326] : memref<200x8x32x8x128xf32, #tpu.memory_space<hbm>> -> memref<1x8x1x8x128xf32, #tpu.memory_space<hbm>>
    %dma_wait3A_328 = tpu.memref_squeeze %dma_wait3A_327 : memref<1x8x1x8x128xf32, #tpu.memory_space<hbm>> -> memref<8x8x128xf32, #tpu.memory_space<hbm>>
    %dma_wait3A_329 = arith.constant 0 : i32
    %dma_wait3A_330 = arith.constant 0 : i32
    %dma_wait3A_331 = arith.constant 0 : i32
    %dma_wait3A_332 = tpu.memref_slice %arg14[%dma_wait3A_329, %dma_wait3A_330, %dma_wait3A_331] : memref<8x8x129xf32, #tpu.memory_space<vmem>> -> memref<8x8x128xf32, #tpu.memory_space<vmem>>
    tpu.wait_dma2 semaphore(%arg23 : memref<!tpu.dma_semaphore, #tpu.memory_space<semaphore_mem>>) src(%dma_wait3A_332 : memref<8x8x128xf32, #tpu.memory_space<vmem>>) dst(%dma_wait3A_328 : memref<8x8x128xf32, #tpu.memory_space<hbm>>)
    return
  }
}

</mosaic_0001>

<sc_bundles>
// kernel: kernel.4.cloned.1.call-start
scs
__scs_entry_jumppad:
0x0: {  	(pc) =	sbr.rel $0x88, $3  }
0x1: {  	(tag) =	ssettag $0x0;
	lr =	simm.s32 $0x1  }
0x2: {  	[smem:$0x3F9E] =	sst lr;
	_ =	strace $0xD0000000  }
0x3: {  	_ = 	snop  }
0x4: {  	_ = 	snop  }
0x5: {  	_ = 	snop  }
0x6: {  	_ = 	snop  }
0x7: {  	_ = 	snop  }
__scs_overlays_trampoline_lowered:
0x8: {  	[smem:$0x3FAD] =	sst s0  }
0x9: {  	[smem:$0x3FAE] =	sst s1  }
0xa: {  	[smem:$0x3FAF] =	sst s2  }
0xb: {  	[smem:$0x3FB0] =	sst s3  }
0xc: {  	[smem:$0x3FB1] =	sst s4  }
0xd: {  	[smem:$0x3FB2] =	sst s5  }
0xe: {  	[smem:$0x3FB3] =	sst s6  }
0xf: {  	[smem:$0x3FB4] =	sst s7  }
0x10: {  	[smem:$0x3FB5] =	sst s8  }
0x11: {  	[smem:$0x3FB6] =	sst s9;
	s0 =	simm.s32 @!p0 $0x0  }
0x12: {  	s1 =	sld [smem:$0x3F9C];
	s0 =	simm.s32 @p0 $0x1  }
0x13: {  	[smem:$0x3FB7] =	sst s0;
	s0 =	simm.s32 @!p1 $0x0  }
0x14: {  	s2 =	sld [smem:$0x3F9B];
	s0 =	simm.s32 @p1 $0x1  }
0x15: {  	[smem:$0x3FB8] =	sst s0;
	s0 =	simm.s32 @!p2 $0x0  }
0x16: {  	s3 =	sld [smem:$0x3FDB];
	s0 =	simm.s32 @p2 $0x1  }
0x17: {  	s4 =	simm.s32 $0x1BF5;
	[smem:$0x3FBA] =	sst s0  }
0x18: {  	s0 =	sld [smem:$0x3F9D];
	_ =	swait.ge [sflag:s4], $0x0  }
0x19: {  	s7 =	sld [smem:$0x3F9E]  }
0x1a: {  	s8 =	sadd.s32 $0xFFFFE003, lr  }
0x1b: {  	s9 =	sadd.s32 $0xFFFFFEF7, lr;
	s5 =	simm.s32 $0xFFFFFFFF;
	p2 =	slt.u32 s8, $0xFFFFF086  }
0x1c: {  	p1 =	slt.u32 s9, $0xF7A;
	s5 =	simm.s32 @!p2 $0x0  }
0x1d: {  	s5 =	simm.s32 @p1 $0x1;
	p0 =	seq.s32 s7, s2  }
0x1e: {  	s7 =	smul.u32 @!p0 $0xF7A, s2;
	p2 =	seq.s32 @!p0 s5, $0x0  }
0x1f: {  	s9 =	smul.u32 $0xF7A, s1;
	s8 =	simm.s32 @!p0 $0x1BF5;
	p2 =	por !p2, p0  }
0x20: {  	[sflag:s8] =	ssyncset.s32 @!p0 $0xFFFFF086;
	s6 =	sadd.s32 @!p0 s3, s7;
	s7 =	simm.s32 @!p0 $0x108  }
0x21: {  	s3 =	sadd.s32 s3, s9;
	s6 =	sadd.s32 @!p0 $0x88, s6;
	s7 =	simm.s32 @p2 $0x1082  }
0x22: {  	[simem:s7], [sflag:s8] =	dma.local @!p0 [hbm:s6], $0xF7A  }
0x23: {  	s9 =	sor.u32 $0xD0000000, s2;
	s6 =	simm.s32 $0x108;
	_ =	swait.ge @!p0 [sflag:s8], $0x0  }
0x24: {  	s3 =	sadd.s32 $0x88, s3;
	s6 =	simm.s32 @!p1 $0x1082;
	[sflag:s4] =	ssyncset.s32 $0xFFFFF086  }
0x25: {  	[simem:s6], [sflag:s4] =	dma.local [hbm:s3], $0xF7A  }
0x26: {  	[smem:$0x3F9E] =	sst s1;
	(tag) =	ssettag s2;
	_ =	strace s9  }
0x27: {  	s1 =	sld [smem:$0x3FAE]  }
0x28: {  	s2 =	sld [smem:$0x3FAF]  }
0x29: {  	s4 =	sld [smem:$0x3FB1]  }
0x2a: {  	p0 =	seq.s32 s5, $0x0;
	s5 =	sld [smem:$0x3FB2]  }
0x2b: {  	s6 =	sld [smem:$0x3FB3]  }
0x2c: {  	s7 =	sld [smem:$0x3FB4]  }
0x2d: {  	s3 =	simm.s32 $0x108;
	s8 =	sld [smem:$0x3FB5]  }
0x2e: {  	s3 =	simm.s32 @!p0 $0x1082;
	s9 =	sld [smem:$0x3FB6]  }
0x2f: {  	lr =	sadd.s32 s0, s3;
	s0 =	sld [smem:$0x3FAD]  }
0x30: {  	s3 =	sld [smem:$0x3FB0]  }
0x31: {  	[smem:$0x3FB9] =	sst s10  }
0x32: {  	s10 =	sld [smem:$0x3FB7];
	_ =	sdelay $0x3  }
0x33: {  	p0 =	seq.s32 s10, $0x1;
	s10 =	sld [smem:$0x3FB9];
	_ =	sdelay $0x3  }
0x34: {  	[smem:$0x3FB9] =	sst s10  }
0x35: {  	s10 =	sld [smem:$0x3FB8];
	_ =	sdelay $0x3  }
0x36: {  	p1 =	seq.s32 s10, $0x1;
	s10 =	sld [smem:$0x3FB9];
	_ =	sdelay $0x3  }
0x37: {  	[smem:$0x3FB9] =	sst s10  }
0x38: {  	s10 =	sld [smem:$0x3FBA]  }
0x39: {  	_ = 	snop;
	(pc) =	sbr.ind lr, $3  }
0x3a: {  	_ = 	snop  }
0x3b: {  	_ = 	snop  }
0x3c: {  	p2 =	seq.s32 s10, $0x1;
	s10 =	sld [smem:$0x3FB9]  }
0x3d: {  	_ =	shalt  }
0x3e: {  	_ =	shalt  }
0x3f: {  	_ =	shalt  }
0x40: {  	_ =	shalt  }
0x41: {  	_ =	shalt  }
0x42: {  	_ =	shalt  }
0x43: {  	_ =	shalt  }
0x44: {  	_ =	shalt  }
0x45: {  	_ =	shalt  }
0x46: {  	_ =	shalt  }
0x47: {  	_ =	shalt  }
0x48: {  	_ =	shalt  }
0x49: {  	_ =	shalt  }
0x4a: {  	_ =	shalt  }
0x4b: {  	_ =	shalt  }
0x4c: {  	_ =	shalt  }
0x4d: {  	_ =	shalt  }
0x4e: {  	_ =	shalt  }
0x4f: {  	_ =	shalt  }
0x50: {  	_ =	shalt  }
0x51: {  	_ =	shalt  }
0x52: {  	_ =	shalt  }
0x53: {  	_ =	shalt  }
0x54: {  	_ =	shalt  }
0x55: {  	_ =	shalt  }
0x56: {  	_ =	shalt  }
0x57: {  	_ =	shalt  }
0x58: {  	_ =	shalt  }
0x59: {  	_ =	shalt  }
0x5a: {  	_ =	shalt  }
0x5b: {  	_ =	shalt  }
0x5c: {  	_ =	shalt  }
0x5d: {  	_ =	shalt  }
0x5e: {  	_ =	shalt  }
0x5f: {  	_ =	shalt  }
0x60: {  	_ =	shalt  }
0x61: {  	_ =	shalt  }
0x62: {  	_ =	shalt  }
0x63: {  	_ =	shalt  }
0x64: {  	_ =	shalt  }
0x65: {  	_ =	shalt  }
0x66: {  	_ =	shalt  }
0x67: {  	_ =	shalt  }
0x68: {  	_ =	shalt  }
0x69: {  	_ =	shalt  }
0x6a: {  	_ =	shalt  }
0x6b: {  	_ =	shalt  }
0x6c: {  	_ =	shalt  }
0x6d: {  	_ =	shalt  }
0x6e: {  	_ =	shalt  }
0x6f: {  	_ =	shalt  }
0x70: {  	_ =	shalt  }
0x71: {  	_ =	shalt  }
0x72: {  	_ =	shalt  }
0x73: {  	_ =	shalt  }
0x74: {  	_ =	shalt  }
0x75: {  	_ =	shalt  }
0x76: {  	_ =	shalt  }
0x77: {  	_ =	shalt  }
0x78: {  	_ =	shalt  }
0x79: {  	_ =	shalt  }
0x7a: {  	_ =	shalt  }
0x7b: {  	_ =	shalt  }
0x7c: {  	_ =	shalt  }
0x7d: {  	_ =	shalt  }
0x7e: {  	_ =	shalt  }
0x7f: {  	_ =	shalt  }
0x80: {  	_ =	shalt  }
0x81: {  	_ =	shalt  }
0x82: {  	_ =	shalt  }
0x83: {  	_ =	shalt  }
0x84: {  	_ =	shalt  }
0x85: {  	_ =	shalt  }
0x86: {  	_ =	shalt  }
0x87: {  	_ =	shalt  }
.Lfunc_end0:
.L_simem_size_0:
called_computation_lowered:
.L_overlay_start_0:
0x88: {  	s2 =	sld [smem:$0x3FD9]  }
0x89: {  	s3 =	sld [smem:$0x3FFE];
	_ =	sdelay $0x1  }
0x8a: {  	s1 =	srdreg.scid  }
0x8b: {  	s0 =	sand.u32 $0x1, s1  }
0x8c: {  	s17 =	sshll.u32 s0, $0xA;
	s2 =	sadd.s32 s3, s2  }
0x8d: {  	s2 =	sadd.s32 s2, s17  }
0x8e: {  	[smem:$0x3FC5] =	sst s2  }
0x8f: {  	_ = 	snop  }
0x90: {  	s2 =	sld [smem:$0x3FC8]  }
0x91: {  	s18 =	sld [smem:$0x3FD0];
	(tm) =	ssettm $0x1  }
0x92: {  	s4 =	sld [smem:$0x3FFB];
	_ =	sdelay $0x3  }
0x93: {  	_ =	strace s4  }
0x94: {  	s4 =	sld [smem:$0x3FFC];
	_ =	sdelay $0x3  }
0x95: {  	_ =	strace s4  }
0x96: {  	s4 =	sld [smem:$0x3FFD];
	_ =	sdelay $0x3  }
0x97: {  	_ =	strace s4  }
0x98: {  	_ =	strace $0x8FFFFFFF  }
0x99: {  	s19 =	sld [smem:$0x3FDB];
	_ =	sdelay $0x1  }
0x9a: {  	s5 =	simm.s32 $_scs_section_size  }
0x9b: {  	s6 =	simm.s32 $_size__tile_overlayer_lowered;
	s7 =	simm.s32 $_tile_overlayer_lowered  }
0x9c: {  	s22 =	simm.s32 $0x1BFF;
	s21 =	sshll.u32 s7, $0x1;
	s4 =	sadd.s32 s5, s19  }
0x9d: {  	s8 =	simm.s32 $0x0;
	s20 =	sshll.u32 s6, $0x1;
	s6 =	sadd.s32 s21, s4  }
0x9e: {  	[timem:s8], [sflag:s22] =	dma.local [hbm:s6], s20  }
0x9f: {  	_ =	swait.ge [sflag:s22], s20  }
0xa0: {  	s5 =	ssub.s32 $0x0, s20;
	[sflag:s22] =	ssyncset.done $0x0  }
0xa1: {  	[sflag:s22] =	ssyncadd.s32 s5;
	_ =	sdelay $0x1  }
0xa2: {  	s23 =	simm.s32 $0x1B8B  }
0xa3: {  	_ =	swait.ge [sflag:s23], $0x1  }
0xa4: {  	[sflag:s23] =	ssyncset.done $0x0  }
0xa5: {  	s25 =	simm.s32 $0x1B8E;
	s24 =	sld [smem:$0x3FFE];
	[sflag:s23] =	ssyncadd.s32 $0xFFFFFFFF  }
0xa6: {  	s26 =	simm.s32 $execute0_lowered;
	[smem:$0x3FD2] =	sst s25  }
0xa7: {  	s6 =	sshll.u32 s26, $0x1;
	_ =	strace $0x80000046;
	[dreg:$0x1] =	wrdreg $0xFFFFFFFF  }
0xa8: {  	s28 =	simm.s32 $_size_execute0_lowered;
	s4 =	sadd.s32 s4, s6;
	[dreg:$0x0] =	wrdreg $0x0  }
0xa9: {  	s6 =	sshll.u32 s28, $0x1;
	[dreg:$0x2] =	wrdreg s4  }
0xaa: {  	[dreg:$0x3] =	wrdreg s6  }
0xab: {  	[dreg:$0x4] =	wrdreg $0xC0  }
0xac: {  	_ =	task [dreg:s8], $0x5FFFF  }
0xad: {  	[dreg:$0x1] =	wrdreg $0xFFFFFFFF  }
0xae: {  	[dreg:$0x0] =	wrdreg $0x60  }
0xaf: {  	[dreg:$0x2] =	wrdreg s2  }
0xb0: {  	[dreg:$0x3] =	wrdreg s18  }
0xb1: {  	[dreg:$0x4] =	wrdreg s24  }
0xb2: {  	[dreg:$0x5] =	wrdreg $0x9  }
0xb3: {  	_ =	task.clear_ibuf [dreg:s8], $0x6FFFF;
	_ =	strace $0x90000046  }
0xb4: {  	s29 =	simm.s32 $0x9;
	_ =	strace $0x80000048  }
0xb5: {  	_ =	swait.ge [sflag:s29], $0x1  }
0xb6: {  	[sflag:s29] =	ssyncadd.s32 $0xFFFFFFFF  }
0xb7: {  	_ =	strace $0x90000048  }
0xb8: {  	_ =	sfence  }
0xb9: {  	s30 =	sld [smem:$0x0];
	_ =	sdelay $0x2  }
0xba: {  	s31 =	sshll.u32 s1, $0xD;
	s1 =	sshrl.u32 s1, $0x2  }
0xbb: {  	s3 =	sand.u32 $0x4000, s31;
	s1 =	sadd.s32 s1, s30  }
0xbc: {  	s0 =	sor.u32 s3, s0;
	s1 =	sshll.u32 s1, $0x11  }
0xbd: {  	s0 =	sor.u32 s1, s0  }
0xbe: {  	s0 =	sadd.s32 $0x8F2B, s0  }
0xbf: {  	[sflag:s0] =	ssyncadd.remote.s32 $0x1  }
0xc0: {  	_ =	sfence.sel $0xFFFF  }
0xc1: {  	[dreg:$0x0] =	wrdreg $0xFFFFFFFF;
	(pc) =	sbr.abs _section_cstart, $3  }
0xc2: {  	[dreg:$0x1] =	wrdreg $0xFFFFFFFF  }
0xc3: {  	_ =	task.clear_ibuf [dreg:s8], $0x2FFFF;
	_ =	strace $0x9FFFFFFF  }
0xc4: {  	(tm) =	ssettm $0x7FFFFFFF  }
0xc5: {  	_ =	shalt  }
tec
execute0_lowered:
.L_overlay_start_1:
0x0: {  	(tag) =	ssettag $0x1  }
0x1: {  	v0 =	vimm.s32 $0x1780  }
0x2: {  	vm14 =	vcmask $0x300;
	vm13 =	vcmask $0x704;
	vm12 =	vcmask $0xB08  }
0x3: {  	vm11 =	vcmask $0xF0C;
	vm10 =	vcmask $0x1310;
	vm9 =	vcmask $0x1714  }
0x4: {  	vm8 =	vcmask $0x1B18;
	vm7 =	vcmask $0x1F1C;
	vm6 =	vcmask $0x2320  }
0x5: {  	vm5 =	vcmask $0x2724;
	vm4 =	vcmask $0x2B28;
	vm3 =	vcmask $0x2F2C  }
0x6: {  	s11 =	rddreg [dreg:$0x0];
	vm2 =	vcmask $0x3330;
	vm1 =	vcmask $0x3734;
	vm0 =	vcmask $0x3B38  }
0x7: {  	s0 =	srdreg.scid;
	s3 =	rddreg [dreg:$0x2];
	s5 =	simm.s32 $0x0;
	v1 =	vimm.s32 $0x3F80;
	v2 =	vimm.s32 $0x6780;
	v3 =	vimm.s32 $0x8F80  }
0x8: {  	s1 =	stileid.u32;
	v0 =	vsel vm14, $0x0, v0;
	s0 =	sand.u32 $0x1, s0;
	[smem:$0x7FF] =	sst s5;
	v1 =	vsel vm14, $0x2800, v1;
	v2 =	vsel vm14, $0x5000, v2  }
0x9: {  	s2 =	sshll.u32 s1, $0x1;
	s8 =	sadd.s32 $0xC00, s3;
	v3 =	vsel vm14, $0x7800, v3;
	s30 =	sadd.s32 $0x7A1C00, s3;
	v0 =	vsel vm13, $0x80, v0;
	v1 =	vsel vm13, $0x2880, v1  }
0xa: {  	p0 =	sgt.u32 s1, $0x1;
	s4 =	sor.u32 s0, s2;
	_ =	strace $0x80000047;
	v2 =	vsel vm13, $0x5080, v2;
	v3 =	vsel vm13, $0x7880, v3;
	v0 =	vsel vm12, $0x100, v0  }
0xb: {  	s0 =	ssub.s32 $0x2, s0;
	[dreg:$0x12] =	wrdreg s30;
	s2 =	sshll.u32 s4, $0xC;
	v1 =	vsel vm12, $0x2900, v1;
	v2 =	vsel vm12, $0x5100, v2;
	v3 =	vsel vm12, $0x7900, v3  }
0xc: {  	s19 =	sshrl.u32 s0, $0x1;
	s9 =	sshll.u32 s4, $0x9;
	s1 =	smov.u32 s4;
	v0 =	vsel vm11, $0x180, v0;
	v1 =	vsel vm11, $0x2980, v1;
	v2 =	vsel vm11, $0x5180, v2  }
0xd: {  	s6 =	sshrl.u32 s2, $0x3;
	s22 =	sadd.s32 s11, s9;
	v3 =	vsel vm11, $0x7980, v3;
	[dreg:$0x4] =	wrdreg s1;
	v0 =	vsel vm10, $0x200, v0;
	v1 =	vsel vm10, $0x2A00, v1  }
0xe: {  	s23 =	sor.u32 $0x40000, s2;
	s2 =	sadd.s32 s2, s8;
	[dreg:$0xb] =	wrdreg s22;
	v2 =	vsel vm10, $0x5200, v2;
	v3 =	vsel vm10, $0x7A00, v3;
	v0 =	vsel vm9, $0x280, v0  }
0xf: {  	s24 =	sor.u32 $0x1E80, s4;
	[dreg:$0xd] =	wrdreg s23;
	s25 =	sadd.s32 $0x780000, s2;
	v1 =	vsel vm9, $0x2A80, v1;
	v2 =	vsel vm9, $0x5280, v2;
	v3 =	vsel vm9, $0x7A80, v3  }
0x10: {  	s26 =	sshll.u32 s24, $0x7;
	s2 =	sadd.s32 $0x780800, s2;
	[dreg:$0xe] =	wrdreg s25;
	v0 =	vsel vm8, $0x300, v0;
	v1 =	vsel vm8, $0x2B00, v1;
	v2 =	vsel vm8, $0x5300, v2  }
0x11: {  	s0 =	ssub.s32 s0, s19;
	s28 =	sadd.s32 s11, s26;
	[dreg:$0xf] =	wrdreg s2;
	v3 =	vsel vm8, $0x7B00, v3;
	v0 =	vsel vm7, $0x380, v0;
	v1 =	vsel vm7, $0x2B80, v1  }
0x12: {  	s6 =	sadd.s32 s11, s6;
	s0 =	smax.u32 s0, $0x1;
	[dreg:$0x10] =	wrdreg s28;
	v2 =	vsel vm7, $0x5380, v2;
	v3 =	vsel vm7, $0x7B80, v3;
	v0 =	vsel vm6, $0x1400, v0  }
0x13: {  	s31 =	simm.s32 $0xA000;
	s7 =	sadd.s32 $0x1E8500, s6;
	[dreg:$0x13] =	wrdreg s0;
	v1 =	vsel vm6, $0x3C00, v1;
	v2 =	vsel vm6, $0x6400, v2;
	v3 =	vsel vm6, $0x8C00, v3  }
0x14: {  	s13 =	simm.s32 $0x2;
	s17 =	sadd.s32 $0x2DC780, s6;
	[dreg:$0x5] =	wrdreg s7;
	v0 =	vsel vm5, $0x1480, v0;
	v1 =	vsel vm5, $0x3C80, v1;
	v2 =	vsel vm5, $0x6480, v2  }
0x15: {  	s14 =	simm.s32 $0x3;
	s18 =	sadd.s32 $0x3D0A00, s6;
	[dreg:$0x6] =	wrdreg s17;
	v3 =	vsel vm5, $0x8C80, v3;
	v0 =	vsel vm4, $0x1500, v0;
	v1 =	vsel vm4, $0x3D00, v1  }
0x16: {  	s10 =	sadd.s32 $0x4C4C80, s6;
	s20 =	sadd.s32 $0xF4280, s6;
	[dreg:$0x7] =	wrdreg s18;
	v2 =	vsel vm4, $0x6500, v2;
	v3 =	vsel vm4, $0x8D00, v3;
	v0 =	vsel vm3, $0x1580, v0  }
.Ltmp0:
0x17: {  	s21 =	sadd.s32 $0x5B8F00, s6;
	[dreg:$0x8] =	wrdreg s10;
	v1 =	vsel vm3, $0x3D80, v1;
	v2 =	vsel vm3, $0x6580, v2;
	v3 =	vsel vm3, $0x8D80, v3;
	(pc) =	sbr.rel .LBB2_1-.Ltmp0, $4  }
0x18: {  	s16 =	sadd.s32 $0x1400, s3;
	s6 =	sadd.s32 $0x6AD180, s6;
	[dreg:$0x9] =	wrdreg s20;
	v0 =	vsel vm2, $0x1600, v0;
	v1 =	vsel vm2, $0x3E00, v1;
	v2 =	vsel vm2, $0x6600, v2  }
0x19: {  	p1 =	sne.s32 s4, $0x1F;
	[dreg:$0xc] =	wrdreg s6;
	s6 =	sshll.u32 s24, $0xA;
	v3 =	vsel vm2, $0x8E00, v3;
	v0 =	vsel vm1, $0x1680, v0;
	v1 =	vsel vm1, $0x3E80, v1  }
0x1a: {  	s4 =	simm.s32 $0x0;
	[dreg:$0xa] =	wrdreg s21;
	s29 =	sadd.s32 s8, s6;
	v2 =	vsel vm1, $0x6680, v2;
	v3 =	vsel vm1, $0x8E80, v3;
	v0 =	vsel vm0, $0x1700, v0  }
0x1b: {  	s10 =	simm.s32 $0x1;
	s17 =	simm.s32 $0x4;
	[dreg:$0x11] =	wrdreg s29;
	v1 =	vsel vm0, $0x3F00, v1;
	v2 =	vsel vm0, $0x6700, v2;
	v3 =	vsel vm0, $0x8F00, v3  }
.LBB2_19:
0x1c: {  	s0 =	simm.s32 @!p1 $0x0;
	s1 =	simm.s32 @!p1 $0x1C000;
	s2 =	rddreg [dreg:$0x1]  }
0x1d: {  	[tilespmem:s1], [sflag:$0x5] =	stream.linear.gather @!p1 [hbm4b:s2+s0], $0x1000, $0x38;
	[tilespmem:$0x1D000] =	vst v63  }
0x1e: {  	s2 =	simm.s32 @!p1 $0x5  }
0x1f: {  	_ =	swait.ge @!p1 [sflag:s2], $0x1000  }
0x20: {  	[sflag:s2] =	ssyncset.done @!p1 $0x0  }
0x21: {  	s3 =	rddreg [dreg:$0x12];
	[sflag:s2] =	ssyncadd.s32 @!p1 $0xFFFFF000  }
0x22: {  	[hbm4b:s3+s0] =	stream.linear.scatter @!p1 [tilespmem:s1], [sflag:$0x5], $0x1000, $0x38;
	[tilespmem:$0x1D000] =	vst v63  }
0x23: {  	_ =	swait.ge @!p1 [sflag:s2], $0x1000  }
0x24: {  	s4 =	sadd.s32 $0x1, s4;
	s30 =	rddreg [dreg:$0x13]  }
0x25: {  	p2 =	sne.s32 s4, s30  }
.Ltmp1:
0x26: {  	_ = 	snop;
	(pc) =	sbr.rel @!p2 .LBB2_20-.Ltmp1, $3  }
0x27: {  	_ =	sdelay $0x1  }
0x28: {  	[sflag:s2] =	ssyncset.done @!p1 $0x0  }
0x29: {  	s1 =	rddreg [dreg:$0x4];
	[sflag:s2] =	ssyncadd.s32 @!p1 $0xFFFFF000  }
.LBB2_1:
0x2a: {  	[dreg:$0x14] =	wrdreg s4  }
0x2b: {  	s0 =	rddreg [dreg:$0xb]  }
0x2c: {  	[tilespmem:s5], [sflag:$0x1] =	stream.linear.gather [hbm4b:s0+s5], $0x1000, $0x38;
	[tilespmem:$0x1D000] =	vst v63  }
0x2d: {  	s15 =	rddreg [dreg:$0x9];
	s2 =	simm.s32 $0x1400  }
0x2e: {  	[tilespmem:s2], [sflag:$0x1] =	stream.linear.gather [hbm4b:s15+s5], $0x1000, $0x38;
	[tilespmem:$0x1D000] =	vst v63  }
0x2f: {  	s18 =	rddreg [dreg:$0x5];
	s19 =	simm.s32 $0x2800  }
0x30: {  	[tilespmem:s19], [sflag:$0x1] =	stream.linear.gather [hbm4b:s18+s5], $0x1000, $0x38;
	[tilespmem:$0x1D000] =	vst v63  }
0x31: {  	s20 =	rddreg [dreg:$0x6];
	s21 =	simm.s32 $0x3C00  }
0x32: {  	[tilespmem:s21], [sflag:$0x1] =	stream.linear.gather [hbm4b:s20+s5], $0x1000, $0x38;
	[tilespmem:$0x1D000] =	vst v63  }
0x33: {  	s22 =	rddreg [dreg:$0x7];
	s23 =	simm.s32 $0x5000  }
0x34: {  	[tilespmem:s23], [sflag:$0x1] =	stream.linear.gather [hbm4b:s22+s5], $0x1000, $0x38;
	[tilespmem:$0x1D000] =	vst v63  }
0x35: {  	s24 =	rddreg [dreg:$0x8];
	s25 =	simm.s32 $0x6400  }
0x36: {  	[tilespmem:s25], [sflag:$0x1] =	stream.linear.gather [hbm4b:s24+s5], $0x1000, $0x38;
	[tilespmem:$0x1D000] =	vst v63  }
0x37: {  	s26 =	rddreg [dreg:$0xa];
	s28 =	simm.s32 $0x7800  }
0x38: {  	[tilespmem:s28], [sflag:$0x1] =	stream.linear.gather [hbm4b:s26+s5], $0x1000, $0x38;
	[tilespmem:$0x1D000] =	vst v63  }
0x39: {  	s29 =	rddreg [dreg:$0xc];
	s30 =	simm.s32 $0x8C00;
	s22 =	simm.s32 $0x0  }
0x3a: {  	[tilespmem:s30], [sflag:$0x1] =	stream.linear.gather [hbm4b:s29+s5], $0x1000, $0x38;
	[tilespmem:$0x1D000] =	vst v63  }
.LBB2_2:
0x3b: {  	s0 =	sshll.u32 s22, $0x6  }
0x3c: {  	s21 =	sor.u32 s0, s1  }
0x3d: {  	s0 =	sor.u32 $0x20, s21  }
0x3e: {  	s2 =	sshll.u32 s0, $0x9;
	s18 =	sshll.u32 s0, $0xC  }
0x3f: {  	s28 =	sadd.s32 s11, s2;
	s29 =	sshrl.u32 s18, $0x3  }
0x40: {  	[tilespmem:s31], [sflag:$0x2] =	stream.linear.gather [hbm4b:s28+s5], $0x1000, $0x38;
	[tilespmem:$0x1D000] =	vst v63  }
0x41: {  	s0 =	sadd.s32 s11, s29  }
0x42: {  	s3 =	simm.s32 $0xB400;
	s30 =	sadd.s32 $0xF4280, s0  }
0x43: {  	[tilespmem:s3], [sflag:$0x2] =	stream.linear.gather [hbm4b:s30+s5], $0x1000, $0x38;
	[tilespmem:$0x1D000] =	vst v63  }
0x44: {  	s6 =	simm.s32 $0xC800;
	s4 =	sadd.s32 $0x1E8500, s0  }
0x45: {  	[tilespmem:s6], [sflag:$0x2] =	stream.linear.gather [hbm4b:s4+s5], $0x1000, $0x38;
	[tilespmem:$0x1D000] =	vst v63  }
0x46: {  	s9 =	simm.s32 $0xDC00;
	s7 =	sadd.s32 $0x2DC780, s0  }
0x47: {  	[tilespmem:s9], [sflag:$0x2] =	stream.linear.gather [hbm4b:s7+s5], $0x1000, $0x38;
	[tilespmem:$0x1D000] =	vst v63  }
0x48: {  	s15 =	simm.s32 $0xF000;
	s12 =	sadd.s32 $0x3D0A00, s0  }
0x49: {  	[tilespmem:s15], [sflag:$0x2] =	stream.linear.gather [hbm4b:s12+s5], $0x1000, $0x38;
	[tilespmem:$0x1D000] =	vst v63  }
0x4a: {  	s20 =	simm.s32 $0x10400;
	s19 =	sadd.s32 $0x4C4C80, s0  }
0x4b: {  	[tilespmem:s20], [sflag:$0x2] =	stream.linear.gather [hbm4b:s19+s5], $0x1000, $0x38;
	[tilespmem:$0x1D000] =	vst v63  }
0x4c: {  	s24 =	simm.s32 $0x11800;
	s23 =	sadd.s32 $0x5B8F00, s0  }
0x4d: {  	[tilespmem:s24], [sflag:$0x2] =	stream.linear.gather [hbm4b:s23+s5], $0x1000, $0x38;
	[tilespmem:$0x1D000] =	vst v63  }
0x4e: {  	s25 =	simm.s32 $0x12C00;
	s0 =	sadd.s32 $0x6AD180, s0  }
0x4f: {  	[tilespmem:s25], [sflag:$0x2] =	stream.linear.gather [hbm4b:s0+s5], $0x1000, $0x38;
	[tilespmem:$0x1D000] =	vst v63  }
0x50: {  	_ =	swait.ge [sflag:s10], $0x1000  }
0x51: {  	[sflag:s10] =	ssyncset.done $0x0  }
0x52: {  	[sflag:s10] =	ssyncadd.s32 $0xFFFFF000  }
0x53: {  	_ =	swait.ge [sflag:s10], $0x1000  }
0x54: {  	[sflag:s10] =	ssyncset.done $0x0  }
0x55: {  	[sflag:s10] =	ssyncadd.s32 $0xFFFFF000  }
0x56: {  	_ =	swait.ge [sflag:s10], $0x1000  }
0x57: {  	[sflag:s10] =	ssyncset.done $0x0  }
0x58: {  	[sflag:s10] =	ssyncadd.s32 $0xFFFFF000  }
0x59: {  	_ =	swait.ge [sflag:s10], $0x1000  }
0x5a: {  	s26 =	simm.s32 $0x0;
	[sflag:s10] =	ssyncset.done $0x0  }
0x5b: {  	v4 =	vmov s26;
	[sflag:s10] =	ssyncadd.s32 $0xFFFFF000  }
0x5c: {  	v5 =	vand.u32 $0x78, v4;
	v4 =	vshll.u32 v4, $0x3;
	_ =	swait.ge [sflag:s10], $0x1000  }
0x5d: {  	v4 =	vand.u32 $0x400, v4;
	s28 =	simm.s32 $0x1;
	[sflag:s10] =	ssyncset.done $0x0  }
0x5e: {  	v4 =	vor.u32 v5, v4;
	s29 =	simm.s32 $0x2;
	v6 =	vmov s28;
	[sflag:s10] =	ssyncadd.s32 $0xFFFFF000  }
0x5f: {  	v18 =	vadd.s32 v0, v4;
	v7 =	vmov s29;
	v12 =	vand.u32 $0x79, v6;
	_ =	swait.ge [sflag:s10], $0x1000  }
0x60: {  	s30 =	simm.s32 $0x3;
	v13 =	vand.u32 $0x7A, v7;
	v6 =	vshll.u32 v6, $0x3;
	v7 =	vshll.u32 v7, $0x3;
	s3 =	simm.s32 $0x7;
	[sflag:s10] =	ssyncset.done $0x0  }
0x61: {  	v8 =	vmov s30;
	v5 =	vmov s3;
	v6 =	vand.u32 $0x400, v6;
	[sflag:s10] =	ssyncadd.s32 $0xFFFFF000  }
0x62: {  	s6 =	simm.s32 $0x4;
	v14 =	vand.u32 $0x7B, v8;
	v8 =	vshll.u32 v8, $0x3;
	v19 =	vshll.u32 v5, $0x3;
	_ =	swait.ge [sflag:s10], $0x1000  }
0x63: {  	v5 =	vand.u32 $0x7F, v5;
	v12 =	vor.u32 v12, v6;
	v9 =	vmov s6;
	[sflag:s10] =	ssyncset.done $0x0  }
0x64: {  	v19 =	vand.u32 $0x400, v19;
	v15 =	vand.u32 $0x7C, v9;
	v9 =	vshll.u32 v9, $0x3;
	[sflag:s10] =	ssyncadd.s32 $0xFFFFF000  }
0x65: {  	s7 =	simm.s32 $0x5;
	s9 =	simm.s32 $0x6;
	v20 =	vor.u32 v5, v19;
	v5 =	vand.u32 $0x400, v7;
	v19 =	vadd.s32 v0, v12;
	_ =	swait.ge [sflag:s10], $0x1000  }
0x66: {  	p2 =	seq.s32 s22, $0x0;
	v10 =	vmov s7;
	v11 =	vmov s9;
	v7 =	vadd.s32 v0, v20;
	[sflag:s10] =	ssyncset.done $0x0  }
0x67: {  	v13 =	vor.u32 v13, v5;
	v5 =	vand.u32 $0x400, v8;
	v16 =	vand.u32 $0x7D, v10;
	s0 =	simm.s32 @!p2 $0x3;
	[sflag:s10] =	ssyncadd.s32 $0xFFFFF000  }
0x68: {  	v17 =	vand.u32 $0x7E, v11;
	v10 =	vshll.u32 v10, $0x3;
	v11 =	vshll.u32 v11, $0x3;
	_ =	swait.ge @!p2 [sflag:s0], $0x4000  }
0x69: {  	v8 =	vadd.s32 v0, v13;
	v25 =	vor.u32 v14, v5;
	v5 =	vand.u32 $0x400, v9;
	[sflag:s0] =	ssyncset.done @!p2 $0x0  }
0x6a: {  	v9 =	vadd.s32 v0, v25;
	v31 =	vor.u32 v15, v5;
	v5 =	vand.u32 $0x400, v10;
	[sflag:s0] =	ssyncadd.s32 @!p2 $0xFFFFC000  }
0x6b: {  	v14 =	vadd.s32 v0, v31;
	v6 =	vor.u32 v16, v5;
	v5 =	vand.u32 $0x400, v11;
	v10 =	vld.idx.msk [tilespmem:v18+s5+$0x0], $0xffff  }
0x6c: {  	v11 =	vadd.s32 v0, v6;
	v5 =	vor.u32 v17, v5;
	v7 =	vld.idx.msk [tilespmem:v7+s5+$0x0], $0xffff  }
0x6d: {  	v16 =	vadd.s32 v0, v5;
	v15 =	vld.idx.msk [tilespmem:v19+s5+$0x0], $0xffff  }
0x6e: {  	v17 =	vadd.s32 v1, v20;
	v8 =	vld.idx.msk [tilespmem:v8+s5+$0x0], $0xffff  }
0x6f: {  	v18 =	vadd.s32 v1, v12;
	v9 =	vld.idx.msk [tilespmem:v9+s5+$0x0], $0xffff  }
0x70: {  	v19 =	vadd.s32 v1, v13;
	v14 =	vld.idx.msk [tilespmem:v14+s5+$0x0], $0xffff  }
0x71: {  	v21 =	vadd.s32 v1, v25;
	s0 =	simm.s32 $0x14100;
	v11 =	vld.idx.msk [tilespmem:v11+s5+$0x0], $0xffff  }
0x72: {  	v22 =	vadd.s32 v1, v31;
	v16 =	vld.idx.msk [tilespmem:v16+s5+$0x0], $0xffff;
	[tilespmem:s0+$0xC0] =	vst v7  }
0x73: {  	[tilespmem:s0+$0xFFFFFF40] =	vst v15;
	v7 =	vadd.s32 v1, v6;
	v15 =	vld.idx.msk [tilespmem:v17+s5+$0x0], $0xffff  }
0x74: {  	[tilespmem:s0+$0xFFFFFF80] =	vst v8;
	v8 =	vadd.s32 v1, v5;
	v17 =	vld.idx.msk [tilespmem:v18+s5+$0x0], $0xffff  }
0x75: {  	[tilespmem:s0+$0xFFFFFFC0] =	vst v9;
	v18 =	vld.idx.msk [tilespmem:v19+s5+$0x0], $0xffff;
	v19 =	vadd.s32 v1, v4  }
0x76: {  	v9 =	vadd.s32 v2, v20;
	[tilespmem:s0+$0x0] =	vst v14;
	v23 =	vld.idx.msk [tilespmem:v21+s5+$0x0], $0xffff  }
0x77: {  	s3 =	simm.s32 $0x1C0;
	v14 =	vadd.s32 v2, v12;
	[tilespmem:s0+$0x40] =	vst v11;
	v24 =	vld.idx.msk [tilespmem:v22+s5+$0x0], $0xffff  }
0x78: {  	v27 =	vadd.s32 v2, v4;
	s6 =	sor.u32 $0x50, s3;
	s7 =	simm.s32 $0x9;
	v26 =	vadd.s32 v2, v13;
	[tilespmem:s0+$0x80] =	vst v16;
	v7 =	vld.idx.msk [tilespmem:v7+s5+$0x0], $0xffff  }
0x79: {  	s9 =	simm.s32 $0xA;
	v38 =	vadd.s32 v3, v20;
	s12 =	simm.s32 $0x40;
	s15 =	simm.s32 $0xB;
	v29 =	vmov s7;
	v28 =	vadd.s32 v2, v25;
	[tilespmem:s0+$0xFFFFFF00] =	vst v10;
	v33 =	vld.idx.msk [tilespmem:v8+s5+$0x0], $0xffff  }
0x7a: {  	s4 =	simm.s32 $0x8;
	v30 =	vmov s9;
	v34 =	vmov s15;
	s19 =	simm.s32 $0xC;
	s20 =	sor.u32 $0x50, s12;
	v10 =	vadd.s32 v2, v31;
	[tilespmem:s6+$0x14000] =	vst v15;
	v36 =	vld.idx.msk [tilespmem:v19+s5+$0x0], $0xffff  }
0x7b: {  	v35 =	vmov s19;
	v37 =	vadd.s32 v2, v6;
	s25 =	simm.s32 $0xC0;
	v11 =	vmov s4;
	[tilespmem:s20+$0x14000] =	vst v17;
	v9 =	vld.idx.msk [tilespmem:v9+s5+$0x0], $0xffff  }
0x7c: {  	s23 =	simm.s32 $0xD;
	v40 =	vadd.s32 v2, v5;
	s26 =	sor.u32 $0x50, s25;
	v32 =	vand.u32 $0x78, v11;
	v11 =	vshll.u32 v11, $0x3;
	[tilespmem:s0+$0xFFFFFF90] =	vst v18;
	v21 =	vld.idx.msk [tilespmem:v14+s5+$0x0], $0xffff  }
0x7d: {  	s28 =	simm.s32 $0x140;
	s24 =	simm.s32 $0xE;
	v31 =	vadd.s32 v3, v31;
	v22 =	vmov s23;
	v39 =	vand.u32 $0x400, v11;
	[tilespmem:s26+$0x14000] =	vst v23;
	v16 =	vld.idx.msk [tilespmem:v26+s5+$0x0], $0xffff  }
0x7e: {  	s29 =	sor.u32 $0x50, s28;
	v8 =	vand.u32 $0x7D, v22;
	v19 =	vmov s24;
	v18 =	vand.u32 $0x79, v29;
	[tilespmem:s0+$0x10] =	vst v24;
	v23 =	vld.idx.msk [tilespmem:v28+s5+$0x0], $0xffff  }
0x7f: {  	s2 =	simm.s32 $0x10;
	v17 =	vand.u32 $0x7A, v30;
	v15 =	vand.u32 $0x7B, v34;
	v28 =	vadd.s32 v3, v12;
	v11 =	vld.idx.msk [tilespmem:v10+s5+$0x0], $0xffff;
	[tilespmem:s29+$0x14000] =	vst v7  }
0x80: {  	s30 =	sor.u32 $0x60, s3;
	s9 =	sor.u32 $0x60, s28;
	s7 =	sor.u32 $0x70, s12;
	v24 =	vshll.u32 v34, $0x3;
	v26 =	vshll.u32 v29, $0x3;
	v29 =	vadd.s32 v3, v13;
	[tilespmem:s0+$0x90] =	vst v33;
	v20 =	vld.idx.msk [tilespmem:v37+s5+$0x0], $0xffff  }
0x81: {  	s19 =	sshll.u32 s22, $0x12;
	s23 =	sor.u32 $0x60, s25;
	s24 =	sor.u32 $0x60, s12;
	v14 =	vand.u32 $0x7C, v35;
	v13 =	vshll.u32 v30, $0x3;
	v30 =	vadd.s32 v3, v25;
	[tilespmem:s30+$0x14000] =	vst v9;
	v9 =	vld.idx.msk [tilespmem:v40+s5+$0x0], $0xffff  }
0x82: {  	s20 =	sor.u32 $0x70, s25;
	s6 =	sor.u32 $0x70, s28;
	s25 =	simm.s32 $0xF;
	v10 =	vand.u32 $0x7E, v19;
	v25 =	vshll.u32 v35, $0x3;
	v7 =	vor.u32 v32, v39;
	[tilespmem:s0+$0xFFFFFF10] =	vst v36;
	v12 =	vld.idx.msk [tilespmem:v38+s5+$0x0], $0xffff  }
.LBB2_3:
0x83: {  	p3 =	slt.u32 s2, $0xF8;
	v32 =	vadd.s32 v0, v7;
	v22 =	vshll.u32 v22, $0x3;
	v33 =	vmov s25;
	v27 =	vld.idx.msk [tilespmem:v27+s5+$0x0], $0xffff;
	[tilespmem:s24+$0x14000] =	vst v21  }
0x84: {  	v19 =	vshll.u32 v19, $0x3;
	v6 =	vadd.s32 v3, v6;
	v21 =	vshll.u32 v33, $0x3;
	v28 =	vld.idx.msk [tilespmem:v28+s5+$0x0], $0xffff;
	[tilespmem:s0+$0xFFFFFFA0] =	vst v16  }
0x85: {  	v5 =	vadd.s32 v3, v5;
	v16 =	vand.u32 $0x7F, v33;
	v21 =	vand.u32 $0x400, v21;
	v29 =	vld.idx.msk [tilespmem:v29+s5+$0x0], $0xffff;
	[tilespmem:s23+$0x14000] =	vst v23  }
0x86: {  	v4 =	vadd.s32 v3, v4;
	v23 =	vand.u32 $0x400, v26;
	s23 =	sor.u32 $0x70, s3;
	v16 =	vor.u32 v16, v21;
	v21 =	vld.idx.msk [tilespmem:v30+s5+$0x0], $0xffff;
	[tilespmem:s0+$0x20] =	vst v11  }
0x87: {  	v13 =	vand.u32 $0x400, v13;
	v11 =	vor.u32 v18, v23;
	v18 =	vadd.s32 v0, v16;
	v23 =	vld.idx.msk [tilespmem:v31+s5+$0x0], $0xffff;
	[tilespmem:s23+$0x14000] =	vst v12  }
0x88: {  	v13 =	vor.u32 v17, v13;
	v30 =	vadd.s32 v0, v11;
	v12 =	vand.u32 $0x400, v24;
	v26 =	vld.idx.msk [tilespmem:v32+s5+$0x0], $0xffff;
	[tilespmem:s9+$0x14000] =	vst v20  }
0x89: {  	v17 =	vadd.s32 v0, v13;
	v12 =	vor.u32 v15, v12;
	v15 =	vand.u32 $0x400, v25;
	v20 =	vld.idx.msk [tilespmem:v6+s5+$0x0], $0xffff;
	[tilespmem:s0+$0xA0] =	vst v9  }
0x8a: {  	v24 =	vadd.s32 v0, v12;
	v9 =	vor.u32 v14, v15;
	v6 =	vand.u32 $0x400, v22;
	[tilespmem:s0+$0xFFFFFF20] =	vst v27;
	v14 =	vld.idx.msk [tilespmem:v5+s5+$0x0], $0xffff  }
0x8b: {  	v15 =	vadd.s32 v0, v9;
	v6 =	vor.u32 v8, v6;
	v5 =	vand.u32 $0x400, v19;
	v8 =	vld.idx.msk [tilespmem:v4+s5+$0x0], $0xffff;
	[tilespmem:s7+$0x14000] =	vst v28  }
0x8c: {  	v19 =	vadd.s32 v0, v6;
	v5 =	vor.u32 v10, v5;
	v4 =	vmov v7;
	v10 =	vld.idx.msk [tilespmem:v18+s5+$0x0], $0xffff;
	[tilespmem:s0+$0xFFFFFFB0] =	vst v29  }
0x8d: {  	v18 =	vadd.s32 v0, v5;
	v7 =	vld.idx.msk [tilespmem:v30+s5+$0x0], $0xffff;
	[tilespmem:s20+$0x14000] =	vst v21  }
0x8e: {  	v21 =	vadd.s32 v1, v16;
	v17 =	vld.idx.msk [tilespmem:v17+s5+$0x0], $0xffff;
	[tilespmem:s0+$0x30] =	vst v23  }
0x8f: {  	v22 =	vadd.s32 v1, v11;
	v23 =	vld.idx.msk [tilespmem:v24+s5+$0x0], $0xffff;
	[tilespmem:s6+$0x14000] =	vst v20  }
0x90: {  	v20 =	vadd.s32 v1, v13;
	v15 =	vld.idx.msk [tilespmem:v15+s5+$0x0], $0xffff;
	[tilespmem:s0+$0xB0] =	vst v14  }
0x91: {  	v14 =	vadd.s32 v1, v12;
	v19 =	vld.idx.msk [tilespmem:v19+s5+$0x0], $0xffff;
	[tilespmem:s0+$0xFFFFFF30] =	vst v8;
	s0 =	sadd.s32 $0x200, s0  }
0x92: {  	v8 =	vadd.s32 v1, v9;
	v18 =	vld.idx.msk [tilespmem:v18+s5+$0x0], $0xffff;
	[tilespmem:s0+$0xC0] =	vst v10  }
0x93: {  	[tilespmem:s0+$0xFFFFFF40] =	vst v7;
	v7 =	vadd.s32 v1, v6;
	v10 =	vld.idx.msk [tilespmem:v21+s5+$0x0], $0xffff  }
0x94: {  	v21 =	vld.idx.msk [tilespmem:v22+s5+$0x0], $0xffff;
	[tilespmem:s0+$0xFFFFFF80] =	vst v17;
	v17 =	vadd.s32 v1, v5  }
0x95: {  	s6 =	sadd.s32 $0x1, s2;
	v22 =	vadd.s32 v2, v16;
	v20 =	vld.idx.msk [tilespmem:v20+s5+$0x0], $0xffff;
	[tilespmem:s0+$0xFFFFFFC0] =	vst v23  }
0x96: {  	s9 =	sadd.s32 $0x3, s2;
	s7 =	sadd.s32 $0x2, s2;
	s20 =	sadd.s32 $0x4, s2;
	v23 =	vadd.s32 v1, v4;
	v14 =	vld.idx.msk [tilespmem:v14+s5+$0x0], $0xffff;
	[tilespmem:s0+$0x0] =	vst v15  }
0x97: {  	s25 =	sadd.s32 $0x5, s2;
	s26 =	sadd.s32 $0x6, s2;
	s3 =	sadd.s32 $0x200, s3;
	v15 =	vadd.s32 v2, v11;
	v8 =	vld.idx.msk [tilespmem:v8+s5+$0x0], $0xffff;
	[tilespmem:s0+$0x40] =	vst v19  }
0x98: {  	s28 =	sadd.s32 $0xFFFFFE80, s3;
	s29 =	sadd.s32 $0xFFFFFF00, s3;
	s23 =	sor.u32 $0x50, s3;
	v24 =	vadd.s32 v2, v13;
	v19 =	vmov s2;
	v7 =	vld.idx.msk [tilespmem:v7+s5+$0x0], $0xffff;
	[tilespmem:s0+$0x80] =	vst v18  }
0x99: {  	s15 =	sadd.s32 $0xFFFFFF80, s3;
	s30 =	sor.u32 $0x50, s28;
	s4 =	sor.u32 $0x50, s29;
	v28 =	vadd.s32 v2, v12;
	v25 =	vand.u32 $0x78, v19;
	v18 =	vshll.u32 v19, $0x3;
	v31 =	vld.idx.msk [tilespmem:v17+s5+$0x0], $0xffff;
	[tilespmem:s23+$0x14000] =	vst v10  }
0x9a: {  	s24 =	sor.u32 $0x60, s28;
	s12 =	sor.u32 $0x50, s15;
	v30 =	vmov s7;
	v10 =	vmov s6;
	s23 =	sor.u32 $0x60, s29;
	[tilespmem:s0+$0xFFFFFF00] =	vst v26;
	v26 =	vadd.s32 v2, v9;
	v32 =	vld.idx.msk [tilespmem:v22+s5+$0x0], $0xffff  }
0x9b: {  	v33 =	vmov s9;
	s9 =	sor.u32 $0x60, s15;
	v36 =	vadd.s32 v2, v6;
	s7 =	sor.u32 $0x70, s28;
	v34 =	vmov s20;
	s20 =	sor.u32 $0x70, s29;
	v35 =	vld.idx.msk [tilespmem:v23+s5+$0x0], $0xffff;
	[tilespmem:s30+$0x14000] =	vst v21  }
0x9c: {  	v37 =	vadd.s32 v3, v16;
	v19 =	vmov s26;
	s6 =	sor.u32 $0x70, s15;
	v22 =	vmov s25;
	v21 =	vld.idx.msk [tilespmem:v15+s5+$0x0], $0xffff;
	[tilespmem:s0+$0xFFFFFF90] =	vst v20  }
0x9d: {  	v39 =	vadd.s32 v2, v5;
	v38 =	vand.u32 $0x400, v18;
	v18 =	vand.u32 $0x79, v10;
	v16 =	vld.idx.msk [tilespmem:v24+s5+$0x0], $0xffff;
	[tilespmem:s4+$0x14000] =	vst v14  }
.Ltmp2:
0x9e: {  	v27 =	vadd.s32 v2, v4;
	v17 =	vand.u32 $0x7A, v30;
	v15 =	vand.u32 $0x7B, v33;
	v23 =	vld.idx.msk [tilespmem:v28+s5+$0x0], $0xffff;
	[tilespmem:s0+$0x10] =	vst v8;
	(pc) =	sbr.rel @p3 .LBB2_3-.Ltmp2, $4  }
0x9f: {  	v14 =	vand.u32 $0x7C, v34;
	s4 =	sor.u32 $0x60, s3;
	v8 =	vand.u32 $0x7D, v22;
	v28 =	vadd.s32 v3, v11;
	v11 =	vld.idx.msk [tilespmem:v26+s5+$0x0], $0xffff;
	[tilespmem:s12+$0x14000] =	vst v7  }
0xa0: {  	v29 =	vadd.s32 v3, v13;
	v26 =	vshll.u32 v10, $0x3;
	v10 =	vand.u32 $0x7E, v19;
	v20 =	vld.idx.msk [tilespmem:v36+s5+$0x0], $0xffff;
	[tilespmem:s4+$0x14000] =	vst v32  }
0xa1: {  	v13 =	vshll.u32 v30, $0x3;
	v30 =	vadd.s32 v3, v12;
	v24 =	vshll.u32 v33, $0x3;
	[tilespmem:s0+$0x90] =	vst v31;
	v12 =	vld.idx.msk [tilespmem:v37+s5+$0x0], $0xffff  }
0xa2: {  	s25 =	sadd.s32 $0x7, s2;
	s2 =	sadd.s32 $0x8, s2;
	v7 =	vor.u32 v25, v38;
	v25 =	vshll.u32 v34, $0x3;
	v31 =	vadd.s32 v3, v9;
	[tilespmem:s0+$0xFFFFFF10] =	vst v35;
	v9 =	vld.idx.msk [tilespmem:v39+s5+$0x0], $0xffff  }
0xa3: {  	_ =	sdelay $0x2  }
0xa4: {  	[tilespmem:s24+$0x14000] =	vst v21  }
0xa5: {  	v32 =	vadd.s32 v0, v7;
	v33 =	vmov s25;
	v27 =	vld.idx.msk [tilespmem:v27+s5+$0x0], $0xffff;
	[tilespmem:s0+$0xFFFFFFA0] =	vst v16;
	v6 =	vadd.s32 v3, v6  }
0xa6: {  	[tilespmem:s23+$0x14000] =	vst v23;
	v5 =	vadd.s32 v3, v5;
	v23 =	vand.u32 $0x400, v26;
	v4 =	vadd.s32 v3, v4;
	v28 =	vld.idx.msk [tilespmem:v28+s5+$0x0], $0xffff  }
0xa7: {  	v13 =	vand.u32 $0x400, v13;
	v21 =	vshll.u32 v33, $0x3;
	v16 =	vand.u32 $0x7F, v33;
	v29 =	vld.idx.msk [tilespmem:v29+s5+$0x0], $0xffff;
	[tilespmem:s0+$0x20] =	vst v11  }
0xa8: {  	s2 =	sor.u32 $0x70, s3;
	v11 =	vor.u32 v18, v23;
	v13 =	vor.u32 v17, v13;
	v21 =	vand.u32 $0x400, v21;
	v23 =	vld.idx.msk [tilespmem:v31+s5+$0x0], $0xffff;
	[tilespmem:s9+$0x14000] =	vst v20  }
0xa9: {  	v22 =	vshll.u32 v22, $0x3;
	v20 =	vadd.s32 v0, v13;
	v16 =	vor.u32 v16, v21;
	v21 =	vld.idx.msk [tilespmem:v30+s5+$0x0], $0xffff;
	[tilespmem:s2+$0x14000] =	vst v12  }
0xaa: {  	v19 =	vshll.u32 v19, $0x3;
	v17 =	vand.u32 $0x400, v24;
	v18 =	vadd.s32 v0, v16;
	[tilespmem:s0+$0xA0] =	vst v9;
	v6 =	vld.idx.msk [tilespmem:v6+s5+$0x0], $0xffff  }
0xab: {  	v57 =	vadd.s32 v0, v11;
	v15 =	vor.u32 v15, v17;
	v17 =	vand.u32 $0x400, v25;
	[tilespmem:s0+$0xFFFFFF20] =	vst v27;
	v5 =	vld.idx.msk [tilespmem:v5+s5+$0x0], $0xffff  }
0xac: {  	v14 =	vor.u32 v14, v17;
	v17 =	vand.u32 $0x400, v22;
	v9 =	vadd.s32 v0, v15;
	v12 =	vld.idx.msk [tilespmem:v32+s5+$0x0], $0xffff;
	[tilespmem:s0+$0xFFFFFFB0] =	vst v29  }
0xad: {  	v22 =	vadd.s32 v0, v14;
	v8 =	vor.u32 v8, v17;
	v17 =	vand.u32 $0x400, v19;
	v4 =	vld.idx.msk [tilespmem:v4+s5+$0x0], $0xffff;
	[tilespmem:s0+$0x30] =	vst v23  }
0xae: {  	v19 =	vadd.s32 v0, v8;
	v10 =	vor.u32 v10, v17;
	v20 =	vld.idx.msk [tilespmem:v20+s5+$0x0], $0xffff;
	[tilespmem:s20+$0x14000] =	vst v21  }
0xaf: {  	v58 =	vadd.s32 v0, v10;
	v17 =	vld.idx.msk [tilespmem:v18+s5+$0x0], $0xffff;
	[tilespmem:s6+$0x14000] =	vst v6  }
0xb0: {  	s2 =	sadd.s32 $0x200, s0;
	v21 =	vadd.s32 v1, v16;
	v18 =	vld.idx.msk [tilespmem:v57+s5+$0x0], $0xffff;
	[tilespmem:s0+$0xB0] =	vst v5  }
0xb1: {  	v23 =	vadd.s32 v1, v11;
	v9 =	vld.idx.msk [tilespmem:v9+s5+$0x0], $0xffff;
	[tilespmem:s2+$0xFFFFFF00] =	vst v12  }
0xb2: {  	v22 =	vld.idx.msk [tilespmem:v22+s5+$0x0], $0xffff;
	v6 =	vadd.s32 v1, v13;
	[tilespmem:s0+$0xFFFFFF30] =	vst v4  }
0xb3: {  	v5 =	vadd.s32 v1, v15;
	v19 =	vld.idx.msk [tilespmem:v19+s5+$0x0], $0xffff;
	[tilespmem:s2+$0xFFFFFF80] =	vst v20  }
0xb4: {  	v4 =	vadd.s32 v1, v14;
	v24 =	vld.idx.msk [tilespmem:v58+s5+$0x0], $0xffff;
	[tilespmem:s2+$0xC0] =	vst v17  }
0xb5: {  	v20 =	vadd.s32 v1, v10;
	[tilespmem:s2+$0xFFFFFF40] =	vst v18;
	v18 =	vld.idx.msk [tilespmem:v21+s5+$0x0], $0xffff  }
0xb6: {  	v17 =	vadd.s32 v1, v8;
	[tilespmem:s2+$0xFFFFFFC0] =	vst v9;
	v21 =	vld.idx.msk [tilespmem:v23+s5+$0x0], $0xffff  }
0xb7: {  	[tilespmem:s2+$0x0] =	vst v22;
	v6 =	vld.idx.msk [tilespmem:v6+s5+$0x0], $0xffff;
	v23 =	vadd.s32 v1, v7  }
0xb8: {  	s4 =	sadd.s32 $0x200, s3;
	v9 =	vadd.s32 v2, v16;
	v5 =	vld.idx.msk [tilespmem:v5+s5+$0x0], $0xffff;
	[tilespmem:s2+$0x40] =	vst v19  }
0xb9: {  	s20 =	sor.u32 $0x50, s4;
	s6 =	sadd.s32 $0xFFFFFE80, s4;
	v22 =	vadd.s32 v2, v11;
	v4 =	vld.idx.msk [tilespmem:v4+s5+$0x0], $0xffff;
	[tilespmem:s2+$0x80] =	vst v24  }
0xba: {  	s23 =	sor.u32 $0x50, s6;
	v19 =	vadd.s32 v2, v13;
	v20 =	vld.idx.msk [tilespmem:v20+s5+$0x0], $0xffff;
	[tilespmem:s20+$0x14000] =	vst v18  }
0xbb: {  	s3 =	sadd.s32 $0xFFFFFF00, s4;
	v59 =	vadd.s32 v2, v15;
	v17 =	vld.idx.msk [tilespmem:v17+s5+$0x0], $0xffff;
	[tilespmem:s23+$0x14000] =	vst v21  }
0xbc: {  	s24 =	sor.u32 $0x50, s3;
	v12 =	vadd.s32 v2, v14;
	v18 =	vld.idx.msk [tilespmem:v23+s5+$0x0], $0xffff;
	[tilespmem:s2+$0xFFFFFF90] =	vst v6  }
0xbd: {  	v21 =	vadd.s32 v2, v8;
	[tilespmem:s24+$0x14000] =	vst v5;
	v9 =	vld.idx.msk [tilespmem:v9+s5+$0x0], $0xffff  }
0xbe: {  	s0 =	sadd.s32 $0xFFFFFF80, s4;
	v5 =	vadd.s32 v2, v10;
	v22 =	vld.idx.msk [tilespmem:v22+s5+$0x0], $0xffff;
	[tilespmem:s2+$0x10] =	vst v4  }
0xbf: {  	s25 =	sor.u32 $0x50, s0;
	v6 =	vadd.s32 v3, v16;
	v16 =	vld.idx.msk [tilespmem:v19+s5+$0x0], $0xffff;
	v19 =	vadd.s32 v2, v7;
	[tilespmem:s2+$0x90] =	vst v20  }
0xc0: {  	v23 =	vld.idx.msk [tilespmem:v59+s5+$0x0], $0xffff;
	[tilespmem:s25+$0x14000] =	vst v17  }
0xc1: {  	s26 =	sor.u32 $0x60, s4;
	v4 =	vadd.s32 v3, v11;
	v11 =	vld.idx.msk [tilespmem:v12+s5+$0x0], $0xffff;
	[tilespmem:s2+$0xFFFFFF10] =	vst v18  }
0xc2: {  	s29 =	sor.u32 $0x60, s6;
	v12 =	vadd.s32 v3, v13;
	v13 =	vld.idx.msk [tilespmem:v21+s5+$0x0], $0xffff;
	[tilespmem:s26+$0x14000] =	vst v9  }
0xc3: {  	v14 =	vadd.s32 v3, v14;
	v5 =	vld.idx.msk [tilespmem:v5+s5+$0x0], $0xffff;
	[tilespmem:s29+$0x14000] =	vst v22  }
0xc4: {  	s30 =	sor.u32 $0x60, s3;
	v9 =	vadd.s32 v3, v15;
	v15 =	vld.idx.msk [tilespmem:v19+s5+$0x0], $0xffff;
	[tilespmem:s2+$0xFFFFFFA0] =	vst v16  }
0xc5: {  	v10 =	vadd.s32 v3, v10;
	[tilespmem:s30+$0x14000] =	vst v23;
	v6 =	vld.idx.msk [tilespmem:v6+s5+$0x0], $0xffff  }
0xc6: {  	s9 =	sor.u32 $0x60, s0;
	v8 =	vadd.s32 v3, v8;
	v4 =	vld.idx.msk [tilespmem:v4+s5+$0x0], $0xffff;
	[tilespmem:s2+$0x20] =	vst v11  }
0xc7: {  	s25 =	simm.s32 $0x105;
	v12 =	vld.idx.msk [tilespmem:v12+s5+$0x0], $0xffff;
	[tilespmem:s9+$0x14000] =	vst v13  }
0xc8: {  	s23 =	simm.s32 $0x103;
	v7 =	vadd.s32 v3, v7;
	s26 =	simm.s32 $0x106;
	v16 =	vmov s25;
	v11 =	vld.idx.msk [tilespmem:v14+s5+$0x0], $0xffff;
	[tilespmem:s2+$0xA0] =	vst v5  }
0xc9: {  	s12 =	simm.s32 $0x100;
	s4 =	sor.u32 $0x70, s4;
	s20 =	simm.s32 $0x102;
	v17 =	vmov s26;
	v21 =	vand.u32 $0x7D, v16;
	v14 =	vmov s23;
	v9 =	vld.idx.msk [tilespmem:v9+s5+$0x0], $0xffff;
	[tilespmem:s2+$0xFFFFFF20] =	vst v15  }
0xca: {  	s15 =	simm.s32 $0x101;
	s6 =	sor.u32 $0x70, s6;
	s24 =	simm.s32 $0x104;
	v22 =	vand.u32 $0x7E, v17;
	v5 =	vmov s12;
	v13 =	vmov s20;
	v10 =	vld.idx.msk [tilespmem:v10+s5+$0x0], $0xffff;
	[tilespmem:s4+$0x14000] =	vst v6  }
0xcb: {  	v19 =	vand.u32 $0x7B, v14;
	v15 =	vmov s24;
	v6 =	vld.idx.msk [tilespmem:v8+s5+$0x0], $0xffff;
	v8 =	vmov s15;
	[tilespmem:s6+$0x14000] =	vst v4  }
0xcc: {  	v4 =	vand.u32 $0x78, v5;
	[tilespmem:s2+$0xFFFFFFB0] =	vst v12;
	v12 =	vand.u32 $0x7A, v13;
	v5 =	vshll.u32 v5, $0x3  }
0xcd: {  	[tilespmem:s7+$0x14000] =	vst v28;
	v7 =	vld.idx.msk [tilespmem:v7+s5+$0x0], $0xffff;
	v18 =	vand.u32 $0x79, v8;
	v8 =	vshll.u32 v8, $0x3;
	v5 =	vand.u32 $0xC00, v5  }
0xce: {  	s3 =	sor.u32 $0x70, s3;
	s29 =	simm.s32 $0x107;
	v20 =	vand.u32 $0x7C, v15;
	[tilespmem:s2+$0x30] =	vst v11;
	v4 =	vor.u32 v4, v5;
	v8 =	vand.u32 $0xC00, v8  }
0xcf: {  	v5 =	vmov s29;
	v8 =	vor.u32 v18, v8;
	[tilespmem:s3+$0x14000] =	vst v9;
	v9 =	vshll.u32 v13, $0x3  }
0xd0: {  	s0 =	sor.u32 $0x70, s0;
	[tilespmem:s2+$0xB0] =	vst v10;
	v13 =	vshll.u32 v15, $0x3;
	v10 =	vshll.u32 v5, $0x3;
	v5 =	vand.u32 $0x7F, v5  }
0xd1: {  	v15 =	vshll.u32 v17, $0x3;
	v17 =	vadd.s32 v0, v8;
	[tilespmem:s0+$0x14000] =	vst v6;
	s0 =	sshll.u32 s21, $0xC;
	v10 =	vand.u32 $0xC00, v10  }
0xd2: {  	s28 =	simm.s32 $0x14000;
	v6 =	vshll.u32 v14, $0x3;
	v14 =	vadd.s32 v0, v4;
	[tilespmem:s2+$0xFFFFFF30] =	vst v7;
	s2 =	simm.s32 @!p2 $0x4;
	s30 =	sadd.s32 s8, s0;
	v11 =	vor.u32 v5, v10  }
0xd3: {  	v7 =	vshll.u32 v16, $0x3;
	v5 =	vand.u32 $0xC00, v9;
	[hbm4b:s30+s5] =	stream.linear.scatter [tilespmem:s28], [sflag:$0x3], $0x4000, $0x38;
	v16 =	vadd.s32 v0, v11;
	[tilespmem:$0x1D000] =	vst v63  }
0xd4: {  	v10 =	vor.u32 v12, v5;
	v5 =	vand.u32 $0xC00, v6;
	v6 =	vand.u32 $0xC00, v7;
	_ =	swait.ge @!p2 [sflag:s2], $0x4000  }
0xd5: {  	v7 =	vand.u32 $0xC00, v15;
	v12 =	vadd.s32 v0, v10;
	v9 =	vor.u32 v19, v5;
	[sflag:s2] =	ssyncset.done @!p2 $0x0  }
0xd6: {  	v5 =	vand.u32 $0xC00, v13;
	v6 =	vor.u32 v21, v6;
	v13 =	vadd.s32 v0, v9;
	[sflag:s2] =	ssyncadd.s32 @!p2 $0xFFFFC000  }
0xd7: {  	v7 =	vor.u32 v22, v7;
	v15 =	vadd.s32 v0, v6;
	v14 =	vld.idx.msk [tilespmem:v14+s5+$0x0], $0xffff  }
0xd8: {  	v5 =	vor.u32 v20, v5;
	v21 =	vadd.s32 v0, v7;
	v20 =	vld.idx.msk [tilespmem:v17+s5+$0x0], $0xffff  }
0xd9: {  	v18 =	vadd.s32 v0, v5;
	v19 =	vld.idx.msk [tilespmem:v16+s5+$0x0], $0xffff  }
0xda: {  	v22 =	vadd.s32 v1, v11;
	v60 =	vld.idx.msk [tilespmem:v12+s5+$0x0], $0xffff  }
0xdb: {  	v61 =	vadd.s32 v1, v4;
	v62 =	vld.idx.msk [tilespmem:v13+s5+$0x0], $0xffff  }
0xdc: {  	v13 =	vadd.s32 v1, v8;
	v16 =	vld.idx.msk [tilespmem:v15+s5+$0x0], $0xffff  }
0xdd: {  	s3 =	simm.s32 $0x18100;
	v63 =	vadd.s32 v1, v10;
	v12 =	vld.idx.msk [tilespmem:v21+s5+$0x0], $0xffff  }
0xde: {  	v23 =	vadd.s32 v1, v9;
	v17 =	vld.idx.msk [tilespmem:v18+s5+$0x0], $0xffff;
	[tilespmem:s3+$0xC0] =	vst v19  }
0xdf: {  	[tilespmem:s3+$0xFFFFFF00] =	vst v14;
	v18 =	vld.idx.msk [tilespmem:v22+s5+$0x0], $0xffff;
	v22 =	vadd.s32 v1, v5  }
0xe0: {  	[tilespmem:s3+$0xFFFFFF40] =	vst v20;
	v20 =	vadd.s32 v1, v6;
	v15 =	vld.idx.msk [tilespmem:v61+s5+$0x0], $0xffff  }
0xe1: {  	v21 =	vadd.s32 v2, v11;
	[tilespmem:s3+$0xFFFFFF80] =	vst v60;
	v14 =	vld.idx.msk [tilespmem:v13+s5+$0x0], $0xffff  }
0xe2: {  	s2 =	simm.s32 $0x0;
	v19 =	vadd.s32 v1, v7;
	v13 =	vld.idx.msk [tilespmem:v63+s5+$0x0], $0xffff;
	[tilespmem:s3+$0xFFFFFFC0] =	vst v62  }
.LBB2_5:
0xe3: {  	s4 =	sadd.s32 $0x108, s2;
	v24 =	vadd.s32 v2, v4;
	v23 =	vld.idx.msk [tilespmem:v23+s5+$0x0], $0xffff;
	[tilespmem:s3+$0x0] =	vst v17  }
0xe4: {  	s6 =	sadd.s32 $0x10A, s2;
	v25 =	vadd.s32 v2, v8;
	v17 =	vmov s4;
	s4 =	sadd.s32 $0x109, s2;
	v22 =	vld.idx.msk [tilespmem:v22+s5+$0x0], $0xffff;
	[tilespmem:s3+$0x40] =	vst v16  }
0xe5: {  	v27 =	vadd.s32 v2, v10;
	v26 =	vmov s6;
	s6 =	sadd.s32 $0x10C, s2;
	v16 =	vmov s4;
	s4 =	sadd.s32 $0x10B, s2;
	v20 =	vld.idx.msk [tilespmem:v20+s5+$0x0], $0xffff;
	[tilespmem:s3+$0xD0] =	vst v18  }
0xe6: {  	v29 =	vadd.s32 v2, v9;
	v28 =	vmov s6;
	s6 =	sadd.s32 $0x10E, s2;
	v18 =	vmov s4;
	s4 =	sadd.s32 $0x10D, s2;
	[tilespmem:s3+$0x80] =	vst v12;
	v12 =	vld.idx.msk [tilespmem:v21+s5+$0x0], $0xffff  }
0xe7: {  	v30 =	vmov s6;
	v21 =	vmov s4;
	[tilespmem:s3+$0xFFFFFF10] =	vst v15;
	v15 =	vadd.s32 v2, v5;
	v19 =	vld.idx.msk [tilespmem:v19+s5+$0x0], $0xffff  }
0xe8: {  	v11 =	vadd.s32 v3, v11;
	v31 =	vand.u32 $0x78, v17;
	v32 =	vand.u32 $0x79, v16;
	v24 =	vld.idx.msk [tilespmem:v24+s5+$0x0], $0xffff;
	[tilespmem:s3+$0xFFFFFF50] =	vst v14  }
0xe9: {  	v33 =	vand.u32 $0x7B, v18;
	v14 =	vand.u32 $0x7A, v26;
	v25 =	vld.idx.msk [tilespmem:v25+s5+$0x0], $0xffff;
	[tilespmem:s3+$0xFFFFFF90] =	vst v13;
	v13 =	vadd.s32 v2, v6  }
0xea: {  	v34 =	vand.u32 $0x7C, v28;
	v35 =	vand.u32 $0x7D, v21;
	v27 =	vld.idx.msk [tilespmem:v27+s5+$0x0], $0xffff;
	[tilespmem:s3+$0xFFFFFFD0] =	vst v23;
	v23 =	vadd.s32 v2, v7  }
0xeb: {  	v37 =	vadd.s32 v3, v4;
	v17 =	vshll.u32 v17, $0x3;
	v36 =	vand.u32 $0x7E, v30;
	v29 =	vld.idx.msk [tilespmem:v29+s5+$0x0], $0xffff;
	[tilespmem:s3+$0x10] =	vst v22  }
0xec: {  	v8 =	vadd.s32 v3, v8;
	v16 =	vshll.u32 v16, $0x3;
	v22 =	vshll.u32 v26, $0x3;
	v15 =	vld.idx.msk [tilespmem:v15+s5+$0x0], $0xffff;
	[tilespmem:s3+$0xE0] =	vst v12  }
0xed: {  	v10 =	vadd.s32 v3, v10;
	v4 =	vand.u32 $0xC00, v17;
	v12 =	vshll.u32 v18, $0x3;
	[tilespmem:s3+$0x50] =	vst v20;
	v17 =	vld.idx.msk [tilespmem:v11+s5+$0x0], $0xffff  }
0xee: {  	v9 =	vadd.s32 v3, v9;
	v4 =	vor.u32 v31, v4;
	s4 =	sadd.s32 $0x10F, s2;
	s2 =	sadd.s32 $0x8, s2;
	v18 =	vshll.u32 v28, $0x3;
	v13 =	vld.idx.msk [tilespmem:v13+s5+$0x0], $0xffff;
	[tilespmem:s3+$0x90] =	vst v19  }
0xef: {  	p2 =	slt.u32 s2, $0xF8;
	v20 =	vshll.u32 v21, $0x3;
	v11 =	vmov s4;
	v19 =	vadd.s32 v0, v4;
	[tilespmem:s3+$0xFFFFFF20] =	vst v24;
	v21 =	vld.idx.msk [tilespmem:v23+s5+$0x0], $0xffff  }
0xf0: {  	v5 =	vadd.s32 v3, v5;
	v23 =	vshll.u32 v30, $0x3;
	v24 =	vshll.u32 v11, $0x3;
	v26 =	vld.idx.msk [tilespmem:v37+s5+$0x0], $0xffff;
	[tilespmem:s3+$0xFFFFFF60] =	vst v25  }
0xf1: {  	v6 =	vadd.s32 v3, v6;
	v11 =	vand.u32 $0x7F, v11;
	v24 =	vand.u32 $0xC00, v24;
	v25 =	vld.idx.msk [tilespmem:v8+s5+$0x0], $0xffff;
	[tilespmem:s3+$0xFFFFFFA0] =	vst v27  }
0xf2: {  	v7 =	vadd.s32 v3, v7;
	v8 =	vand.u32 $0xC00, v16;
	v11 =	vor.u32 v11, v24;
	v16 =	vld.idx.msk [tilespmem:v10+s5+$0x0], $0xffff;
	[tilespmem:s3+$0xFFFFFFE0] =	vst v29  }
0xf3: {  	v8 =	vor.u32 v32, v8;
	v10 =	vand.u32 $0xC00, v22;
	v22 =	vadd.s32 v0, v11;
	v24 =	vld.idx.msk [tilespmem:v9+s5+$0x0], $0xffff;
	[tilespmem:s3+$0xF0] =	vst v17  }
0xf4: {  	v17 =	vadd.s32 v0, v8;
	v10 =	vor.u32 v14, v10;
	v9 =	vand.u32 $0xC00, v12;
	v19 =	vld.idx.msk [tilespmem:v19+s5+$0x0], $0xffff;
	[tilespmem:s3+$0x20] =	vst v15  }
0xf5: {  	v14 =	vand.u32 $0xC00, v18;
	v12 =	vadd.s32 v0, v10;
	v9 =	vor.u32 v33, v9;
	v15 =	vld.idx.msk [tilespmem:v5+s5+$0x0], $0xffff;
	[tilespmem:s3+$0x60] =	vst v13  }
0xf6: {  	v13 =	vadd.s32 v0, v9;
	v5 =	vor.u32 v34, v14;
	v14 =	vand.u32 $0xC00, v20;
	v18 =	vld.idx.msk [tilespmem:v6+s5+$0x0], $0xffff;
	[tilespmem:s3+$0xA0] =	vst v21  }
0xf7: {  	v20 =	vadd.s32 v0, v5;
	v6 =	vor.u32 v35, v14;
	v14 =	vand.u32 $0xC00, v23;
	[tilespmem:s3+$0xFFFFFF30] =	vst v26;
	v21 =	vld.idx.msk [tilespmem:v7+s5+$0x0], $0xffff  }
0xf8: {  	v23 =	vadd.s32 v0, v6;
	v7 =	vor.u32 v36, v14;
	v14 =	vld.idx.msk [tilespmem:v22+s5+$0x0], $0xffff;
	[tilespmem:s3+$0xFFFFFF70] =	vst v25  }
0xf9: {  	v22 =	vadd.s32 v0, v7;
	v25 =	vld.idx.msk [tilespmem:v17+s5+$0x0], $0xffff;
	[tilespmem:s3+$0xFFFFFFB0] =	vst v16  }
0xfa: {  	v27 =	vadd.s32 v1, v11;
	v26 =	vld.idx.msk [tilespmem:v12+s5+$0x0], $0xffff;
	[tilespmem:s3+$0xFFFFFFF0] =	vst v24  }
0xfb: {  	v24 =	vadd.s32 v1, v4;
	v28 =	vld.idx.msk [tilespmem:v13+s5+$0x0], $0xffff;
	[tilespmem:s3+$0x30] =	vst v15  }
0xfc: {  	v13 =	vadd.s32 v1, v8;
	v17 =	vld.idx.msk [tilespmem:v20+s5+$0x0], $0xffff;
	[tilespmem:s3+$0x70] =	vst v18  }
0xfd: {  	v29 =	vadd.s32 v1, v10;
	v16 =	vld.idx.msk [tilespmem:v23+s5+$0x0], $0xffff;
	[tilespmem:s3+$0xB0] =	vst v21;
	s3 =	sadd.s32 $0x200, s3  }
.Ltmp3:
0xfe: {  	v23 =	vadd.s32 v1, v9;
	v12 =	vld.idx.msk [tilespmem:v22+s5+$0x0], $0xffff;
	[tilespmem:s3+$0xC0] =	vst v14;
	(pc) =	sbr.rel @p2 .LBB2_5-.Ltmp3, $4  }
0xff: {  	v22 =	vadd.s32 v1, v5;
	[tilespmem:s3+$0xFFFFFF00] =	vst v19;
	v18 =	vld.idx.msk [tilespmem:v27+s5+$0x0], $0xffff  }
0x100: {  	v20 =	vadd.s32 v1, v6;
	v15 =	vld.idx.msk [tilespmem:v24+s5+$0x0], $0xffff;
	[tilespmem:s3+$0xFFFFFF40] =	vst v25  }
0x101: {  	v21 =	vadd.s32 v2, v11;
	v14 =	vld.idx.msk [tilespmem:v13+s5+$0x0], $0xffff;
	[tilespmem:s3+$0xFFFFFF80] =	vst v26  }
0x102: {  	v19 =	vadd.s32 v1, v7;
	v13 =	vld.idx.msk [tilespmem:v29+s5+$0x0], $0xffff;
	[tilespmem:s3+$0xFFFFFFC0] =	vst v28  }
0x103: {  	_ =	sdelay $0x1  }
0x104: {  	[tilespmem:s3+$0x0] =	vst v17  }
0x105: {  	[tilespmem:s3+$0x40] =	vst v16  }
0x106: {  	v16 =	vadd.s32 v2, v4;
	v17 =	vld.idx.msk [tilespmem:v23+s5+$0x0], $0xffff;
	[tilespmem:s3+$0x80] =	vst v12  }
0x107: {  	v12 =	vadd.s32 v2, v10;
	[tilespmem:s3+$0xD0] =	vst v18;
	v22 =	vld.idx.msk [tilespmem:v22+s5+$0x0], $0xffff  }
0x108: {  	v18 =	vadd.s32 v2, v8;
	v21 =	vld.idx.msk [tilespmem:v21+s5+$0x0], $0xffff;
	[tilespmem:s3+$0xFFFFFF10] =	vst v15  }
0x109: {  	v15 =	vld.idx.msk [tilespmem:v20+s5+$0x0], $0xffff;
	v20 =	vadd.s32 v2, v9;
	[tilespmem:s3+$0xFFFFFF50] =	vst v14  }
0x10a: {  	v11 =	vadd.s32 v3, v11;
	v14 =	vld.idx.msk [tilespmem:v19+s5+$0x0], $0xffff;
	[tilespmem:s3+$0xFFFFFF90] =	vst v13  }
0x10b: {  	v13 =	vadd.s32 v2, v5;
	v16 =	vld.idx.msk [tilespmem:v16+s5+$0x0], $0xffff;
	[tilespmem:s3+$0xFFFFFFD0] =	vst v17  }
0x10c: {  	v19 =	vadd.s32 v2, v7;
	v12 =	vld.idx.msk [tilespmem:v12+s5+$0x0], $0xffff;
	[tilespmem:s3+$0x10] =	vst v22  }
0x10d: {  	v17 =	vld.idx.msk [tilespmem:v18+s5+$0x0], $0xffff;
	v18 =	vadd.s32 v2, v6;
	[tilespmem:s3+$0xE0] =	vst v21  }
0x10e: {  	v4 =	vadd.s32 v3, v4;
	v20 =	vld.idx.msk [tilespmem:v20+s5+$0x0], $0xffff;
	[tilespmem:s3+$0x50] =	vst v15  }
0x10f: {  	v10 =	vadd.s32 v3, v10;
	v11 =	vld.idx.msk [tilespmem:v11+s5+$0x0], $0xffff;
	[tilespmem:s3+$0x90] =	vst v14  }
0x110: {  	v8 =	vadd.s32 v3, v8;
	v13 =	vld.idx.msk [tilespmem:v13+s5+$0x0], $0xffff;
	[tilespmem:s3+$0xFFFFFF20] =	vst v16  }
0x111: {  	v9 =	vadd.s32 v3, v9;
	v15 =	vld.idx.msk [tilespmem:v19+s5+$0x0], $0xffff;
	[tilespmem:s3+$0xFFFFFFA0] =	vst v12  }
0x112: {  	v5 =	vadd.s32 v3, v5;
	v14 =	vld.idx.msk [tilespmem:v18+s5+$0x0], $0xffff;
	[tilespmem:s3+$0xFFFFFF60] =	vst v17  }
0x113: {  	v7 =	vadd.s32 v3, v7;
	v4 =	vld.idx.msk [tilespmem:v4+s5+$0x0], $0xffff;
	[tilespmem:s3+$0xFFFFFFE0] =	vst v20  }
0x114: {  	v6 =	vadd.s32 v3, v6;
	v10 =	vld.idx.msk [tilespmem:v10+s5+$0x0], $0xffff;
	[tilespmem:s3+$0xF0] =	vst v11  }
0x115: {  	v8 =	vld.idx.msk [tilespmem:v8+s5+$0x0], $0xffff;
	[tilespmem:s3+$0x20] =	vst v13  }
0x116: {  	v9 =	vld.idx.msk [tilespmem:v9+s5+$0x0], $0xffff;
	[tilespmem:s3+$0xA0] =	vst v15  }
0x117: {  	v5 =	vld.idx.msk [tilespmem:v5+s5+$0x0], $0xffff;
	[tilespmem:s3+$0x60] =	vst v14  }
0x118: {  	[tilespmem:s3+$0xFFFFFF30] =	vst v4;
	v4 =	vld.idx.msk [tilespmem:v7+s5+$0x0], $0xffff  }
0x119: {  	[tilespmem:s3+$0xFFFFFFB0] =	vst v10;
	v6 =	vld.idx.msk [tilespmem:v6+s5+$0x0], $0xffff  }
0x11a: {  	[tilespmem:s3+$0xFFFFFF70] =	vst v8  }
0x11b: {  	[tilespmem:s3+$0xFFFFFFF0] =	vst v9  }
0x11c: {  	[tilespmem:s3+$0x30] =	vst v5  }
0x11d: {  	[tilespmem:s3+$0xB0] =	vst v4  }
0x11e: {  	s0 =	sadd.s32 s0, s16;
	s2 =	simm.s32 $0x0;
	s29 =	simm.s32 $0x18000;
	[tilespmem:s3+$0x70] =	vst v6  }
0x11f: {  	[hbm4b:s0+s2] =	stream.linear.scatter [tilespmem:s29], [sflag:$0x4], $0x4000, $0x38;
	[tilespmem:$0x1D000] =	vst v63  }
0x120: {  	s24 =	rddreg [dreg:$0xd]  }
0x121: {  	s0 =	sadd.s32 s24, s19  }
0x122: {  	s0 =	sshrl.u32 s0, $0x3  }
0x123: {  	s0 =	sadd.s32 s11, s0  }
0x124: {  	[tilespmem:s2], [sflag:$0x1] =	stream.linear.gather [hbm4b:s0+s2], $0x1000, $0x38;
	[tilespmem:$0x1D000] =	vst v63  }
0x125: {  	s4 =	simm.s32 $0x1400;
	s25 =	sadd.s32 $0xF4280, s0  }
0x126: {  	[tilespmem:s4], [sflag:$0x1] =	stream.linear.gather [hbm4b:s25+s2], $0x1000, $0x38;
	[tilespmem:$0x1D000] =	vst v63  }
0x127: {  	s30 =	simm.s32 $0x2800;
	s26 =	sadd.s32 $0x1E8500, s0  }
0x128: {  	[tilespmem:s30], [sflag:$0x1] =	stream.linear.gather [hbm4b:s26+s2], $0x1000, $0x38;
	[tilespmem:$0x1D000] =	vst v63  }
0x129: {  	s7 =	simm.s32 $0x3C00;
	s6 =	sadd.s32 $0x2DC780, s0  }
0x12a: {  	[tilespmem:s7], [sflag:$0x1] =	stream.linear.gather [hbm4b:s6+s2], $0x1000, $0x38;
	[tilespmem:$0x1D000] =	vst v63  }
0x12b: {  	s12 =	simm.s32 $0x5000;
	s9 =	sadd.s32 $0x3D0A00, s0  }
0x12c: {  	[tilespmem:s12], [sflag:$0x1] =	stream.linear.gather [hbm4b:s9+s2], $0x1000, $0x38;
	[tilespmem:$0x1D000] =	vst v63  }
0x12d: {  	s19 =	simm.s32 $0x6400;
	s15 =	sadd.s32 $0x4C4C80, s0  }
0x12e: {  	[tilespmem:s19], [sflag:$0x1] =	stream.linear.gather [hbm4b:s15+s2], $0x1000, $0x38;
	[tilespmem:$0x1D000] =	vst v63  }
0x12f: {  	s21 =	simm.s32 $0x7800;
	s20 =	sadd.s32 $0x5B8F00, s0  }
0x130: {  	[tilespmem:s21], [sflag:$0x1] =	stream.linear.gather [hbm4b:s20+s2], $0x1000, $0x38;
	[tilespmem:$0x1D000] =	vst v63  }
0x131: {  	s23 =	simm.s32 $0x8C00;
	s0 =	sadd.s32 $0x6AD180, s0  }
0x132: {  	[tilespmem:s23], [sflag:$0x1] =	stream.linear.gather [hbm4b:s0+s2], $0x1000, $0x38;
	[tilespmem:$0x1D000] =	vst v63  }
0x133: {  	_ =	swait.ge [sflag:s13], $0x1000  }
0x134: {  	[sflag:s13] =	ssyncset.done $0x0  }
0x135: {  	[sflag:s13] =	ssyncadd.s32 $0xFFFFF000  }
0x136: {  	_ =	swait.ge [sflag:s13], $0x1000  }
0x137: {  	[sflag:s13] =	ssyncset.done $0x0  }
0x138: {  	[sflag:s13] =	ssyncadd.s32 $0xFFFFF000  }
0x139: {  	_ =	swait.ge [sflag:s13], $0x1000  }
0x13a: {  	[sflag:s13] =	ssyncset.done $0x0  }
0x13b: {  	[sflag:s13] =	ssyncadd.s32 $0xFFFFF000  }
0x13c: {  	_ =	swait.ge [sflag:s13], $0x1000  }
0x13d: {  	[sflag:s13] =	ssyncset.done $0x0  }
0x13e: {  	v4 =	vmov s2;
	[sflag:s13] =	ssyncadd.s32 $0xFFFFF000  }
0x13f: {  	v5 =	vand.u32 $0x78, v4;
	v4 =	vshll.u32 v4, $0x3;
	_ =	swait.ge [sflag:s13], $0x1000  }
0x140: {  	v4 =	vand.u32 $0x400, v4;
	s24 =	simm.s32 $0x1;
	[sflag:s13] =	ssyncset.done $0x0  }
0x141: {  	s3 =	simm.s32 $0x7;
	v4 =	vor.u32 v5, v4;
	v6 =	vmov s24;
	[sflag:s13] =	ssyncadd.s32 $0xFFFFF000  }
0x142: {  	v5 =	vmov s3;
	v12 =	vand.u32 $0x79, v6;
	v6 =	vshll.u32 v6, $0x3;
	_ =	swait.ge [sflag:s13], $0x1000  }
0x143: {  	v18 =	vadd.s32 v0, v4;
	v19 =	vshll.u32 v5, $0x3;
	v6 =	vand.u32 $0x400, v6;
	[sflag:s13] =	ssyncset.done $0x0  }
0x144: {  	v5 =	vand.u32 $0x7F, v5;
	v19 =	vand.u32 $0x400, v19;
	v12 =	vor.u32 v12, v6;
	s25 =	simm.s32 $0x2;
	[sflag:s13] =	ssyncadd.s32 $0xFFFFF000  }
0x145: {  	v20 =	vor.u32 v5, v19;
	v19 =	vadd.s32 v0, v12;
	v7 =	vmov s25;
	s26 =	simm.s32 $0x3;
	_ =	swait.ge [sflag:s13], $0x1000  }
0x146: {  	s30 =	simm.s32 $0x4;
	v13 =	vand.u32 $0x7A, v7;
	v7 =	vshll.u32 v7, $0x3;
	v8 =	vmov s26;
	[sflag:s13] =	ssyncset.done $0x0  }
0x147: {  	v9 =	vmov s30;
	v5 =	vand.u32 $0x400, v7;
	v7 =	vadd.s32 v0, v20;
	[sflag:s13] =	ssyncadd.s32 $0xFFFFF000  }
0x148: {  	s6 =	simm.s32 $0x5;
	v14 =	vand.u32 $0x7B, v8;
	v15 =	vand.u32 $0x7C, v9;
	v8 =	vshll.u32 v8, $0x3;
	_ =	swait.ge [sflag:s13], $0x1000  }
0x149: {  	s7 =	simm.s32 $0x6;
	v9 =	vshll.u32 v9, $0x3;
	v13 =	vor.u32 v13, v5;
	v10 =	vmov s6;
	[sflag:s13] =	ssyncset.done $0x0  }
0x14a: {  	v11 =	vmov s7;
	v5 =	vand.u32 $0x400, v8;
	v8 =	vadd.s32 v0, v13;
	[sflag:s13] =	ssyncadd.s32 $0xFFFFF000  }
0x14b: {  	v16 =	vand.u32 $0x7D, v10;
	v17 =	vand.u32 $0x7E, v11;
	v10 =	vshll.u32 v10, $0x3;
	_ =	swait.ge [sflag:s14], $0x4000  }
0x14c: {  	v11 =	vshll.u32 v11, $0x3;
	v25 =	vor.u32 v14, v5;
	v5 =	vand.u32 $0x400, v9;
	[sflag:s14] =	ssyncset.done $0x0  }
0x14d: {  	v9 =	vadd.s32 v0, v25;
	v31 =	vor.u32 v15, v5;
	v5 =	vand.u32 $0x400, v10;
	[sflag:s14] =	ssyncadd.s32 $0xFFFFC000  }
0x14e: {  	v14 =	vadd.s32 v0, v31;
	v6 =	vor.u32 v16, v5;
	v5 =	vand.u32 $0x400, v11;
	v10 =	vld.idx.msk [tilespmem:v18+s31+$0x0], $0xffff  }
0x14f: {  	v11 =	vadd.s32 v0, v6;
	v5 =	vor.u32 v17, v5;
	v7 =	vld.idx.msk [tilespmem:v7+s31+$0x0], $0xffff  }
0x150: {  	v16 =	vadd.s32 v0, v5;
	v15 =	vld.idx.msk [tilespmem:v19+s31+$0x0], $0xffff  }
0x151: {  	v17 =	vadd.s32 v1, v20;
	v8 =	vld.idx.msk [tilespmem:v8+s31+$0x0], $0xffff  }
0x152: {  	v18 =	vadd.s32 v1, v12;
	v9 =	vld.idx.msk [tilespmem:v9+s31+$0x0], $0xffff  }
0x153: {  	v19 =	vadd.s32 v1, v13;
	v14 =	vld.idx.msk [tilespmem:v14+s31+$0x0], $0xffff  }
0x154: {  	s3 =	simm.s32 $0x14100;
	v21 =	vadd.s32 v1, v25;
	v11 =	vld.idx.msk [tilespmem:v11+s31+$0x0], $0xffff  }
0x155: {  	v22 =	vadd.s32 v1, v31;
	v16 =	vld.idx.msk [tilespmem:v16+s31+$0x0], $0xffff;
	[tilespmem:s3+$0xC0] =	vst v7  }
0x156: {  	[tilespmem:s3+$0xFFFFFF40] =	vst v15;
	v7 =	vadd.s32 v1, v6;
	v15 =	vld.idx.msk [tilespmem:v17+s31+$0x0], $0xffff  }
0x157: {  	[tilespmem:s3+$0xFFFFFF80] =	vst v8;
	v8 =	vadd.s32 v1, v5;
	v17 =	vld.idx.msk [tilespmem:v18+s31+$0x0], $0xffff  }
0x158: {  	[tilespmem:s3+$0xFFFFFFC0] =	vst v9;
	v18 =	vld.idx.msk [tilespmem:v19+s31+$0x0], $0xffff;
	v19 =	vadd.s32 v1, v4  }
0x159: {  	v9 =	vadd.s32 v2, v20;
	[tilespmem:s3+$0x0] =	vst v14;
	v23 =	vld.idx.msk [tilespmem:v21+s31+$0x0], $0xffff  }
0x15a: {  	v14 =	vadd.s32 v2, v12;
	[tilespmem:s3+$0x40] =	vst v11;
	v24 =	vld.idx.msk [tilespmem:v22+s31+$0x0], $0xffff  }
0x15b: {  	v27 =	vadd.s32 v2, v4;
	v26 =	vadd.s32 v2, v13;
	s7 =	simm.s32 $0x9;
	s9 =	simm.s32 $0xC;
	s0 =	simm.s32 $0x1C0;
	[tilespmem:s3+$0x80] =	vst v16;
	v7 =	vld.idx.msk [tilespmem:v7+s31+$0x0], $0xffff  }
0x15c: {  	v38 =	vadd.s32 v3, v20;
	v29 =	vmov s7;
	v28 =	vadd.s32 v2, v25;
	s15 =	simm.s32 $0xA;
	s19 =	simm.s32 $0x40;
	s6 =	sor.u32 $0x50, s0;
	[tilespmem:s3+$0xFFFFFF00] =	vst v10;
	v33 =	vld.idx.msk [tilespmem:v8+s31+$0x0], $0xffff  }
0x15d: {  	s4 =	simm.s32 $0x8;
	v35 =	vmov s9;
	s12 =	sor.u32 $0x50, s19;
	v30 =	vmov s15;
	v10 =	vadd.s32 v2, v31;
	[tilespmem:s6+$0x14000] =	vst v15;
	v36 =	vld.idx.msk [tilespmem:v19+s31+$0x0], $0xffff  }
0x15e: {  	s15 =	simm.s32 $0xC0;
	v37 =	vadd.s32 v2, v6;
	s20 =	simm.s32 $0xB;
	v40 =	vadd.s32 v2, v5;
	v11 =	vmov s4;
	[tilespmem:s12+$0x14000] =	vst v17;
	v9 =	vld.idx.msk [tilespmem:v9+s31+$0x0], $0xffff  }
0x15f: {  	s21 =	simm.s32 $0xD;
	s24 =	sor.u32 $0x50, s15;
	v34 =	vmov s20;
	v32 =	vand.u32 $0x78, v11;
	v11 =	vshll.u32 v11, $0x3;
	[tilespmem:s3+$0xFFFFFF90] =	vst v18;
	v21 =	vld.idx.msk [tilespmem:v14+s31+$0x0], $0xffff  }
0x160: {  	s25 =	simm.s32 $0x140;
	s23 =	simm.s32 $0xE;
	v31 =	vadd.s32 v3, v31;
	v22 =	vmov s21;
	v39 =	vand.u32 $0x400, v11;
	[tilespmem:s24+$0x14000] =	vst v23;
	v16 =	vld.idx.msk [tilespmem:v26+s31+$0x0], $0xffff  }
0x161: {  	s26 =	sor.u32 $0x50, s25;
	v8 =	vand.u32 $0x7D, v22;
	v19 =	vmov s23;
	v18 =	vand.u32 $0x79, v29;
	[tilespmem:s3+$0x10] =	vst v24;
	v23 =	vld.idx.msk [tilespmem:v28+s31+$0x0], $0xffff  }
0x162: {  	v17 =	vand.u32 $0x7A, v30;
	v15 =	vand.u32 $0x7B, v34;
	v28 =	vadd.s32 v3, v12;
	v11 =	vld.idx.msk [tilespmem:v10+s31+$0x0], $0xffff;
	[tilespmem:s26+$0x14000] =	vst v7  }
0x163: {  	s9 =	sor.u32 $0x60, s25;
	s7 =	sor.u32 $0x70, s19;
	s30 =	sor.u32 $0x60, s0;
	v24 =	vshll.u32 v34, $0x3;
	v26 =	vshll.u32 v29, $0x3;
	v29 =	vadd.s32 v3, v13;
	[tilespmem:s3+$0x90] =	vst v33;
	v20 =	vld.idx.msk [tilespmem:v37+s31+$0x0], $0xffff  }
0x164: {  	s20 =	sor.u32 $0x60, s15;
	s2 =	simm.s32 $0x10;
	s21 =	sor.u32 $0x60, s19;
	v14 =	vand.u32 $0x7C, v35;
	v13 =	vshll.u32 v30, $0x3;
	v30 =	vadd.s32 v3, v25;
	[tilespmem:s30+$0x14000] =	vst v9;
	v9 =	vld.idx.msk [tilespmem:v40+s31+$0x0], $0xffff  }
0x165: {  	s19 =	sor.u32 $0x70, s15;
	s6 =	sor.u32 $0x70, s25;
	s23 =	simm.s32 $0xF;
	v10 =	vand.u32 $0x7E, v19;
	v25 =	vshll.u32 v35, $0x3;
	v7 =	vor.u32 v32, v39;
	[tilespmem:s3+$0xFFFFFF10] =	vst v36;
	v12 =	vld.idx.msk [tilespmem:v38+s31+$0x0], $0xffff  }
.LBB2_7:
0x166: {  	p2 =	slt.u32 s2, $0xF8;
	v32 =	vadd.s32 v0, v7;
	v22 =	vshll.u32 v22, $0x3;
	v33 =	vmov s23;
	v27 =	vld.idx.msk [tilespmem:v27+s31+$0x0], $0xffff;
	[tilespmem:s21+$0x14000] =	vst v21  }
0x167: {  	v19 =	vshll.u32 v19, $0x3;
	v6 =	vadd.s32 v3, v6;
	v21 =	vshll.u32 v33, $0x3;
	v28 =	vld.idx.msk [tilespmem:v28+s31+$0x0], $0xffff;
	[tilespmem:s3+$0xFFFFFFA0] =	vst v16  }
0x168: {  	v5 =	vadd.s32 v3, v5;
	v16 =	vand.u32 $0x7F, v33;
	v21 =	vand.u32 $0x400, v21;
	v29 =	vld.idx.msk [tilespmem:v29+s31+$0x0], $0xffff;
	[tilespmem:s20+$0x14000] =	vst v23  }
0x169: {  	v4 =	vadd.s32 v3, v4;
	s4 =	sor.u32 $0x70, s0;
	v23 =	vand.u32 $0x400, v26;
	v16 =	vor.u32 v16, v21;
	v21 =	vld.idx.msk [tilespmem:v30+s31+$0x0], $0xffff;
	[tilespmem:s3+$0x20] =	vst v11  }
0x16a: {  	v13 =	vand.u32 $0x400, v13;
	v11 =	vor.u32 v18, v23;
	v18 =	vadd.s32 v0, v16;
	v23 =	vld.idx.msk [tilespmem:v31+s31+$0x0], $0xffff;
	[tilespmem:s4+$0x14000] =	vst v12  }
0x16b: {  	v13 =	vor.u32 v17, v13;
	v30 =	vadd.s32 v0, v11;
	v12 =	vand.u32 $0x400, v24;
	v26 =	vld.idx.msk [tilespmem:v32+s31+$0x0], $0xffff;
	[tilespmem:s9+$0x14000] =	vst v20  }
0x16c: {  	v17 =	vadd.s32 v0, v13;
	v12 =	vor.u32 v15, v12;
	v15 =	vand.u32 $0x400, v25;
	v20 =	vld.idx.msk [tilespmem:v6+s31+$0x0], $0xffff;
	[tilespmem:s3+$0xA0] =	vst v9  }
0x16d: {  	v24 =	vadd.s32 v0, v12;
	v9 =	vor.u32 v14, v15;
	v6 =	vand.u32 $0x400, v22;
	[tilespmem:s3+$0xFFFFFF20] =	vst v27;
	v14 =	vld.idx.msk [tilespmem:v5+s31+$0x0], $0xffff  }
0x16e: {  	v15 =	vadd.s32 v0, v9;
	v6 =	vor.u32 v8, v6;
	v5 =	vand.u32 $0x400, v19;
	v8 =	vld.idx.msk [tilespmem:v4+s31+$0x0], $0xffff;
	[tilespmem:s7+$0x14000] =	vst v28  }
0x16f: {  	v19 =	vadd.s32 v0, v6;
	v5 =	vor.u32 v10, v5;
	v4 =	vmov v7;
	v10 =	vld.idx.msk [tilespmem:v18+s31+$0x0], $0xffff;
	[tilespmem:s3+$0xFFFFFFB0] =	vst v29  }
0x170: {  	v18 =	vadd.s32 v0, v5;
	v7 =	vld.idx.msk [tilespmem:v30+s31+$0x0], $0xffff;
	[tilespmem:s19+$0x14000] =	vst v21  }
0x171: {  	v21 =	vadd.s32 v1, v16;
	v17 =	vld.idx.msk [tilespmem:v17+s31+$0x0], $0xffff;
	[tilespmem:s3+$0x30] =	vst v23  }
0x172: {  	v22 =	vadd.s32 v1, v11;
	v23 =	vld.idx.msk [tilespmem:v24+s31+$0x0], $0xffff;
	[tilespmem:s6+$0x14000] =	vst v20  }
0x173: {  	v20 =	vadd.s32 v1, v13;
	v15 =	vld.idx.msk [tilespmem:v15+s31+$0x0], $0xffff;
	[tilespmem:s3+$0xB0] =	vst v14  }
0x174: {  	v14 =	vadd.s32 v1, v12;
	v19 =	vld.idx.msk [tilespmem:v19+s31+$0x0], $0xffff;
	[tilespmem:s3+$0xFFFFFF30] =	vst v8;
	s3 =	sadd.s32 $0x200, s3  }
0x175: {  	v8 =	vadd.s32 v1, v9;
	v18 =	vld.idx.msk [tilespmem:v18+s31+$0x0], $0xffff;
	[tilespmem:s3+$0xC0] =	vst v10  }
0x176: {  	[tilespmem:s3+$0xFFFFFF40] =	vst v7;
	v7 =	vadd.s32 v1, v6;
	v10 =	vld.idx.msk [tilespmem:v21+s31+$0x0], $0xffff  }
0x177: {  	v21 =	vld.idx.msk [tilespmem:v22+s31+$0x0], $0xffff;
	[tilespmem:s3+$0xFFFFFF80] =	vst v17;
	v17 =	vadd.s32 v1, v5  }
0x178: {  	s4 =	sadd.s32 $0x1, s2;
	v22 =	vadd.s32 v2, v16;
	v20 =	vld.idx.msk [tilespmem:v20+s31+$0x0], $0xffff;
	[tilespmem:s3+$0xFFFFFFC0] =	vst v23  }
0x179: {  	s9 =	sadd.s32 $0x4, s2;
	s7 =	sadd.s32 $0x3, s2;
	s6 =	sadd.s32 $0x2, s2;
	v23 =	vadd.s32 v1, v4;
	v14 =	vld.idx.msk [tilespmem:v14+s31+$0x0], $0xffff;
	[tilespmem:s3+$0x0] =	vst v15  }
0x17a: {  	s12 =	sadd.s32 $0x5, s2;
	s15 =	sadd.s32 $0x6, s2;
	s0 =	sadd.s32 $0x200, s0;
	v15 =	vadd.s32 v2, v11;
	v8 =	vld.idx.msk [tilespmem:v8+s31+$0x0], $0xffff;
	[tilespmem:s3+$0x40] =	vst v19  }
0x17b: {  	s23 =	sadd.s32 $0xFFFFFF00, s0;
	s20 =	sor.u32 $0x50, s0;
	s19 =	sadd.s32 $0xFFFFFE80, s0;
	v24 =	vadd.s32 v2, v13;
	v19 =	vmov s2;
	v7 =	vld.idx.msk [tilespmem:v7+s31+$0x0], $0xffff;
	[tilespmem:s3+$0x80] =	vst v18  }
0x17c: {  	s26 =	sadd.s32 $0xFFFFFF80, s0;
	s25 =	sor.u32 $0x50, s23;
	v28 =	vadd.s32 v2, v12;
	s24 =	sor.u32 $0x50, s19;
	v25 =	vand.u32 $0x78, v19;
	v18 =	vshll.u32 v19, $0x3;
	v31 =	vld.idx.msk [tilespmem:v17+s31+$0x0], $0xffff;
	[tilespmem:s20+$0x14000] =	vst v10  }
0x17d: {  	s21 =	sor.u32 $0x60, s19;
	v30 =	vmov s6;
	v10 =	vmov s4;
	s20 =	sor.u32 $0x60, s23;
	s4 =	sor.u32 $0x50, s26;
	[tilespmem:s3+$0xFFFFFF00] =	vst v26;
	v26 =	vadd.s32 v2, v9;
	v32 =	vld.idx.msk [tilespmem:v22+s31+$0x0], $0xffff  }
0x17e: {  	v34 =	vmov s9;
	s9 =	sor.u32 $0x60, s26;
	v36 =	vadd.s32 v2, v6;
	v33 =	vmov s7;
	s7 =	sor.u32 $0x70, s19;
	s19 =	sor.u32 $0x70, s23;
	v35 =	vld.idx.msk [tilespmem:v23+s31+$0x0], $0xffff;
	[tilespmem:s24+$0x14000] =	vst v21  }
0x17f: {  	v37 =	vadd.s32 v3, v16;
	s6 =	sor.u32 $0x70, s26;
	v19 =	vmov s15;
	v22 =	vmov s12;
	v21 =	vld.idx.msk [tilespmem:v15+s31+$0x0], $0xffff;
	[tilespmem:s3+$0xFFFFFF90] =	vst v20  }
0x180: {  	v39 =	vadd.s32 v2, v5;
	v38 =	vand.u32 $0x400, v18;
	v18 =	vand.u32 $0x79, v10;
	v16 =	vld.idx.msk [tilespmem:v24+s31+$0x0], $0xffff;
	[tilespmem:s25+$0x14000] =	vst v14  }
.Ltmp4:
0x181: {  	v27 =	vadd.s32 v2, v4;
	v17 =	vand.u32 $0x7A, v30;
	v15 =	vand.u32 $0x7B, v33;
	v23 =	vld.idx.msk [tilespmem:v28+s31+$0x0], $0xffff;
	[tilespmem:s3+$0x10] =	vst v8;
	(pc) =	sbr.rel @p2 .LBB2_7-.Ltmp4, $4  }
0x182: {  	v14 =	vand.u32 $0x7C, v34;
	v8 =	vand.u32 $0x7D, v22;
	v28 =	vadd.s32 v3, v11;
	v11 =	vld.idx.msk [tilespmem:v26+s31+$0x0], $0xffff;
	[tilespmem:s4+$0x14000] =	vst v7;
	s4 =	sor.u32 $0x60, s0  }
0x183: {  	v29 =	vadd.s32 v3, v13;
	v26 =	vshll.u32 v10, $0x3;
	v10 =	vand.u32 $0x7E, v19;
	v20 =	vld.idx.msk [tilespmem:v36+s31+$0x0], $0xffff;
	[tilespmem:s4+$0x14000] =	vst v32  }
0x184: {  	v13 =	vshll.u32 v30, $0x3;
	v30 =	vadd.s32 v3, v12;
	v24 =	vshll.u32 v33, $0x3;
	[tilespmem:s3+$0x90] =	vst v31;
	v12 =	vld.idx.msk [tilespmem:v37+s31+$0x0], $0xffff  }
0x185: {  	s23 =	sadd.s32 $0x7, s2;
	s2 =	sadd.s32 $0x8, s2;
	v7 =	vor.u32 v25, v38;
	v25 =	vshll.u32 v34, $0x3;
	v31 =	vadd.s32 v3, v9;
	[tilespmem:s3+$0xFFFFFF10] =	vst v35;
	v9 =	vld.idx.msk [tilespmem:v39+s31+$0x0], $0xffff  }
0x186: {  	_ =	sdelay $0x1  }
0x187: {  	[tilespmem:s21+$0x14000] =	vst v21  }
0x188: {  	[tilespmem:s3+$0xFFFFFFA0] =	vst v16  }
0x189: {  	v32 =	vadd.s32 v0, v7;
	v33 =	vmov s23;
	v27 =	vld.idx.msk [tilespmem:v27+s31+$0x0], $0xffff;
	v6 =	vadd.s32 v3, v6;
	[tilespmem:s20+$0x14000] =	vst v23  }
0x18a: {  	v5 =	vadd.s32 v3, v5;
	v23 =	vand.u32 $0x400, v26;
	v4 =	vadd.s32 v3, v4;
	v28 =	vld.idx.msk [tilespmem:v28+s31+$0x0], $0xffff;
	[tilespmem:s3+$0x20] =	vst v11  }
0x18b: {  	s2 =	sor.u32 $0x70, s0;
	v13 =	vand.u32 $0x400, v13;
	v21 =	vshll.u32 v33, $0x3;
	v16 =	vand.u32 $0x7F, v33;
	v29 =	vld.idx.msk [tilespmem:v29+s31+$0x0], $0xffff;
	[tilespmem:s9+$0x14000] =	vst v20  }
0x18c: {  	v11 =	vor.u32 v18, v23;
	v13 =	vor.u32 v17, v13;
	v21 =	vand.u32 $0x400, v21;
	v23 =	vld.idx.msk [tilespmem:v31+s31+$0x0], $0xffff;
	[tilespmem:s2+$0x14000] =	vst v12  }
0x18d: {  	v22 =	vshll.u32 v22, $0x3;
	v20 =	vadd.s32 v0, v13;
	v16 =	vor.u32 v16, v21;
	v21 =	vld.idx.msk [tilespmem:v30+s31+$0x0], $0xffff;
	[tilespmem:s3+$0xA0] =	vst v9  }
0x18e: {  	v19 =	vshll.u32 v19, $0x3;
	v17 =	vand.u32 $0x400, v24;
	v18 =	vadd.s32 v0, v16;
	v6 =	vld.idx.msk [tilespmem:v6+s31+$0x0], $0xffff;
	[tilespmem:s3+$0xFFFFFF20] =	vst v27  }
0x18f: {  	v59 =	vadd.s32 v0, v11;
	v15 =	vor.u32 v15, v17;
	v17 =	vand.u32 $0x400, v25;
	v5 =	vld.idx.msk [tilespmem:v5+s31+$0x0], $0xffff;
	[tilespmem:s7+$0x14000] =	vst v28  }
0x190: {  	v14 =	vor.u32 v14, v17;
	v17 =	vand.u32 $0x400, v22;
	v9 =	vadd.s32 v0, v15;
	v12 =	vld.idx.msk [tilespmem:v32+s31+$0x0], $0xffff;
	[tilespmem:s3+$0xFFFFFFB0] =	vst v29  }
0x191: {  	v22 =	vadd.s32 v0, v14;
	v8 =	vor.u32 v8, v17;
	v17 =	vand.u32 $0x400, v19;
	v4 =	vld.idx.msk [tilespmem:v4+s31+$0x0], $0xffff;
	[tilespmem:s3+$0x30] =	vst v23  }
0x192: {  	v19 =	vadd.s32 v0, v8;
	v10 =	vor.u32 v10, v17;
	v20 =	vld.idx.msk [tilespmem:v20+s31+$0x0], $0xffff;
	[tilespmem:s19+$0x14000] =	vst v21  }
0x193: {  	v60 =	vadd.s32 v0, v10;
	v17 =	vld.idx.msk [tilespmem:v18+s31+$0x0], $0xffff;
	[tilespmem:s6+$0x14000] =	vst v6  }
0x194: {  	s2 =	sadd.s32 $0x200, s3;
	v21 =	vadd.s32 v1, v16;
	v18 =	vld.idx.msk [tilespmem:v59+s31+$0x0], $0xffff;
	[tilespmem:s3+$0xB0] =	vst v5  }
0x195: {  	v23 =	vadd.s32 v1, v11;
	v9 =	vld.idx.msk [tilespmem:v9+s31+$0x0], $0xffff;
	[tilespmem:s2+$0xFFFFFF00] =	vst v12  }
0x196: {  	v22 =	vld.idx.msk [tilespmem:v22+s31+$0x0], $0xffff;
	v6 =	vadd.s32 v1, v13;
	[tilespmem:s3+$0xFFFFFF30] =	vst v4  }
0x197: {  	v5 =	vadd.s32 v1, v15;
	v19 =	vld.idx.msk [tilespmem:v19+s31+$0x0], $0xffff;
	[tilespmem:s2+$0xFFFFFF80] =	vst v20  }
0x198: {  	v4 =	vadd.s32 v1, v14;
	v24 =	vld.idx.msk [tilespmem:v60+s31+$0x0], $0xffff;
	[tilespmem:s2+$0xC0] =	vst v17  }
0x199: {  	v20 =	vadd.s32 v1, v10;
	[tilespmem:s2+$0xFFFFFF40] =	vst v18;
	v18 =	vld.idx.msk [tilespmem:v21+s31+$0x0], $0xffff  }
0x19a: {  	v17 =	vadd.s32 v1, v8;
	[tilespmem:s2+$0xFFFFFFC0] =	vst v9;
	v21 =	vld.idx.msk [tilespmem:v23+s31+$0x0], $0xffff  }
0x19b: {  	[tilespmem:s2+$0x0] =	vst v22;
	v6 =	vld.idx.msk [tilespmem:v6+s31+$0x0], $0xffff;
	v23 =	vadd.s32 v1, v7  }
0x19c: {  	s4 =	sadd.s32 $0x200, s0;
	v9 =	vadd.s32 v2, v16;
	v5 =	vld.idx.msk [tilespmem:v5+s31+$0x0], $0xffff;
	[tilespmem:s2+$0x40] =	vst v19  }
0x19d: {  	s0 =	sor.u32 $0x50, s4;
	s6 =	sadd.s32 $0xFFFFFE80, s4;
	v22 =	vadd.s32 v2, v11;
	v4 =	vld.idx.msk [tilespmem:v4+s31+$0x0], $0xffff;
	[tilespmem:s2+$0x80] =	vst v24  }
0x19e: {  	s24 =	sor.u32 $0x50, s6;
	v19 =	vadd.s32 v2, v13;
	v20 =	vld.idx.msk [tilespmem:v20+s31+$0x0], $0xffff;
	[tilespmem:s0+$0x14000] =	vst v18  }
0x19f: {  	v61 =	vadd.s32 v2, v15;
	s3 =	sadd.s32 $0xFFFFFF00, s4;
	v17 =	vld.idx.msk [tilespmem:v17+s31+$0x0], $0xffff;
	[tilespmem:s24+$0x14000] =	vst v21  }
0x1a0: {  	v12 =	vadd.s32 v2, v14;
	s25 =	sor.u32 $0x50, s3;
	v18 =	vld.idx.msk [tilespmem:v23+s31+$0x0], $0xffff;
	[tilespmem:s2+$0xFFFFFF90] =	vst v6  }
0x1a1: {  	v21 =	vadd.s32 v2, v8;
	[tilespmem:s25+$0x14000] =	vst v5;
	v9 =	vld.idx.msk [tilespmem:v9+s31+$0x0], $0xffff  }
0x1a2: {  	s0 =	sadd.s32 $0xFFFFFF80, s4;
	v5 =	vadd.s32 v2, v10;
	v22 =	vld.idx.msk [tilespmem:v22+s31+$0x0], $0xffff;
	[tilespmem:s2+$0x10] =	vst v4  }
0x1a3: {  	v6 =	vadd.s32 v3, v16;
	v16 =	vld.idx.msk [tilespmem:v19+s31+$0x0], $0xffff;
	s26 =	sor.u32 $0x50, s0;
	v19 =	vadd.s32 v2, v7;
	[tilespmem:s2+$0x90] =	vst v20  }
0x1a4: {  	v23 =	vld.idx.msk [tilespmem:v61+s31+$0x0], $0xffff;
	[tilespmem:s26+$0x14000] =	vst v17  }
0x1a5: {  	s30 =	sor.u32 $0x60, s4;
	v4 =	vadd.s32 v3, v11;
	v11 =	vld.idx.msk [tilespmem:v12+s31+$0x0], $0xffff;
	[tilespmem:s2+$0xFFFFFF10] =	vst v18  }
0x1a6: {  	s9 =	sor.u32 $0x60, s6;
	v12 =	vadd.s32 v3, v13;
	v13 =	vld.idx.msk [tilespmem:v21+s31+$0x0], $0xffff;
	[tilespmem:s30+$0x14000] =	vst v9  }
0x1a7: {  	v14 =	vadd.s32 v3, v14;
	v5 =	vld.idx.msk [tilespmem:v5+s31+$0x0], $0xffff;
	[tilespmem:s9+$0x14000] =	vst v22  }
0x1a8: {  	s12 =	sor.u32 $0x60, s3;
	v9 =	vadd.s32 v3, v15;
	v15 =	vld.idx.msk [tilespmem:v19+s31+$0x0], $0xffff;
	[tilespmem:s2+$0xFFFFFFA0] =	vst v16  }
0x1a9: {  	v8 =	vadd.s32 v3, v8;
	[tilespmem:s12+$0x14000] =	vst v23;
	v6 =	vld.idx.msk [tilespmem:v6+s31+$0x0], $0xffff  }
0x1aa: {  	v10 =	vadd.s32 v3, v10;
	s24 =	simm.s32 $0x105;
	s15 =	sor.u32 $0x60, s0;
	v4 =	vld.idx.msk [tilespmem:v4+s31+$0x0], $0xffff;
	[tilespmem:s2+$0x20] =	vst v11  }
0x1ab: {  	s23 =	simm.s32 $0x104;
	v7 =	vadd.s32 v3, v7;
	v17 =	vmov s24;
	s12 =	simm.s32 $0x102;
	v12 =	vld.idx.msk [tilespmem:v12+s31+$0x0], $0xffff;
	[tilespmem:s15+$0x14000] =	vst v13  }
0x1ac: {  	s20 =	simm.s32 $0x101;
	v16 =	vmov s23;
	v11 =	vld.idx.msk [tilespmem:v14+s31+$0x0], $0xffff;
	v14 =	vmov s12;
	[tilespmem:s2+$0xA0] =	vst v5  }
0x1ad: {  	s21 =	simm.s32 $0x103;
	s4 =	sor.u32 $0x70, s4;
	s25 =	simm.s32 $0x106;
	v22 =	vand.u32 $0x7C, v16;
	v20 =	vand.u32 $0x7A, v14;
	v13 =	vmov s20;
	v9 =	vld.idx.msk [tilespmem:v9+s31+$0x0], $0xffff;
	[tilespmem:s2+$0xFFFFFF20] =	vst v15  }
0x1ae: {  	s19 =	simm.s32 $0x100;
	s6 =	sor.u32 $0x70, s6;
	v5 =	vmov s21;
	v8 =	vld.idx.msk [tilespmem:v8+s31+$0x0], $0xffff;
	v15 =	vmov s25;
	v19 =	vand.u32 $0x79, v13;
	[tilespmem:s4+$0x14000] =	vst v6  }
0x1af: {  	v10 =	vld.idx.msk [tilespmem:v10+s31+$0x0], $0xffff;
	v21 =	vand.u32 $0x7B, v5;
	v5 =	vshll.u32 v5, $0x3;
	v6 =	vmov s19;
	[tilespmem:s6+$0x14000] =	vst v4  }
0x1b0: {  	v7 =	vld.idx.msk [tilespmem:v7+s31+$0x0], $0xffff;
	[tilespmem:s2+$0xFFFFFFB0] =	vst v12;
	v12 =	vand.u32 $0x7D, v17;
	v23 =	vand.u32 $0x7E, v15;
	v5 =	vand.u32 $0xC00, v5  }
0x1b1: {  	s3 =	sor.u32 $0x70, s3;
	s26 =	simm.s32 $0x107;
	v18 =	vand.u32 $0x78, v6;
	v4 =	vshll.u32 v6, $0x3;
	v6 =	vshll.u32 v13, $0x3;
	[tilespmem:s2+$0x30] =	vst v11  }
0x1b2: {  	s0 =	sor.u32 $0x70, s0;
	v11 =	vmov s26;
	v13 =	vshll.u32 v16, $0x3;
	v16 =	vshll.u32 v17, $0x3;
	[tilespmem:s3+$0x14000] =	vst v9  }
0x1b3: {  	v4 =	vand.u32 $0xC00, v4;
	v6 =	vand.u32 $0xC00, v6;
	[tilespmem:s0+$0x14000] =	vst v8;
	v8 =	vshll.u32 v11, $0x3  }
0x1b4: {  	v4 =	vor.u32 v18, v4;
	[tilespmem:s2+$0xB0] =	vst v10;
	v10 =	vand.u32 $0x7F, v11;
	v8 =	vand.u32 $0xC00, v8  }
0x1b5: {  	s30 =	sadd.s32 s8, s18;
	v9 =	vshll.u32 v14, $0x3;
	v14 =	vadd.s32 v0, v4;
	[tilespmem:s2+$0xFFFFFF30] =	vst v7;
	v11 =	vor.u32 v10, v8  }
0x1b6: {  	v7 =	vshll.u32 v15, $0x3;
	[hbm4b:s30+s5] =	stream.linear.scatter [tilespmem:s28], [sflag:$0x3], $0x4000, $0x38;
	v8 =	vor.u32 v19, v6;
	v15 =	vadd.s32 v0, v11;
	[tilespmem:$0x1D000] =	vst v63  }
0x1b7: {  	v6 =	vand.u32 $0xC00, v9;
	v9 =	vor.u32 v21, v5;
	_ =	swait.ge [sflag:s17], $0x4000;
	v17 =	vadd.s32 v0, v8  }
0x1b8: {  	v5 =	vand.u32 $0xC00, v13;
	v10 =	vor.u32 v20, v6;
	v13 =	vadd.s32 v0, v9;
	[sflag:s17] =	ssyncset.done $0x0  }
0x1b9: {  	v5 =	vor.u32 v22, v5;
	v6 =	vand.u32 $0xC00, v16;
	v18 =	vadd.s32 v0, v10;
	[sflag:s17] =	ssyncadd.s32 $0xFFFFC000  }
0x1ba: {  	v7 =	vand.u32 $0xC00, v7;
	v16 =	vadd.s32 v0, v5;
	v6 =	vor.u32 v12, v6;
	v14 =	vld.idx.msk [tilespmem:v14+s31+$0x0], $0xffff  }
0x1bb: {  	v7 =	vor.u32 v23, v7;
	v12 =	vadd.s32 v0, v6;
	v15 =	vld.idx.msk [tilespmem:v15+s31+$0x0], $0xffff  }
0x1bc: {  	v20 =	vadd.s32 v0, v7;
	v19 =	vld.idx.msk [tilespmem:v17+s31+$0x0], $0xffff  }
0x1bd: {  	v22 =	vadd.s32 v1, v4;
	v62 =	vld.idx.msk [tilespmem:v13+s31+$0x0], $0xffff  }
0x1be: {  	v21 =	vld.idx.msk [tilespmem:v18+s31+$0x0], $0xffff;
	v18 =	vadd.s32 v1, v11  }
0x1bf: {  	v13 =	vadd.s32 v1, v8;
	v17 =	vld.idx.msk [tilespmem:v16+s31+$0x0], $0xffff  }
0x1c0: {  	s0 =	simm.s32 $0x18100;
	v63 =	vadd.s32 v1, v10;
	v16 =	vld.idx.msk [tilespmem:v12+s31+$0x0], $0xffff  }
0x1c1: {  	v23 =	vadd.s32 v1, v9;
	v12 =	vld.idx.msk [tilespmem:v20+s31+$0x0], $0xffff;
	[tilespmem:s0+$0xFFFFFF00] =	vst v14  }
0x1c2: {  	[tilespmem:s0+$0xC0] =	vst v15;
	v15 =	vld.idx.msk [tilespmem:v22+s31+$0x0], $0xffff;
	v22 =	vadd.s32 v1, v5  }
0x1c3: {  	v20 =	vadd.s32 v1, v6;
	[tilespmem:s0+$0xFFFFFF40] =	vst v19;
	v18 =	vld.idx.msk [tilespmem:v18+s31+$0x0], $0xffff  }
0x1c4: {  	v14 =	vld.idx.msk [tilespmem:v13+s31+$0x0], $0xffff;
	[tilespmem:s0+$0xFFFFFF80] =	vst v21;
	v21 =	vadd.s32 v2, v11  }
0x1c5: {  	s2 =	simm.s32 $0x0;
	[tilespmem:s0+$0xFFFFFFC0] =	vst v62;
	v19 =	vadd.s32 v1, v7;
	v13 =	vld.idx.msk [tilespmem:v63+s31+$0x0], $0xffff  }
.LBB2_9:
0x1c6: {  	s3 =	sadd.s32 $0x108, s2;
	v24 =	vadd.s32 v2, v4;
	v23 =	vld.idx.msk [tilespmem:v23+s31+$0x0], $0xffff;
	[tilespmem:s0+$0x0] =	vst v17  }
0x1c7: {  	s4 =	sadd.s32 $0x10A, s2;
	v25 =	vadd.s32 v2, v8;
	v17 =	vmov s3;
	s3 =	sadd.s32 $0x109, s2;
	v22 =	vld.idx.msk [tilespmem:v22+s31+$0x0], $0xffff;
	[tilespmem:s0+$0x40] =	vst v16  }
0x1c8: {  	v27 =	vadd.s32 v2, v10;
	v26 =	vmov s4;
	s4 =	sadd.s32 $0x10C, s2;
	v16 =	vmov s3;
	s3 =	sadd.s32 $0x10B, s2;
	v20 =	vld.idx.msk [tilespmem:v20+s31+$0x0], $0xffff;
	[tilespmem:s0+$0xD0] =	vst v18  }
0x1c9: {  	v29 =	vadd.s32 v2, v9;
	v28 =	vmov s4;
	s4 =	sadd.s32 $0x10E, s2;
	v18 =	vmov s3;
	s3 =	sadd.s32 $0x10D, s2;
	[tilespmem:s0+$0x80] =	vst v12;
	v12 =	vld.idx.msk [tilespmem:v21+s31+$0x0], $0xffff  }
0x1ca: {  	v30 =	vmov s4;
	v21 =	vmov s3;
	[tilespmem:s0+$0xFFFFFF10] =	vst v15;
	v15 =	vadd.s32 v2, v5;
	v19 =	vld.idx.msk [tilespmem:v19+s31+$0x0], $0xffff  }
0x1cb: {  	v11 =	vadd.s32 v3, v11;
	v31 =	vand.u32 $0x78, v17;
	v32 =	vand.u32 $0x79, v16;
	v24 =	vld.idx.msk [tilespmem:v24+s31+$0x0], $0xffff;
	[tilespmem:s0+$0xFFFFFF50] =	vst v14  }
0x1cc: {  	v33 =	vand.u32 $0x7B, v18;
	v14 =	vand.u32 $0x7A, v26;
	v25 =	vld.idx.msk [tilespmem:v25+s31+$0x0], $0xffff;
	[tilespmem:s0+$0xFFFFFF90] =	vst v13;
	v13 =	vadd.s32 v2, v6  }
0x1cd: {  	v34 =	vand.u32 $0x7C, v28;
	v35 =	vand.u32 $0x7D, v21;
	v27 =	vld.idx.msk [tilespmem:v27+s31+$0x0], $0xffff;
	[tilespmem:s0+$0xFFFFFFD0] =	vst v23;
	v23 =	vadd.s32 v2, v7  }
0x1ce: {  	v37 =	vadd.s32 v3, v4;
	v17 =	vshll.u32 v17, $0x3;
	v36 =	vand.u32 $0x7E, v30;
	v29 =	vld.idx.msk [tilespmem:v29+s31+$0x0], $0xffff;
	[tilespmem:s0+$0x10] =	vst v22  }
0x1cf: {  	v8 =	vadd.s32 v3, v8;
	v16 =	vshll.u32 v16, $0x3;
	v22 =	vshll.u32 v26, $0x3;
	v15 =	vld.idx.msk [tilespmem:v15+s31+$0x0], $0xffff;
	[tilespmem:s0+$0xE0] =	vst v12  }
0x1d0: {  	v10 =	vadd.s32 v3, v10;
	v4 =	vand.u32 $0xC00, v17;
	v12 =	vshll.u32 v18, $0x3;
	[tilespmem:s0+$0x50] =	vst v20;
	v17 =	vld.idx.msk [tilespmem:v11+s31+$0x0], $0xffff  }
0x1d1: {  	v9 =	vadd.s32 v3, v9;
	v4 =	vor.u32 v31, v4;
	s3 =	sadd.s32 $0x10F, s2;
	s2 =	sadd.s32 $0x8, s2;
	v18 =	vshll.u32 v28, $0x3;
	v13 =	vld.idx.msk [tilespmem:v13+s31+$0x0], $0xffff;
	[tilespmem:s0+$0x90] =	vst v19  }
0x1d2: {  	p2 =	slt.u32 s2, $0xF8;
	v20 =	vshll.u32 v21, $0x3;
	v11 =	vmov s3;
	v19 =	vadd.s32 v0, v4;
	[tilespmem:s0+$0xFFFFFF20] =	vst v24;
	v21 =	vld.idx.msk [tilespmem:v23+s31+$0x0], $0xffff  }
0x1d3: {  	v5 =	vadd.s32 v3, v5;
	v23 =	vshll.u32 v30, $0x3;
	v24 =	vshll.u32 v11, $0x3;
	v26 =	vld.idx.msk [tilespmem:v37+s31+$0x0], $0xffff;
	[tilespmem:s0+$0xFFFFFF60] =	vst v25  }
0x1d4: {  	v6 =	vadd.s32 v3, v6;
	v11 =	vand.u32 $0x7F, v11;
	v24 =	vand.u32 $0xC00, v24;
	v25 =	vld.idx.msk [tilespmem:v8+s31+$0x0], $0xffff;
	[tilespmem:s0+$0xFFFFFFA0] =	vst v27  }
0x1d5: {  	v7 =	vadd.s32 v3, v7;
	v8 =	vand.u32 $0xC00, v16;
	v11 =	vor.u32 v11, v24;
	v16 =	vld.idx.msk [tilespmem:v10+s31+$0x0], $0xffff;
	[tilespmem:s0+$0xFFFFFFE0] =	vst v29  }
0x1d6: {  	v8 =	vor.u32 v32, v8;
	v10 =	vand.u32 $0xC00, v22;
	v22 =	vadd.s32 v0, v11;
	v24 =	vld.idx.msk [tilespmem:v9+s31+$0x0], $0xffff;
	[tilespmem:s0+$0xF0] =	vst v17  }
0x1d7: {  	v17 =	vadd.s32 v0, v8;
	v10 =	vor.u32 v14, v10;
	v9 =	vand.u32 $0xC00, v12;
	v19 =	vld.idx.msk [tilespmem:v19+s31+$0x0], $0xffff;
	[tilespmem:s0+$0x20] =	vst v15  }
0x1d8: {  	v14 =	vand.u32 $0xC00, v18;
	v12 =	vadd.s32 v0, v10;
	v9 =	vor.u32 v33, v9;
	v15 =	vld.idx.msk [tilespmem:v5+s31+$0x0], $0xffff;
	[tilespmem:s0+$0x60] =	vst v13  }
0x1d9: {  	v13 =	vadd.s32 v0, v9;
	v5 =	vor.u32 v34, v14;
	v14 =	vand.u32 $0xC00, v20;
	v18 =	vld.idx.msk [tilespmem:v6+s31+$0x0], $0xffff;
	[tilespmem:s0+$0xA0] =	vst v21  }
0x1da: {  	v20 =	vadd.s32 v0, v5;
	v6 =	vor.u32 v35, v14;
	v14 =	vand.u32 $0xC00, v23;
	[tilespmem:s0+$0xFFFFFF30] =	vst v26;
	v21 =	vld.idx.msk [tilespmem:v7+s31+$0x0], $0xffff  }
0x1db: {  	v23 =	vadd.s32 v0, v6;
	v7 =	vor.u32 v36, v14;
	v14 =	vld.idx.msk [tilespmem:v22+s31+$0x0], $0xffff;
	[tilespmem:s0+$0xFFFFFF70] =	vst v25  }
0x1dc: {  	v22 =	vadd.s32 v0, v7;
	v25 =	vld.idx.msk [tilespmem:v17+s31+$0x0], $0xffff;
	[tilespmem:s0+$0xFFFFFFB0] =	vst v16  }
0x1dd: {  	v27 =	vadd.s32 v1, v11;
	v26 =	vld.idx.msk [tilespmem:v12+s31+$0x0], $0xffff;
	[tilespmem:s0+$0xFFFFFFF0] =	vst v24  }
0x1de: {  	v24 =	vadd.s32 v1, v4;
	v28 =	vld.idx.msk [tilespmem:v13+s31+$0x0], $0xffff;
	[tilespmem:s0+$0x30] =	vst v15  }
0x1df: {  	v13 =	vadd.s32 v1, v8;
	v17 =	vld.idx.msk [tilespmem:v20+s31+$0x0], $0xffff;
	[tilespmem:s0+$0x70] =	vst v18  }
0x1e0: {  	v29 =	vadd.s32 v1, v10;
	v16 =	vld.idx.msk [tilespmem:v23+s31+$0x0], $0xffff;
	[tilespmem:s0+$0xB0] =	vst v21;
	s0 =	sadd.s32 $0x200, s0  }
.Ltmp5:
0x1e1: {  	v23 =	vadd.s32 v1, v9;
	v12 =	vld.idx.msk [tilespmem:v22+s31+$0x0], $0xffff;
	[tilespmem:s0+$0xC0] =	vst v14;
	(pc) =	sbr.rel @p2 .LBB2_9-.Ltmp5, $4  }
0x1e2: {  	v22 =	vadd.s32 v1, v5;
	[tilespmem:s0+$0xFFFFFF00] =	vst v19;
	v18 =	vld.idx.msk [tilespmem:v27+s31+$0x0], $0xffff  }
0x1e3: {  	v20 =	vadd.s32 v1, v6;
	v15 =	vld.idx.msk [tilespmem:v24+s31+$0x0], $0xffff;
	[tilespmem:s0+$0xFFFFFF40] =	vst v25  }
0x1e4: {  	v21 =	vadd.s32 v2, v11;
	v14 =	vld.idx.msk [tilespmem:v13+s31+$0x0], $0xffff;
	[tilespmem:s0+$0xFFFFFF80] =	vst v26  }
0x1e5: {  	v19 =	vadd.s32 v1, v7;
	v13 =	vld.idx.msk [tilespmem:v29+s31+$0x0], $0xffff;
	[tilespmem:s0+$0xFFFFFFC0] =	vst v28  }
0x1e6: {  	_ =	sdelay $0x1  }
0x1e7: {  	[tilespmem:s0+$0x0] =	vst v17  }
0x1e8: {  	[tilespmem:s0+$0x40] =	vst v16  }
0x1e9: {  	v46 =	vadd.s32 v2, v4;
	v47 =	vld.idx.msk [tilespmem:v23+s31+$0x0], $0xffff;
	[tilespmem:s0+$0x80] =	vst v12  }
0x1ea: {  	v48 =	vadd.s32 v2, v8;
	[tilespmem:s0+$0xD0] =	vst v18;
	v22 =	vld.idx.msk [tilespmem:v22+s31+$0x0], $0xffff  }
0x1eb: {  	v49 =	vadd.s32 v2, v10;
	v50 =	vld.idx.msk [tilespmem:v20+s31+$0x0], $0xffff;
	[tilespmem:s0+$0xFFFFFF10] =	vst v15  }
0x1ec: {  	v51 =	vadd.s32 v2, v9;
	v52 =	vld.idx.msk [tilespmem:v19+s31+$0x0], $0xffff;
	[tilespmem:s0+$0xFFFFFF50] =	vst v14  }
0x1ed: {  	v53 =	vadd.s32 v2, v5;
	v21 =	vld.idx.msk [tilespmem:v21+s31+$0x0], $0xffff;
	[tilespmem:s0+$0xFFFFFF90] =	vst v13  }
0x1ee: {  	v55 =	vadd.s32 v2, v6;
	v16 =	vld.idx.msk [tilespmem:v46+s31+$0x0], $0xffff;
	[tilespmem:s0+$0xFFFFFFD0] =	vst v47  }
0x1ef: {  	v56 =	vadd.s32 v2, v7;
	v54 =	vld.idx.msk [tilespmem:v48+s31+$0x0], $0xffff;
	[tilespmem:s0+$0x10] =	vst v22  }
0x1f0: {  	v11 =	vadd.s32 v3, v11;
	v12 =	vld.idx.msk [tilespmem:v49+s31+$0x0], $0xffff;
	[tilespmem:s0+$0x50] =	vst v50  }
0x1f1: {  	v4 =	vadd.s32 v3, v4;
	v20 =	vld.idx.msk [tilespmem:v51+s31+$0x0], $0xffff;
	[tilespmem:s0+$0x90] =	vst v52  }
0x1f2: {  	v57 =	vadd.s32 v3, v8;
	[tilespmem:s0+$0xE0] =	vst v21;
	v13 =	vld.idx.msk [tilespmem:v53+s31+$0x0], $0xffff  }
0x1f3: {  	v58 =	vadd.s32 v3, v10;
	v60 =	vld.idx.msk [tilespmem:v55+s31+$0x0], $0xffff;
	[tilespmem:s0+$0xFFFFFF20] =	vst v16  }
0x1f4: {  	v59 =	vadd.s32 v3, v9;
	v61 =	vld.idx.msk [tilespmem:v56+s31+$0x0], $0xffff;
	[tilespmem:s0+$0xFFFFFF60] =	vst v54  }
0x1f5: {  	v5 =	vadd.s32 v3, v5;
	v11 =	vld.idx.msk [tilespmem:v11+s31+$0x0], $0xffff;
	[tilespmem:s0+$0xFFFFFFA0] =	vst v12  }
0x1f6: {  	v62 =	vadd.s32 v3, v6;
	v4 =	vld.idx.msk [tilespmem:v4+s31+$0x0], $0xffff;
	[tilespmem:s0+$0xFFFFFFE0] =	vst v20  }
0x1f7: {  	v63 =	vadd.s32 v3, v7;
	v8 =	vld.idx.msk [tilespmem:v57+s31+$0x0], $0xffff;
	[tilespmem:s0+$0x20] =	vst v13  }
0x1f8: {  	v10 =	vld.idx.msk [tilespmem:v58+s31+$0x0], $0xffff;
	[tilespmem:s0+$0x60] =	vst v60  }
0x1f9: {  	v9 =	vld.idx.msk [tilespmem:v59+s31+$0x0], $0xffff;
	[tilespmem:s0+$0xA0] =	vst v61  }
0x1fa: {  	[tilespmem:s0+$0xF0] =	vst v11;
	v5 =	vld.idx.msk [tilespmem:v5+s31+$0x0], $0xffff  }
0x1fb: {  	v6 =	vld.idx.msk [tilespmem:v62+s31+$0x0], $0xffff;
	[tilespmem:s0+$0xFFFFFF30] =	vst v4  }
0x1fc: {  	s22 =	sadd.s32 $0x1, s22;
	v4 =	vld.idx.msk [tilespmem:v63+s31+$0x0], $0xffff;
	[tilespmem:s0+$0xFFFFFF70] =	vst v8  }
0x1fd: {  	p2 =	sne.s32 s22, $0x1E;
	[tilespmem:s0+$0xFFFFFFB0] =	vst v10  }
.Ltmp6:
0x1fe: {  	[tilespmem:s0+$0xFFFFFFF0] =	vst v9;
	(pc) =	sbr.rel @p2 .LBB2_2-.Ltmp6, $4  }
0x1ff: {  	[tilespmem:s0+$0x30] =	vst v5  }
0x200: {  	[tilespmem:s0+$0x70] =	vst v6  }
0x201: {  	s30 =	sadd.s32 s18, s16;
	[tilespmem:s0+$0xB0] =	vst v4  }
0x202: {  	[hbm4b:s30+s5] =	stream.linear.scatter [tilespmem:s29], [sflag:$0x4], $0x4000, $0x38;
	[tilespmem:$0x1D000] =	vst v63  }
0x203: {  	_ =	swait.ge [sflag:s10], $0x1000  }
0x204: {  	[sflag:s10] =	ssyncset.done $0x0  }
0x205: {  	[sflag:s10] =	ssyncadd.s32 $0xFFFFF000  }
0x206: {  	_ =	swait.ge [sflag:s10], $0x1000  }
0x207: {  	[sflag:s10] =	ssyncset.done $0x0  }
0x208: {  	[sflag:s10] =	ssyncadd.s32 $0xFFFFF000  }
0x209: {  	_ =	swait.ge [sflag:s10], $0x1000  }
0x20a: {  	[sflag:s10] =	ssyncset.done $0x0  }
0x20b: {  	[sflag:s10] =	ssyncadd.s32 $0xFFFFF000  }
0x20c: {  	_ =	swait.ge [sflag:s10], $0x1000  }
0x20d: {  	[sflag:s10] =	ssyncset.done $0x0  }
0x20e: {  	s0 =	simm.s32 $0x0;
	s1 =	simm.s32 $0x1;
	[sflag:s10] =	ssyncadd.s32 $0xFFFFF000  }
0x20f: {  	s2 =	simm.s32 $0x2;
	s3 =	simm.s32 $0x3;
	_ =	swait.ge [sflag:s10], $0x1000  }
0x210: {  	s4 =	simm.s32 $0x4;
	s6 =	simm.s32 $0x5;
	v4 =	vmov s0;
	v6 =	vmov s1;
	v7 =	vmov s2;
	[sflag:s10] =	ssyncset.done $0x0  }
0x211: {  	s7 =	simm.s32 $0x6;
	v8 =	vmov s3;
	v9 =	vmov s4;
	v10 =	vmov s6;
	[sflag:s10] =	ssyncadd.s32 $0xFFFFF000  }
0x212: {  	v11 =	vmov s7;
	v5 =	vand.u32 $0x78, v4;
	v4 =	vshll.u32 v4, $0x3;
	_ =	swait.ge [sflag:s10], $0x1000  }
0x213: {  	v12 =	vand.u32 $0x79, v6;
	v13 =	vand.u32 $0x7A, v7;
	v14 =	vand.u32 $0x7B, v8;
	[sflag:s10] =	ssyncset.done $0x0  }
0x214: {  	v15 =	vand.u32 $0x7C, v9;
	v16 =	vand.u32 $0x7D, v10;
	v6 =	vshll.u32 v6, $0x3;
	[sflag:s10] =	ssyncadd.s32 $0xFFFFF000  }
0x215: {  	s3 =	simm.s32 $0x7;
	v17 =	vand.u32 $0x7E, v11;
	v7 =	vshll.u32 v7, $0x3;
	v4 =	vand.u32 $0x400, v4;
	_ =	swait.ge [sflag:s10], $0x1000  }
0x216: {  	v8 =	vshll.u32 v8, $0x3;
	v4 =	vor.u32 v5, v4;
	v5 =	vmov s3;
	[sflag:s10] =	ssyncset.done $0x0  }
0x217: {  	v9 =	vshll.u32 v9, $0x3;
	v10 =	vshll.u32 v10, $0x3;
	v19 =	vshll.u32 v5, $0x3;
	[sflag:s10] =	ssyncadd.s32 $0xFFFFF000  }
0x218: {  	v11 =	vshll.u32 v11, $0x3;
	v5 =	vand.u32 $0x7F, v5;
	v19 =	vand.u32 $0x400, v19;
	_ =	swait.ge [sflag:s10], $0x1000  }
0x219: {  	v6 =	vand.u32 $0x400, v6;
	v18 =	vadd.s32 v0, v4;
	v20 =	vor.u32 v5, v19;
	[sflag:s10] =	ssyncset.done $0x0  }
0x21a: {  	v12 =	vor.u32 v12, v6;
	v5 =	vand.u32 $0x400, v7;
	v7 =	vadd.s32 v0, v20;
	[sflag:s10] =	ssyncadd.s32 $0xFFFFF000  }
0x21b: {  	v19 =	vadd.s32 v0, v12;
	v13 =	vor.u32 v13, v5;
	v5 =	vand.u32 $0x400, v8;
	_ =	swait.ge [sflag:s14], $0x4000  }
0x21c: {  	v8 =	vadd.s32 v0, v13;
	v25 =	vor.u32 v14, v5;
	v5 =	vand.u32 $0x400, v9;
	[sflag:s14] =	ssyncset.done $0x0  }
0x21d: {  	v9 =	vadd.s32 v0, v25;
	v31 =	vor.u32 v15, v5;
	v5 =	vand.u32 $0x400, v10;
	[sflag:s14] =	ssyncadd.s32 $0xFFFFC000  }
0x21e: {  	v14 =	vadd.s32 v0, v31;
	v6 =	vor.u32 v16, v5;
	v5 =	vand.u32 $0x400, v11;
	v10 =	vld.idx.msk [tilespmem:v18+s5+$0x0], $0xffff  }
0x21f: {  	v11 =	vadd.s32 v0, v6;
	v5 =	vor.u32 v17, v5;
	v7 =	vld.idx.msk [tilespmem:v7+s5+$0x0], $0xffff  }
0x220: {  	v16 =	vadd.s32 v0, v5;
	v15 =	vld.idx.msk [tilespmem:v19+s5+$0x0], $0xffff  }
0x221: {  	v17 =	vadd.s32 v1, v20;
	v8 =	vld.idx.msk [tilespmem:v8+s5+$0x0], $0xffff  }
0x222: {  	v18 =	vadd.s32 v1, v12;
	v9 =	vld.idx.msk [tilespmem:v9+s5+$0x0], $0xffff  }
0x223: {  	v19 =	vadd.s32 v1, v13;
	v14 =	vld.idx.msk [tilespmem:v14+s5+$0x0], $0xffff  }
0x224: {  	s3 =	simm.s32 $0x14100;
	v21 =	vadd.s32 v1, v25;
	v11 =	vld.idx.msk [tilespmem:v11+s5+$0x0], $0xffff  }
0x225: {  	v22 =	vadd.s32 v1, v31;
	v16 =	vld.idx.msk [tilespmem:v16+s5+$0x0], $0xffff;
	[tilespmem:s3+$0xC0] =	vst v7  }
0x226: {  	[tilespmem:s3+$0xFFFFFF40] =	vst v15;
	v7 =	vadd.s32 v1, v6;
	v15 =	vld.idx.msk [tilespmem:v17+s5+$0x0], $0xffff  }
0x227: {  	[tilespmem:s3+$0xFFFFFF80] =	vst v8;
	v8 =	vadd.s32 v1, v5;
	v17 =	vld.idx.msk [tilespmem:v18+s5+$0x0], $0xffff  }
0x228: {  	[tilespmem:s3+$0xFFFFFFC0] =	vst v9;
	v18 =	vld.idx.msk [tilespmem:v19+s5+$0x0], $0xffff;
	v19 =	vadd.s32 v1, v4  }
0x229: {  	v9 =	vadd.s32 v2, v20;
	[tilespmem:s3+$0x0] =	vst v14;
	v23 =	vld.idx.msk [tilespmem:v21+s5+$0x0], $0xffff  }
0x22a: {  	s15 =	simm.s32 $0xA;
	v14 =	vadd.s32 v2, v12;
	[tilespmem:s3+$0x40] =	vst v11;
	v24 =	vld.idx.msk [tilespmem:v22+s5+$0x0], $0xffff  }
0x22b: {  	s21 =	simm.s32 $0xB;
	s9 =	simm.s32 $0xC;
	s0 =	simm.s32 $0x1C0;
	v30 =	vmov s15;
	v26 =	vadd.s32 v2, v13;
	[tilespmem:s3+$0x80] =	vst v16;
	v7 =	vld.idx.msk [tilespmem:v7+s5+$0x0], $0xffff  }
0x22c: {  	s18 =	simm.s32 $0x40;
	s7 =	simm.s32 $0x9;
	v34 =	vmov s21;
	v35 =	vmov s9;
	s6 =	sor.u32 $0x50, s0;
	v28 =	vadd.s32 v2, v25;
	[tilespmem:s3+$0xFFFFFF00] =	vst v10;
	v33 =	vld.idx.msk [tilespmem:v8+s5+$0x0], $0xffff  }
0x22d: {  	s4 =	simm.s32 $0x8;
	s12 =	sor.u32 $0x50, s18;
	v29 =	vmov s7;
	v27 =	vadd.s32 v2, v4;
	v10 =	vadd.s32 v2, v31;
	[tilespmem:s6+$0x14000] =	vst v15;
	v36 =	vld.idx.msk [tilespmem:v19+s5+$0x0], $0xffff  }
0x22e: {  	s15 =	simm.s32 $0xC0;
	v38 =	vadd.s32 v3, v20;
	v37 =	vadd.s32 v2, v6;
	v11 =	vmov s4;
	[tilespmem:s12+$0x14000] =	vst v17;
	v9 =	vld.idx.msk [tilespmem:v9+s5+$0x0], $0xffff  }
0x22f: {  	s22 =	simm.s32 $0xD;
	s24 =	sor.u32 $0x50, s15;
	v40 =	vadd.s32 v2, v5;
	v32 =	vand.u32 $0x78, v11;
	v11 =	vshll.u32 v11, $0x3;
	[tilespmem:s3+$0xFFFFFF90] =	vst v18;
	v21 =	vld.idx.msk [tilespmem:v14+s5+$0x0], $0xffff  }
0x230: {  	s23 =	simm.s32 $0xE;
	s25 =	simm.s32 $0x140;
	v31 =	vadd.s32 v3, v31;
	v22 =	vmov s22;
	v39 =	vand.u32 $0x400, v11;
	[tilespmem:s24+$0x14000] =	vst v23;
	v16 =	vld.idx.msk [tilespmem:v26+s5+$0x0], $0xffff  }
0x231: {  	s26 =	sor.u32 $0x50, s25;
	v8 =	vand.u32 $0x7D, v22;
	v19 =	vmov s23;
	v18 =	vand.u32 $0x79, v29;
	[tilespmem:s3+$0x10] =	vst v24;
	v23 =	vld.idx.msk [tilespmem:v28+s5+$0x0], $0xffff  }
0x232: {  	v17 =	vand.u32 $0x7A, v30;
	v15 =	vand.u32 $0x7B, v34;
	v28 =	vadd.s32 v3, v12;
	v11 =	vld.idx.msk [tilespmem:v10+s5+$0x0], $0xffff;
	[tilespmem:s26+$0x14000] =	vst v7  }
0x233: {  	s20 =	sor.u32 $0x60, s18;
	s9 =	sor.u32 $0x60, s25;
	s30 =	sor.u32 $0x60, s0;
	v24 =	vshll.u32 v34, $0x3;
	v26 =	vshll.u32 v29, $0x3;
	v29 =	vadd.s32 v3, v13;
	[tilespmem:s3+$0x90] =	vst v33;
	v20 =	vld.idx.msk [tilespmem:v37+s5+$0x0], $0xffff  }
0x234: {  	s21 =	simm.s32 $0xF;
	s2 =	simm.s32 $0x10;
	s19 =	sor.u32 $0x60, s15;
	v14 =	vand.u32 $0x7C, v35;
	v13 =	vshll.u32 v30, $0x3;
	v30 =	vadd.s32 v3, v25;
	[tilespmem:s30+$0x14000] =	vst v9;
	v9 =	vld.idx.msk [tilespmem:v40+s5+$0x0], $0xffff  }
0x235: {  	s7 =	sor.u32 $0x70, s18;
	s18 =	sor.u32 $0x70, s15;
	s6 =	sor.u32 $0x70, s25;
	v10 =	vand.u32 $0x7E, v19;
	v25 =	vshll.u32 v35, $0x3;
	v7 =	vor.u32 v32, v39;
	[tilespmem:s3+$0xFFFFFF10] =	vst v36;
	v12 =	vld.idx.msk [tilespmem:v38+s5+$0x0], $0xffff  }
.LBB2_12:
0x236: {  	p2 =	slt.u32 s2, $0xF8;
	v32 =	vadd.s32 v0, v7;
	v22 =	vshll.u32 v22, $0x3;
	v33 =	vmov s21;
	v27 =	vld.idx.msk [tilespmem:v27+s5+$0x0], $0xffff;
	[tilespmem:s20+$0x14000] =	vst v21  }
0x237: {  	v19 =	vshll.u32 v19, $0x3;
	v6 =	vadd.s32 v3, v6;
	v21 =	vshll.u32 v33, $0x3;
	v28 =	vld.idx.msk [tilespmem:v28+s5+$0x0], $0xffff;
	[tilespmem:s3+$0xFFFFFFA0] =	vst v16  }
0x238: {  	v5 =	vadd.s32 v3, v5;
	v16 =	vand.u32 $0x7F, v33;
	v21 =	vand.u32 $0x400, v21;
	v29 =	vld.idx.msk [tilespmem:v29+s5+$0x0], $0xffff;
	[tilespmem:s19+$0x14000] =	vst v23  }
0x239: {  	v4 =	vadd.s32 v3, v4;
	s4 =	sor.u32 $0x70, s0;
	v23 =	vand.u32 $0x400, v26;
	v16 =	vor.u32 v16, v21;
	v21 =	vld.idx.msk [tilespmem:v30+s5+$0x0], $0xffff;
	[tilespmem:s3+$0x20] =	vst v11  }
0x23a: {  	v13 =	vand.u32 $0x400, v13;
	v11 =	vor.u32 v18, v23;
	v18 =	vadd.s32 v0, v16;
	v23 =	vld.idx.msk [tilespmem:v31+s5+$0x0], $0xffff;
	[tilespmem:s4+$0x14000] =	vst v12  }
0x23b: {  	v13 =	vor.u32 v17, v13;
	v30 =	vadd.s32 v0, v11;
	v12 =	vand.u32 $0x400, v24;
	v26 =	vld.idx.msk [tilespmem:v32+s5+$0x0], $0xffff;
	[tilespmem:s9+$0x14000] =	vst v20  }
0x23c: {  	v17 =	vadd.s32 v0, v13;
	v12 =	vor.u32 v15, v12;
	v15 =	vand.u32 $0x400, v25;
	v20 =	vld.idx.msk [tilespmem:v6+s5+$0x0], $0xffff;
	[tilespmem:s3+$0xA0] =	vst v9  }
0x23d: {  	v24 =	vadd.s32 v0, v12;
	v9 =	vor.u32 v14, v15;
	v6 =	vand.u32 $0x400, v22;
	[tilespmem:s3+$0xFFFFFF20] =	vst v27;
	v14 =	vld.idx.msk [tilespmem:v5+s5+$0x0], $0xffff  }
0x23e: {  	v15 =	vadd.s32 v0, v9;
	v6 =	vor.u32 v8, v6;
	v5 =	vand.u32 $0x400, v19;
	v8 =	vld.idx.msk [tilespmem:v4+s5+$0x0], $0xffff;
	[tilespmem:s7+$0x14000] =	vst v28  }
0x23f: {  	v19 =	vadd.s32 v0, v6;
	v5 =	vor.u32 v10, v5;
	v4 =	vmov v7;
	v10 =	vld.idx.msk [tilespmem:v18+s5+$0x0], $0xffff;
	[tilespmem:s3+$0xFFFFFFB0] =	vst v29  }
0x240: {  	v18 =	vadd.s32 v0, v5;
	v7 =	vld.idx.msk [tilespmem:v30+s5+$0x0], $0xffff;
	[tilespmem:s18+$0x14000] =	vst v21  }
0x241: {  	v21 =	vadd.s32 v1, v16;
	v17 =	vld.idx.msk [tilespmem:v17+s5+$0x0], $0xffff;
	[tilespmem:s3+$0x30] =	vst v23  }
0x242: {  	v22 =	vadd.s32 v1, v11;
	v23 =	vld.idx.msk [tilespmem:v24+s5+$0x0], $0xffff;
	[tilespmem:s6+$0x14000] =	vst v20  }
0x243: {  	v20 =	vadd.s32 v1, v13;
	v15 =	vld.idx.msk [tilespmem:v15+s5+$0x0], $0xffff;
	[tilespmem:s3+$0xB0] =	vst v14  }
0x244: {  	v14 =	vadd.s32 v1, v12;
	v19 =	vld.idx.msk [tilespmem:v19+s5+$0x0], $0xffff;
	[tilespmem:s3+$0xFFFFFF30] =	vst v8;
	s3 =	sadd.s32 $0x200, s3  }
0x245: {  	v8 =	vadd.s32 v1, v9;
	v18 =	vld.idx.msk [tilespmem:v18+s5+$0x0], $0xffff;
	[tilespmem:s3+$0xC0] =	vst v10  }
0x246: {  	[tilespmem:s3+$0xFFFFFF40] =	vst v7;
	v7 =	vadd.s32 v1, v6;
	v10 =	vld.idx.msk [tilespmem:v21+s5+$0x0], $0xffff  }
0x247: {  	v21 =	vld.idx.msk [tilespmem:v22+s5+$0x0], $0xffff;
	[tilespmem:s3+$0xFFFFFF80] =	vst v17;
	v17 =	vadd.s32 v1, v5  }
0x248: {  	s4 =	sadd.s32 $0x1, s2;
	v22 =	vadd.s32 v2, v16;
	v20 =	vld.idx.msk [tilespmem:v20+s5+$0x0], $0xffff;
	[tilespmem:s3+$0xFFFFFFC0] =	vst v23  }
0x249: {  	s9 =	sadd.s32 $0x4, s2;
	s7 =	sadd.s32 $0x3, s2;
	s6 =	sadd.s32 $0x2, s2;
	v23 =	vadd.s32 v1, v4;
	v14 =	vld.idx.msk [tilespmem:v14+s5+$0x0], $0xffff;
	[tilespmem:s3+$0x0] =	vst v15  }
0x24a: {  	s12 =	sadd.s32 $0x5, s2;
	s15 =	sadd.s32 $0x6, s2;
	s0 =	sadd.s32 $0x200, s0;
	v15 =	vadd.s32 v2, v11;
	v8 =	vld.idx.msk [tilespmem:v8+s5+$0x0], $0xffff;
	[tilespmem:s3+$0x40] =	vst v19  }
0x24b: {  	s21 =	sadd.s32 $0xFFFFFF00, s0;
	s19 =	sor.u32 $0x50, s0;
	s18 =	sadd.s32 $0xFFFFFE80, s0;
	v24 =	vadd.s32 v2, v13;
	v19 =	vmov s2;
	v7 =	vld.idx.msk [tilespmem:v7+s5+$0x0], $0xffff;
	[tilespmem:s3+$0x80] =	vst v18  }
0x24c: {  	s24 =	sadd.s32 $0xFFFFFF80, s0;
	s23 =	sor.u32 $0x50, s21;
	v28 =	vadd.s32 v2, v12;
	s22 =	sor.u32 $0x50, s18;
	v25 =	vand.u32 $0x78, v19;
	v18 =	vshll.u32 v19, $0x3;
	v31 =	vld.idx.msk [tilespmem:v17+s5+$0x0], $0xffff;
	[tilespmem:s19+$0x14000] =	vst v10  }
0x24d: {  	s20 =	sor.u32 $0x60, s18;
	v30 =	vmov s6;
	v10 =	vmov s4;
	s19 =	sor.u32 $0x60, s21;
	s4 =	sor.u32 $0x50, s24;
	[tilespmem:s3+$0xFFFFFF00] =	vst v26;
	v26 =	vadd.s32 v2, v9;
	v32 =	vld.idx.msk [tilespmem:v22+s5+$0x0], $0xffff  }
0x24e: {  	v34 =	vmov s9;
	s9 =	sor.u32 $0x60, s24;
	v36 =	vadd.s32 v2, v6;
	v33 =	vmov s7;
	s7 =	sor.u32 $0x70, s18;
	s18 =	sor.u32 $0x70, s21;
	v35 =	vld.idx.msk [tilespmem:v23+s5+$0x0], $0xffff;
	[tilespmem:s22+$0x14000] =	vst v21  }
0x24f: {  	v37 =	vadd.s32 v3, v16;
	s6 =	sor.u32 $0x70, s24;
	v19 =	vmov s15;
	v22 =	vmov s12;
	v21 =	vld.idx.msk [tilespmem:v15+s5+$0x0], $0xffff;
	[tilespmem:s3+$0xFFFFFF90] =	vst v20  }
0x250: {  	v39 =	vadd.s32 v2, v5;
	v38 =	vand.u32 $0x400, v18;
	v18 =	vand.u32 $0x79, v10;
	v16 =	vld.idx.msk [tilespmem:v24+s5+$0x0], $0xffff;
	[tilespmem:s23+$0x14000] =	vst v14  }
.Ltmp7:
0x251: {  	v27 =	vadd.s32 v2, v4;
	v17 =	vand.u32 $0x7A, v30;
	v15 =	vand.u32 $0x7B, v33;
	v23 =	vld.idx.msk [tilespmem:v28+s5+$0x0], $0xffff;
	[tilespmem:s3+$0x10] =	vst v8;
	(pc) =	sbr.rel @p2 .LBB2_12-.Ltmp7, $4  }
0x252: {  	v14 =	vand.u32 $0x7C, v34;
	v8 =	vand.u32 $0x7D, v22;
	v28 =	vadd.s32 v3, v11;
	v11 =	vld.idx.msk [tilespmem:v26+s5+$0x0], $0xffff;
	[tilespmem:s4+$0x14000] =	vst v7;
	s4 =	sor.u32 $0x60, s0  }
0x253: {  	v29 =	vadd.s32 v3, v13;
	v26 =	vshll.u32 v10, $0x3;
	v10 =	vand.u32 $0x7E, v19;
	v20 =	vld.idx.msk [tilespmem:v36+s5+$0x0], $0xffff;
	[tilespmem:s4+$0x14000] =	vst v32  }
0x254: {  	v13 =	vshll.u32 v30, $0x3;
	v30 =	vadd.s32 v3, v12;
	v24 =	vshll.u32 v33, $0x3;
	[tilespmem:s3+$0x90] =	vst v31;
	v12 =	vld.idx.msk [tilespmem:v37+s5+$0x0], $0xffff  }
0x255: {  	s21 =	sadd.s32 $0x7, s2;
	s2 =	sadd.s32 $0x8, s2;
	v7 =	vor.u32 v25, v38;
	v25 =	vshll.u32 v34, $0x3;
	v31 =	vadd.s32 v3, v9;
	[tilespmem:s3+$0xFFFFFF10] =	vst v35;
	v9 =	vld.idx.msk [tilespmem:v39+s5+$0x0], $0xffff  }
0x256: {  	_ =	sdelay $0x1  }
0x257: {  	[tilespmem:s20+$0x14000] =	vst v21  }
0x258: {  	[tilespmem:s3+$0xFFFFFFA0] =	vst v16  }
0x259: {  	v32 =	vadd.s32 v0, v7;
	v33 =	vmov s21;
	v27 =	vld.idx.msk [tilespmem:v27+s5+$0x0], $0xffff;
	v6 =	vadd.s32 v3, v6;
	[tilespmem:s19+$0x14000] =	vst v23  }
0x25a: {  	v5 =	vadd.s32 v3, v5;
	v23 =	vand.u32 $0x400, v26;
	v4 =	vadd.s32 v3, v4;
	v28 =	vld.idx.msk [tilespmem:v28+s5+$0x0], $0xffff;
	[tilespmem:s3+$0x20] =	vst v11  }
0x25b: {  	s2 =	sor.u32 $0x70, s0;
	v13 =	vand.u32 $0x400, v13;
	v21 =	vshll.u32 v33, $0x3;
	v16 =	vand.u32 $0x7F, v33;
	v29 =	vld.idx.msk [tilespmem:v29+s5+$0x0], $0xffff;
	[tilespmem:s9+$0x14000] =	vst v20  }
0x25c: {  	v11 =	vor.u32 v18, v23;
	v13 =	vor.u32 v17, v13;
	v21 =	vand.u32 $0x400, v21;
	v23 =	vld.idx.msk [tilespmem:v31+s5+$0x0], $0xffff;
	[tilespmem:s2+$0x14000] =	vst v12  }
0x25d: {  	v22 =	vshll.u32 v22, $0x3;
	v20 =	vadd.s32 v0, v13;
	v16 =	vor.u32 v16, v21;
	v21 =	vld.idx.msk [tilespmem:v30+s5+$0x0], $0xffff;
	[tilespmem:s3+$0xA0] =	vst v9  }
0x25e: {  	v19 =	vshll.u32 v19, $0x3;
	v17 =	vand.u32 $0x400, v24;
	v18 =	vadd.s32 v0, v16;
	v6 =	vld.idx.msk [tilespmem:v6+s5+$0x0], $0xffff;
	[tilespmem:s3+$0xFFFFFF20] =	vst v27  }
0x25f: {  	v59 =	vadd.s32 v0, v11;
	v15 =	vor.u32 v15, v17;
	v17 =	vand.u32 $0x400, v25;
	v5 =	vld.idx.msk [tilespmem:v5+s5+$0x0], $0xffff;
	[tilespmem:s7+$0x14000] =	vst v28  }
0x260: {  	v14 =	vor.u32 v14, v17;
	v17 =	vand.u32 $0x400, v22;
	v9 =	vadd.s32 v0, v15;
	v12 =	vld.idx.msk [tilespmem:v32+s5+$0x0], $0xffff;
	[tilespmem:s3+$0xFFFFFFB0] =	vst v29  }
0x261: {  	v22 =	vadd.s32 v0, v14;
	v8 =	vor.u32 v8, v17;
	v17 =	vand.u32 $0x400, v19;
	v4 =	vld.idx.msk [tilespmem:v4+s5+$0x0], $0xffff;
	[tilespmem:s3+$0x30] =	vst v23  }
0x262: {  	v19 =	vadd.s32 v0, v8;
	v10 =	vor.u32 v10, v17;
	v20 =	vld.idx.msk [tilespmem:v20+s5+$0x0], $0xffff;
	[tilespmem:s18+$0x14000] =	vst v21  }
0x263: {  	v60 =	vadd.s32 v0, v10;
	v17 =	vld.idx.msk [tilespmem:v18+s5+$0x0], $0xffff;
	[tilespmem:s6+$0x14000] =	vst v6  }
0x264: {  	s2 =	sadd.s32 $0x200, s3;
	v21 =	vadd.s32 v1, v16;
	v18 =	vld.idx.msk [tilespmem:v59+s5+$0x0], $0xffff;
	[tilespmem:s3+$0xB0] =	vst v5  }
0x265: {  	v23 =	vadd.s32 v1, v11;
	v9 =	vld.idx.msk [tilespmem:v9+s5+$0x0], $0xffff;
	[tilespmem:s2+$0xFFFFFF00] =	vst v12  }
0x266: {  	v22 =	vld.idx.msk [tilespmem:v22+s5+$0x0], $0xffff;
	v6 =	vadd.s32 v1, v13;
	[tilespmem:s3+$0xFFFFFF30] =	vst v4  }
0x267: {  	v5 =	vadd.s32 v1, v15;
	v19 =	vld.idx.msk [tilespmem:v19+s5+$0x0], $0xffff;
	[tilespmem:s2+$0xFFFFFF80] =	vst v20  }
0x268: {  	v4 =	vadd.s32 v1, v14;
	v24 =	vld.idx.msk [tilespmem:v60+s5+$0x0], $0xffff;
	[tilespmem:s2+$0xC0] =	vst v17  }
0x269: {  	v20 =	vadd.s32 v1, v10;
	[tilespmem:s2+$0xFFFFFF40] =	vst v18;
	v18 =	vld.idx.msk [tilespmem:v21+s5+$0x0], $0xffff  }
0x26a: {  	v17 =	vadd.s32 v1, v8;
	[tilespmem:s2+$0xFFFFFFC0] =	vst v9;
	v21 =	vld.idx.msk [tilespmem:v23+s5+$0x0], $0xffff  }
0x26b: {  	[tilespmem:s2+$0x0] =	vst v22;
	v6 =	vld.idx.msk [tilespmem:v6+s5+$0x0], $0xffff;
	v23 =	vadd.s32 v1, v7  }
0x26c: {  	s4 =	sadd.s32 $0x200, s0;
	v9 =	vadd.s32 v2, v16;
	v5 =	vld.idx.msk [tilespmem:v5+s5+$0x0], $0xffff;
	[tilespmem:s2+$0x40] =	vst v19  }
0x26d: {  	s0 =	sor.u32 $0x50, s4;
	s3 =	sadd.s32 $0xFFFFFE80, s4;
	v22 =	vadd.s32 v2, v11;
	v4 =	vld.idx.msk [tilespmem:v4+s5+$0x0], $0xffff;
	[tilespmem:s2+$0x80] =	vst v24  }
0x26e: {  	s26 =	sor.u32 $0x50, s3;
	v19 =	vadd.s32 v2, v13;
	v20 =	vld.idx.msk [tilespmem:v20+s5+$0x0], $0xffff;
	[tilespmem:s0+$0x14000] =	vst v18  }
0x26f: {  	s30 =	sadd.s32 $0xFFFFFF00, s4;
	v61 =	vadd.s32 v2, v15;
	v17 =	vld.idx.msk [tilespmem:v17+s5+$0x0], $0xffff;
	[tilespmem:s26+$0x14000] =	vst v21  }
0x270: {  	v12 =	vadd.s32 v2, v14;
	v18 =	vld.idx.msk [tilespmem:v23+s5+$0x0], $0xffff;
	s0 =	sor.u32 $0x50, s30;
	[tilespmem:s2+$0xFFFFFF90] =	vst v6  }
0x271: {  	v21 =	vadd.s32 v2, v8;
	v9 =	vld.idx.msk [tilespmem:v9+s5+$0x0], $0xffff;
	[tilespmem:s0+$0x14000] =	vst v5  }
0x272: {  	s1 =	sadd.s32 $0xFFFFFF80, s4;
	v22 =	vld.idx.msk [tilespmem:v22+s5+$0x0], $0xffff;
	v5 =	vadd.s32 v2, v10;
	[tilespmem:s2+$0x10] =	vst v4  }
0x273: {  	s12 =	sor.u32 $0x50, s1;
	v6 =	vadd.s32 v3, v16;
	v16 =	vld.idx.msk [tilespmem:v19+s5+$0x0], $0xffff;
	v19 =	vadd.s32 v2, v7;
	[tilespmem:s2+$0x90] =	vst v20  }
0x274: {  	v23 =	vld.idx.msk [tilespmem:v61+s5+$0x0], $0xffff;
	[tilespmem:s12+$0x14000] =	vst v17  }
0x275: {  	s15 =	sor.u32 $0x60, s4;
	v4 =	vadd.s32 v3, v11;
	v11 =	vld.idx.msk [tilespmem:v12+s5+$0x0], $0xffff;
	[tilespmem:s2+$0xFFFFFF10] =	vst v18  }
0x276: {  	s18 =	sor.u32 $0x60, s3;
	v12 =	vadd.s32 v3, v13;
	v13 =	vld.idx.msk [tilespmem:v21+s5+$0x0], $0xffff;
	[tilespmem:s15+$0x14000] =	vst v9  }
0x277: {  	v14 =	vadd.s32 v3, v14;
	v5 =	vld.idx.msk [tilespmem:v5+s5+$0x0], $0xffff;
	[tilespmem:s18+$0x14000] =	vst v22  }
0x278: {  	s19 =	sor.u32 $0x60, s30;
	v9 =	vadd.s32 v3, v15;
	v15 =	vld.idx.msk [tilespmem:v19+s5+$0x0], $0xffff;
	[tilespmem:s2+$0xFFFFFFA0] =	vst v16  }
0x279: {  	v8 =	vadd.s32 v3, v8;
	v6 =	vld.idx.msk [tilespmem:v6+s5+$0x0], $0xffff;
	[tilespmem:s19+$0x14000] =	vst v23  }
0x27a: {  	s20 =	sor.u32 $0x60, s1;
	v10 =	vadd.s32 v3, v10;
	v4 =	vld.idx.msk [tilespmem:v4+s5+$0x0], $0xffff;
	[tilespmem:s2+$0x20] =	vst v11  }
0x27b: {  	s25 =	simm.s32 $0x105;
	v7 =	vadd.s32 v3, v7;
	v12 =	vld.idx.msk [tilespmem:v12+s5+$0x0], $0xffff;
	[tilespmem:s20+$0x14000] =	vst v13  }
0x27c: {  	s24 =	simm.s32 $0x104;
	s12 =	simm.s32 $0x102;
	v17 =	vmov s25;
	v11 =	vld.idx.msk [tilespmem:v14+s5+$0x0], $0xffff;
	[tilespmem:s2+$0xA0] =	vst v5  }
0x27d: {  	s22 =	simm.s32 $0x101;
	s4 =	sor.u32 $0x70, s4;
	v16 =	vmov s24;
	v14 =	vmov s12;
	v9 =	vld.idx.msk [tilespmem:v9+s5+$0x0], $0xffff;
	[tilespmem:s2+$0xFFFFFF20] =	vst v15  }
0x27e: {  	s23 =	simm.s32 $0x103;
	s6 =	sor.u32 $0x70, s3;
	s26 =	simm.s32 $0x106;
	v22 =	vand.u32 $0x7C, v16;
	v20 =	vand.u32 $0x7A, v14;
	v13 =	vmov s22;
	v8 =	vld.idx.msk [tilespmem:v8+s5+$0x0], $0xffff;
	[tilespmem:s4+$0x14000] =	vst v6  }
0x27f: {  	s21 =	simm.s32 $0x100;
	v5 =	vmov s23;
	v15 =	vmov s26;
	v19 =	vand.u32 $0x79, v13;
	v10 =	vld.idx.msk [tilespmem:v10+s5+$0x0], $0xffff;
	[tilespmem:s6+$0x14000] =	vst v4  }
0x280: {  	v6 =	vmov s21;
	v21 =	vand.u32 $0x7B, v5;
	v7 =	vld.idx.msk [tilespmem:v7+s5+$0x0], $0xffff;
	[tilespmem:s2+$0xFFFFFFB0] =	vst v12;
	v12 =	vand.u32 $0x7D, v17  }
0x281: {  	s3 =	sor.u32 $0x70, s30;
	s30 =	simm.s32 $0x107;
	v23 =	vand.u32 $0x7E, v15;
	v5 =	vshll.u32 v5, $0x3;
	v18 =	vand.u32 $0x78, v6;
	[tilespmem:s2+$0x30] =	vst v11  }
0x282: {  	s0 =	sor.u32 $0x70, s1;
	v4 =	vshll.u32 v6, $0x3;
	v6 =	vshll.u32 v13, $0x3;
	v11 =	vmov s30;
	[tilespmem:s3+$0x14000] =	vst v9  }
0x283: {  	v13 =	vshll.u32 v16, $0x3;
	v16 =	vshll.u32 v17, $0x3;
	v5 =	vand.u32 $0xC00, v5;
	[tilespmem:s0+$0x14000] =	vst v8  }
0x284: {  	v4 =	vand.u32 $0xC00, v4;
	v6 =	vand.u32 $0xC00, v6;
	v8 =	vshll.u32 v11, $0x3;
	[tilespmem:s2+$0xB0] =	vst v10  }
0x285: {  	v4 =	vor.u32 v18, v4;
	v10 =	vand.u32 $0x7F, v11;
	v8 =	vand.u32 $0xC00, v8;
	[tilespmem:s2+$0xFFFFFF30] =	vst v7  }
0x286: {  	v9 =	vshll.u32 v14, $0x3;
	v14 =	vadd.s32 v0, v4;
	v11 =	vor.u32 v10, v8;
	s0 =	rddreg [dreg:$0xe]  }
0x287: {  	v7 =	vshll.u32 v15, $0x3;
	v8 =	vor.u32 v19, v6;
	[hbm4b:s0+s5] =	stream.linear.scatter [tilespmem:s28], [sflag:$0x3], $0x4000, $0x38;
	v15 =	vadd.s32 v0, v11;
	[tilespmem:$0x1D000] =	vst v63  }
0x288: {  	v6 =	vand.u32 $0xC00, v9;
	v9 =	vor.u32 v21, v5;
	v17 =	vadd.s32 v0, v8;
	_ =	swait.ge [sflag:s17], $0x4000  }
0x289: {  	v5 =	vand.u32 $0xC00, v13;
	v10 =	vor.u32 v20, v6;
	v13 =	vadd.s32 v0, v9;
	[sflag:s17] =	ssyncset.done $0x0  }
0x28a: {  	v5 =	vor.u32 v22, v5;
	v6 =	vand.u32 $0xC00, v16;
	v18 =	vadd.s32 v0, v10;
	[sflag:s17] =	ssyncadd.s32 $0xFFFFC000  }
0x28b: {  	v7 =	vand.u32 $0xC00, v7;
	v16 =	vadd.s32 v0, v5;
	v6 =	vor.u32 v12, v6;
	v14 =	vld.idx.msk [tilespmem:v14+s5+$0x0], $0xffff  }
0x28c: {  	v7 =	vor.u32 v23, v7;
	v12 =	vadd.s32 v0, v6;
	v15 =	vld.idx.msk [tilespmem:v15+s5+$0x0], $0xffff  }
0x28d: {  	v20 =	vadd.s32 v0, v7;
	v19 =	vld.idx.msk [tilespmem:v17+s5+$0x0], $0xffff  }
0x28e: {  	v22 =	vadd.s32 v1, v4;
	v62 =	vld.idx.msk [tilespmem:v13+s5+$0x0], $0xffff  }
0x28f: {  	v21 =	vld.idx.msk [tilespmem:v18+s5+$0x0], $0xffff;
	v18 =	vadd.s32 v1, v11  }
0x290: {  	v13 =	vadd.s32 v1, v8;
	v17 =	vld.idx.msk [tilespmem:v16+s5+$0x0], $0xffff  }
0x291: {  	s0 =	simm.s32 $0x18100;
	v63 =	vadd.s32 v1, v10;
	v16 =	vld.idx.msk [tilespmem:v12+s5+$0x0], $0xffff  }
0x292: {  	v23 =	vadd.s32 v1, v9;
	v12 =	vld.idx.msk [tilespmem:v20+s5+$0x0], $0xffff;
	[tilespmem:s0+$0xFFFFFF00] =	vst v14  }
0x293: {  	[tilespmem:s0+$0xC0] =	vst v15;
	v15 =	vld.idx.msk [tilespmem:v22+s5+$0x0], $0xffff;
	v22 =	vadd.s32 v1, v5  }
0x294: {  	v20 =	vadd.s32 v1, v6;
	[tilespmem:s0+$0xFFFFFF40] =	vst v19;
	v18 =	vld.idx.msk [tilespmem:v18+s5+$0x0], $0xffff  }
0x295: {  	v14 =	vld.idx.msk [tilespmem:v13+s5+$0x0], $0xffff;
	[tilespmem:s0+$0xFFFFFF80] =	vst v21;
	v21 =	vadd.s32 v2, v11  }
0x296: {  	s2 =	simm.s32 $0x0;
	[tilespmem:s0+$0xFFFFFFC0] =	vst v62;
	v19 =	vadd.s32 v1, v7;
	v13 =	vld.idx.msk [tilespmem:v63+s5+$0x0], $0xffff  }
.LBB2_14:
0x297: {  	s3 =	sadd.s32 $0x108, s2;
	v24 =	vadd.s32 v2, v4;
	v23 =	vld.idx.msk [tilespmem:v23+s5+$0x0], $0xffff;
	[tilespmem:s0+$0x0] =	vst v17  }
0x298: {  	s4 =	sadd.s32 $0x10A, s2;
	v25 =	vadd.s32 v2, v8;
	v17 =	vmov s3;
	s3 =	sadd.s32 $0x109, s2;
	v22 =	vld.idx.msk [tilespmem:v22+s5+$0x0], $0xffff;
	[tilespmem:s0+$0x40] =	vst v16  }
0x299: {  	v27 =	vadd.s32 v2, v10;
	v26 =	vmov s4;
	s4 =	sadd.s32 $0x10C, s2;
	v16 =	vmov s3;
	s3 =	sadd.s32 $0x10B, s2;
	v20 =	vld.idx.msk [tilespmem:v20+s5+$0x0], $0xffff;
	[tilespmem:s0+$0xD0] =	vst v18  }
0x29a: {  	v29 =	vadd.s32 v2, v9;
	v28 =	vmov s4;
	s4 =	sadd.s32 $0x10E, s2;
	v18 =	vmov s3;
	s3 =	sadd.s32 $0x10D, s2;
	[tilespmem:s0+$0x80] =	vst v12;
	v12 =	vld.idx.msk [tilespmem:v21+s5+$0x0], $0xffff  }
0x29b: {  	v30 =	vmov s4;
	v21 =	vmov s3;
	[tilespmem:s0+$0xFFFFFF10] =	vst v15;
	v15 =	vadd.s32 v2, v5;
	v19 =	vld.idx.msk [tilespmem:v19+s5+$0x0], $0xffff  }
0x29c: {  	v11 =	vadd.s32 v3, v11;
	v31 =	vand.u32 $0x78, v17;
	v32 =	vand.u32 $0x79, v16;
	v24 =	vld.idx.msk [tilespmem:v24+s5+$0x0], $0xffff;
	[tilespmem:s0+$0xFFFFFF50] =	vst v14  }
0x29d: {  	v33 =	vand.u32 $0x7B, v18;
	v14 =	vand.u32 $0x7A, v26;
	v25 =	vld.idx.msk [tilespmem:v25+s5+$0x0], $0xffff;
	[tilespmem:s0+$0xFFFFFF90] =	vst v13;
	v13 =	vadd.s32 v2, v6  }
0x29e: {  	v34 =	vand.u32 $0x7C, v28;
	v35 =	vand.u32 $0x7D, v21;
	v27 =	vld.idx.msk [tilespmem:v27+s5+$0x0], $0xffff;
	[tilespmem:s0+$0xFFFFFFD0] =	vst v23;
	v23 =	vadd.s32 v2, v7  }
0x29f: {  	v37 =	vadd.s32 v3, v4;
	v17 =	vshll.u32 v17, $0x3;
	v36 =	vand.u32 $0x7E, v30;
	v29 =	vld.idx.msk [tilespmem:v29+s5+$0x0], $0xffff;
	[tilespmem:s0+$0x10] =	vst v22  }
0x2a0: {  	v8 =	vadd.s32 v3, v8;
	v16 =	vshll.u32 v16, $0x3;
	v22 =	vshll.u32 v26, $0x3;
	v15 =	vld.idx.msk [tilespmem:v15+s5+$0x0], $0xffff;
	[tilespmem:s0+$0xE0] =	vst v12  }
0x2a1: {  	v10 =	vadd.s32 v3, v10;
	v4 =	vand.u32 $0xC00, v17;
	v12 =	vshll.u32 v18, $0x3;
	[tilespmem:s0+$0x50] =	vst v20;
	v17 =	vld.idx.msk [tilespmem:v11+s5+$0x0], $0xffff  }
0x2a2: {  	v9 =	vadd.s32 v3, v9;
	v4 =	vor.u32 v31, v4;
	s3 =	sadd.s32 $0x10F, s2;
	s2 =	sadd.s32 $0x8, s2;
	v18 =	vshll.u32 v28, $0x3;
	v13 =	vld.idx.msk [tilespmem:v13+s5+$0x0], $0xffff;
	[tilespmem:s0+$0x90] =	vst v19  }
0x2a3: {  	p2 =	slt.u32 s2, $0xF8;
	v20 =	vshll.u32 v21, $0x3;
	v11 =	vmov s3;
	v19 =	vadd.s32 v0, v4;
	[tilespmem:s0+$0xFFFFFF20] =	vst v24;
	v21 =	vld.idx.msk [tilespmem:v23+s5+$0x0], $0xffff  }
0x2a4: {  	v5 =	vadd.s32 v3, v5;
	v23 =	vshll.u32 v30, $0x3;
	v24 =	vshll.u32 v11, $0x3;
	v26 =	vld.idx.msk [tilespmem:v37+s5+$0x0], $0xffff;
	[tilespmem:s0+$0xFFFFFF60] =	vst v25  }
0x2a5: {  	v6 =	vadd.s32 v3, v6;
	v11 =	vand.u32 $0x7F, v11;
	v24 =	vand.u32 $0xC00, v24;
	v25 =	vld.idx.msk [tilespmem:v8+s5+$0x0], $0xffff;
	[tilespmem:s0+$0xFFFFFFA0] =	vst v27  }
0x2a6: {  	v7 =	vadd.s32 v3, v7;
	v8 =	vand.u32 $0xC00, v16;
	v11 =	vor.u32 v11, v24;
	v16 =	vld.idx.msk [tilespmem:v10+s5+$0x0], $0xffff;
	[tilespmem:s0+$0xFFFFFFE0] =	vst v29  }
0x2a7: {  	v8 =	vor.u32 v32, v8;
	v10 =	vand.u32 $0xC00, v22;
	v22 =	vadd.s32 v0, v11;
	v24 =	vld.idx.msk [tilespmem:v9+s5+$0x0], $0xffff;
	[tilespmem:s0+$0xF0] =	vst v17  }
0x2a8: {  	v17 =	vadd.s32 v0, v8;
	v10 =	vor.u32 v14, v10;
	v9 =	vand.u32 $0xC00, v12;
	v19 =	vld.idx.msk [tilespmem:v19+s5+$0x0], $0xffff;
	[tilespmem:s0+$0x20] =	vst v15  }
0x2a9: {  	v14 =	vand.u32 $0xC00, v18;
	v12 =	vadd.s32 v0, v10;
	v9 =	vor.u32 v33, v9;
	v15 =	vld.idx.msk [tilespmem:v5+s5+$0x0], $0xffff;
	[tilespmem:s0+$0x60] =	vst v13  }
0x2aa: {  	v13 =	vadd.s32 v0, v9;
	v5 =	vor.u32 v34, v14;
	v14 =	vand.u32 $0xC00, v20;
	v18 =	vld.idx.msk [tilespmem:v6+s5+$0x0], $0xffff;
	[tilespmem:s0+$0xA0] =	vst v21  }
0x2ab: {  	v20 =	vadd.s32 v0, v5;
	v6 =	vor.u32 v35, v14;
	v14 =	vand.u32 $0xC00, v23;
	[tilespmem:s0+$0xFFFFFF30] =	vst v26;
	v21 =	vld.idx.msk [tilespmem:v7+s5+$0x0], $0xffff  }
0x2ac: {  	v23 =	vadd.s32 v0, v6;
	v7 =	vor.u32 v36, v14;
	v14 =	vld.idx.msk [tilespmem:v22+s5+$0x0], $0xffff;
	[tilespmem:s0+$0xFFFFFF70] =	vst v25  }
0x2ad: {  	v22 =	vadd.s32 v0, v7;
	v25 =	vld.idx.msk [tilespmem:v17+s5+$0x0], $0xffff;
	[tilespmem:s0+$0xFFFFFFB0] =	vst v16  }
0x2ae: {  	v27 =	vadd.s32 v1, v11;
	v26 =	vld.idx.msk [tilespmem:v12+s5+$0x0], $0xffff;
	[tilespmem:s0+$0xFFFFFFF0] =	vst v24  }
0x2af: {  	v24 =	vadd.s32 v1, v4;
	v28 =	vld.idx.msk [tilespmem:v13+s5+$0x0], $0xffff;
	[tilespmem:s0+$0x30] =	vst v15  }
0x2b0: {  	v13 =	vadd.s32 v1, v8;
	v17 =	vld.idx.msk [tilespmem:v20+s5+$0x0], $0xffff;
	[tilespmem:s0+$0x70] =	vst v18  }
0x2b1: {  	v29 =	vadd.s32 v1, v10;
	v16 =	vld.idx.msk [tilespmem:v23+s5+$0x0], $0xffff;
	[tilespmem:s0+$0xB0] =	vst v21;
	s0 =	sadd.s32 $0x200, s0  }
.Ltmp8:
0x2b2: {  	v23 =	vadd.s32 v1, v9;
	v12 =	vld.idx.msk [tilespmem:v22+s5+$0x0], $0xffff;
	[tilespmem:s0+$0xC0] =	vst v14;
	(pc) =	sbr.rel @p2 .LBB2_14-.Ltmp8, $4  }
0x2b3: {  	v22 =	vadd.s32 v1, v5;
	[tilespmem:s0+$0xFFFFFF00] =	vst v19;
	v18 =	vld.idx.msk [tilespmem:v27+s5+$0x0], $0xffff  }
0x2b4: {  	v20 =	vadd.s32 v1, v6;
	v15 =	vld.idx.msk [tilespmem:v24+s5+$0x0], $0xffff;
	[tilespmem:s0+$0xFFFFFF40] =	vst v25  }
0x2b5: {  	v21 =	vadd.s32 v2, v11;
	v14 =	vld.idx.msk [tilespmem:v13+s5+$0x0], $0xffff;
	[tilespmem:s0+$0xFFFFFF80] =	vst v26  }
0x2b6: {  	v19 =	vadd.s32 v1, v7;
	v13 =	vld.idx.msk [tilespmem:v29+s5+$0x0], $0xffff;
	[tilespmem:s0+$0xFFFFFFC0] =	vst v28  }
0x2b7: {  	_ =	sdelay $0x1  }
0x2b8: {  	[tilespmem:s0+$0x0] =	vst v17  }
0x2b9: {  	[tilespmem:s0+$0x40] =	vst v16  }
0x2ba: {  	v46 =	vadd.s32 v2, v4;
	v47 =	vld.idx.msk [tilespmem:v23+s5+$0x0], $0xffff;
	[tilespmem:s0+$0x80] =	vst v12  }
0x2bb: {  	v48 =	vadd.s32 v2, v8;
	[tilespmem:s0+$0xD0] =	vst v18;
	v22 =	vld.idx.msk [tilespmem:v22+s5+$0x0], $0xffff  }
0x2bc: {  	v49 =	vadd.s32 v2, v10;
	v50 =	vld.idx.msk [tilespmem:v20+s5+$0x0], $0xffff;
	[tilespmem:s0+$0xFFFFFF10] =	vst v15  }
0x2bd: {  	v51 =	vadd.s32 v2, v9;
	v52 =	vld.idx.msk [tilespmem:v19+s5+$0x0], $0xffff;
	[tilespmem:s0+$0xFFFFFF50] =	vst v14  }
0x2be: {  	v53 =	vadd.s32 v2, v5;
	v21 =	vld.idx.msk [tilespmem:v21+s5+$0x0], $0xffff;
	[tilespmem:s0+$0xFFFFFF90] =	vst v13  }
0x2bf: {  	v55 =	vadd.s32 v2, v6;
	v16 =	vld.idx.msk [tilespmem:v46+s5+$0x0], $0xffff;
	[tilespmem:s0+$0xFFFFFFD0] =	vst v47  }
0x2c0: {  	v56 =	vadd.s32 v2, v7;
	v54 =	vld.idx.msk [tilespmem:v48+s5+$0x0], $0xffff;
	[tilespmem:s0+$0x10] =	vst v22  }
0x2c1: {  	v11 =	vadd.s32 v3, v11;
	v12 =	vld.idx.msk [tilespmem:v49+s5+$0x0], $0xffff;
	[tilespmem:s0+$0x50] =	vst v50  }
0x2c2: {  	v4 =	vadd.s32 v3, v4;
	v20 =	vld.idx.msk [tilespmem:v51+s5+$0x0], $0xffff;
	[tilespmem:s0+$0x90] =	vst v52  }
0x2c3: {  	v57 =	vadd.s32 v3, v8;
	[tilespmem:s0+$0xE0] =	vst v21;
	v13 =	vld.idx.msk [tilespmem:v53+s5+$0x0], $0xffff  }
0x2c4: {  	v58 =	vadd.s32 v3, v10;
	v60 =	vld.idx.msk [tilespmem:v55+s5+$0x0], $0xffff;
	[tilespmem:s0+$0xFFFFFF20] =	vst v16  }
0x2c5: {  	v59 =	vadd.s32 v3, v9;
	v61 =	vld.idx.msk [tilespmem:v56+s5+$0x0], $0xffff;
	[tilespmem:s0+$0xFFFFFF60] =	vst v54  }
0x2c6: {  	v5 =	vadd.s32 v3, v5;
	v11 =	vld.idx.msk [tilespmem:v11+s5+$0x0], $0xffff;
	[tilespmem:s0+$0xFFFFFFA0] =	vst v12  }
0x2c7: {  	v62 =	vadd.s32 v3, v6;
	v4 =	vld.idx.msk [tilespmem:v4+s5+$0x0], $0xffff;
	[tilespmem:s0+$0xFFFFFFE0] =	vst v20  }
0x2c8: {  	v63 =	vadd.s32 v3, v7;
	v8 =	vld.idx.msk [tilespmem:v57+s5+$0x0], $0xffff;
	[tilespmem:s0+$0x20] =	vst v13  }
0x2c9: {  	v10 =	vld.idx.msk [tilespmem:v58+s5+$0x0], $0xffff;
	[tilespmem:s0+$0x60] =	vst v60  }
0x2ca: {  	v9 =	vld.idx.msk [tilespmem:v59+s5+$0x0], $0xffff;
	[tilespmem:s0+$0xA0] =	vst v61  }
0x2cb: {  	[tilespmem:s0+$0xF0] =	vst v11;
	v5 =	vld.idx.msk [tilespmem:v5+s5+$0x0], $0xffff  }
0x2cc: {  	v6 =	vld.idx.msk [tilespmem:v62+s5+$0x0], $0xffff;
	[tilespmem:s0+$0xFFFFFF30] =	vst v4  }
0x2cd: {  	v4 =	vld.idx.msk [tilespmem:v63+s5+$0x0], $0xffff;
	[tilespmem:s0+$0xFFFFFF70] =	vst v8  }
0x2ce: {  	[tilespmem:s0+$0xFFFFFFB0] =	vst v10  }
0x2cf: {  	[tilespmem:s0+$0xFFFFFFF0] =	vst v9  }
0x2d0: {  	[tilespmem:s0+$0x30] =	vst v5  }
0x2d1: {  	[tilespmem:s0+$0x70] =	vst v6  }
0x2d2: {  	[tilespmem:s0+$0xB0] =	vst v4  }
0x2d3: {  	s0 =	rddreg [dreg:$0xf]  }
0x2d4: {  	[hbm4b:s0+s5] =	stream.linear.scatter [tilespmem:s29], [sflag:$0x4], $0x4000, $0x38;
	[tilespmem:$0x1D000] =	vst v63  }
0x2d5: {  	_ =	swait.ge [sflag:s14], $0x4000  }
.Ltmp9:
0x2d6: {  	[sflag:s14] =	ssyncset.done $0x0;
	(pc) =	sbr.rel @p0 .LBB2_19-.Ltmp9, $4  }
0x2d7: {  	[sflag:s14] =	ssyncadd.s32 $0xFFFFC000  }
0x2d8: {  	_ =	swait.ge [sflag:s17], $0x4000  }
0x2d9: {  	[sflag:s17] =	ssyncset.done $0x0  }
0x2da: {  	s4 =	rddreg [dreg:$0x14];
	[sflag:s17] =	ssyncadd.s32 $0xFFFFC000  }
0x2db: {  	s6 =	simm.s32 $0x0;
	s1 =	rddreg [dreg:$0x10]  }
0x2dc: {  	[tilespmem:s6], [sflag:$0x5] =	stream.linear.gather [hbm4b:s1+s6], $0x400, $0x38;
	[tilespmem:$0x1D000] =	vst v63  }
0x2dd: {  	s2 =	simm.s32 $0x1400;
	s0 =	sadd.s32 $0xF4280, s1  }
0x2de: {  	[tilespmem:s2], [sflag:$0x5] =	stream.linear.gather [hbm4b:s0+s6], $0x400, $0x38;
	[tilespmem:$0x1D000] =	vst v63  }
0x2df: {  	s12 =	simm.s32 $0x2800;
	s11 =	sadd.s32 $0x1E8500, s1  }
0x2e0: {  	[tilespmem:s12], [sflag:$0x5] =	stream.linear.gather [hbm4b:s11+s6], $0x400, $0x38;
	[tilespmem:$0x1D000] =	vst v63  }
0x2e1: {  	s18 =	simm.s32 $0x3C00;
	s15 =	sadd.s32 $0x2DC780, s1  }
0x2e2: {  	[tilespmem:s18], [sflag:$0x5] =	stream.linear.gather [hbm4b:s15+s6], $0x400, $0x38;
	[tilespmem:$0x1D000] =	vst v63  }
0x2e3: {  	s20 =	simm.s32 $0x5000;
	s19 =	sadd.s32 $0x3D0A00, s1  }
0x2e4: {  	[tilespmem:s20], [sflag:$0x5] =	stream.linear.gather [hbm4b:s19+s6], $0x400, $0x38;
	[tilespmem:$0x1D000] =	vst v63  }
0x2e5: {  	s22 =	simm.s32 $0x6400;
	s24 =	simm.s32 $0x7800;
	s21 =	sadd.s32 $0x4C4C80, s1  }
0x2e6: {  	[tilespmem:s22], [sflag:$0x5] =	stream.linear.gather [hbm4b:s21+s6], $0x400, $0x38;
	[tilespmem:$0x1D000] =	vst v63  }
0x2e7: {  	s26 =	simm.s32 $0x8C00;
	s29 =	simm.s32 $0x1;
	s23 =	sadd.s32 $0x5B8F00, s1  }
0x2e8: {  	[tilespmem:s24], [sflag:$0x5] =	stream.linear.gather [hbm4b:s23+s6], $0x400, $0x38;
	[tilespmem:$0x1D000] =	vst v63  }
0x2e9: {  	s30 =	simm.s32 $0x5;
	s25 =	sadd.s32 $0x6AD180, s1;
	v4 =	vor.u32 s6, v0;
	s21 =	simm.s32 $0x7  }
0x2ea: {  	v5 =	vor.u32 s21, v0;
	[tilespmem:s26], [sflag:$0x5] =	stream.linear.gather [hbm4b:s25+s6], $0x400, $0x38;
	[tilespmem:$0x1D000] =	vst v63  }
0x2eb: {  	v6 =	vor.u32 s29, v0;
	s19 =	simm.s32 $0x2;
	_ =	swait.ge [sflag:s30], $0x2000  }
0x2ec: {  	s20 =	simm.s32 $0x3;
	v7 =	vor.u32 s19, v0;
	[sflag:s30] =	ssyncset.done $0x0  }
0x2ed: {  	s9 =	simm.s32 $0x4;
	v8 =	vor.u32 s20, v0;
	[sflag:s30] =	ssyncadd.s32 $0xFFFFE000  }
0x2ee: {  	s7 =	simm.s32 $0x5;
	v9 =	vor.u32 s9, v0;
	v4 =	vld.idx.msk [tilespmem:v4+s5+$0x0], $0xffff  }
0x2ef: {  	v10 =	vor.u32 s7, v0;
	s1 =	simm.s32 $0x6;
	v5 =	vld.idx.msk [tilespmem:v5+s5+$0x0], $0xffff  }
0x2f0: {  	v11 =	vor.u32 s1, v0;
	v6 =	vld.idx.msk [tilespmem:v6+s5+$0x0], $0xffff  }
0x2f1: {  	v12 =	vor.u32 s21, v1;
	v7 =	vld.idx.msk [tilespmem:v7+s5+$0x0], $0xffff  }
0x2f2: {  	v13 =	vor.u32 s29, v1;
	v8 =	vld.idx.msk [tilespmem:v8+s5+$0x0], $0xffff  }
0x2f3: {  	v14 =	vor.u32 s19, v1;
	v9 =	vld.idx.msk [tilespmem:v9+s5+$0x0], $0xffff  }
0x2f4: {  	s18 =	simm.s32 $0x14100;
	v15 =	vor.u32 s20, v1;
	v10 =	vld.idx.msk [tilespmem:v10+s5+$0x0], $0xffff  }
0x2f5: {  	v16 =	vor.u32 s9, v1;
	v11 =	vld.idx.msk [tilespmem:v11+s5+$0x0], $0xffff;
	[tilespmem:s18+$0xC0] =	vst v5  }
0x2f6: {  	[tilespmem:s18+$0xFFFFFF40] =	vst v6;
	v5 =	vor.u32 s7, v1;
	v6 =	vld.idx.msk [tilespmem:v12+s5+$0x0], $0xffff  }
0x2f7: {  	[tilespmem:s18+$0xFFFFFF80] =	vst v7;
	v7 =	vor.u32 s1, v1;
	v12 =	vld.idx.msk [tilespmem:v13+s5+$0x0], $0xffff  }
0x2f8: {  	[tilespmem:s18+$0xFFFFFFC0] =	vst v8;
	v8 =	vor.u32 s21, v2;
	v13 =	vld.idx.msk [tilespmem:v14+s5+$0x0], $0xffff  }
0x2f9: {  	[tilespmem:s18+$0x0] =	vst v9;
	v14 =	vor.u32 s6, v1;
	v15 =	vld.idx.msk [tilespmem:v15+s5+$0x0], $0xffff  }
0x2fa: {  	s3 =	simm.s32 $0x1C0;
	v9 =	vor.u32 s29, v2;
	[tilespmem:s18+$0x40] =	vst v10;
	v16 =	vld.idx.msk [tilespmem:v16+s5+$0x0], $0xffff  }
0x2fb: {  	s4 =	sor.u32 $0x50, s3;
	v10 =	vor.u32 s19, v2;
	[tilespmem:s18+$0x80] =	vst v11;
	v5 =	vld.idx.msk [tilespmem:v5+s5+$0x0], $0xffff  }
0x2fc: {  	s12 =	simm.s32 $0x40;
	v11 =	vor.u32 s20, v2;
	v7 =	vld.idx.msk [tilespmem:v7+s5+$0x0], $0xffff;
	[tilespmem:s4+$0x14000] =	vst v6  }
0x2fd: {  	s11 =	sor.u32 $0x50, s12;
	[tilespmem:s18+$0xFFFFFF00] =	vst v4;
	v4 =	vor.u32 s9, v2;
	v6 =	vld.idx.msk [tilespmem:v8+s5+$0x0], $0xffff  }
0x2fe: {  	s15 =	simm.s32 $0xC0;
	[tilespmem:s11+$0x14000] =	vst v12;
	v12 =	vor.u32 s7, v2;
	v8 =	vld.idx.msk [tilespmem:v14+s5+$0x0], $0xffff  }
0x2ff: {  	s22 =	sor.u32 $0x50, s15;
	[tilespmem:s18+$0xFFFFFF90] =	vst v13;
	v14 =	vld.idx.msk [tilespmem:v9+s5+$0x0], $0xffff;
	v9 =	vor.u32 s21, v3  }
0x300: {  	s23 =	simm.s32 $0x140;
	[tilespmem:s22+$0x14000] =	vst v15;
	v15 =	vor.u32 s6, v2;
	v10 =	vld.idx.msk [tilespmem:v10+s5+$0x0], $0xffff  }
0x301: {  	s25 =	sor.u32 $0x50, s23;
	v13 =	vor.u32 s1, v2;
	[tilespmem:s18+$0x10] =	vst v16;
	v17 =	vld.idx.msk [tilespmem:v11+s5+$0x0], $0xffff  }
0x302: {  	s26 =	sor.u32 $0x60, s3;
	v16 =	vor.u32 s29, v3;
	v18 =	vld.idx.msk [tilespmem:v4+s5+$0x0], $0xffff;
	[tilespmem:s25+$0x14000] =	vst v5  }
0x303: {  	v19 =	vor.u32 s19, v3;
	v5 =	vld.idx.msk [tilespmem:v12+s5+$0x0], $0xffff;
	[tilespmem:s26+$0x14000] =	vst v6  }
0x304: {  	v20 =	vor.u32 s20, v3;
	[tilespmem:s18+$0xFFFFFF10] =	vst v8;
	v11 =	vld.idx.msk [tilespmem:v9+s5+$0x0], $0xffff  }
0x305: {  	s0 =	simm.s32 $0x8;
	s29 =	sor.u32 $0x60, s12;
	[tilespmem:s18+$0x90] =	vst v7;
	v7 =	vld.idx.msk [tilespmem:v15+s5+$0x0], $0xffff;
	v15 =	vor.u32 s9, v3  }
0x306: {  	v4 =	vor.u32 s0, v0;
	[tilespmem:s29+$0x14000] =	vst v14;
	v9 =	vld.idx.msk [tilespmem:v13+s5+$0x0], $0xffff  }
0x307: {  	s2 =	simm.s32 $0x10;
	s30 =	sor.u32 $0x60, s15;
	[tilespmem:s18+$0xFFFFFFA0] =	vst v10;
	v6 =	vld.idx.msk [tilespmem:v16+s5+$0x0], $0xffff;
	v13 =	vor.u32 s7, v3  }
0x308: {  	s24 =	sor.u32 $0x70, s12;
	s28 =	sor.u32 $0x60, s23;
	s19 =	simm.s32 $0xF;
	[tilespmem:s30+$0x14000] =	vst v17;
	v14 =	vor.u32 s1, v3;
	v8 =	vld.idx.msk [tilespmem:v19+s5+$0x0], $0xffff  }
0x309: {  	v12 =	vor.u32 s6, v3;
	s6 =	sor.u32 $0x70, s3;
	[tilespmem:s18+$0x20] =	vst v18;
	s9 =	sor.u32 $0x70, s15;
	s7 =	sor.u32 $0x70, s23;
	v10 =	vld.idx.msk [tilespmem:v20+s5+$0x0], $0xffff  }
.LBB2_17:
0x30a: {  	p2 =	slt.u32 s2, $0x78;
	s20 =	sadd.s32 $0x1, s0;
	v16 =	vor.u32 s19, v0;
	v15 =	vld.idx.msk [tilespmem:v15+s5+$0x0], $0xffff;
	[tilespmem:s6+$0x14000] =	vst v11;
	s6 =	smov.u32 s0  }
0x30b: {  	s0 =	smov.u32 s2;
	v4 =	vld.idx.msk [tilespmem:v4+s5+$0x0], $0xffff;
	v11 =	vor.u32 s20, v0;
	s23 =	sadd.s32 $0x2, s6;
	[tilespmem:s28+$0x14000] =	vst v5  }
0x30c: {  	s25 =	sadd.s32 $0x3, s6;
	v5 =	vor.u32 s23, v0;
	v13 =	vld.idx.msk [tilespmem:v13+s5+$0x0], $0xffff;
	[tilespmem:s18+$0xA0] =	vst v9  }
0x30d: {  	s26 =	sadd.s32 $0x4, s6;
	v9 =	vor.u32 s25, v0;
	[tilespmem:s18+$0xFFFFFF20] =	vst v7;
	v7 =	vld.idx.msk [tilespmem:v14+s5+$0x0], $0xffff  }
0x30e: {  	s21 =	sadd.s32 $0x5, s6;
	v14 =	vor.u32 s26, v0;
	v12 =	vld.idx.msk [tilespmem:v12+s5+$0x0], $0xffff;
	[tilespmem:s24+$0x14000] =	vst v6  }
0x30f: {  	s22 =	sadd.s32 $0x6, s6;
	v6 =	vor.u32 s21, v0;
	v16 =	vld.idx.msk [tilespmem:v16+s5+$0x0], $0xffff;
	[tilespmem:s18+$0xFFFFFFB0] =	vst v8  }
0x310: {  	v8 =	vld.idx.msk [tilespmem:v11+s5+$0x0], $0xffff;
	v11 =	vor.u32 s22, v0;
	[tilespmem:s9+$0x14000] =	vst v10  }
0x311: {  	v10 =	vor.u32 s19, v1;
	v5 =	vld.idx.msk [tilespmem:v5+s5+$0x0], $0xffff;
	[tilespmem:s18+$0x30] =	vst v15  }
0x312: {  	v15 =	vor.u32 s20, v1;
	v9 =	vld.idx.msk [tilespmem:v9+s5+$0x0], $0xffff;
	[tilespmem:s7+$0x14000] =	vst v13  }
0x313: {  	v13 =	vor.u32 s23, v1;
	v14 =	vld.idx.msk [tilespmem:v14+s5+$0x0], $0xffff;
	[tilespmem:s18+$0xB0] =	vst v7  }
0x314: {  	v7 =	vor.u32 s25, v1;
	v6 =	vld.idx.msk [tilespmem:v6+s5+$0x0], $0xffff;
	[tilespmem:s18+$0xFFFFFF30] =	vst v12;
	s18 =	sadd.s32 $0x200, s18  }
0x315: {  	v12 =	vor.u32 s26, v1;
	v11 =	vld.idx.msk [tilespmem:v11+s5+$0x0], $0xffff;
	[tilespmem:s18+$0xC0] =	vst v16  }
0x316: {  	[tilespmem:s18+$0xFFFFFF40] =	vst v8;
	v8 =	vor.u32 s21, v1;
	v10 =	vld.idx.msk [tilespmem:v10+s5+$0x0], $0xffff  }
0x317: {  	v15 =	vld.idx.msk [tilespmem:v15+s5+$0x0], $0xffff;
	[tilespmem:s18+$0xFFFFFF80] =	vst v5;
	v5 =	vor.u32 s22, v1  }
0x318: {  	v13 =	vld.idx.msk [tilespmem:v13+s5+$0x0], $0xffff;
	[tilespmem:s18+$0xFFFFFFC0] =	vst v9;
	v9 =	vor.u32 s19, v2  }
0x319: {  	v16 =	vor.u32 s6, v1;
	v7 =	vld.idx.msk [tilespmem:v7+s5+$0x0], $0xffff;
	[tilespmem:s18+$0x0] =	vst v14  }
0x31a: {  	s3 =	sadd.s32 $0x200, s3;
	v14 =	vor.u32 s20, v2;
	v12 =	vld.idx.msk [tilespmem:v12+s5+$0x0], $0xffff;
	[tilespmem:s18+$0x40] =	vst v6  }
0x31b: {  	s4 =	sadd.s32 $0xFFFFFE80, s3;
	s9 =	sor.u32 $0x50, s3;
	s7 =	sadd.s32 $0xFFFFFF00, s3;
	v6 =	vor.u32 s23, v2;
	v8 =	vld.idx.msk [tilespmem:v8+s5+$0x0], $0xffff;
	[tilespmem:s18+$0x80] =	vst v11  }
0x31c: {  	s29 =	sadd.s32 $0xFFFFFF80, s3;
	s12 =	sor.u32 $0x50, s4;
	s15 =	sor.u32 $0x50, s7;
	v11 =	vor.u32 s25, v2;
	v17 =	vld.idx.msk [tilespmem:v5+s5+$0x0], $0xffff;
	[tilespmem:s9+$0x14000] =	vst v10  }
0x31d: {  	s30 =	sor.u32 $0x60, s4;
	s1 =	sor.u32 $0x50, s29;
	s11 =	sor.u32 $0x60, s7;
	[tilespmem:s18+$0xFFFFFF00] =	vst v4;
	v4 =	vor.u32 s26, v2;
	v9 =	vld.idx.msk [tilespmem:v9+s5+$0x0], $0xffff  }
0x31e: {  	s28 =	sor.u32 $0x60, s29;
	s24 =	sor.u32 $0x70, s4;
	s9 =	sor.u32 $0x70, s7;
	v5 =	vor.u32 s21, v2;
	v10 =	vld.idx.msk [tilespmem:v16+s5+$0x0], $0xffff;
	[tilespmem:s12+$0x14000] =	vst v15  }
0x31f: {  	s7 =	sor.u32 $0x70, s29;
	v14 =	vld.idx.msk [tilespmem:v14+s5+$0x0], $0xffff;
	[tilespmem:s18+$0xFFFFFF90] =	vst v13;
	v13 =	vor.u32 s19, v3  }
0x320: {  	v16 =	vld.idx.msk [tilespmem:v6+s5+$0x0], $0xffff;
	[tilespmem:s15+$0x14000] =	vst v7;
	v6 =	vor.u32 s22, v2  }
0x321: {  	v7 =	vor.u32 s6, v2;
	v18 =	vld.idx.msk [tilespmem:v11+s5+$0x0], $0xffff;
	[tilespmem:s18+$0x10] =	vst v12  }
0x322: {  	v12 =	vor.u32 s20, v3;
	v19 =	vld.idx.msk [tilespmem:v4+s5+$0x0], $0xffff;
	[tilespmem:s1+$0x14000] =	vst v8;
	s1 =	sor.u32 $0x60, s3  }
0x323: {  	v8 =	vor.u32 s23, v3;
	v5 =	vld.idx.msk [tilespmem:v5+s5+$0x0], $0xffff;
	[tilespmem:s1+$0x14000] =	vst v9  }
0x324: {  	v20 =	vor.u32 s25, v3;
	[tilespmem:s18+$0x90] =	vst v17;
	v11 =	vld.idx.msk [tilespmem:v13+s5+$0x0], $0xffff  }
.Ltmp10:
0x325: {  	v15 =	vor.u32 s26, v3;
	[tilespmem:s18+$0xFFFFFF10] =	vst v10;
	v9 =	vld.idx.msk [tilespmem:v6+s5+$0x0], $0xffff;
	(pc) =	sbr.rel @p2 .LBB2_17-.Ltmp10, $4  }
0x326: {  	v4 =	vor.u32 s2, v0;
	v7 =	vld.idx.msk [tilespmem:v7+s5+$0x0], $0xffff;
	[tilespmem:s30+$0x14000] =	vst v14  }
0x327: {  	v13 =	vor.u32 s21, v3;
	v6 =	vld.idx.msk [tilespmem:v12+s5+$0x0], $0xffff;
	[tilespmem:s18+$0xFFFFFFA0] =	vst v16  }
0x328: {  	v14 =	vor.u32 s22, v3;
	v8 =	vld.idx.msk [tilespmem:v8+s5+$0x0], $0xffff;
	[tilespmem:s11+$0x14000] =	vst v18  }
0x329: {  	s19 =	sadd.s32 $0x7, s0;
	s2 =	sadd.s32 $0x8, s2;
	v12 =	vor.u32 s6, v3;
	s6 =	sor.u32 $0x70, s3;
	v10 =	vld.idx.msk [tilespmem:v20+s5+$0x0], $0xffff;
	[tilespmem:s18+$0x20] =	vst v19  }
0x32a: {  	_ =	sdelay $0x1  }
0x32b: {  	[tilespmem:s6+$0x14000] =	vst v11  }
0x32c: {  	[tilespmem:s28+$0x14000] =	vst v5  }
0x32d: {  	s29 =	sadd.s32 $0x1, s0;
	v31 =	vor.u32 s19, v0;
	v5 =	vld.idx.msk [tilespmem:v15+s5+$0x0], $0xffff;
	[tilespmem:s18+$0xA0] =	vst v9  }
0x32e: {  	s21 =	sadd.s32 $0x2, s0;
	v4 =	vld.idx.msk [tilespmem:v4+s5+$0x0], $0xffff;
	v32 =	vor.u32 s29, v0;
	[tilespmem:s18+$0xFFFFFF20] =	vst v7  }
0x32f: {  	s23 =	sadd.s32 $0x5, s0;
	v33 =	vor.u32 s21, v0;
	v13 =	vld.idx.msk [tilespmem:v13+s5+$0x0], $0xffff;
	[tilespmem:s24+$0x14000] =	vst v6  }
0x330: {  	s20 =	sadd.s32 $0x3, s0;
	v14 =	vld.idx.msk [tilespmem:v14+s5+$0x0], $0xffff;
	v36 =	vor.u32 s23, v0;
	[tilespmem:s18+$0xFFFFFFB0] =	vst v8  }
0x331: {  	s22 =	sadd.s32 $0x4, s0;
	v34 =	vor.u32 s20, v0;
	v12 =	vld.idx.msk [tilespmem:v12+s5+$0x0], $0xffff;
	[tilespmem:s9+$0x14000] =	vst v10  }
0x332: {  	s30 =	sadd.s32 $0x6, s0;
	s2 =	sadd.s32 $0x200, s18;
	v35 =	vor.u32 s22, v0;
	v11 =	vld.idx.msk [tilespmem:v31+s5+$0x0], $0xffff;
	[tilespmem:s18+$0x30] =	vst v5  }
0x333: {  	v38 =	vor.u32 s30, v0;
	[tilespmem:s2+$0xFFFFFF00] =	vst v4;
	v37 =	vld.idx.msk [tilespmem:v32+s5+$0x0], $0xffff  }
0x334: {  	v39 =	vor.u32 s19, v1;
	v5 =	vld.idx.msk [tilespmem:v33+s5+$0x0], $0xffff;
	[tilespmem:s7+$0x14000] =	vst v13  }
0x335: {  	v48 =	vor.u32 s0, v1;
	[tilespmem:s18+$0xB0] =	vst v14;
	v8 =	vld.idx.msk [tilespmem:v36+s5+$0x0], $0xffff  }
0x336: {  	v40 =	vor.u32 s29, v1;
	v7 =	vld.idx.msk [tilespmem:v34+s5+$0x0], $0xffff;
	[tilespmem:s18+$0xFFFFFF30] =	vst v12  }
0x337: {  	v41 =	vor.u32 s21, v1;
	v6 =	vld.idx.msk [tilespmem:v35+s5+$0x0], $0xffff;
	[tilespmem:s2+$0xC0] =	vst v11  }
0x338: {  	v42 =	vor.u32 s20, v1;
	v43 =	vld.idx.msk [tilespmem:v38+s5+$0x0], $0xffff;
	[tilespmem:s2+$0xFFFFFF40] =	vst v37  }
0x339: {  	v44 =	vor.u32 s22, v1;
	v9 =	vld.idx.msk [tilespmem:v39+s5+$0x0], $0xffff;
	[tilespmem:s2+$0xFFFFFF80] =	vst v5  }
0x33a: {  	v47 =	vor.u32 s30, v1;
	[tilespmem:s2+$0x40] =	vst v8;
	v8 =	vld.idx.msk [tilespmem:v48+s5+$0x0], $0xffff  }
0x33b: {  	v5 =	vor.u32 s23, v1;
	[tilespmem:s2+$0xFFFFFFC0] =	vst v7;
	v45 =	vld.idx.msk [tilespmem:v40+s5+$0x0], $0xffff  }
0x33c: {  	v46 =	vor.u32 s19, v2;
	s1 =	sadd.s32 $0x200, s3;
	[tilespmem:s2+$0x0] =	vst v6;
	v12 =	vld.idx.msk [tilespmem:v41+s5+$0x0], $0xffff  }
0x33d: {  	s3 =	sor.u32 $0x50, s1;
	v49 =	vor.u32 s29, v2;
	[tilespmem:s2+$0x80] =	vst v43;
	v11 =	vld.idx.msk [tilespmem:v42+s5+$0x0], $0xffff  }
0x33e: {  	s4 =	sadd.s32 $0xFFFFFE80, s1;
	v50 =	vor.u32 s21, v2;
	v10 =	vld.idx.msk [tilespmem:v44+s5+$0x0], $0xffff;
	[tilespmem:s3+$0x14000] =	vst v9  }
0x33f: {  	v4 =	vor.u32 s20, v2;
	s7 =	sor.u32 $0x50, s4;
	v6 =	vld.idx.msk [tilespmem:v47+s5+$0x0], $0xffff;
	[tilespmem:s2+$0xFFFFFF10] =	vst v8  }
0x340: {  	v51 =	vor.u32 s22, v2;
	s9 =	sadd.s32 $0xFFFFFF00, s1;
	v5 =	vld.idx.msk [tilespmem:v5+s5+$0x0], $0xffff;
	[tilespmem:s7+$0x14000] =	vst v45  }
0x341: {  	v54 =	vor.u32 s30, v2;
	s11 =	sor.u32 $0x50, s9;
	v13 =	vld.idx.msk [tilespmem:v46+s5+$0x0], $0xffff;
	[tilespmem:s2+$0xFFFFFF90] =	vst v12  }
0x342: {  	v53 =	vor.u32 s23, v2;
	[tilespmem:s11+$0x14000] =	vst v11;
	v14 =	vld.idx.msk [tilespmem:v49+s5+$0x0], $0xffff  }
0x343: {  	v52 =	vor.u32 s19, v3;
	s12 =	sadd.s32 $0xFFFFFF80, s1;
	[tilespmem:s2+$0x10] =	vst v10;
	v9 =	vld.idx.msk [tilespmem:v50+s5+$0x0], $0xffff  }
0x344: {  	v55 =	vor.u32 s29, v3;
	s15 =	sor.u32 $0x50, s12;
	[tilespmem:s2+$0x90] =	vst v6;
	v4 =	vld.idx.msk [tilespmem:v4+s5+$0x0], $0xffff  }
0x345: {  	s18 =	sor.u32 $0x60, s1;
	v7 =	vld.idx.msk [tilespmem:v51+s5+$0x0], $0xffff;
	[tilespmem:s15+$0x14000] =	vst v5;
	v5 =	vor.u32 s0, v2  }
0x346: {  	v56 =	vor.u32 s21, v3;
	s19 =	sor.u32 $0x60, s4;
	v10 =	vld.idx.msk [tilespmem:v54+s5+$0x0], $0xffff;
	[tilespmem:s18+$0x14000] =	vst v13  }
0x347: {  	v58 =	vor.u32 s20, v3;
	v57 =	vld.idx.msk [tilespmem:v53+s5+$0x0], $0xffff;
	[tilespmem:s19+$0x14000] =	vst v14  }
0x348: {  	v59 =	vor.u32 s22, v3;
	s21 =	sor.u32 $0x60, s9;
	v12 =	vld.idx.msk [tilespmem:v52+s5+$0x0], $0xffff;
	[tilespmem:s2+$0xFFFFFFA0] =	vst v9  }
0x349: {  	v60 =	vor.u32 s23, v3;
	[tilespmem:s21+$0x14000] =	vst v4;
	v4 =	vld.idx.msk [tilespmem:v55+s5+$0x0], $0xffff  }
0x34a: {  	v61 =	vor.u32 s30, v3;
	[tilespmem:s2+$0x20] =	vst v7;
	v5 =	vld.idx.msk [tilespmem:v5+s5+$0x0], $0xffff  }
0x34b: {  	v62 =	vor.u32 s0, v3;
	s24 =	sor.u32 $0x60, s12;
	[tilespmem:s2+$0xA0] =	vst v10;
	v6 =	vld.idx.msk [tilespmem:v56+s5+$0x0], $0xffff  }
0x34c: {  	s1 =	sor.u32 $0x70, s1;
	v11 =	vld.idx.msk [tilespmem:v58+s5+$0x0], $0xffff;
	[tilespmem:s24+$0x14000] =	vst v57  }
0x34d: {  	s25 =	sor.u32 $0x70, s4;
	v63 =	vld.idx.msk [tilespmem:v59+s5+$0x0], $0xffff;
	[tilespmem:s1+$0x14000] =	vst v12  }
0x34e: {  	v9 =	vld.idx.msk [tilespmem:v60+s5+$0x0], $0xffff;
	[tilespmem:s25+$0x14000] =	vst v4  }
0x34f: {  	[tilespmem:s2+$0xFFFFFF20] =	vst v5;
	v5 =	vld.idx.msk [tilespmem:v61+s5+$0x0], $0xffff  }
0x350: {  	s26 =	sor.u32 $0x70, s9;
	[tilespmem:s2+$0xFFFFFFB0] =	vst v6;
	v4 =	vld.idx.msk [tilespmem:v62+s5+$0x0], $0xffff  }
0x351: {  	[tilespmem:s26+$0x14000] =	vst v11  }
0x352: {  	s28 =	sor.u32 $0x70, s12;
	[tilespmem:s2+$0x30] =	vst v63  }
0x353: {  	[tilespmem:s28+$0x14000] =	vst v9  }
0x354: {  	[tilespmem:s2+$0xB0] =	vst v5  }
0x355: {  	[tilespmem:s2+$0xFFFFFF30] =	vst v4  }
0x356: {  	s29 =	simm.s32 $0x14000;
	s0 =	rddreg [dreg:$0x11]  }
0x357: {  	[hbm4b:s0+s5] =	stream.linear.scatter [tilespmem:s29], [sflag:$0x5], $0x2000, $0x38;
	[tilespmem:$0x1D000] =	vst v63  }
.Ltmp11:
0x358: {  	s30 =	simm.s32 $0x5;
	(pc) =	sbr.rel .LBB2_19-.Ltmp11, $4  }
0x359: {  	_ =	swait.ge [sflag:s30], $0x2000  }
0x35a: {  	[sflag:s30] =	ssyncset.done $0x0  }
0x35b: {  	s4 =	rddreg [dreg:$0x14];
	[sflag:s30] =	ssyncadd.s32 $0xFFFFE000  }
0x35c: {  	s11 =	rddreg [dreg:$0x0]  }
.LBB2_20:
0x35d: {  	_ =	sfence.sel $0x180000  }
0x35e: {  	[bflag:$0x0] =	sbarrier.arrive $0xFFFF  }
0x35f: {  	_ =	strace $0x90000047  }
0x360: {  	s0 =	stileid.u32;
	[bflag:$0x2] =	sbarrier.arrive $0xFFFF  }
0x361: {  	p0 =	sne.s32 s0, $0x0;
	s0 =	rddreg [dreg:$0x3]  }
0x362: {  	s0 =	sadd.s32 @!p0 $0x100000, s0  }
0x363: {  	[sflag:s0] =	ssyncadd.tile.s32 @!p0 $0x1;
	_ =	shalt  }
.Lfunc_end2:
_tile_overlayer_lowered:
.L_overlay_start_2:
0x364: {  	(tag) =	ssettag $0x2  }
0x365: {  	s0 =	rddreg [dreg:$0x0];
	s2 =	stileid.u32  }
0x366: {  	s1 =	rddreg [dreg:$0x1];
	p0 =	sne.s32 s2, $0x0  }
0x367: {  	s3 =	rddreg [dreg:$0x2];
	[bflag:$0x3] =	sbarrier.arrive $0xFFFF;
	s2 =	simm.s32 @!p0 $0x1C05  }
0x368: {  	[timem:s3], [sflag:s2] =	dma.local @!p0 [hbm:s0], s1  }
0x369: {  	s0 =	simm.s32 @!p0 $0x5  }
0x36a: {  	_ =	swait.ge @!p0 [sflag:s0], s1  }
0x36b: {  	s1 =	ssub.s32 @!p0 $0x0, s1;
	[sflag:s0] =	ssyncset.done @!p0 $0x0  }
0x36c: {  	[sflag:s0] =	ssyncadd.s32 @!p0 s1  }
0x36d: {  	[bflag:$0x3] =	sbarrier.arrive $0xFFFF  }
0x36e: {  	_ =	shalt  }

// kernel: kernel.7.cloned.1.call-start
scs
__scs_entry_jumppad:
0x0: {  	(pc) =	sbr.rel $0x88, $3  }
0x1: {  	(tag) =	ssettag $0x0;
	lr =	simm.s32 $0x1  }
0x2: {  	[smem:$0x3F9E] =	sst lr;
	_ =	strace $0xD0000000  }
0x3: {  	_ = 	snop  }
0x4: {  	_ = 	snop  }
0x5: {  	_ = 	snop  }
0x6: {  	_ = 	snop  }
0x7: {  	_ = 	snop  }
__scs_overlays_trampoline_lowered:
0x8: {  	[smem:$0x3FAD] =	sst s0  }
0x9: {  	[smem:$0x3FAE] =	sst s1  }
0xa: {  	[smem:$0x3FAF] =	sst s2  }
0xb: {  	[smem:$0x3FB0] =	sst s3  }
0xc: {  	[smem:$0x3FB1] =	sst s4  }
0xd: {  	[smem:$0x3FB2] =	sst s5  }
0xe: {  	[smem:$0x3FB3] =	sst s6  }
0xf: {  	[smem:$0x3FB4] =	sst s7  }
0x10: {  	[smem:$0x3FB5] =	sst s8  }
0x11: {  	[smem:$0x3FB6] =	sst s9;
	s0 =	simm.s32 @!p0 $0x0  }
0x12: {  	s1 =	sld [smem:$0x3F9C];
	s0 =	simm.s32 @p0 $0x1  }
0x13: {  	[smem:$0x3FB7] =	sst s0;
	s0 =	simm.s32 @!p1 $0x0  }
0x14: {  	s2 =	sld [smem:$0x3F9B];
	s0 =	simm.s32 @p1 $0x1  }
0x15: {  	[smem:$0x3FB8] =	sst s0;
	s0 =	simm.s32 @!p2 $0x0  }
0x16: {  	s3 =	sld [smem:$0x3FDB];
	s0 =	simm.s32 @p2 $0x1  }
0x17: {  	s4 =	simm.s32 $0x1BF5;
	[smem:$0x3FBA] =	sst s0  }
0x18: {  	s0 =	sld [smem:$0x3F9D];
	_ =	swait.ge [sflag:s4], $0x0  }
0x19: {  	s7 =	sld [smem:$0x3F9E]  }
0x1a: {  	s8 =	sadd.s32 $0xFFFFE003, lr  }
0x1b: {  	s9 =	sadd.s32 $0xFFFFFEF7, lr;
	s5 =	simm.s32 $0xFFFFFFFF;
	p2 =	slt.u32 s8, $0xFFFFF086  }
0x1c: {  	p1 =	slt.u32 s9, $0xF7A;
	s5 =	simm.s32 @!p2 $0x0  }
0x1d: {  	s5 =	simm.s32 @p1 $0x1;
	p0 =	seq.s32 s7, s2  }
0x1e: {  	s7 =	smul.u32 @!p0 $0xF7A, s2;
	p2 =	seq.s32 @!p0 s5, $0x0  }
0x1f: {  	s9 =	smul.u32 $0xF7A, s1;
	s8 =	simm.s32 @!p0 $0x1BF5;
	p2 =	por !p2, p0  }
0x20: {  	[sflag:s8] =	ssyncset.s32 @!p0 $0xFFFFF086;
	s6 =	sadd.s32 @!p0 s3, s7;
	s7 =	simm.s32 @!p0 $0x108  }
0x21: {  	s3 =	sadd.s32 s3, s9;
	s6 =	sadd.s32 @!p0 $0x88, s6;
	s7 =	simm.s32 @p2 $0x1082  }
0x22: {  	[simem:s7], [sflag:s8] =	dma.local @!p0 [hbm:s6], $0xF7A  }
0x23: {  	s9 =	sor.u32 $0xD0000000, s2;
	s6 =	simm.s32 $0x108;
	_ =	swait.ge @!p0 [sflag:s8], $0x0  }
0x24: {  	s3 =	sadd.s32 $0x88, s3;
	s6 =	simm.s32 @!p1 $0x1082;
	[sflag:s4] =	ssyncset.s32 $0xFFFFF086  }
0x25: {  	[simem:s6], [sflag:s4] =	dma.local [hbm:s3], $0xF7A  }
0x26: {  	[smem:$0x3F9E] =	sst s1;
	(tag) =	ssettag s2;
	_ =	strace s9  }
0x27: {  	s1 =	sld [smem:$0x3FAE]  }
0x28: {  	s2 =	sld [smem:$0x3FAF]  }
0x29: {  	s4 =	sld [smem:$0x3FB1]  }
0x2a: {  	p0 =	seq.s32 s5, $0x0;
	s5 =	sld [smem:$0x3FB2]  }
0x2b: {  	s6 =	sld [smem:$0x3FB3]  }
0x2c: {  	s7 =	sld [smem:$0x3FB4]  }
0x2d: {  	s3 =	simm.s32 $0x108;
	s8 =	sld [smem:$0x3FB5]  }
0x2e: {  	s3 =	simm.s32 @!p0 $0x1082;
	s9 =	sld [smem:$0x3FB6]  }
0x2f: {  	lr =	sadd.s32 s0, s3;
	s0 =	sld [smem:$0x3FAD]  }
0x30: {  	s3 =	sld [smem:$0x3FB0]  }
0x31: {  	[smem:$0x3FB9] =	sst s10  }
0x32: {  	s10 =	sld [smem:$0x3FB7];
	_ =	sdelay $0x3  }
0x33: {  	p0 =	seq.s32 s10, $0x1;
	s10 =	sld [smem:$0x3FB9];
	_ =	sdelay $0x3  }
0x34: {  	[smem:$0x3FB9] =	sst s10  }
0x35: {  	s10 =	sld [smem:$0x3FB8];
	_ =	sdelay $0x3  }
0x36: {  	p1 =	seq.s32 s10, $0x1;
	s10 =	sld [smem:$0x3FB9];
	_ =	sdelay $0x3  }
0x37: {  	[smem:$0x3FB9] =	sst s10  }
0x38: {  	s10 =	sld [smem:$0x3FBA]  }
0x39: {  	_ = 	snop;
	(pc) =	sbr.ind lr, $3  }
0x3a: {  	_ = 	snop  }
0x3b: {  	_ = 	snop  }
0x3c: {  	p2 =	seq.s32 s10, $0x1;
	s10 =	sld [smem:$0x3FB9]  }
0x3d: {  	_ =	shalt  }
0x3e: {  	_ =	shalt  }
0x3f: {  	_ =	shalt  }
0x40: {  	_ =	shalt  }
0x41: {  	_ =	shalt  }
0x42: {  	_ =	shalt  }
0x43: {  	_ =	shalt  }
0x44: {  	_ =	shalt  }
0x45: {  	_ =	shalt  }
0x46: {  	_ =	shalt  }
0x47: {  	_ =	shalt  }
0x48: {  	_ =	shalt  }
0x49: {  	_ =	shalt  }
0x4a: {  	_ =	shalt  }
0x4b: {  	_ =	shalt  }
0x4c: {  	_ =	shalt  }
0x4d: {  	_ =	shalt  }
0x4e: {  	_ =	shalt  }
0x4f: {  	_ =	shalt  }
0x50: {  	_ =	shalt  }
0x51: {  	_ =	shalt  }
0x52: {  	_ =	shalt  }
0x53: {  	_ =	shalt  }
0x54: {  	_ =	shalt  }
0x55: {  	_ =	shalt  }
0x56: {  	_ =	shalt  }
0x57: {  	_ =	shalt  }
0x58: {  	_ =	shalt  }
0x59: {  	_ =	shalt  }
0x5a: {  	_ =	shalt  }
0x5b: {  	_ =	shalt  }
0x5c: {  	_ =	shalt  }
0x5d: {  	_ =	shalt  }
0x5e: {  	_ =	shalt  }
0x5f: {  	_ =	shalt  }
0x60: {  	_ =	shalt  }
0x61: {  	_ =	shalt  }
0x62: {  	_ =	shalt  }
0x63: {  	_ =	shalt  }
0x64: {  	_ =	shalt  }
0x65: {  	_ =	shalt  }
0x66: {  	_ =	shalt  }
0x67: {  	_ =	shalt  }
0x68: {  	_ =	shalt  }
0x69: {  	_ =	shalt  }
0x6a: {  	_ =	shalt  }
0x6b: {  	_ =	shalt  }
0x6c: {  	_ =	shalt  }
0x6d: {  	_ =	shalt  }
0x6e: {  	_ =	shalt  }
0x6f: {  	_ =	shalt  }
0x70: {  	_ =	shalt  }
0x71: {  	_ =	shalt  }
0x72: {  	_ =	shalt  }
0x73: {  	_ =	shalt  }
0x74: {  	_ =	shalt  }
0x75: {  	_ =	shalt  }
0x76: {  	_ =	shalt  }
0x77: {  	_ =	shalt  }
0x78: {  	_ =	shalt  }
0x79: {  	_ =	shalt  }
0x7a: {  	_ =	shalt  }
0x7b: {  	_ =	shalt  }
0x7c: {  	_ =	shalt  }
0x7d: {  	_ =	shalt  }
0x7e: {  	_ =	shalt  }
0x7f: {  	_ =	shalt  }
0x80: {  	_ =	shalt  }
0x81: {  	_ =	shalt  }
0x82: {  	_ =	shalt  }
0x83: {  	_ =	shalt  }
0x84: {  	_ =	shalt  }
0x85: {  	_ =	shalt  }
0x86: {  	_ =	shalt  }
0x87: {  	_ =	shalt  }
.Lfunc_end0:
.L_simem_size_0:
called_computation.1_lowered:
.L_overlay_start_0:
0x88: {  	s2 =	sld [smem:$0x3FD9]  }
0x89: {  	s3 =	sld [smem:$0x3FFE];
	_ =	sdelay $0x1  }
0x8a: {  	s1 =	srdreg.scid  }
0x8b: {  	s0 =	sand.u32 $0x1, s1  }
0x8c: {  	s17 =	sshll.u32 s0, $0xA;
	s2 =	sadd.s32 s3, s2  }
0x8d: {  	s2 =	sadd.s32 s2, s17  }
0x8e: {  	[smem:$0x3FC5] =	sst s2  }
0x8f: {  	_ = 	snop  }
0x90: {  	s2 =	sld [smem:$0x3FD0];
	(tm) =	ssettm $0x1  }
0x91: {  	s18 =	sld [smem:$0x3FFB];
	_ =	sdelay $0x3  }
0x92: {  	_ =	strace s18  }
0x93: {  	s3 =	sld [smem:$0x3FFC];
	_ =	sdelay $0x3  }
0x94: {  	_ =	strace s3  }
0x95: {  	s3 =	sld [smem:$0x3FFD];
	_ =	sdelay $0x3  }
0x96: {  	_ =	strace s3  }
0x97: {  	_ =	strace $0x8FFFFFFF  }
0x98: {  	s19 =	sld [smem:$0x3FDB];
	_ =	sdelay $0x1  }
0x99: {  	s4 =	simm.s32 $_scs_section_size  }
0x9a: {  	s5 =	simm.s32 $_size__tile_overlayer_lowered;
	s6 =	simm.s32 $_tile_overlayer_lowered  }
0x9b: {  	s22 =	simm.s32 $0x1BFF;
	s21 =	sshll.u32 s6, $0x1;
	s3 =	sadd.s32 s4, s19  }
0x9c: {  	s7 =	simm.s32 $0x0;
	s20 =	sshll.u32 s5, $0x1;
	s5 =	sadd.s32 s21, s3  }
0x9d: {  	[timem:s7], [sflag:s22] =	dma.local [hbm:s5], s20  }
0x9e: {  	_ =	swait.ge [sflag:s22], s20  }
0x9f: {  	s4 =	ssub.s32 $0x0, s20;
	[sflag:s22] =	ssyncset.done $0x0  }
0xa0: {  	[sflag:s22] =	ssyncadd.s32 s4;
	_ =	sdelay $0x1  }
0xa1: {  	s23 =	simm.s32 $0x1B8B  }
0xa2: {  	_ =	swait.ge [sflag:s23], $0x1  }
0xa3: {  	[sflag:s23] =	ssyncset.done $0x0  }
0xa4: {  	s25 =	simm.s32 $0x1B8E;
	s24 =	sld [smem:$0x3FFE];
	[sflag:s23] =	ssyncadd.s32 $0xFFFFFFFF  }
0xa5: {  	s26 =	simm.s32 $execute0_lowered;
	[smem:$0x3FD2] =	sst s25  }
0xa6: {  	s5 =	sshll.u32 s26, $0x1;
	_ =	strace $0x80000049;
	[dreg:$0x1] =	wrdreg $0xFFFFFFFF  }
0xa7: {  	s28 =	simm.s32 $_size_execute0_lowered;
	s3 =	sadd.s32 s3, s5;
	[dreg:$0x0] =	wrdreg $0x0  }
0xa8: {  	s5 =	sshll.u32 s28, $0x1;
	[dreg:$0x2] =	wrdreg s3  }
0xa9: {  	[dreg:$0x3] =	wrdreg s5  }
0xaa: {  	[dreg:$0x4] =	wrdreg $0xC0  }
0xab: {  	_ =	task [dreg:s7], $0x5FFFF  }
0xac: {  	[dreg:$0x1] =	wrdreg $0xFFFFFFFF  }
0xad: {  	[dreg:$0x0] =	wrdreg $0x60  }
0xae: {  	[dreg:$0x2] =	wrdreg s24  }
0xaf: {  	[dreg:$0x3] =	wrdreg s2  }
0xb0: {  	[dreg:$0x4] =	wrdreg $0x9  }
0xb1: {  	_ =	task.clear_ibuf [dreg:s7], $0x5FFFF;
	_ =	strace $0x90000049  }
0xb2: {  	s29 =	simm.s32 $0x9;
	_ =	strace $0x8000004B  }
0xb3: {  	_ =	swait.ge [sflag:s29], $0x1  }
0xb4: {  	[sflag:s29] =	ssyncadd.s32 $0xFFFFFFFF  }
0xb5: {  	_ =	strace $0x9000004B  }
0xb6: {  	_ =	sfence  }
0xb7: {  	s30 =	sld [smem:$0x0];
	_ =	sdelay $0x2  }
0xb8: {  	s31 =	sshll.u32 s1, $0xD;
	s1 =	sshrl.u32 s1, $0x2  }
0xb9: {  	s3 =	sand.u32 $0x4000, s31;
	s1 =	sadd.s32 s1, s30  }
0xba: {  	s0 =	sor.u32 s3, s0;
	s1 =	sshll.u32 s1, $0x11  }
0xbb: {  	s0 =	sor.u32 s1, s0  }
0xbc: {  	s0 =	sadd.s32 $0x8F2B, s0  }
0xbd: {  	[sflag:s0] =	ssyncadd.remote.s32 $0x1  }
0xbe: {  	_ =	sfence.sel $0xFFFF  }
0xbf: {  	[dreg:$0x0] =	wrdreg $0xFFFFFFFF;
	(pc) =	sbr.abs _section_cstart, $3  }
0xc0: {  	[dreg:$0x1] =	wrdreg $0xFFFFFFFF  }
0xc1: {  	_ =	task.clear_ibuf [dreg:s7], $0x2FFFF;
	_ =	strace $0x9FFFFFFF  }
0xc2: {  	(tm) =	ssettm $0x7FFFFFFF  }
0xc3: {  	_ =	shalt  }
tec
execute0_lowered:
.L_overlay_start_1:
0x0: {  	(tag) =	ssettag $0x1  }
0x1: {  	s0 =	rddreg [dreg:$0x0]  }
0x2: {  	s2 =	rddreg [dreg:$0x1]  }
0x3: {  	s1 =	srdreg.scid;
	s4 =	stileid.u32;
	s3 =	simm.s32 $0x0  }
0x4: {  	s10 =	simm.s32 $0x9;
	s11 =	simm.s32 $0x80;
	s14 =	simm.s32 $0x8400  }
0x5: {  	s16 =	simm.s32 $0xA400;
	s17 =	simm.s32 $0x1;
	s18 =	simm.s32 $0xE400  }
0x6: {  	s19 =	simm.s32 $0xC400;
	s20 =	simm.s32 $0x2;
	s21 =	simm.s32 $0x10600  }
0x7: {  	s22 =	simm.s32 $0x3;
	s23 =	simm.s32 $0x12800;
	s24 =	simm.s32 $0x4  }
0x8: {  	s25 =	simm.s32 $0x8;
	s29 =	simm.s32 $0x6;
	s30 =	simm.s32 $0x7  }
0x9: {  	s1 =	sand.u32 $0x1, s1;
	s4 =	sshll.u32 s4, $0x1;
	[smem:$0x7FF] =	sst s3  }
0xa: {  	s5 =	sor.u32 s1, s4;
	_ =	strace $0x8000004A;
	s1 =	ssub.s32 $0x2, s1  }
.Ltmp0:
0xb: {  	s4 =	sshll.u32 s5, $0x4;
	s7 =	sshrl.u32 s1, $0x1;
	(pc) =	sbr.rel .LBB2_1-.Ltmp0, $4  }
0xc: {  	v0 =	vlaneseq.u32;
	s6 =	sadd.s32 s4, s0;
	s4 =	sadd.s32 $0xC00, s0;
	s0 =	sadd.s32 $0x7A1E00, s0  }
0xd: {  	v0 =	vmul.u32 $0x88, v0;
	s26 =	ssub.s32 s1, s7;
	[dreg:$0x3] =	wrdreg s0;
	s28 =	sadd.s32 $0x7A2600, s6  }
0xe: {  	s31 =	simm.s32 $0x0;
	s0 =	smax.u32 s26, $0x1;
	[dreg:$0x4] =	wrdreg s28  }
0xf: {  	v1 =	vadd.s32 $0x880, v0;
	v2 =	vadd.s32 $0x1100, v0;
	v3 =	vadd.s32 $0x1980, v0;
	s7 =	sshll.u32 s5, $0xA;
	s26 =	simm.s32 $0x14A00;
	[dreg:$0x5] =	wrdreg s0  }
.LBB2_24:
0x10: {  	s0 =	simm.s32 $0x5  }
0x11: {  	_ =	swait.ge [sflag:s0], $0x2000  }
0x12: {  	[sflag:s0] =	ssyncset.done $0x0  }
0x13: {  	[sflag:s0] =	ssyncadd.s32 $0xFFFFE000  }
0x14: {  	_ =	swait.ge [sflag:s29], $0x2000  }
0x15: {  	[sflag:s29] =	ssyncset.done $0x0  }
0x16: {  	[sflag:s29] =	ssyncadd.s32 $0xFFFFE000  }
0x17: {  	_ =	swait.ge [sflag:s30], $0x2000  }
0x18: {  	[sflag:s30] =	ssyncset.done $0x0  }
0x19: {  	[sflag:s30] =	ssyncadd.s32 $0xFFFFE000  }
0x1a: {  	_ =	swait.ge [sflag:s25], $0x2000  }
0x1b: {  	s31 =	sadd.s32 $0x1, s31;
	s28 =	rddreg [dreg:$0x5]  }
0x1c: {  	p0 =	sne.s32 s31, s28  }
.Ltmp1:
0x1d: {  	_ = 	snop;
	(pc) =	sbr.rel @!p0 .LBB2_25-.Ltmp1, $3  }
0x1e: {  	_ =	sdelay $0x1  }
0x1f: {  	[sflag:s25] =	ssyncset.done $0x0  }
0x20: {  	[sflag:s25] =	ssyncadd.s32 $0xFFFFE000  }
.LBB2_1:
0x21: {  	s0 =	rddreg [dreg:$0x3];
	s1 =	simm.s32 $0x16C00  }
0x22: {  	[tilespmem:s1], [sflag:$0x9] =	stream.linear.gather [hbm4b:s0+s3], $0x3200, $0x38;
	[tilespmem:$0x19E00] =	vst v63  }
0x23: {  	_ =	swait.ge [sflag:s10], $0x3200  }
0x24: {  	[sflag:s10] =	ssyncset.done $0x0  }
0x25: {  	s13 =	simm.s32 $0x1000;
	s12 =	rddreg [dreg:$0x4];
	[sflag:s10] =	ssyncadd.s32 $0xFFFFCE00  }
0x26: {  	[tilespmem:s3], [sflag:$0x9] =	stream.strided.gather [hbm4b:s12+s11], $0x6400, s13, s11, $0x38;
	[tilespmem:$0x19E00] =	vst v63  }
0x27: {  	_ =	swait.ge [sflag:s10], $0x6400  }
0x28: {  	[sflag:s10] =	ssyncset.done $0x0  }
0x29: {  	s15 =	simm.s32 $0x6400;
	[sflag:s10] =	ssyncadd.s32 $0xFFFF9C00  }
0x2a: {  	[tilespmem:s15], [sflag:$0x1] =	stream.indirect.gather [hbm4b:s4+s11], $0x40, s3, s11, $0xb8;
	[tilespmem:$0x19E00] =	vst v63  }
0x2b: {  	_ = 	snop  }
0x2c: {  	[tilespmem:s14], [sflag:$0x2] =	stream.indirect.gather [hbm4b:s4+s11], $0x40, s11, s11, $0xb8;
	[tilespmem:$0x19E00] =	vst v63  }
0x2d: {  	s28 =	simm.s32 $0x100;
	s0 =	simm.s32 $0x0  }
0x2e: {  	[tilespmem:s16], [sflag:$0x3] =	stream.indirect.gather [hbm4b:s4+s11], $0x40, s28, s11, $0xb8;
	[tilespmem:$0x19E00] =	vst v63  }
.LBB2_2:
0x2f: {  	_ =	swait.ge [sflag:s17], $0x2000  }
0x30: {  	p0 =	seq.s32 s0, $0x0;
	[sflag:s17] =	ssyncset.done $0x0  }
0x31: {  	s1 =	simm.s32 @!p0 $0x5;
	[sflag:s17] =	ssyncadd.s32 $0xFFFFE000  }
0x32: {  	_ =	swait.ge @!p0 [sflag:s1], $0x2000  }
0x33: {  	s5 =	sshll.u32 s0, $0x8;
	[sflag:s1] =	ssyncset.done @!p0 $0x0  }
0x34: {  	s15 =	sand.u32 $0x3FFFFF00, s5;
	[sflag:s1] =	ssyncadd.s32 @!p0 $0xFFFFE000  }
0x35: {  	s6 =	simm.s32 $0x3;
	s5 =	simm.s32 $0x6480;
	v9 =	vld [tilespmem:s15+$0x16C00]  }
0x36: {  	v4 =	vmov s6;
	v7 =	vld [tilespmem:s5+$0x40]  }
0x37: {  	v13 =	vand.u32 $0x7F, v4  }
0x38: {  	s28 =	simm.s32 $0x0;
	v8 =	vadd.s32 v0, v13;
	v6 =	vld [tilespmem:s15+$0x16C10]  }
0x39: {  	s8 =	simm.s32 $0x1;
	s9 =	simm.s32 $0x2;
	v4 =	vmov s28;
	v10 =	vld [tilespmem:s5+$0xFFFFFF80]  }
0x3a: {  	v14 =	vmov s9;
	v12 =	vand.u32 $0x7C, v4;
	v4 =	vmov s8;
	v11 =	vld [tilespmem:s5+$0xFFFFFFC0]  }
0x3b: {  	v15 =	vadd.s32 v0, v12;
	v19 =	vand.u32 $0x7D, v4;
	v16 =	vld [tilespmem:s5+$0x0];
	v7 =	vadd.f32 v7, v9  }
0x3c: {  	v20 =	vand.u32 $0x7E, v14;
	v17 =	vadd.s32 v0, v19;
	v5 =	vld [tilespmem:s15+$0x16C20]  }
0x3d: {  	v14 =	vadd.s32 v0, v20;
	v4 =	vld [tilespmem:s15+$0x16C30];
	[tilespmem:v8+s18+$0x0] =	vst.idx.msk $0xffff, v7  }
0x3e: {  	v7 =	vadd.f32 v10, v9;
	v8 =	vld [tilespmem:s5+$0x50]  }
0x3f: {  	v10 =	vadd.f32 v11, v9  }
0x40: {  	v11 =	vadd.s32 v1, v13;
	[tilespmem:v15+s18+$0x0] =	vst.idx.msk $0xffff, v7;
	v7 =	vadd.f32 v16, v9  }
0x41: {  	[tilespmem:v17+s18+$0x0] =	vst.idx.msk $0xffff, v10;
	v15 =	vld [tilespmem:s5+$0xFFFFFF90]  }
0x42: {  	v10 =	vld [tilespmem:s5+$0xFFFFFFD0];
	[tilespmem:v14+s18+$0x0] =	vst.idx.msk $0xffff, v7  }
0x43: {  	v14 =	vld [tilespmem:s5+$0x10];
	v7 =	vadd.f32 v8, v6  }
0x44: {  	s12 =	simm.s32 $0x7;
	s1 =	simm.s32 $0x6580;
	v16 =	vadd.s32 v1, v19  }
0x45: {  	s9 =	simm.s32 $0x4;
	v26 =	vadd.s32 v2, v13;
	v18 =	vld [tilespmem:s1+$0x40];
	v17 =	vadd.s32 v1, v20;
	[tilespmem:v11+s18+$0x0] =	vst.idx.msk $0xffff, v7;
	v7 =	vmov s12  }
0x46: {  	v21 =	vadd.s32 v1, v12;
	v8 =	vmov s9;
	v7 =	vand.u32 $0x7F, v7;
	v22 =	vld [tilespmem:s5+$0x60]  }
0x47: {  	s13 =	simm.s32 $0x5;
	v23 =	vld [tilespmem:s1+$0xFFFFFF80];
	v8 =	vand.u32 $0x7C, v8;
	v10 =	vadd.f32 v10, v6;
	v24 =	vadd.s32 v0, v7  }
0x48: {  	s15 =	simm.s32 $0x6;
	v25 =	vld [tilespmem:s1+$0xFFFFFFC0];
	v15 =	vadd.f32 v15, v6;
	v11 =	vadd.f32 v14, v6;
	v14 =	vmov s13  }
0x49: {  	v27 =	vadd.s32 v0, v8;
	[tilespmem:v16+s18+$0x0] =	vst.idx.msk $0xffff, v10;
	v16 =	vmov s15;
	v10 =	vand.u32 $0x7D, v14;
	v14 =	vld [tilespmem:s1+$0x0]  }
0x4a: {  	[tilespmem:v17+s18+$0x0] =	vst.idx.msk $0xffff, v11;
	v17 =	vadd.s32 v0, v10;
	v11 =	vand.u32 $0x7E, v16;
	v16 =	vadd.f32 v18, v9;
	v18 =	vld [tilespmem:s5+$0xFFFFFFE0]  }
0x4b: {  	[tilespmem:v21+s18+$0x0] =	vst.idx.msk $0xffff, v15;
	v15 =	vadd.s32 v0, v11;
	v21 =	vld [tilespmem:s5+$0x20];
	v22 =	vadd.f32 v22, v5  }
0x4c: {  	v23 =	vadd.f32 v23, v9;
	[tilespmem:v24+s18+$0x0] =	vst.idx.msk $0xffff, v16;
	v16 =	vld [tilespmem:s5+$0xFFFFFFA0];
	v24 =	vadd.s32 v2, v19  }
0x4d: {  	v29 =	vadd.s32 v2, v20;
	v25 =	vadd.f32 v25, v9;
	v28 =	vld [tilespmem:s1+$0x50];
	[tilespmem:v26+s18+$0x0] =	vst.idx.msk $0xffff, v22  }
0x4e: {  	[tilespmem:v27+s18+$0x0] =	vst.idx.msk $0xffff, v23;
	v23 =	vadd.s32 v2, v12;
	v14 =	vadd.f32 v14, v9;
	v26 =	vld [tilespmem:s5+$0x70]  }
0x4f: {  	v27 =	vld [tilespmem:s1+$0xFFFFFF90];
	[tilespmem:v17+s18+$0x0] =	vst.idx.msk $0xffff, v25;
	v25 =	vadd.s32 v1, v7;
	v18 =	vadd.f32 v18, v5  }
0x50: {  	v31 =	vadd.s32 v3, v13;
	v30 =	vld [tilespmem:s1+$0xFFFFFFD0];
	[tilespmem:v15+s18+$0x0] =	vst.idx.msk $0xffff, v14;
	v14 =	vadd.f32 v21, v5  }
0x51: {  	v22 =	vadd.s32 v1, v8;
	v17 =	vld [tilespmem:s1+$0x10];
	v13 =	vadd.f32 v16, v5;
	[tilespmem:v24+s18+$0x0] =	vst.idx.msk $0xffff, v18  }
0x52: {  	s13 =	simm.s32 $0x8;
	v21 =	vadd.s32 v1, v10;
	[tilespmem:v29+s18+$0x0] =	vst.idx.msk $0xffff, v14;
	v18 =	vadd.f32 v28, v6;
	v16 =	vld [tilespmem:s5+$0xFFFFFFF0]  }
0x53: {  	v24 =	vmov s13;
	v14 =	vadd.s32 v1, v11;
	v15 =	vld [tilespmem:s5+$0x30];
	[tilespmem:v23+s18+$0x0] =	vst.idx.msk $0xffff, v13;
	v63 =	vadd.f32 v26, v4  }
0x54: {  	s28 =	simm.s32 $0xB;
	s12 =	simm.s32 $0x6680;
	v19 =	vadd.s32 v3, v19;
	v13 =	vand.u32 $0x7C, v24;
	v24 =	vadd.f32 v27, v6;
	[tilespmem:v25+s18+$0x0] =	vst.idx.msk $0xffff, v18;
	v18 =	vld [tilespmem:s5+$0xFFFFFFB0]  }
0x55: {  	v20 =	vadd.s32 v3, v20;
	s9 =	sshll.u32 s0, $0x2;
	v26 =	vmov s28;
	v23 =	vld [tilespmem:s12+$0x40];
	s5 =	simm.s32 $0xC;
	v25 =	vadd.f32 v30, v6;
	[tilespmem:v31+s18+$0x0] =	vst.idx.msk $0xffff, v63  }
.LBB2_3:
0x56: {  	p1 =	slt.u32 s5, $0x7C;
	s6 =	sadd.s32 $0x1, s13;
	v26 =	vand.u32 $0x7F, v26;
	[tilespmem:v22+s18+$0x0] =	vst.idx.msk $0xffff, v24;
	v17 =	vadd.f32 v17, v6;
	v22 =	vld [tilespmem:s1+$0x60];
	v24 =	vadd.s32 v3, v12  }
0x57: {  	v30 =	vmovc v11;
	v27 =	vld [tilespmem:s12+$0xFFFFFF80];
	v28 =	vmov s6;
	s6 =	sadd.s32 $0x2, s13;
	v29 =	vadd.s32 v0, v26;
	[tilespmem:v21+s18+$0x0] =	vst.idx.msk $0xffff, v25;
	v16 =	vadd.f32 v16, v4;
	s13 =	smov.u32 s5  }
0x58: {  	v12 =	vmovc v8;
	v21 =	vld [tilespmem:s12+$0xFFFFFFC0];
	v11 =	vmov s6;
	[tilespmem:v14+s18+$0x0] =	vst.idx.msk $0xffff, v17;
	v14 =	vadd.s32 v2, v7;
	v15 =	vadd.f32 v15, v4  }
0x59: {  	v17 =	vadd.s32 v0, v13;
	v28 =	vand.u32 $0x7D, v28;
	v25 =	vld [tilespmem:s12+$0x0];
	v31 =	vadd.f32 v18, v4;
	[tilespmem:v19+s18+$0x0] =	vst.idx.msk $0xffff, v16  }
0x5a: {  	v16 =	vadd.s32 v0, v28;
	v11 =	vand.u32 $0x7E, v11;
	v18 =	vadd.f32 v23, v9;
	v19 =	vld [tilespmem:s1+$0xFFFFFFE0];
	[tilespmem:v20+s18+$0x0] =	vst.idx.msk $0xffff, v15  }
0x5b: {  	v8 =	vmov v13;
	v15 =	vadd.s32 v0, v11;
	v20 =	vld [tilespmem:s1+$0x20];
	v22 =	vadd.f32 v22, v5;
	[tilespmem:v24+s18+$0x0] =	vst.idx.msk $0xffff, v31  }
0x5c: {  	v23 =	vadd.s32 v2, v10;
	v13 =	vadd.f32 v27, v9;
	[tilespmem:v29+s18+$0x0] =	vst.idx.msk $0xffff, v18;
	v18 =	vld [tilespmem:s1+$0xFFFFFFA0]  }
0x5d: {  	v27 =	vadd.s32 v2, v30;
	v21 =	vadd.f32 v21, v9;
	v24 =	vld [tilespmem:s12+$0x50];
	[tilespmem:v14+s18+$0x0] =	vst.idx.msk $0xffff, v22  }
0x5e: {  	[tilespmem:v17+s18+$0x0] =	vst.idx.msk $0xffff, v13;
	v13 =	vadd.f32 v25, v9;
	v25 =	vadd.s32 v2, v12;
	v29 =	vld [tilespmem:s1+$0x70]  }
0x5f: {  	v32 =	vadd.s32 v1, v26;
	v31 =	vld [tilespmem:s12+$0xFFFFFF90];
	[tilespmem:v16+s18+$0x0] =	vst.idx.msk $0xffff, v21;
	v14 =	vadd.f32 v19, v5  }
0x60: {  	v34 =	vadd.s32 v3, v7;
	v7 =	vmov v26;
	v33 =	vld [tilespmem:s12+$0xFFFFFFD0];
	[tilespmem:v15+s18+$0x0] =	vst.idx.msk $0xffff, v13;
	v13 =	vadd.f32 v20, v5  }
.Ltmp2:
0x61: {  	v22 =	vadd.s32 v1, v8;
	v17 =	vld [tilespmem:s12+$0x10];
	v15 =	vadd.f32 v18, v5;
	[tilespmem:v23+s18+$0x0] =	vst.idx.msk $0xffff, v14;
	(pc) =	sbr.rel @p1 .LBB2_3-.Ltmp2, $4  }
0x62: {  	v21 =	vadd.s32 v1, v28;
	v18 =	vadd.f32 v24, v6;
	v16 =	vld [tilespmem:s1+$0xFFFFFFF0];
	[tilespmem:v27+s18+$0x0] =	vst.idx.msk $0xffff, v13  }
0x63: {  	v14 =	vadd.s32 v1, v11;
	v13 =	vmov s5;
	[tilespmem:v25+s18+$0x0] =	vst.idx.msk $0xffff, v15;
	v15 =	vld [tilespmem:s1+$0x30];
	v27 =	vadd.f32 v29, v4  }
0x64: {  	s6 =	sadd.s32 $0x3, s5;
	v19 =	vadd.s32 v3, v10;
	v13 =	vand.u32 $0x7C, v13;
	v24 =	vadd.f32 v31, v6;
	[tilespmem:v32+s18+$0x0] =	vst.idx.msk $0xffff, v18;
	v18 =	vld [tilespmem:s1+$0xFFFFFFB0];
	s1 =	smov.u32 s12;
	s12 =	sadd.s32 $0x100, s12  }
0x65: {  	v26 =	vmov s6;
	v10 =	vmovc v28;
	v20 =	vadd.s32 v3, v30;
	s5 =	sadd.s32 $0x4, s5;
	v23 =	vld [tilespmem:s12+$0x40];
	v25 =	vadd.f32 v33, v6;
	[tilespmem:v34+s18+$0x0] =	vst.idx.msk $0xffff, v27  }
0x66: {  	s5 =	sadd.s32 $0x1, s13  }
0x67: {  	v26 =	vand.u32 $0x7F, v26;
	s28 =	sadd.s32 $0x2, s13;
	v28 =	vld [tilespmem:s12+$0xFFFFFFC0];
	v27 =	vmov s5  }
0x68: {  	v31 =	vld [tilespmem:s12+$0x0];
	v29 =	vadd.s32 v0, v26;
	v30 =	vmov s28;
	v27 =	vand.u32 $0x7D, v27  }
0x69: {  	v32 =	vld [tilespmem:s12+$0xFFFFFF80];
	v30 =	vand.u32 $0x7E, v30;
	v33 =	vadd.s32 v0, v27  }
0x6a: {  	v34 =	vadd.s32 v0, v30  }
0x6b: {  	[tilespmem:v22+s18+$0x0] =	vst.idx.msk $0xffff, v24;
	v44 =	vadd.s32 v0, v13;
	v23 =	vadd.f32 v23, v9  }
0x6c: {  	[tilespmem:v21+s18+$0x0] =	vst.idx.msk $0xffff, v25;
	v45 =	vadd.f32 v28, v9  }
0x6d: {  	v46 =	vadd.f32 v31, v9;
	[tilespmem:v29+s18+$0x0] =	vst.idx.msk $0xffff, v23  }
0x6e: {  	v47 =	vadd.f32 v32, v9;
	v48 =	vld [tilespmem:s12+$0x50];
	[tilespmem:v33+s18+$0x0] =	vst.idx.msk $0xffff, v45  }
0x6f: {  	v17 =	vadd.f32 v17, v6;
	v12 =	vadd.s32 v3, v12;
	[tilespmem:v34+s18+$0x0] =	vst.idx.msk $0xffff, v46;
	v21 =	vld [tilespmem:s12+$0xFFFFFFD0]  }
0x70: {  	v16 =	vadd.f32 v16, v4;
	v49 =	vadd.s32 v1, v26;
	[tilespmem:v44+s18+$0x0] =	vst.idx.msk $0xffff, v47;
	v50 =	vld [tilespmem:s12+$0x10]  }
0x71: {  	[tilespmem:v14+s18+$0x0] =	vst.idx.msk $0xffff, v17;
	v51 =	vadd.f32 v15, v4;
	v53 =	vadd.s32 v1, v27;
	v52 =	vld [tilespmem:s12+$0xFFFFFF90]  }
0x72: {  	v54 =	vld [tilespmem:s1+$0x60];
	v18 =	vadd.f32 v18, v4;
	[tilespmem:v19+s18+$0x0] =	vst.idx.msk $0xffff, v16;
	v55 =	vadd.s32 v1, v30  }
0x73: {  	v57 =	vadd.s32 v1, v13;
	v60 =	vld [tilespmem:s1+$0x20];
	[tilespmem:v20+s18+$0x0] =	vst.idx.msk $0xffff, v51;
	v58 =	vadd.f32 v48, v6  }
0x74: {  	v59 =	vadd.s32 v2, v7;
	v56 =	vld [tilespmem:s1+$0xFFFFFFE0];
	[tilespmem:v12+s18+$0x0] =	vst.idx.msk $0xffff, v18;
	v61 =	vadd.f32 v21, v6  }
0x75: {  	v62 =	vld [tilespmem:s1+$0xFFFFFFA0];
	v29 =	vadd.s32 v2, v11;
	[tilespmem:v49+s18+$0x0] =	vst.idx.msk $0xffff, v58;
	v28 =	vadd.f32 v50, v6  }
0x76: {  	v63 =	vadd.s32 v2, v10;
	v31 =	vadd.f32 v52, v6;
	v32 =	vld [tilespmem:s12+$0x60];
	[tilespmem:v53+s18+$0x0] =	vst.idx.msk $0xffff, v61  }
0x77: {  	v33 =	vadd.f32 v54, v5;
	v34 =	vadd.s32 v2, v8;
	[tilespmem:v55+s18+$0x0] =	vst.idx.msk $0xffff, v28;
	v35 =	vld [tilespmem:s12+$0xFFFFFFE0]  }
0x78: {  	v37 =	vadd.s32 v2, v26;
	v39 =	vadd.f32 v60, v5;
	[tilespmem:v57+s18+$0x0] =	vst.idx.msk $0xffff, v31;
	v38 =	vld [tilespmem:s12+$0x20]  }
0x79: {  	v41 =	vadd.s32 v2, v27;
	v36 =	vadd.f32 v56, v5;
	[tilespmem:v59+s18+$0x0] =	vst.idx.msk $0xffff, v33;
	v40 =	vld [tilespmem:s12+$0xFFFFFFA0]  }
0x7a: {  	v43 =	vadd.s32 v2, v30;
	v18 =	vadd.f32 v62, v5;
	v42 =	vld [tilespmem:s1+$0x70];
	[tilespmem:v29+s18+$0x0] =	vst.idx.msk $0xffff, v39  }
0x7b: {  	v45 =	vadd.s32 v2, v13;
	[tilespmem:v63+s18+$0x0] =	vst.idx.msk $0xffff, v36;
	v47 =	vld [tilespmem:s1+$0x30];
	v44 =	vadd.f32 v32, v5  }
0x7c: {  	v46 =	vadd.s32 v3, v7;
	[tilespmem:v34+s18+$0x0] =	vst.idx.msk $0xffff, v18;
	v21 =	vld [tilespmem:s1+$0xFFFFFFF0];
	v9 =	vadd.f32 v35, v5  }
0x7d: {  	v18 =	vld [tilespmem:s1+$0xFFFFFFB0];
	v50 =	vadd.s32 v3, v11;
	[tilespmem:v37+s18+$0x0] =	vst.idx.msk $0xffff, v44;
	v49 =	vadd.f32 v38, v5  }
0x7e: {  	v48 =	vadd.s32 v3, v10;
	v5 =	vadd.f32 v40, v5;
	v12 =	vld [tilespmem:s12+$0x70];
	[tilespmem:v41+s18+$0x0] =	vst.idx.msk $0xffff, v9  }
0x7f: {  	v52 =	vadd.s32 v3, v8;
	v51 =	vadd.f32 v42, v4;
	[tilespmem:v43+s18+$0x0] =	vst.idx.msk $0xffff, v49;
	v53 =	vld [tilespmem:s12+$0xFFFFFFF0]  }
0x80: {  	v55 =	vadd.s32 v3, v26;
	v56 =	vadd.f32 v47, v4;
	[tilespmem:v45+s18+$0x0] =	vst.idx.msk $0xffff, v5;
	v5 =	vld [tilespmem:s12+$0x30]  }
0x81: {  	v58 =	vadd.s32 v3, v27;
	[tilespmem:v46+s18+$0x0] =	vst.idx.msk $0xffff, v51;
	v54 =	vadd.f32 v21, v4;
	v57 =	vld [tilespmem:s12+$0xFFFFFFB0]  }
0x82: {  	v60 =	vadd.s32 v3, v30;
	v59 =	vadd.f32 v18, v4;
	[tilespmem:v50+s18+$0x0] =	vst.idx.msk $0xffff, v56  }
0x83: {  	v62 =	vadd.s32 v3, v13;
	[tilespmem:v48+s18+$0x0] =	vst.idx.msk $0xffff, v54;
	v61 =	vadd.f32 v12, v4  }
0x84: {  	[tilespmem:v52+s18+$0x0] =	vst.idx.msk $0xffff, v59;
	v63 =	vadd.f32 v53, v4  }
0x85: {  	s5 =	sshll.u32 s0, $0x14;
	[tilespmem:v55+s18+$0x0] =	vst.idx.msk $0xffff, v61;
	v5 =	vadd.f32 v5, v4  }
0x86: {  	s1 =	sor.u32 s7, s5;
	v4 =	vadd.f32 v57, v4;
	[tilespmem:v58+s18+$0x0] =	vst.idx.msk $0xffff, v63  }
0x87: {  	s1 =	sshrl.u32 s1, $0x3;
	[tilespmem:v60+s18+$0x0] =	vst.idx.msk $0xffff, v5  }
0x88: {  	s6 =	simm.s32 $0xE400;
	s5 =	sadd.s32 s2, s1;
	[tilespmem:v62+s18+$0x0] =	vst.idx.msk $0xffff, v4  }
0x89: {  	[hbm4b:s5+s3] =	stream.linear.scatter [tilespmem:s6], [sflag:$0x5], $0x80, $0x38;
	[tilespmem:$0x19E00] =	vst v63  }
0x8a: {  	s8 =	simm.s32 $0xE488;
	s6 =	sadd.s32 $0x10, s5  }
0x8b: {  	[hbm4b:s6+s3] =	stream.linear.scatter [tilespmem:s8], [sflag:$0x5], $0x80, $0x38;
	[tilespmem:$0x19E00] =	vst v63  }
0x8c: {  	s15 =	simm.s32 $0xE598;
	s13 =	sadd.s32 $0x20, s5;
	s12 =	simm.s32 $0xE510  }
0x8d: {  	[hbm4b:s13+s3] =	stream.linear.scatter [tilespmem:s12], [sflag:$0x5], $0x80, $0x38;
	[tilespmem:$0x19E00] =	vst v63  }
0x8e: {  	s1 =	simm.s32 $0x440;
	s28 =	sadd.s32 $0x30, s5;
	s6 =	simm.s32 $0xE620  }
0x8f: {  	[hbm4b:s28+s3] =	stream.linear.scatter [tilespmem:s15], [sflag:$0x5], $0x80, $0x38;
	[tilespmem:$0x19E00] =	vst v63  }
0x90: {  	s8 =	sadd.s32 $0x40, s5;
	s12 =	simm.s32 $0xE6A8;
	s13 =	sadd.s32 $0x50, s5  }
0x91: {  	[hbm4b:s8+s3] =	stream.linear.scatter [tilespmem:s6], [sflag:$0x5], $0x80, $0x38;
	[tilespmem:$0x19E00] =	vst v63  }
0x92: {  	s15 =	simm.s32 $0xE730;
	s28 =	sadd.s32 $0x60, s5;
	s6 =	simm.s32 $0x2200  }
0x93: {  	[hbm4b:s13+s3] =	stream.linear.scatter [tilespmem:s12], [sflag:$0x5], $0x80, $0x38;
	[tilespmem:$0x19E00] =	vst v63  }
0x94: {  	s12 =	simm.s32 $0xE7B8;
	s13 =	sadd.s32 $0x70, s5;
	s5 =	sadd.s32 $0x1000, s5  }
0x95: {  	[hbm4b:s28+s3] =	stream.linear.scatter [tilespmem:s15], [sflag:$0x5], $0x80, $0x38;
	[tilespmem:$0x19E00] =	vst v63  }
.LBB2_5:
0x96: {  	[hbm4b:s13+s3] =	stream.linear.scatter [tilespmem:s12], [sflag:$0x5], $0x80, $0x38;
	[tilespmem:$0x19E00] =	vst v63  }
0x97: {  	s12 =	smov.u32 s1;
	s1 =	smov.u32 s6  }
0x98: {  	s15 =	sadd.s32 $0x1100, s6;
	s1 =	sshra.s32 s1, $0x2;
	s13 =	sadd.s32 $0xE400, s12  }
0x99: {  	[hbm4b:s5+s3] =	stream.linear.scatter [tilespmem:s13], [sflag:$0x5], $0x80, $0x38;
	[tilespmem:$0x19E00] =	vst v63  }
0x9a: {  	p1 =	sne.s32 s6, $0x7700;
	s6 =	sadd.s32 $0xE488, s12;
	s13 =	sadd.s32 $0x10, s5  }
0x9b: {  	[hbm4b:s13+s3] =	stream.linear.scatter [tilespmem:s6], [sflag:$0x5], $0x80, $0x38;
	[tilespmem:$0x19E00] =	vst v63  }
0x9c: {  	s6 =	sadd.s32 $0xE510, s12;
	s13 =	sadd.s32 $0x20, s5  }
0x9d: {  	[hbm4b:s13+s3] =	stream.linear.scatter [tilespmem:s6], [sflag:$0x5], $0x80, $0x38;
	[tilespmem:$0x19E00] =	vst v63  }
0x9e: {  	s6 =	sadd.s32 $0xE598, s12;
	s13 =	sadd.s32 $0x30, s5  }
0x9f: {  	[hbm4b:s13+s3] =	stream.linear.scatter [tilespmem:s6], [sflag:$0x5], $0x80, $0x38;
	[tilespmem:$0x19E00] =	vst v63  }
0xa0: {  	s6 =	sadd.s32 $0xE620, s12;
	s13 =	sadd.s32 $0x40, s5  }
0xa1: {  	[hbm4b:s13+s3] =	stream.linear.scatter [tilespmem:s6], [sflag:$0x5], $0x80, $0x38;
	[tilespmem:$0x19E00] =	vst v63  }
.Ltmp3:
0xa2: {  	s6 =	sadd.s32 $0xE6A8, s12;
	s13 =	sadd.s32 $0x50, s5;
	(pc) =	sbr.rel @p1 .LBB2_5-.Ltmp3, $4  }
0xa3: {  	[hbm4b:s13+s3] =	stream.linear.scatter [tilespmem:s6], [sflag:$0x5], $0x80, $0x38;
	[tilespmem:$0x19E00] =	vst v63  }
0xa4: {  	s6 =	sadd.s32 $0xE730, s12;
	s13 =	sadd.s32 $0x60, s5;
	s12 =	sadd.s32 $0xE7B8, s12  }
0xa5: {  	[hbm4b:s13+s3] =	stream.linear.scatter [tilespmem:s6], [sflag:$0x5], $0x80, $0x38;
	[tilespmem:$0x19E00] =	vst v63  }
0xa6: {  	s13 =	sadd.s32 $0x70, s5;
	s5 =	sadd.s32 $0x1000, s5;
	s6 =	smov.u32 s15  }
0xa7: {  	[hbm4b:s13+s3] =	stream.linear.scatter [tilespmem:s12], [sflag:$0x5], $0x80, $0x38;
	[tilespmem:$0x19E00] =	vst v63  }
0xa8: {  	s6 =	sadd.s32 $0xE400, s1  }
0xa9: {  	[hbm4b:s5+s3] =	stream.linear.scatter [tilespmem:s6], [sflag:$0x5], $0x80, $0x38;
	[tilespmem:$0x19E00] =	vst v63  }
0xaa: {  	s13 =	sadd.s32 $0xE488, s1;
	s15 =	sadd.s32 $0x10, s5  }
0xab: {  	[hbm4b:s15+s3] =	stream.linear.scatter [tilespmem:s13], [sflag:$0x5], $0x80, $0x38;
	[tilespmem:$0x19E00] =	vst v63  }
0xac: {  	s28 =	sadd.s32 $0xE510, s1;
	s8 =	sadd.s32 $0x20, s5  }
0xad: {  	[hbm4b:s8+s3] =	stream.linear.scatter [tilespmem:s28], [sflag:$0x5], $0x80, $0x38;
	[tilespmem:$0x19E00] =	vst v63  }
0xae: {  	s13 =	sadd.s32 $0xE598, s1;
	s15 =	sadd.s32 $0x30, s5  }
0xaf: {  	[hbm4b:s15+s3] =	stream.linear.scatter [tilespmem:s13], [sflag:$0x5], $0x80, $0x38;
	[tilespmem:$0x19E00] =	vst v63  }
0xb0: {  	s28 =	sadd.s32 $0xE620, s1;
	s8 =	sadd.s32 $0x40, s5  }
0xb1: {  	[hbm4b:s8+s3] =	stream.linear.scatter [tilespmem:s28], [sflag:$0x5], $0x80, $0x38;
	[tilespmem:$0x19E00] =	vst v63  }
0xb2: {  	s12 =	sadd.s32 $0xE6A8, s1;
	s6 =	sadd.s32 $0xE7B8, s1;
	s13 =	sadd.s32 $0x50, s5  }
0xb3: {  	[hbm4b:s13+s3] =	stream.linear.scatter [tilespmem:s12], [sflag:$0x5], $0x80, $0x38;
	[tilespmem:$0x19E00] =	vst v63  }
0xb4: {  	s15 =	sadd.s32 $0xE730, s1;
	s1 =	sor.u32 $0x3, s9;
	s28 =	sadd.s32 $0x60, s5  }
0xb5: {  	[hbm4b:s28+s3] =	stream.linear.scatter [tilespmem:s15], [sflag:$0x5], $0x80, $0x38;
	[tilespmem:$0x19E00] =	vst v63  }
0xb6: {  	s8 =	sadd.s32 $0x70, s5;
	s12 =	sshll.u32 s1, $0x7  }
0xb7: {  	[hbm4b:s8+s3] =	stream.linear.scatter [tilespmem:s6], [sflag:$0x5], $0x80, $0x38;
	[tilespmem:$0x19E00] =	vst v63  }
0xb8: {  	s5 =	sand.u32 $0x3FFFFF80, s12  }
0xb9: {  	[tilespmem:s19], [sflag:$0x4] =	stream.indirect.gather [hbm4b:s4+s11], $0x40, s5, s11, $0xb8;
	[tilespmem:$0x19E00] =	vst v63  }
0xba: {  	_ =	swait.ge [sflag:s20], $0x2000  }
0xbb: {  	[sflag:s20] =	ssyncset.done $0x0  }
0xbc: {  	s5 =	simm.s32 @!p0 $0x6;
	[sflag:s20] =	ssyncadd.s32 $0xFFFFE000  }
0xbd: {  	s12 =	sor.u32 $0x1, s9;
	_ =	swait.ge @!p0 [sflag:s5], $0x2000  }
0xbe: {  	s13 =	sshll.u32 s12, $0x6;
	[sflag:s5] =	ssyncset.done @!p0 $0x0  }
0xbf: {  	[sflag:s5] =	ssyncadd.s32 @!p0 $0xFFFFE000;
	s5 =	sand.u32 $0x3FFFFFC0, s13  }
0xc0: {  	s15 =	simm.s32 $0x3;
	s6 =	simm.s32 $0x8480;
	v9 =	vld [tilespmem:s5+$0x16C00]  }
0xc1: {  	v4 =	vmov s15;
	v7 =	vld [tilespmem:s6+$0x40]  }
0xc2: {  	v13 =	vand.u32 $0x7F, v4  }
0xc3: {  	s28 =	simm.s32 $0x0;
	v8 =	vadd.s32 v0, v13;
	v6 =	vld [tilespmem:s5+$0x16C10]  }
0xc4: {  	s15 =	simm.s32 $0x2;
	v4 =	vmov s28;
	s8 =	simm.s32 $0x1;
	v10 =	vld [tilespmem:s6+$0xFFFFFF80]  }
0xc5: {  	v14 =	vmov s15;
	v12 =	vand.u32 $0x7C, v4;
	v4 =	vmov s8;
	v11 =	vld [tilespmem:s6+$0xFFFFFFC0]  }
0xc6: {  	v15 =	vadd.s32 v0, v12;
	v19 =	vand.u32 $0x7D, v4;
	v16 =	vld [tilespmem:s6+$0x0];
	v7 =	vadd.f32 v7, v9  }
0xc7: {  	v20 =	vand.u32 $0x7E, v14;
	v17 =	vadd.s32 v0, v19;
	v5 =	vld [tilespmem:s5+$0x16C20]  }
0xc8: {  	v14 =	vadd.s32 v0, v20;
	v4 =	vld [tilespmem:s5+$0x16C30];
	[tilespmem:v8+s21+$0x0] =	vst.idx.msk $0xffff, v7  }
0xc9: {  	v7 =	vadd.f32 v10, v9;
	v8 =	vld [tilespmem:s6+$0x50]  }
0xca: {  	v10 =	vadd.f32 v11, v9  }
0xcb: {  	v11 =	vadd.s32 v1, v13;
	[tilespmem:v15+s21+$0x0] =	vst.idx.msk $0xffff, v7;
	v7 =	vadd.f32 v16, v9  }
0xcc: {  	[tilespmem:v17+s21+$0x0] =	vst.idx.msk $0xffff, v10;
	v15 =	vld [tilespmem:s6+$0xFFFFFF90]  }
0xcd: {  	v10 =	vld [tilespmem:s6+$0xFFFFFFD0];
	[tilespmem:v14+s21+$0x0] =	vst.idx.msk $0xffff, v7  }
0xce: {  	v14 =	vld [tilespmem:s6+$0x10];
	v7 =	vadd.f32 v8, v6  }
0xcf: {  	s8 =	simm.s32 $0x7;
	s13 =	simm.s32 $0x8580;
	v16 =	vadd.s32 v1, v19  }
0xd0: {  	s28 =	simm.s32 $0x4;
	v26 =	vadd.s32 v2, v13;
	v18 =	vld [tilespmem:s13+$0x40];
	v17 =	vadd.s32 v1, v20;
	[tilespmem:v11+s21+$0x0] =	vst.idx.msk $0xffff, v7;
	v7 =	vmov s8  }
0xd1: {  	v21 =	vadd.s32 v1, v12;
	v8 =	vmov s28;
	v7 =	vand.u32 $0x7F, v7;
	v22 =	vld [tilespmem:s6+$0x60]  }
0xd2: {  	s15 =	simm.s32 $0x5;
	v23 =	vld [tilespmem:s13+$0xFFFFFF80];
	v8 =	vand.u32 $0x7C, v8;
	v10 =	vadd.f32 v10, v6;
	v24 =	vadd.s32 v0, v7  }
0xd3: {  	v25 =	vld [tilespmem:s13+$0xFFFFFFC0];
	s28 =	simm.s32 $0x6;
	v15 =	vadd.f32 v15, v6;
	v11 =	vadd.f32 v14, v6;
	v14 =	vmov s15  }
0xd4: {  	v27 =	vadd.s32 v0, v8;
	[tilespmem:v16+s21+$0x0] =	vst.idx.msk $0xffff, v10;
	v16 =	vmov s28;
	v10 =	vand.u32 $0x7D, v14;
	v14 =	vld [tilespmem:s13+$0x0]  }
0xd5: {  	[tilespmem:v17+s21+$0x0] =	vst.idx.msk $0xffff, v11;
	v17 =	vadd.s32 v0, v10;
	v11 =	vand.u32 $0x7E, v16;
	v16 =	vadd.f32 v18, v9;
	v18 =	vld [tilespmem:s6+$0xFFFFFFE0]  }
0xd6: {  	[tilespmem:v21+s21+$0x0] =	vst.idx.msk $0xffff, v15;
	v15 =	vadd.s32 v0, v11;
	v21 =	vld [tilespmem:s6+$0x20];
	v22 =	vadd.f32 v22, v5  }
0xd7: {  	v23 =	vadd.f32 v23, v9;
	[tilespmem:v24+s21+$0x0] =	vst.idx.msk $0xffff, v16;
	v16 =	vld [tilespmem:s6+$0xFFFFFFA0];
	v24 =	vadd.s32 v2, v19  }
0xd8: {  	v29 =	vadd.s32 v2, v20;
	v25 =	vadd.f32 v25, v9;
	v28 =	vld [tilespmem:s13+$0x50];
	[tilespmem:v26+s21+$0x0] =	vst.idx.msk $0xffff, v22  }
0xd9: {  	[tilespmem:v27+s21+$0x0] =	vst.idx.msk $0xffff, v23;
	v23 =	vadd.s32 v2, v12;
	v14 =	vadd.f32 v14, v9;
	v26 =	vld [tilespmem:s6+$0x70]  }
0xda: {  	v27 =	vld [tilespmem:s13+$0xFFFFFF90];
	[tilespmem:v17+s21+$0x0] =	vst.idx.msk $0xffff, v25;
	v25 =	vadd.s32 v1, v7;
	v18 =	vadd.f32 v18, v5  }
0xdb: {  	v31 =	vadd.s32 v3, v13;
	v30 =	vld [tilespmem:s13+$0xFFFFFFD0];
	[tilespmem:v15+s21+$0x0] =	vst.idx.msk $0xffff, v14;
	v14 =	vadd.f32 v21, v5  }
0xdc: {  	v22 =	vadd.s32 v1, v8;
	v17 =	vld [tilespmem:s13+$0x10];
	v13 =	vadd.f32 v16, v5;
	[tilespmem:v24+s21+$0x0] =	vst.idx.msk $0xffff, v18  }
0xdd: {  	s5 =	simm.s32 $0x8;
	v21 =	vadd.s32 v1, v10;
	[tilespmem:v29+s21+$0x0] =	vst.idx.msk $0xffff, v14;
	v18 =	vadd.f32 v28, v6;
	v16 =	vld [tilespmem:s6+$0xFFFFFFF0]  }
0xde: {  	v24 =	vmov s5;
	v14 =	vadd.s32 v1, v11;
	v15 =	vld [tilespmem:s6+$0x30];
	[tilespmem:v23+s21+$0x0] =	vst.idx.msk $0xffff, v13;
	v63 =	vadd.f32 v26, v4  }
0xdf: {  	s8 =	simm.s32 $0xB;
	s15 =	simm.s32 $0x8680;
	v19 =	vadd.s32 v3, v19;
	v13 =	vand.u32 $0x7C, v24;
	v24 =	vadd.f32 v27, v6;
	[tilespmem:v25+s21+$0x0] =	vst.idx.msk $0xffff, v18;
	v18 =	vld [tilespmem:s6+$0xFFFFFFB0]  }
0xe0: {  	v20 =	vadd.s32 v3, v20;
	v26 =	vmov s8;
	v23 =	vld [tilespmem:s15+$0x40];
	s6 =	simm.s32 $0xC;
	v25 =	vadd.f32 v30, v6;
	[tilespmem:v31+s21+$0x0] =	vst.idx.msk $0xffff, v63  }
.LBB2_7:
0xe1: {  	p1 =	slt.u32 s6, $0x7C;
	s8 =	sadd.s32 $0x1, s5;
	v26 =	vand.u32 $0x7F, v26;
	[tilespmem:v22+s21+$0x0] =	vst.idx.msk $0xffff, v24;
	v17 =	vadd.f32 v17, v6;
	v22 =	vld [tilespmem:s13+$0x60];
	v24 =	vadd.s32 v3, v12  }
0xe2: {  	v30 =	vmovc v11;
	v27 =	vld [tilespmem:s15+$0xFFFFFF80];
	v28 =	vmov s8;
	s8 =	sadd.s32 $0x2, s5;
	v29 =	vadd.s32 v0, v26;
	[tilespmem:v21+s21+$0x0] =	vst.idx.msk $0xffff, v25;
	v16 =	vadd.f32 v16, v4;
	s5 =	smov.u32 s6  }
0xe3: {  	v12 =	vmovc v8;
	v21 =	vld [tilespmem:s15+$0xFFFFFFC0];
	v11 =	vmov s8;
	[tilespmem:v14+s21+$0x0] =	vst.idx.msk $0xffff, v17;
	v14 =	vadd.s32 v2, v7;
	v15 =	vadd.f32 v15, v4  }
0xe4: {  	v17 =	vadd.s32 v0, v13;
	v28 =	vand.u32 $0x7D, v28;
	v25 =	vld [tilespmem:s15+$0x0];
	v31 =	vadd.f32 v18, v4;
	[tilespmem:v19+s21+$0x0] =	vst.idx.msk $0xffff, v16  }
0xe5: {  	v16 =	vadd.s32 v0, v28;
	v11 =	vand.u32 $0x7E, v11;
	v18 =	vadd.f32 v23, v9;
	v19 =	vld [tilespmem:s13+$0xFFFFFFE0];
	[tilespmem:v20+s21+$0x0] =	vst.idx.msk $0xffff, v15  }
0xe6: {  	v8 =	vmov v13;
	v15 =	vadd.s32 v0, v11;
	v20 =	vld [tilespmem:s13+$0x20];
	v22 =	vadd.f32 v22, v5;
	[tilespmem:v24+s21+$0x0] =	vst.idx.msk $0xffff, v31  }
0xe7: {  	v23 =	vadd.s32 v2, v10;
	v13 =	vadd.f32 v27, v9;
	[tilespmem:v29+s21+$0x0] =	vst.idx.msk $0xffff, v18;
	v18 =	vld [tilespmem:s13+$0xFFFFFFA0]  }
0xe8: {  	v27 =	vadd.s32 v2, v30;
	v21 =	vadd.f32 v21, v9;
	v24 =	vld [tilespmem:s15+$0x50];
	[tilespmem:v14+s21+$0x0] =	vst.idx.msk $0xffff, v22  }
0xe9: {  	[tilespmem:v17+s21+$0x0] =	vst.idx.msk $0xffff, v13;
	v13 =	vadd.f32 v25, v9;
	v25 =	vadd.s32 v2, v12;
	v29 =	vld [tilespmem:s13+$0x70]  }
0xea: {  	v32 =	vadd.s32 v1, v26;
	v31 =	vld [tilespmem:s15+$0xFFFFFF90];
	[tilespmem:v16+s21+$0x0] =	vst.idx.msk $0xffff, v21;
	v14 =	vadd.f32 v19, v5  }
0xeb: {  	v34 =	vadd.s32 v3, v7;
	v7 =	vmov v26;
	v33 =	vld [tilespmem:s15+$0xFFFFFFD0];
	[tilespmem:v15+s21+$0x0] =	vst.idx.msk $0xffff, v13;
	v13 =	vadd.f32 v20, v5  }
.Ltmp4:
0xec: {  	v22 =	vadd.s32 v1, v8;
	v17 =	vld [tilespmem:s15+$0x10];
	v15 =	vadd.f32 v18, v5;
	[tilespmem:v23+s21+$0x0] =	vst.idx.msk $0xffff, v14;
	(pc) =	sbr.rel @p1 .LBB2_7-.Ltmp4, $4  }
0xed: {  	v21 =	vadd.s32 v1, v28;
	v18 =	vadd.f32 v24, v6;
	v16 =	vld [tilespmem:s13+$0xFFFFFFF0];
	[tilespmem:v27+s21+$0x0] =	vst.idx.msk $0xffff, v13  }
0xee: {  	v14 =	vadd.s32 v1, v11;
	v13 =	vmov s6;
	[tilespmem:v25+s21+$0x0] =	vst.idx.msk $0xffff, v15;
	v15 =	vld [tilespmem:s13+$0x30];
	v27 =	vadd.f32 v29, v4  }
0xef: {  	s8 =	sadd.s32 $0x3, s6;
	v19 =	vadd.s32 v3, v10;
	v13 =	vand.u32 $0x7C, v13;
	v24 =	vadd.f32 v31, v6;
	[tilespmem:v32+s21+$0x0] =	vst.idx.msk $0xffff, v18;
	v18 =	vld [tilespmem:s13+$0xFFFFFFB0];
	s13 =	smov.u32 s15;
	s15 =	sadd.s32 $0x100, s15  }
0xf0: {  	v26 =	vmov s8;
	v10 =	vmovc v28;
	v20 =	vadd.s32 v3, v30;
	s6 =	sadd.s32 $0x4, s6;
	v23 =	vld [tilespmem:s15+$0x40];
	v25 =	vadd.f32 v33, v6;
	[tilespmem:v34+s21+$0x0] =	vst.idx.msk $0xffff, v27  }
0xf1: {  	s6 =	sadd.s32 $0x1, s5  }
0xf2: {  	v26 =	vand.u32 $0x7F, v26;
	v28 =	vld [tilespmem:s15+$0xFFFFFFC0];
	v27 =	vmov s6;
	s6 =	sadd.s32 $0x2, s5  }
0xf3: {  	v31 =	vld [tilespmem:s15+$0x0];
	v29 =	vadd.s32 v0, v26;
	v30 =	vmov s6;
	v27 =	vand.u32 $0x7D, v27  }
0xf4: {  	v32 =	vld [tilespmem:s15+$0xFFFFFF80];
	v33 =	vadd.s32 v0, v27;
	v30 =	vand.u32 $0x7E, v30  }
0xf5: {  	v34 =	vadd.s32 v0, v30  }
0xf6: {  	[tilespmem:v22+s21+$0x0] =	vst.idx.msk $0xffff, v24;
	v44 =	vadd.s32 v0, v13;
	v23 =	vadd.f32 v23, v9  }
0xf7: {  	[tilespmem:v21+s21+$0x0] =	vst.idx.msk $0xffff, v25;
	v45 =	vadd.f32 v28, v9  }
0xf8: {  	v46 =	vadd.f32 v31, v9;
	[tilespmem:v29+s21+$0x0] =	vst.idx.msk $0xffff, v23  }
0xf9: {  	v47 =	vadd.f32 v32, v9;
	v48 =	vld [tilespmem:s15+$0x50];
	[tilespmem:v33+s21+$0x0] =	vst.idx.msk $0xffff, v45  }
0xfa: {  	v17 =	vadd.f32 v17, v6;
	v12 =	vadd.s32 v3, v12;
	v21 =	vld [tilespmem:s15+$0xFFFFFFD0];
	[tilespmem:v34+s21+$0x0] =	vst.idx.msk $0xffff, v46  }
0xfb: {  	v16 =	vadd.f32 v16, v4;
	v49 =	vadd.s32 v1, v26;
	[tilespmem:v44+s21+$0x0] =	vst.idx.msk $0xffff, v47;
	v50 =	vld [tilespmem:s15+$0x10]  }
0xfc: {  	[tilespmem:v14+s21+$0x0] =	vst.idx.msk $0xffff, v17;
	v51 =	vadd.f32 v15, v4;
	v53 =	vadd.s32 v1, v27;
	v52 =	vld [tilespmem:s15+$0xFFFFFF90]  }
0xfd: {  	v54 =	vld [tilespmem:s13+$0x60];
	v18 =	vadd.f32 v18, v4;
	[tilespmem:v19+s21+$0x0] =	vst.idx.msk $0xffff, v16;
	v55 =	vadd.s32 v1, v30  }
0xfe: {  	v57 =	vadd.s32 v1, v13;
	v60 =	vld [tilespmem:s13+$0x20];
	[tilespmem:v20+s21+$0x0] =	vst.idx.msk $0xffff, v51;
	v58 =	vadd.f32 v48, v6  }
0xff: {  	v59 =	vadd.s32 v2, v7;
	v56 =	vld [tilespmem:s13+$0xFFFFFFE0];
	[tilespmem:v12+s21+$0x0] =	vst.idx.msk $0xffff, v18;
	v61 =	vadd.f32 v21, v6  }
0x100: {  	v62 =	vld [tilespmem:s13+$0xFFFFFFA0];
	v29 =	vadd.s32 v2, v11;
	[tilespmem:v49+s21+$0x0] =	vst.idx.msk $0xffff, v58;
	v28 =	vadd.f32 v50, v6  }
0x101: {  	v63 =	vadd.s32 v2, v10;
	v31 =	vadd.f32 v52, v6;
	v32 =	vld [tilespmem:s15+$0x60];
	[tilespmem:v53+s21+$0x0] =	vst.idx.msk $0xffff, v61  }
0x102: {  	v33 =	vadd.f32 v54, v5;
	v34 =	vadd.s32 v2, v8;
	[tilespmem:v55+s21+$0x0] =	vst.idx.msk $0xffff, v28;
	v35 =	vld [tilespmem:s15+$0xFFFFFFE0]  }
0x103: {  	v37 =	vadd.s32 v2, v26;
	v39 =	vadd.f32 v60, v5;
	[tilespmem:v57+s21+$0x0] =	vst.idx.msk $0xffff, v31;
	v38 =	vld [tilespmem:s15+$0x20]  }
0x104: {  	v41 =	vadd.s32 v2, v27;
	v36 =	vadd.f32 v56, v5;
	[tilespmem:v59+s21+$0x0] =	vst.idx.msk $0xffff, v33;
	v40 =	vld [tilespmem:s15+$0xFFFFFFA0]  }
0x105: {  	v43 =	vadd.s32 v2, v30;
	v18 =	vadd.f32 v62, v5;
	v42 =	vld [tilespmem:s13+$0x70];
	[tilespmem:v29+s21+$0x0] =	vst.idx.msk $0xffff, v39  }
0x106: {  	v45 =	vadd.s32 v2, v13;
	[tilespmem:v63+s21+$0x0] =	vst.idx.msk $0xffff, v36;
	v47 =	vld [tilespmem:s13+$0x30];
	v44 =	vadd.f32 v32, v5  }
0x107: {  	v46 =	vadd.s32 v3, v7;
	v21 =	vld [tilespmem:s13+$0xFFFFFFF0];
	[tilespmem:v34+s21+$0x0] =	vst.idx.msk $0xffff, v18;
	v9 =	vadd.f32 v35, v5  }
0x108: {  	v18 =	vld [tilespmem:s13+$0xFFFFFFB0];
	v50 =	vadd.s32 v3, v11;
	[tilespmem:v37+s21+$0x0] =	vst.idx.msk $0xffff, v44;
	v49 =	vadd.f32 v38, v5  }
0x109: {  	v48 =	vadd.s32 v3, v10;
	v12 =	vld [tilespmem:s15+$0x70];
	v5 =	vadd.f32 v40, v5;
	[tilespmem:v41+s21+$0x0] =	vst.idx.msk $0xffff, v9  }
0x10a: {  	v52 =	vadd.s32 v3, v8;
	v51 =	vadd.f32 v42, v4;
	v53 =	vld [tilespmem:s15+$0xFFFFFFF0];
	[tilespmem:v43+s21+$0x0] =	vst.idx.msk $0xffff, v49  }
0x10b: {  	v55 =	vadd.s32 v3, v26;
	v56 =	vadd.f32 v47, v4;
	[tilespmem:v45+s21+$0x0] =	vst.idx.msk $0xffff, v5;
	v5 =	vld [tilespmem:s15+$0x30]  }
0x10c: {  	v58 =	vadd.s32 v3, v27;
	[tilespmem:v46+s21+$0x0] =	vst.idx.msk $0xffff, v51;
	v54 =	vadd.f32 v21, v4;
	v57 =	vld [tilespmem:s15+$0xFFFFFFB0]  }
0x10d: {  	v60 =	vadd.s32 v3, v30;
	v59 =	vadd.f32 v18, v4;
	[tilespmem:v50+s21+$0x0] =	vst.idx.msk $0xffff, v56  }
0x10e: {  	v62 =	vadd.s32 v3, v13;
	[tilespmem:v48+s21+$0x0] =	vst.idx.msk $0xffff, v54;
	v61 =	vadd.f32 v12, v4  }
0x10f: {  	[tilespmem:v52+s21+$0x0] =	vst.idx.msk $0xffff, v59;
	v63 =	vadd.f32 v53, v4  }
0x110: {  	s8 =	sshll.u32 s12, $0x12;
	[tilespmem:v55+s21+$0x0] =	vst.idx.msk $0xffff, v61;
	v5 =	vadd.f32 v5, v4  }
0x111: {  	s5 =	sor.u32 s7, s8;
	v4 =	vadd.f32 v57, v4;
	[tilespmem:v58+s21+$0x0] =	vst.idx.msk $0xffff, v63  }
0x112: {  	s5 =	sshrl.u32 s5, $0x3;
	[tilespmem:v60+s21+$0x0] =	vst.idx.msk $0xffff, v5  }
0x113: {  	s12 =	simm.s32 $0x10600;
	s6 =	sadd.s32 s2, s5;
	[tilespmem:v62+s21+$0x0] =	vst.idx.msk $0xffff, v4  }
0x114: {  	[hbm4b:s6+s3] =	stream.linear.scatter [tilespmem:s12], [sflag:$0x6], $0x80, $0x38;
	[tilespmem:$0x19E00] =	vst v63  }
0x115: {  	s8 =	sadd.s32 $0x10, s6;
	s13 =	simm.s32 $0x10688  }
0x116: {  	[hbm4b:s8+s3] =	stream.linear.scatter [tilespmem:s13], [sflag:$0x6], $0x80, $0x38;
	[tilespmem:$0x19E00] =	vst v63  }
0x117: {  	s28 =	sadd.s32 $0x20, s6;
	s15 =	simm.s32 $0x10710  }
0x118: {  	[hbm4b:s28+s3] =	stream.linear.scatter [tilespmem:s15], [sflag:$0x6], $0x80, $0x38;
	[tilespmem:$0x19E00] =	vst v63  }
0x119: {  	s12 =	simm.s32 $0x10798;
	s13 =	sadd.s32 $0x30, s6  }
0x11a: {  	[hbm4b:s13+s3] =	stream.linear.scatter [tilespmem:s12], [sflag:$0x6], $0x80, $0x38;
	[tilespmem:$0x19E00] =	vst v63  }
0x11b: {  	s15 =	simm.s32 $0x10820;
	s28 =	sadd.s32 $0x40, s6  }
0x11c: {  	[hbm4b:s28+s3] =	stream.linear.scatter [tilespmem:s15], [sflag:$0x6], $0x80, $0x38;
	[tilespmem:$0x19E00] =	vst v63  }
0x11d: {  	s5 =	simm.s32 $0x440;
	s12 =	simm.s32 $0x108A8;
	s13 =	sadd.s32 $0x50, s6  }
0x11e: {  	[hbm4b:s13+s3] =	stream.linear.scatter [tilespmem:s12], [sflag:$0x6], $0x80, $0x38;
	[tilespmem:$0x19E00] =	vst v63  }
0x11f: {  	s15 =	simm.s32 $0x10930;
	s28 =	sadd.s32 $0x60, s6;
	s12 =	simm.s32 $0x2200  }
0x120: {  	[hbm4b:s28+s3] =	stream.linear.scatter [tilespmem:s15], [sflag:$0x6], $0x80, $0x38;
	[tilespmem:$0x19E00] =	vst v63  }
0x121: {  	s13 =	simm.s32 $0x109B8;
	s15 =	sadd.s32 $0x70, s6;
	s6 =	sadd.s32 $0x1000, s6  }
.LBB2_9:
0x122: {  	[hbm4b:s15+s3] =	stream.linear.scatter [tilespmem:s13], [sflag:$0x6], $0x80, $0x38;
	[tilespmem:$0x19E00] =	vst v63  }
0x123: {  	s8 =	smov.u32 s5;
	s5 =	smov.u32 s12  }
0x124: {  	s28 =	sadd.s32 $0x1100, s12;
	s5 =	sshra.s32 s5, $0x2;
	s13 =	sadd.s32 $0x10600, s8  }
0x125: {  	[hbm4b:s6+s3] =	stream.linear.scatter [tilespmem:s13], [sflag:$0x6], $0x80, $0x38;
	[tilespmem:$0x19E00] =	vst v63  }
0x126: {  	p1 =	sne.s32 s12, $0x7700;
	s12 =	sadd.s32 $0x10688, s8;
	s13 =	sadd.s32 $0x10, s6  }
0x127: {  	[hbm4b:s13+s3] =	stream.linear.scatter [tilespmem:s12], [sflag:$0x6], $0x80, $0x38;
	[tilespmem:$0x19E00] =	vst v63  }
0x128: {  	s12 =	sadd.s32 $0x10710, s8;
	s13 =	sadd.s32 $0x20, s6  }
0x129: {  	[hbm4b:s13+s3] =	stream.linear.scatter [tilespmem:s12], [sflag:$0x6], $0x80, $0x38;
	[tilespmem:$0x19E00] =	vst v63  }
0x12a: {  	s12 =	sadd.s32 $0x10798, s8;
	s13 =	sadd.s32 $0x30, s6  }
0x12b: {  	[hbm4b:s13+s3] =	stream.linear.scatter [tilespmem:s12], [sflag:$0x6], $0x80, $0x38;
	[tilespmem:$0x19E00] =	vst v63  }
0x12c: {  	s12 =	sadd.s32 $0x10820, s8;
	s13 =	sadd.s32 $0x40, s6  }
0x12d: {  	[hbm4b:s13+s3] =	stream.linear.scatter [tilespmem:s12], [sflag:$0x6], $0x80, $0x38;
	[tilespmem:$0x19E00] =	vst v63  }
.Ltmp5:
0x12e: {  	s12 =	sadd.s32 $0x108A8, s8;
	s13 =	sadd.s32 $0x50, s6;
	(pc) =	sbr.rel @p1 .LBB2_9-.Ltmp5, $4  }
0x12f: {  	[hbm4b:s13+s3] =	stream.linear.scatter [tilespmem:s12], [sflag:$0x6], $0x80, $0x38;
	[tilespmem:$0x19E00] =	vst v63  }
0x130: {  	s15 =	sadd.s32 $0x70, s6;
	s12 =	sadd.s32 $0x10930, s8;
	s13 =	sadd.s32 $0x60, s6  }
0x131: {  	[hbm4b:s13+s3] =	stream.linear.scatter [tilespmem:s12], [sflag:$0x6], $0x80, $0x38;
	[tilespmem:$0x19E00] =	vst v63  }
0x132: {  	s6 =	sadd.s32 $0x1000, s6;
	s13 =	sadd.s32 $0x109B8, s8;
	s12 =	smov.u32 s28  }
0x133: {  	[hbm4b:s15+s3] =	stream.linear.scatter [tilespmem:s13], [sflag:$0x6], $0x80, $0x38;
	[tilespmem:$0x19E00] =	vst v63  }
0x134: {  	s8 =	sadd.s32 $0x10600, s5  }
0x135: {  	[hbm4b:s6+s3] =	stream.linear.scatter [tilespmem:s8], [sflag:$0x6], $0x80, $0x38;
	[tilespmem:$0x19E00] =	vst v63  }
0x136: {  	s13 =	sadd.s32 $0x10688, s5;
	s12 =	sadd.s32 $0x10, s6  }
0x137: {  	[hbm4b:s12+s3] =	stream.linear.scatter [tilespmem:s13], [sflag:$0x6], $0x80, $0x38;
	[tilespmem:$0x19E00] =	vst v63  }
0x138: {  	s15 =	sadd.s32 $0x10710, s5;
	s28 =	sadd.s32 $0x20, s6  }
0x139: {  	[hbm4b:s28+s3] =	stream.linear.scatter [tilespmem:s15], [sflag:$0x6], $0x80, $0x38;
	[tilespmem:$0x19E00] =	vst v63  }
0x13a: {  	s12 =	sadd.s32 $0x10798, s5;
	s13 =	sadd.s32 $0x30, s6  }
0x13b: {  	[hbm4b:s13+s3] =	stream.linear.scatter [tilespmem:s12], [sflag:$0x6], $0x80, $0x38;
	[tilespmem:$0x19E00] =	vst v63  }
0x13c: {  	p1 =	seq.s32 s0, $0x31;
	s15 =	sadd.s32 $0x10820, s5;
	s28 =	sadd.s32 $0x40, s6  }
0x13d: {  	[hbm4b:s28+s3] =	stream.linear.scatter [tilespmem:s15], [sflag:$0x6], $0x80, $0x38;
	[tilespmem:$0x19E00] =	vst v63  }
0x13e: {  	s8 =	sadd.s32 $0x109B8, s5;
	s12 =	sadd.s32 $0x108A8, s5;
	s13 =	sadd.s32 $0x50, s6  }
0x13f: {  	[hbm4b:s13+s3] =	stream.linear.scatter [tilespmem:s12], [sflag:$0x6], $0x80, $0x38;
	[tilespmem:$0x19E00] =	vst v63  }
0x140: {  	s15 =	sadd.s32 $0x10930, s5;
	s28 =	sadd.s32 $0x60, s6;
	s5 =	sshll.u32 @!p1 s0, $0x9  }
0x141: {  	[hbm4b:s28+s3] =	stream.linear.scatter [tilespmem:s15], [sflag:$0x6], $0x80, $0x38;
	[tilespmem:$0x19E00] =	vst v63  }
0x142: {  	s5 =	sand.u32 @!p1 $0x3FFFFE00, s5;
	s12 =	sadd.s32 $0x70, s6  }
0x143: {  	[hbm4b:s12+s3] =	stream.linear.scatter [tilespmem:s8], [sflag:$0x6], $0x80, $0x38;
	[tilespmem:$0x19E00] =	vst v63  }
0x144: {  	s5 =	sadd.s32 @!p1 $0x200, s5;
	s6 =	simm.s32 @!p1 $0x80;
	s8 =	simm.s32 @!p1 $0x6400  }
0x145: {  	[tilespmem:s8], [sflag:$0x1] =	stream.indirect.gather @!p1 [hbm4b:s4+s6], $0x40, s5, s6, $0xb8;
	[tilespmem:$0x19E00] =	vst v63  }
0x146: {  	_ =	swait.ge [sflag:s22], $0x2000  }
0x147: {  	[sflag:s22] =	ssyncset.done $0x0  }
0x148: {  	s5 =	simm.s32 @!p0 $0x7;
	[sflag:s22] =	ssyncadd.s32 $0xFFFFE000  }
0x149: {  	s9 =	sor.u32 $0x2, s9;
	_ =	swait.ge @!p0 [sflag:s5], $0x2000  }
0x14a: {  	s13 =	sshll.u32 s9, $0x6;
	[sflag:s5] =	ssyncset.done @!p0 $0x0  }
0x14b: {  	[sflag:s5] =	ssyncadd.s32 @!p0 $0xFFFFE000;
	s5 =	sand.u32 $0x3FFFFFC0, s13  }
0x14c: {  	s15 =	simm.s32 $0x3;
	s6 =	simm.s32 $0xA480;
	v9 =	vld [tilespmem:s5+$0x16C00]  }
0x14d: {  	v4 =	vmov s15;
	v7 =	vld [tilespmem:s6+$0x40]  }
0x14e: {  	s28 =	simm.s32 $0x0;
	v13 =	vand.u32 $0x7F, v4  }
0x14f: {  	v4 =	vmov s28;
	v8 =	vadd.s32 v0, v13;
	v6 =	vld [tilespmem:s5+$0x16C10]  }
0x150: {  	s12 =	simm.s32 $0x1;
	v12 =	vand.u32 $0x7C, v4;
	v10 =	vld [tilespmem:s6+$0xFFFFFF80]  }
0x151: {  	v4 =	vmov s12;
	v15 =	vadd.s32 v0, v12;
	s13 =	simm.s32 $0x2;
	v11 =	vld [tilespmem:s6+$0xFFFFFFC0]  }
0x152: {  	v19 =	vand.u32 $0x7D, v4;
	v14 =	vmov s13;
	v16 =	vld [tilespmem:s6+$0x0];
	v7 =	vadd.f32 v7, v9  }
0x153: {  	v17 =	vadd.s32 v0, v19;
	v5 =	vld [tilespmem:s5+$0x16C20];
	v20 =	vand.u32 $0x7E, v14  }
0x154: {  	v4 =	vld [tilespmem:s5+$0x16C30];
	v14 =	vadd.s32 v0, v20;
	[tilespmem:v8+s23+$0x0] =	vst.idx.msk $0xffff, v7  }
0x155: {  	v7 =	vadd.f32 v10, v9;
	v8 =	vld [tilespmem:s6+$0x50]  }
0x156: {  	v10 =	vadd.f32 v11, v9  }
0x157: {  	v11 =	vadd.s32 v1, v13;
	[tilespmem:v15+s23+$0x0] =	vst.idx.msk $0xffff, v7;
	v7 =	vadd.f32 v16, v9  }
0x158: {  	[tilespmem:v17+s23+$0x0] =	vst.idx.msk $0xffff, v10;
	v15 =	vld [tilespmem:s6+$0xFFFFFF90]  }
0x159: {  	v10 =	vld [tilespmem:s6+$0xFFFFFFD0];
	[tilespmem:v14+s23+$0x0] =	vst.idx.msk $0xffff, v7  }
0x15a: {  	v14 =	vld [tilespmem:s6+$0x10];
	v7 =	vadd.f32 v8, v6  }
0x15b: {  	s28 =	simm.s32 $0x7;
	s12 =	simm.s32 $0xA580;
	v16 =	vadd.s32 v1, v19  }
0x15c: {  	s15 =	simm.s32 $0x4;
	v26 =	vadd.s32 v2, v13;
	v18 =	vld [tilespmem:s12+$0x40];
	v17 =	vadd.s32 v1, v20;
	[tilespmem:v11+s23+$0x0] =	vst.idx.msk $0xffff, v7;
	v7 =	vmov s28  }
0x15d: {  	v21 =	vadd.s32 v1, v12;
	v8 =	vmov s15;
	v7 =	vand.u32 $0x7F, v7;
	v22 =	vld [tilespmem:s6+$0x60]  }
0x15e: {  	s13 =	simm.s32 $0x5;
	v23 =	vld [tilespmem:s12+$0xFFFFFF80];
	v8 =	vand.u32 $0x7C, v8;
	v10 =	vadd.f32 v10, v6;
	v24 =	vadd.s32 v0, v7  }
0x15f: {  	v25 =	vld [tilespmem:s12+$0xFFFFFFC0];
	s15 =	simm.s32 $0x6;
	v15 =	vadd.f32 v15, v6;
	v11 =	vadd.f32 v14, v6;
	v14 =	vmov s13  }
0x160: {  	v27 =	vadd.s32 v0, v8;
	[tilespmem:v16+s23+$0x0] =	vst.idx.msk $0xffff, v10;
	v16 =	vmov s15;
	v10 =	vand.u32 $0x7D, v14;
	v14 =	vld [tilespmem:s12+$0x0]  }
0x161: {  	[tilespmem:v17+s23+$0x0] =	vst.idx.msk $0xffff, v11;
	v17 =	vadd.s32 v0, v10;
	v11 =	vand.u32 $0x7E, v16;
	v16 =	vadd.f32 v18, v9;
	v18 =	vld [tilespmem:s6+$0xFFFFFFE0]  }
0x162: {  	[tilespmem:v21+s23+$0x0] =	vst.idx.msk $0xffff, v15;
	v15 =	vadd.s32 v0, v11;
	v21 =	vld [tilespmem:s6+$0x20];
	v22 =	vadd.f32 v22, v5  }
0x163: {  	v23 =	vadd.f32 v23, v9;
	[tilespmem:v24+s23+$0x0] =	vst.idx.msk $0xffff, v16;
	v16 =	vld [tilespmem:s6+$0xFFFFFFA0];
	v24 =	vadd.s32 v2, v19  }
0x164: {  	v29 =	vadd.s32 v2, v20;
	v25 =	vadd.f32 v25, v9;
	v28 =	vld [tilespmem:s12+$0x50];
	[tilespmem:v26+s23+$0x0] =	vst.idx.msk $0xffff, v22  }
0x165: {  	[tilespmem:v27+s23+$0x0] =	vst.idx.msk $0xffff, v23;
	v23 =	vadd.s32 v2, v12;
	v14 =	vadd.f32 v14, v9;
	v26 =	vld [tilespmem:s6+$0x70]  }
0x166: {  	v27 =	vld [tilespmem:s12+$0xFFFFFF90];
	[tilespmem:v17+s23+$0x0] =	vst.idx.msk $0xffff, v25;
	v25 =	vadd.s32 v1, v7;
	v18 =	vadd.f32 v18, v5  }
0x167: {  	v31 =	vadd.s32 v3, v13;
	v30 =	vld [tilespmem:s12+$0xFFFFFFD0];
	[tilespmem:v15+s23+$0x0] =	vst.idx.msk $0xffff, v14;
	v14 =	vadd.f32 v21, v5  }
0x168: {  	v22 =	vadd.s32 v1, v8;
	v17 =	vld [tilespmem:s12+$0x10];
	v13 =	vadd.f32 v16, v5;
	[tilespmem:v24+s23+$0x0] =	vst.idx.msk $0xffff, v18  }
0x169: {  	s5 =	simm.s32 $0x8;
	v21 =	vadd.s32 v1, v10;
	[tilespmem:v29+s23+$0x0] =	vst.idx.msk $0xffff, v14;
	v18 =	vadd.f32 v28, v6;
	v16 =	vld [tilespmem:s6+$0xFFFFFFF0]  }
0x16a: {  	v24 =	vmov s5;
	v14 =	vadd.s32 v1, v11;
	v15 =	vld [tilespmem:s6+$0x30];
	[tilespmem:v23+s23+$0x0] =	vst.idx.msk $0xffff, v13;
	v63 =	vadd.f32 v26, v4  }
0x16b: {  	s28 =	simm.s32 $0xB;
	s13 =	simm.s32 $0xA680;
	v19 =	vadd.s32 v3, v19;
	v13 =	vand.u32 $0x7C, v24;
	v24 =	vadd.f32 v27, v6;
	[tilespmem:v25+s23+$0x0] =	vst.idx.msk $0xffff, v18;
	v18 =	vld [tilespmem:s6+$0xFFFFFFB0]  }
0x16c: {  	v20 =	vadd.s32 v3, v20;
	v26 =	vmov s28;
	v23 =	vld [tilespmem:s13+$0x40];
	s6 =	simm.s32 $0xC;
	v25 =	vadd.f32 v30, v6;
	[tilespmem:v31+s23+$0x0] =	vst.idx.msk $0xffff, v63  }
.LBB2_11:
0x16d: {  	p2 =	slt.u32 s6, $0x7C;
	s8 =	sadd.s32 $0x1, s5;
	v26 =	vand.u32 $0x7F, v26;
	[tilespmem:v22+s23+$0x0] =	vst.idx.msk $0xffff, v24;
	v17 =	vadd.f32 v17, v6;
	v22 =	vld [tilespmem:s12+$0x60];
	v24 =	vadd.s32 v3, v12  }
0x16e: {  	v30 =	vmovc v11;
	v27 =	vld [tilespmem:s13+$0xFFFFFF80];
	v28 =	vmov s8;
	s8 =	sadd.s32 $0x2, s5;
	v29 =	vadd.s32 v0, v26;
	[tilespmem:v21+s23+$0x0] =	vst.idx.msk $0xffff, v25;
	v16 =	vadd.f32 v16, v4;
	s5 =	smov.u32 s6  }
0x16f: {  	v12 =	vmovc v8;
	v21 =	vld [tilespmem:s13+$0xFFFFFFC0];
	v11 =	vmov s8;
	[tilespmem:v14+s23+$0x0] =	vst.idx.msk $0xffff, v17;
	v14 =	vadd.s32 v2, v7;
	v15 =	vadd.f32 v15, v4  }
0x170: {  	v17 =	vadd.s32 v0, v13;
	v28 =	vand.u32 $0x7D, v28;
	v25 =	vld [tilespmem:s13+$0x0];
	v31 =	vadd.f32 v18, v4;
	[tilespmem:v19+s23+$0x0] =	vst.idx.msk $0xffff, v16  }
0x171: {  	v16 =	vadd.s32 v0, v28;
	v11 =	vand.u32 $0x7E, v11;
	v18 =	vadd.f32 v23, v9;
	v19 =	vld [tilespmem:s12+$0xFFFFFFE0];
	[tilespmem:v20+s23+$0x0] =	vst.idx.msk $0xffff, v15  }
0x172: {  	v8 =	vmov v13;
	v15 =	vadd.s32 v0, v11;
	v20 =	vld [tilespmem:s12+$0x20];
	v22 =	vadd.f32 v22, v5;
	[tilespmem:v24+s23+$0x0] =	vst.idx.msk $0xffff, v31  }
0x173: {  	v23 =	vadd.s32 v2, v10;
	v13 =	vadd.f32 v27, v9;
	[tilespmem:v29+s23+$0x0] =	vst.idx.msk $0xffff, v18;
	v18 =	vld [tilespmem:s12+$0xFFFFFFA0]  }
0x174: {  	v27 =	vadd.s32 v2, v30;
	v21 =	vadd.f32 v21, v9;
	v24 =	vld [tilespmem:s13+$0x50];
	[tilespmem:v14+s23+$0x0] =	vst.idx.msk $0xffff, v22  }
0x175: {  	[tilespmem:v17+s23+$0x0] =	vst.idx.msk $0xffff, v13;
	v13 =	vadd.f32 v25, v9;
	v25 =	vadd.s32 v2, v12;
	v29 =	vld [tilespmem:s12+$0x70]  }
0x176: {  	v32 =	vadd.s32 v1, v26;
	v31 =	vld [tilespmem:s13+$0xFFFFFF90];
	[tilespmem:v16+s23+$0x0] =	vst.idx.msk $0xffff, v21;
	v14 =	vadd.f32 v19, v5  }
0x177: {  	v34 =	vadd.s32 v3, v7;
	v7 =	vmov v26;
	v33 =	vld [tilespmem:s13+$0xFFFFFFD0];
	[tilespmem:v15+s23+$0x0] =	vst.idx.msk $0xffff, v13;
	v13 =	vadd.f32 v20, v5  }
.Ltmp6:
0x178: {  	v22 =	vadd.s32 v1, v8;
	v17 =	vld [tilespmem:s13+$0x10];
	v15 =	vadd.f32 v18, v5;
	[tilespmem:v23+s23+$0x0] =	vst.idx.msk $0xffff, v14;
	(pc) =	sbr.rel @p2 .LBB2_11-.Ltmp6, $4  }
0x179: {  	v21 =	vadd.s32 v1, v28;
	v18 =	vadd.f32 v24, v6;
	v16 =	vld [tilespmem:s12+$0xFFFFFFF0];
	[tilespmem:v27+s23+$0x0] =	vst.idx.msk $0xffff, v13  }
0x17a: {  	v14 =	vadd.s32 v1, v11;
	v13 =	vmov s6;
	[tilespmem:v25+s23+$0x0] =	vst.idx.msk $0xffff, v15;
	v15 =	vld [tilespmem:s12+$0x30];
	v27 =	vadd.f32 v29, v4  }
0x17b: {  	s8 =	sadd.s32 $0x3, s6;
	v19 =	vadd.s32 v3, v10;
	v13 =	vand.u32 $0x7C, v13;
	v24 =	vadd.f32 v31, v6;
	[tilespmem:v32+s23+$0x0] =	vst.idx.msk $0xffff, v18;
	v18 =	vld [tilespmem:s12+$0xFFFFFFB0];
	s12 =	smov.u32 s13;
	s13 =	sadd.s32 $0x100, s13  }
0x17c: {  	v26 =	vmov s8;
	v10 =	vmovc v28;
	v20 =	vadd.s32 v3, v30;
	s6 =	sadd.s32 $0x4, s6;
	v23 =	vld [tilespmem:s13+$0x40];
	v25 =	vadd.f32 v33, v6;
	[tilespmem:v34+s23+$0x0] =	vst.idx.msk $0xffff, v27  }
0x17d: {  	s6 =	sadd.s32 $0x1, s5  }
0x17e: {  	v26 =	vand.u32 $0x7F, v26;
	s28 =	sadd.s32 $0x2, s5;
	v28 =	vld [tilespmem:s13+$0xFFFFFFC0];
	v27 =	vmov s6  }
0x17f: {  	v31 =	vld [tilespmem:s13+$0x0];
	v29 =	vadd.s32 v0, v26;
	v30 =	vmov s28;
	v27 =	vand.u32 $0x7D, v27  }
0x180: {  	v32 =	vld [tilespmem:s13+$0xFFFFFF80];
	v30 =	vand.u32 $0x7E, v30;
	v33 =	vadd.s32 v0, v27  }
0x181: {  	v34 =	vadd.s32 v0, v30  }
0x182: {  	[tilespmem:v22+s23+$0x0] =	vst.idx.msk $0xffff, v24;
	v44 =	vadd.s32 v0, v13;
	v23 =	vadd.f32 v23, v9  }
0x183: {  	[tilespmem:v21+s23+$0x0] =	vst.idx.msk $0xffff, v25;
	v45 =	vadd.f32 v28, v9  }
0x184: {  	v46 =	vadd.f32 v31, v9;
	[tilespmem:v29+s23+$0x0] =	vst.idx.msk $0xffff, v23  }
0x185: {  	v47 =	vadd.f32 v32, v9;
	v48 =	vld [tilespmem:s13+$0x50];
	[tilespmem:v33+s23+$0x0] =	vst.idx.msk $0xffff, v45  }
0x186: {  	v17 =	vadd.f32 v17, v6;
	v12 =	vadd.s32 v3, v12;
	[tilespmem:v34+s23+$0x0] =	vst.idx.msk $0xffff, v46;
	v21 =	vld [tilespmem:s13+$0xFFFFFFD0]  }
0x187: {  	v16 =	vadd.f32 v16, v4;
	v49 =	vadd.s32 v1, v26;
	[tilespmem:v44+s23+$0x0] =	vst.idx.msk $0xffff, v47;
	v50 =	vld [tilespmem:s13+$0x10]  }
0x188: {  	[tilespmem:v14+s23+$0x0] =	vst.idx.msk $0xffff, v17;
	v51 =	vadd.f32 v15, v4;
	v53 =	vadd.s32 v1, v27;
	v52 =	vld [tilespmem:s13+$0xFFFFFF90]  }
0x189: {  	v54 =	vld [tilespmem:s12+$0x60];
	v18 =	vadd.f32 v18, v4;
	[tilespmem:v19+s23+$0x0] =	vst.idx.msk $0xffff, v16;
	v55 =	vadd.s32 v1, v30  }
0x18a: {  	v57 =	vadd.s32 v1, v13;
	v60 =	vld [tilespmem:s12+$0x20];
	[tilespmem:v20+s23+$0x0] =	vst.idx.msk $0xffff, v51;
	v58 =	vadd.f32 v48, v6  }
0x18b: {  	v59 =	vadd.s32 v2, v7;
	v56 =	vld [tilespmem:s12+$0xFFFFFFE0];
	[tilespmem:v12+s23+$0x0] =	vst.idx.msk $0xffff, v18;
	v61 =	vadd.f32 v21, v6  }
0x18c: {  	v62 =	vld [tilespmem:s12+$0xFFFFFFA0];
	v29 =	vadd.s32 v2, v11;
	[tilespmem:v49+s23+$0x0] =	vst.idx.msk $0xffff, v58;
	v28 =	vadd.f32 v50, v6  }
0x18d: {  	v63 =	vadd.s32 v2, v10;
	v31 =	vadd.f32 v52, v6;
	v32 =	vld [tilespmem:s13+$0x60];
	[tilespmem:v53+s23+$0x0] =	vst.idx.msk $0xffff, v61  }
0x18e: {  	v33 =	vadd.f32 v54, v5;
	v34 =	vadd.s32 v2, v8;
	[tilespmem:v55+s23+$0x0] =	vst.idx.msk $0xffff, v28;
	v35 =	vld [tilespmem:s13+$0xFFFFFFE0]  }
0x18f: {  	v37 =	vadd.s32 v2, v26;
	v39 =	vadd.f32 v60, v5;
	[tilespmem:v57+s23+$0x0] =	vst.idx.msk $0xffff, v31;
	v38 =	vld [tilespmem:s13+$0x20]  }
0x190: {  	v41 =	vadd.s32 v2, v27;
	v36 =	vadd.f32 v56, v5;
	[tilespmem:v59+s23+$0x0] =	vst.idx.msk $0xffff, v33;
	v40 =	vld [tilespmem:s13+$0xFFFFFFA0]  }
0x191: {  	v43 =	vadd.s32 v2, v30;
	v18 =	vadd.f32 v62, v5;
	v42 =	vld [tilespmem:s12+$0x70];
	[tilespmem:v29+s23+$0x0] =	vst.idx.msk $0xffff, v39  }
0x192: {  	v45 =	vadd.s32 v2, v13;
	[tilespmem:v63+s23+$0x0] =	vst.idx.msk $0xffff, v36;
	v47 =	vld [tilespmem:s12+$0x30];
	v44 =	vadd.f32 v32, v5  }
0x193: {  	v46 =	vadd.s32 v3, v7;
	[tilespmem:v34+s23+$0x0] =	vst.idx.msk $0xffff, v18;
	v21 =	vld [tilespmem:s12+$0xFFFFFFF0];
	v9 =	vadd.f32 v35, v5  }
0x194: {  	v18 =	vld [tilespmem:s12+$0xFFFFFFB0];
	v50 =	vadd.s32 v3, v11;
	[tilespmem:v37+s23+$0x0] =	vst.idx.msk $0xffff, v44;
	v49 =	vadd.f32 v38, v5  }
0x195: {  	v48 =	vadd.s32 v3, v10;
	v5 =	vadd.f32 v40, v5;
	v12 =	vld [tilespmem:s13+$0x70];
	[tilespmem:v41+s23+$0x0] =	vst.idx.msk $0xffff, v9  }
0x196: {  	v52 =	vadd.s32 v3, v8;
	v51 =	vadd.f32 v42, v4;
	[tilespmem:v43+s23+$0x0] =	vst.idx.msk $0xffff, v49;
	v53 =	vld [tilespmem:s13+$0xFFFFFFF0]  }
0x197: {  	v55 =	vadd.s32 v3, v26;
	v56 =	vadd.f32 v47, v4;
	[tilespmem:v45+s23+$0x0] =	vst.idx.msk $0xffff, v5;
	v5 =	vld [tilespmem:s13+$0x30]  }
0x198: {  	v58 =	vadd.s32 v3, v27;
	[tilespmem:v46+s23+$0x0] =	vst.idx.msk $0xffff, v51;
	v54 =	vadd.f32 v21, v4;
	v57 =	vld [tilespmem:s13+$0xFFFFFFB0]  }
0x199: {  	v60 =	vadd.s32 v3, v30;
	v59 =	vadd.f32 v18, v4;
	[tilespmem:v50+s23+$0x0] =	vst.idx.msk $0xffff, v56  }
0x19a: {  	v62 =	vadd.s32 v3, v13;
	[tilespmem:v48+s23+$0x0] =	vst.idx.msk $0xffff, v54;
	v61 =	vadd.f32 v12, v4  }
0x19b: {  	[tilespmem:v52+s23+$0x0] =	vst.idx.msk $0xffff, v59;
	v63 =	vadd.f32 v53, v4  }
0x19c: {  	s6 =	sshll.u32 s9, $0x12;
	[tilespmem:v55+s23+$0x0] =	vst.idx.msk $0xffff, v61;
	v5 =	vadd.f32 v5, v4  }
0x19d: {  	s5 =	sor.u32 s7, s6;
	v4 =	vadd.f32 v57, v4;
	[tilespmem:v58+s23+$0x0] =	vst.idx.msk $0xffff, v63  }
0x19e: {  	s5 =	sshrl.u32 s5, $0x3;
	[tilespmem:v60+s23+$0x0] =	vst.idx.msk $0xffff, v5  }
0x19f: {  	s8 =	simm.s32 $0x12800;
	s6 =	sadd.s32 s2, s5;
	[tilespmem:v62+s23+$0x0] =	vst.idx.msk $0xffff, v4  }
0x1a0: {  	[hbm4b:s6+s3] =	stream.linear.scatter [tilespmem:s8], [sflag:$0x7], $0x80, $0x38;
	[tilespmem:$0x19E00] =	vst v63  }
0x1a1: {  	s9 =	simm.s32 $0x12888;
	s8 =	sadd.s32 $0x10, s6  }
0x1a2: {  	[hbm4b:s8+s3] =	stream.linear.scatter [tilespmem:s9], [sflag:$0x7], $0x80, $0x38;
	[tilespmem:$0x19E00] =	vst v63  }
0x1a3: {  	s15 =	simm.s32 $0x12998;
	s12 =	simm.s32 $0x12910;
	s13 =	sadd.s32 $0x20, s6  }
0x1a4: {  	[hbm4b:s13+s3] =	stream.linear.scatter [tilespmem:s12], [sflag:$0x7], $0x80, $0x38;
	[tilespmem:$0x19E00] =	vst v63  }
0x1a5: {  	s5 =	simm.s32 $0x440;
	s28 =	sadd.s32 $0x30, s6;
	s8 =	simm.s32 $0x12A20  }
0x1a6: {  	[hbm4b:s28+s3] =	stream.linear.scatter [tilespmem:s15], [sflag:$0x7], $0x80, $0x38;
	[tilespmem:$0x19E00] =	vst v63  }
0x1a7: {  	s9 =	sadd.s32 $0x40, s6;
	s12 =	simm.s32 $0x12AA8;
	s13 =	sadd.s32 $0x50, s6  }
0x1a8: {  	[hbm4b:s9+s3] =	stream.linear.scatter [tilespmem:s8], [sflag:$0x7], $0x80, $0x38;
	[tilespmem:$0x19E00] =	vst v63  }
0x1a9: {  	s15 =	simm.s32 $0x12B30;
	s28 =	sadd.s32 $0x60, s6;
	s9 =	simm.s32 $0x2200  }
0x1aa: {  	[hbm4b:s13+s3] =	stream.linear.scatter [tilespmem:s12], [sflag:$0x7], $0x80, $0x38;
	[tilespmem:$0x19E00] =	vst v63  }
0x1ab: {  	s12 =	simm.s32 $0x12BB8;
	s13 =	sadd.s32 $0x70, s6;
	s6 =	sadd.s32 $0x1000, s6  }
0x1ac: {  	[hbm4b:s28+s3] =	stream.linear.scatter [tilespmem:s15], [sflag:$0x7], $0x80, $0x38;
	[tilespmem:$0x19E00] =	vst v63  }
.LBB2_13:
0x1ad: {  	[hbm4b:s13+s3] =	stream.linear.scatter [tilespmem:s12], [sflag:$0x7], $0x80, $0x38;
	[tilespmem:$0x19E00] =	vst v63  }
0x1ae: {  	s8 =	smov.u32 s5;
	s5 =	smov.u32 s9  }
0x1af: {  	s15 =	sadd.s32 $0x1100, s9;
	s5 =	sshra.s32 s5, $0x2;
	s12 =	sadd.s32 $0x12800, s8  }
0x1b0: {  	[hbm4b:s6+s3] =	stream.linear.scatter [tilespmem:s12], [sflag:$0x7], $0x80, $0x38;
	[tilespmem:$0x19E00] =	vst v63  }
0x1b1: {  	p2 =	sne.s32 s9, $0x7700;
	s9 =	sadd.s32 $0x12888, s8;
	s12 =	sadd.s32 $0x10, s6  }
0x1b2: {  	[hbm4b:s12+s3] =	stream.linear.scatter [tilespmem:s9], [sflag:$0x7], $0x80, $0x38;
	[tilespmem:$0x19E00] =	vst v63  }
0x1b3: {  	s9 =	sadd.s32 $0x12910, s8;
	s12 =	sadd.s32 $0x20, s6  }
0x1b4: {  	[hbm4b:s12+s3] =	stream.linear.scatter [tilespmem:s9], [sflag:$0x7], $0x80, $0x38;
	[tilespmem:$0x19E00] =	vst v63  }
0x1b5: {  	s9 =	sadd.s32 $0x12998, s8;
	s12 =	sadd.s32 $0x30, s6  }
0x1b6: {  	[hbm4b:s12+s3] =	stream.linear.scatter [tilespmem:s9], [sflag:$0x7], $0x80, $0x38;
	[tilespmem:$0x19E00] =	vst v63  }
0x1b7: {  	s9 =	sadd.s32 $0x12A20, s8;
	s12 =	sadd.s32 $0x40, s6  }
0x1b8: {  	[hbm4b:s12+s3] =	stream.linear.scatter [tilespmem:s9], [sflag:$0x7], $0x80, $0x38;
	[tilespmem:$0x19E00] =	vst v63  }
.Ltmp7:
0x1b9: {  	s9 =	sadd.s32 $0x12AA8, s8;
	s12 =	sadd.s32 $0x50, s6;
	(pc) =	sbr.rel @p2 .LBB2_13-.Ltmp7, $4  }
0x1ba: {  	[hbm4b:s12+s3] =	stream.linear.scatter [tilespmem:s9], [sflag:$0x7], $0x80, $0x38;
	[tilespmem:$0x19E00] =	vst v63  }
0x1bb: {  	s13 =	sadd.s32 $0x70, s6;
	s9 =	sadd.s32 $0x12B30, s8;
	s12 =	sadd.s32 $0x60, s6  }
0x1bc: {  	[hbm4b:s12+s3] =	stream.linear.scatter [tilespmem:s9], [sflag:$0x7], $0x80, $0x38;
	[tilespmem:$0x19E00] =	vst v63  }
0x1bd: {  	s6 =	sadd.s32 $0x1000, s6;
	s12 =	sadd.s32 $0x12BB8, s8;
	s9 =	smov.u32 s15  }
0x1be: {  	[hbm4b:s13+s3] =	stream.linear.scatter [tilespmem:s12], [sflag:$0x7], $0x80, $0x38;
	[tilespmem:$0x19E00] =	vst v63  }
0x1bf: {  	s8 =	sadd.s32 $0x12800, s5  }
0x1c0: {  	[hbm4b:s6+s3] =	stream.linear.scatter [tilespmem:s8], [sflag:$0x7], $0x80, $0x38;
	[tilespmem:$0x19E00] =	vst v63  }
0x1c1: {  	s28 =	sadd.s32 $0x12888, s5;
	s9 =	sadd.s32 $0x10, s6  }
0x1c2: {  	[hbm4b:s9+s3] =	stream.linear.scatter [tilespmem:s28], [sflag:$0x7], $0x80, $0x38;
	[tilespmem:$0x19E00] =	vst v63  }
0x1c3: {  	s12 =	sadd.s32 $0x12910, s5;
	s13 =	sadd.s32 $0x20, s6  }
0x1c4: {  	[hbm4b:s13+s3] =	stream.linear.scatter [tilespmem:s12], [sflag:$0x7], $0x80, $0x38;
	[tilespmem:$0x19E00] =	vst v63  }
0x1c5: {  	s15 =	sadd.s32 $0x12998, s5;
	s28 =	sadd.s32 $0x30, s6  }
0x1c6: {  	[hbm4b:s28+s3] =	stream.linear.scatter [tilespmem:s15], [sflag:$0x7], $0x80, $0x38;
	[tilespmem:$0x19E00] =	vst v63  }
0x1c7: {  	s12 =	sadd.s32 $0x12A20, s5;
	s13 =	sadd.s32 $0x40, s6  }
0x1c8: {  	[hbm4b:s13+s3] =	stream.linear.scatter [tilespmem:s12], [sflag:$0x7], $0x80, $0x38;
	[tilespmem:$0x19E00] =	vst v63  }
0x1c9: {  	p2 =	sne.s32 s0, $0x31;
	s15 =	sadd.s32 $0x12AA8, s5;
	s28 =	sadd.s32 $0x50, s6  }
0x1ca: {  	[hbm4b:s28+s3] =	stream.linear.scatter [tilespmem:s15], [sflag:$0x7], $0x80, $0x38;
	[tilespmem:$0x19E00] =	vst v63  }
.Ltmp8:
0x1cb: {  	_ = 	snop;
	(pc) =	sbr.rel @p2 .LBB2_16-.Ltmp8, $4  }
0x1cc: {  	s12 =	sadd.s32 $0x12B30, s5;
	s13 =	sadd.s32 $0x60, s6  }
0x1cd: {  	[hbm4b:s13+s3] =	stream.linear.scatter [tilespmem:s12], [sflag:$0x7], $0x80, $0x38;
	[tilespmem:$0x19E00] =	vst v63  }
0x1ce: {  	s15 =	sadd.s32 $0x12BB8, s5;
	s28 =	sadd.s32 $0x70, s6  }
0x1cf: {  	[hbm4b:s28+s3] =	stream.linear.scatter [tilespmem:s15], [sflag:$0x7], $0x80, $0x38;
	[tilespmem:$0x19E00] =	vst v63  }
.Ltmp9:
0x1d0: {  	(pc) =	sbr.rel .LBB2_17-.Ltmp9, $4  }
0x1d1: {  	_ = 	snop  }
0x1d2: {  	_ =	swait.ge [sflag:s24], $0x2000  }
0x1d3: {  	[sflag:s24] =	ssyncset.done $0x0  }
0x1d4: {  	[sflag:s24] =	ssyncadd.s32 $0xFFFFE000  }
.LBB2_16:
0x1d5: {  	s5 =	sshll.u32 s0, $0x9  }
0x1d6: {  	s5 =	sand.u32 $0x3FFFFE00, s5  }
.Ltmp10:
0x1d7: {  	s5 =	sadd.s32 $0x280, s5;
	(pc) =	sbr.rel @p0 .LBB2_18-.Ltmp10, $4  }
0x1d8: {  	[tilespmem:s14], [sflag:$0x2] =	stream.indirect.gather [hbm4b:s4+s11], $0x40, s5, s11, $0xb8;
	[tilespmem:$0x19E00] =	vst v63  }
0x1d9: {  	_ =	swait.ge [sflag:s24], $0x2000  }
0x1da: {  	[sflag:s24] =	ssyncset.done $0x0  }
0x1db: {  	[sflag:s24] =	ssyncadd.s32 $0xFFFFE000  }
.LBB2_17:
0x1dc: {  	_ =	swait.ge [sflag:s25], $0x2000  }
0x1dd: {  	[sflag:s25] =	ssyncset.done $0x0  }
0x1de: {  	[sflag:s25] =	ssyncadd.s32 $0xFFFFE000  }
.LBB2_18:
0x1df: {  	s5 =	sshll.u32 s1, $0x6;
	s6 =	simm.s32 $0xC480  }
0x1e0: {  	s8 =	simm.s32 $0x3;
	s5 =	sand.u32 $0x3FFFFFC0, s5;
	v7 =	vld [tilespmem:s6+$0x40]  }
0x1e1: {  	v4 =	vmov s8;
	v9 =	vld [tilespmem:s5+$0x16C00]  }
0x1e2: {  	v13 =	vand.u32 $0x7F, v4  }
0x1e3: {  	s15 =	simm.s32 $0x0;
	v10 =	vld [tilespmem:s6+$0xFFFFFF80];
	v8 =	vadd.s32 v0, v13  }
0x1e4: {  	s28 =	simm.s32 $0x1;
	s9 =	simm.s32 $0x2;
	v11 =	vld [tilespmem:s6+$0xFFFFFFC0];
	v4 =	vmov s15  }
0x1e5: {  	v14 =	vmov s9;
	v16 =	vld [tilespmem:s6+$0x0];
	v12 =	vand.u32 $0x7C, v4;
	v4 =	vmov s28  }
0x1e6: {  	v6 =	vld [tilespmem:s5+$0x16C10];
	v15 =	vadd.s32 v0, v12;
	v19 =	vand.u32 $0x7D, v4;
	v7 =	vadd.f32 v7, v9  }
0x1e7: {  	v5 =	vld [tilespmem:s5+$0x16C20];
	v20 =	vand.u32 $0x7E, v14;
	v17 =	vadd.s32 v0, v19  }
0x1e8: {  	v14 =	vadd.s32 v0, v20;
	v4 =	vld [tilespmem:s5+$0x16C30];
	[tilespmem:v8+s26+$0x0] =	vst.idx.msk $0xffff, v7  }
0x1e9: {  	v7 =	vadd.f32 v10, v9;
	v8 =	vld [tilespmem:s6+$0x50]  }
0x1ea: {  	v10 =	vadd.f32 v11, v9  }
0x1eb: {  	v11 =	vadd.s32 v1, v13;
	[tilespmem:v15+s26+$0x0] =	vst.idx.msk $0xffff, v7;
	v7 =	vadd.f32 v16, v9  }
0x1ec: {  	[tilespmem:v17+s26+$0x0] =	vst.idx.msk $0xffff, v10;
	v15 =	vld [tilespmem:s6+$0xFFFFFF90]  }
0x1ed: {  	v10 =	vld [tilespmem:s6+$0xFFFFFFD0];
	[tilespmem:v14+s26+$0x0] =	vst.idx.msk $0xffff, v7  }
0x1ee: {  	v14 =	vld [tilespmem:s6+$0x10];
	v7 =	vadd.f32 v8, v6  }
0x1ef: {  	s12 =	simm.s32 $0x7;
	s9 =	simm.s32 $0xC580;
	v16 =	vadd.s32 v1, v19  }
0x1f0: {  	s8 =	simm.s32 $0x4;
	v18 =	vld [tilespmem:s9+$0x40];
	v26 =	vadd.s32 v2, v13;
	v17 =	vadd.s32 v1, v20;
	[tilespmem:v11+s26+$0x0] =	vst.idx.msk $0xffff, v7;
	v7 =	vmov s12  }
0x1f1: {  	v21 =	vadd.s32 v1, v12;
	v8 =	vmov s8;
	v7 =	vand.u32 $0x7F, v7;
	v22 =	vld [tilespmem:s6+$0x60]  }
0x1f2: {  	s13 =	simm.s32 $0x5;
	v23 =	vld [tilespmem:s9+$0xFFFFFF80];
	v8 =	vand.u32 $0x7C, v8;
	v10 =	vadd.f32 v10, v6;
	v24 =	vadd.s32 v0, v7  }
0x1f3: {  	s15 =	simm.s32 $0x6;
	v25 =	vld [tilespmem:s9+$0xFFFFFFC0];
	v15 =	vadd.f32 v15, v6;
	v11 =	vadd.f32 v14, v6;
	v14 =	vmov s13  }
0x1f4: {  	v27 =	vadd.s32 v0, v8;
	[tilespmem:v16+s26+$0x0] =	vst.idx.msk $0xffff, v10;
	v16 =	vmov s15;
	v10 =	vand.u32 $0x7D, v14;
	v14 =	vld [tilespmem:s9+$0x0]  }
0x1f5: {  	[tilespmem:v17+s26+$0x0] =	vst.idx.msk $0xffff, v11;
	v17 =	vadd.s32 v0, v10;
	v11 =	vand.u32 $0x7E, v16;
	v16 =	vadd.f32 v18, v9;
	v18 =	vld [tilespmem:s6+$0xFFFFFFE0]  }
0x1f6: {  	[tilespmem:v21+s26+$0x0] =	vst.idx.msk $0xffff, v15;
	v15 =	vadd.s32 v0, v11;
	v21 =	vld [tilespmem:s6+$0x20];
	v22 =	vadd.f32 v22, v5  }
0x1f7: {  	v23 =	vadd.f32 v23, v9;
	[tilespmem:v24+s26+$0x0] =	vst.idx.msk $0xffff, v16;
	v16 =	vld [tilespmem:s6+$0xFFFFFFA0];
	v24 =	vadd.s32 v2, v19  }
0x1f8: {  	v29 =	vadd.s32 v2, v20;
	v25 =	vadd.f32 v25, v9;
	v28 =	vld [tilespmem:s9+$0x50];
	[tilespmem:v26+s26+$0x0] =	vst.idx.msk $0xffff, v22  }
0x1f9: {  	[tilespmem:v27+s26+$0x0] =	vst.idx.msk $0xffff, v23;
	v23 =	vadd.s32 v2, v12;
	v14 =	vadd.f32 v14, v9;
	v26 =	vld [tilespmem:s6+$0x70]  }
0x1fa: {  	v27 =	vld [tilespmem:s9+$0xFFFFFF90];
	[tilespmem:v17+s26+$0x0] =	vst.idx.msk $0xffff, v25;
	v25 =	vadd.s32 v1, v7;
	v18 =	vadd.f32 v18, v5  }
0x1fb: {  	v31 =	vadd.s32 v3, v13;
	v30 =	vld [tilespmem:s9+$0xFFFFFFD0];
	[tilespmem:v15+s26+$0x0] =	vst.idx.msk $0xffff, v14;
	v14 =	vadd.f32 v21, v5  }
0x1fc: {  	v22 =	vadd.s32 v1, v8;
	v17 =	vld [tilespmem:s9+$0x10];
	v13 =	vadd.f32 v16, v5;
	[tilespmem:v24+s26+$0x0] =	vst.idx.msk $0xffff, v18  }
0x1fd: {  	s5 =	simm.s32 $0x8;
	v21 =	vadd.s32 v1, v10;
	[tilespmem:v29+s26+$0x0] =	vst.idx.msk $0xffff, v14;
	v18 =	vadd.f32 v28, v6;
	v16 =	vld [tilespmem:s6+$0xFFFFFFF0]  }
0x1fe: {  	v24 =	vmov s5;
	v14 =	vadd.s32 v1, v11;
	v15 =	vld [tilespmem:s6+$0x30];
	[tilespmem:v23+s26+$0x0] =	vst.idx.msk $0xffff, v13;
	v63 =	vadd.f32 v26, v4  }
0x1ff: {  	s28 =	simm.s32 $0xB;
	s12 =	simm.s32 $0xC680;
	v19 =	vadd.s32 v3, v19;
	v13 =	vand.u32 $0x7C, v24;
	v24 =	vadd.f32 v27, v6;
	[tilespmem:v25+s26+$0x0] =	vst.idx.msk $0xffff, v18;
	v18 =	vld [tilespmem:s6+$0xFFFFFFB0]  }
0x200: {  	v20 =	vadd.s32 v3, v20;
	v26 =	vmov s28;
	v23 =	vld [tilespmem:s12+$0x40];
	s6 =	simm.s32 $0xC;
	v25 =	vadd.f32 v30, v6;
	[tilespmem:v31+s26+$0x0] =	vst.idx.msk $0xffff, v63  }
.LBB2_19:
0x201: {  	p0 =	slt.u32 s6, $0x7C;
	s8 =	sadd.s32 $0x1, s5;
	v26 =	vand.u32 $0x7F, v26;
	[tilespmem:v22+s26+$0x0] =	vst.idx.msk $0xffff, v24;
	v17 =	vadd.f32 v17, v6;
	v22 =	vld [tilespmem:s9+$0x60];
	v24 =	vadd.s32 v3, v12  }
0x202: {  	v30 =	vmovc v11;
	v27 =	vld [tilespmem:s12+$0xFFFFFF80];
	v28 =	vmov s8;
	s8 =	sadd.s32 $0x2, s5;
	v29 =	vadd.s32 v0, v26;
	[tilespmem:v21+s26+$0x0] =	vst.idx.msk $0xffff, v25;
	v16 =	vadd.f32 v16, v4;
	s5 =	smov.u32 s6  }
0x203: {  	v12 =	vmovc v8;
	v21 =	vld [tilespmem:s12+$0xFFFFFFC0];
	v11 =	vmov s8;
	[tilespmem:v14+s26+$0x0] =	vst.idx.msk $0xffff, v17;
	v14 =	vadd.s32 v2, v7;
	v15 =	vadd.f32 v15, v4  }
0x204: {  	v17 =	vadd.s32 v0, v13;
	v28 =	vand.u32 $0x7D, v28;
	v25 =	vld [tilespmem:s12+$0x0];
	v31 =	vadd.f32 v18, v4;
	[tilespmem:v19+s26+$0x0] =	vst.idx.msk $0xffff, v16  }
0x205: {  	v16 =	vadd.s32 v0, v28;
	v11 =	vand.u32 $0x7E, v11;
	v18 =	vadd.f32 v23, v9;
	v19 =	vld [tilespmem:s9+$0xFFFFFFE0];
	[tilespmem:v20+s26+$0x0] =	vst.idx.msk $0xffff, v15  }
0x206: {  	v8 =	vmov v13;
	v15 =	vadd.s32 v0, v11;
	v20 =	vld [tilespmem:s9+$0x20];
	v22 =	vadd.f32 v22, v5;
	[tilespmem:v24+s26+$0x0] =	vst.idx.msk $0xffff, v31  }
0x207: {  	v23 =	vadd.s32 v2, v10;
	v13 =	vadd.f32 v27, v9;
	[tilespmem:v29+s26+$0x0] =	vst.idx.msk $0xffff, v18;
	v18 =	vld [tilespmem:s9+$0xFFFFFFA0]  }
0x208: {  	v27 =	vadd.s32 v2, v30;
	v21 =	vadd.f32 v21, v9;
	v24 =	vld [tilespmem:s12+$0x50];
	[tilespmem:v14+s26+$0x0] =	vst.idx.msk $0xffff, v22  }
0x209: {  	[tilespmem:v17+s26+$0x0] =	vst.idx.msk $0xffff, v13;
	v13 =	vadd.f32 v25, v9;
	v25 =	vadd.s32 v2, v12;
	v29 =	vld [tilespmem:s9+$0x70]  }
0x20a: {  	v32 =	vadd.s32 v1, v26;
	v31 =	vld [tilespmem:s12+$0xFFFFFF90];
	[tilespmem:v16+s26+$0x0] =	vst.idx.msk $0xffff, v21;
	v14 =	vadd.f32 v19, v5  }
0x20b: {  	v34 =	vadd.s32 v3, v7;
	v7 =	vmov v26;
	v33 =	vld [tilespmem:s12+$0xFFFFFFD0];
	[tilespmem:v15+s26+$0x0] =	vst.idx.msk $0xffff, v13;
	v13 =	vadd.f32 v20, v5  }
.Ltmp11:
0x20c: {  	v22 =	vadd.s32 v1, v8;
	v17 =	vld [tilespmem:s12+$0x10];
	v15 =	vadd.f32 v18, v5;
	[tilespmem:v23+s26+$0x0] =	vst.idx.msk $0xffff, v14;
	(pc) =	sbr.rel @p0 .LBB2_19-.Ltmp11, $4  }
0x20d: {  	v21 =	vadd.s32 v1, v28;
	v18 =	vadd.f32 v24, v6;
	v16 =	vld [tilespmem:s9+$0xFFFFFFF0];
	[tilespmem:v27+s26+$0x0] =	vst.idx.msk $0xffff, v13  }
0x20e: {  	v14 =	vadd.s32 v1, v11;
	v13 =	vmov s6;
	[tilespmem:v25+s26+$0x0] =	vst.idx.msk $0xffff, v15;
	v15 =	vld [tilespmem:s9+$0x30];
	v27 =	vadd.f32 v29, v4  }
0x20f: {  	s8 =	sadd.s32 $0x3, s6;
	v19 =	vadd.s32 v3, v10;
	v13 =	vand.u32 $0x7C, v13;
	v24 =	vadd.f32 v31, v6;
	[tilespmem:v32+s26+$0x0] =	vst.idx.msk $0xffff, v18;
	v18 =	vld [tilespmem:s9+$0xFFFFFFB0];
	s9 =	smov.u32 s12;
	s12 =	sadd.s32 $0x100, s12  }
0x210: {  	v26 =	vmov s8;
	v10 =	vmovc v28;
	v20 =	vadd.s32 v3, v30;
	s6 =	sadd.s32 $0x4, s6;
	v23 =	vld [tilespmem:s12+$0x40];
	v25 =	vadd.f32 v33, v6;
	[tilespmem:v34+s26+$0x0] =	vst.idx.msk $0xffff, v27  }
0x211: {  	s6 =	sadd.s32 $0x1, s5  }
0x212: {  	v26 =	vand.u32 $0x7F, v26;
	s28 =	sadd.s32 $0x2, s5;
	v28 =	vld [tilespmem:s12+$0xFFFFFFC0];
	v27 =	vmov s6  }
0x213: {  	v31 =	vld [tilespmem:s12+$0x0];
	v29 =	vadd.s32 v0, v26;
	v30 =	vmov s28;
	v27 =	vand.u32 $0x7D, v27  }
0x214: {  	v32 =	vld [tilespmem:s12+$0xFFFFFF80];
	v30 =	vand.u32 $0x7E, v30;
	v33 =	vadd.s32 v0, v27  }
0x215: {  	v34 =	vadd.s32 v0, v30  }
0x216: {  	[tilespmem:v22+s26+$0x0] =	vst.idx.msk $0xffff, v24;
	v44 =	vadd.s32 v0, v13;
	v23 =	vadd.f32 v23, v9  }
0x217: {  	[tilespmem:v21+s26+$0x0] =	vst.idx.msk $0xffff, v25;
	v45 =	vadd.f32 v28, v9  }
0x218: {  	v46 =	vadd.f32 v31, v9;
	[tilespmem:v29+s26+$0x0] =	vst.idx.msk $0xffff, v23  }
0x219: {  	v47 =	vadd.f32 v32, v9;
	v48 =	vld [tilespmem:s12+$0x50];
	[tilespmem:v33+s26+$0x0] =	vst.idx.msk $0xffff, v45  }
0x21a: {  	v17 =	vadd.f32 v17, v6;
	v12 =	vadd.s32 v3, v12;
	[tilespmem:v34+s26+$0x0] =	vst.idx.msk $0xffff, v46;
	v21 =	vld [tilespmem:s12+$0xFFFFFFD0]  }
0x21b: {  	v16 =	vadd.f32 v16, v4;
	v49 =	vadd.s32 v1, v26;
	[tilespmem:v44+s26+$0x0] =	vst.idx.msk $0xffff, v47;
	v50 =	vld [tilespmem:s12+$0x10]  }
0x21c: {  	[tilespmem:v14+s26+$0x0] =	vst.idx.msk $0xffff, v17;
	v51 =	vadd.f32 v15, v4;
	v53 =	vadd.s32 v1, v27;
	v52 =	vld [tilespmem:s12+$0xFFFFFF90]  }
0x21d: {  	v54 =	vld [tilespmem:s9+$0x60];
	v18 =	vadd.f32 v18, v4;
	[tilespmem:v19+s26+$0x0] =	vst.idx.msk $0xffff, v16;
	v55 =	vadd.s32 v1, v30  }
0x21e: {  	v57 =	vadd.s32 v1, v13;
	v60 =	vld [tilespmem:s9+$0x20];
	[tilespmem:v20+s26+$0x0] =	vst.idx.msk $0xffff, v51;
	v58 =	vadd.f32 v48, v6  }
0x21f: {  	v59 =	vadd.s32 v2, v7;
	v56 =	vld [tilespmem:s9+$0xFFFFFFE0];
	[tilespmem:v12+s26+$0x0] =	vst.idx.msk $0xffff, v18;
	v61 =	vadd.f32 v21, v6  }
0x220: {  	v62 =	vld [tilespmem:s9+$0xFFFFFFA0];
	v29 =	vadd.s32 v2, v11;
	[tilespmem:v49+s26+$0x0] =	vst.idx.msk $0xffff, v58;
	v28 =	vadd.f32 v50, v6  }
0x221: {  	v63 =	vadd.s32 v2, v10;
	v31 =	vadd.f32 v52, v6;
	v32 =	vld [tilespmem:s12+$0x60];
	[tilespmem:v53+s26+$0x0] =	vst.idx.msk $0xffff, v61  }
0x222: {  	v33 =	vadd.f32 v54, v5;
	v34 =	vadd.s32 v2, v8;
	[tilespmem:v55+s26+$0x0] =	vst.idx.msk $0xffff, v28;
	v35 =	vld [tilespmem:s12+$0xFFFFFFE0]  }
0x223: {  	v37 =	vadd.s32 v2, v26;
	v39 =	vadd.f32 v60, v5;
	[tilespmem:v57+s26+$0x0] =	vst.idx.msk $0xffff, v31;
	v38 =	vld [tilespmem:s12+$0x20]  }
0x224: {  	v41 =	vadd.s32 v2, v27;
	v36 =	vadd.f32 v56, v5;
	[tilespmem:v59+s26+$0x0] =	vst.idx.msk $0xffff, v33;
	v40 =	vld [tilespmem:s12+$0xFFFFFFA0]  }
0x225: {  	v43 =	vadd.s32 v2, v30;
	v18 =	vadd.f32 v62, v5;
	v42 =	vld [tilespmem:s9+$0x70];
	[tilespmem:v29+s26+$0x0] =	vst.idx.msk $0xffff, v39  }
0x226: {  	v45 =	vadd.s32 v2, v13;
	[tilespmem:v63+s26+$0x0] =	vst.idx.msk $0xffff, v36;
	v47 =	vld [tilespmem:s9+$0x30];
	v44 =	vadd.f32 v32, v5  }
0x227: {  	v46 =	vadd.s32 v3, v7;
	[tilespmem:v34+s26+$0x0] =	vst.idx.msk $0xffff, v18;
	v21 =	vld [tilespmem:s9+$0xFFFFFFF0];
	v9 =	vadd.f32 v35, v5  }
0x228: {  	v18 =	vld [tilespmem:s9+$0xFFFFFFB0];
	v50 =	vadd.s32 v3, v11;
	[tilespmem:v37+s26+$0x0] =	vst.idx.msk $0xffff, v44;
	v49 =	vadd.f32 v38, v5  }
0x229: {  	v48 =	vadd.s32 v3, v10;
	v5 =	vadd.f32 v40, v5;
	v12 =	vld [tilespmem:s12+$0x70];
	[tilespmem:v41+s26+$0x0] =	vst.idx.msk $0xffff, v9  }
0x22a: {  	v52 =	vadd.s32 v3, v8;
	v51 =	vadd.f32 v42, v4;
	[tilespmem:v43+s26+$0x0] =	vst.idx.msk $0xffff, v49;
	v53 =	vld [tilespmem:s12+$0xFFFFFFF0]  }
0x22b: {  	v55 =	vadd.s32 v3, v26;
	v56 =	vadd.f32 v47, v4;
	[tilespmem:v45+s26+$0x0] =	vst.idx.msk $0xffff, v5;
	v5 =	vld [tilespmem:s12+$0x30]  }
0x22c: {  	v58 =	vadd.s32 v3, v27;
	[tilespmem:v46+s26+$0x0] =	vst.idx.msk $0xffff, v51;
	v54 =	vadd.f32 v21, v4;
	v57 =	vld [tilespmem:s12+$0xFFFFFFB0]  }
0x22d: {  	v60 =	vadd.s32 v3, v30;
	v59 =	vadd.f32 v18, v4;
	[tilespmem:v50+s26+$0x0] =	vst.idx.msk $0xffff, v56  }
0x22e: {  	v62 =	vadd.s32 v3, v13;
	[tilespmem:v48+s26+$0x0] =	vst.idx.msk $0xffff, v54;
	v61 =	vadd.f32 v12, v4  }
0x22f: {  	[tilespmem:v52+s26+$0x0] =	vst.idx.msk $0xffff, v59;
	v63 =	vadd.f32 v53, v4  }
0x230: {  	s1 =	sshll.u32 s1, $0x12;
	[tilespmem:v55+s26+$0x0] =	vst.idx.msk $0xffff, v61;
	v5 =	vadd.f32 v5, v4  }
0x231: {  	s1 =	sor.u32 s7, s1;
	v4 =	vadd.f32 v57, v4;
	[tilespmem:v58+s26+$0x0] =	vst.idx.msk $0xffff, v63  }
0x232: {  	s1 =	sshrl.u32 s1, $0x3;
	[tilespmem:v60+s26+$0x0] =	vst.idx.msk $0xffff, v5  }
0x233: {  	s6 =	simm.s32 $0x14A00;
	s5 =	sadd.s32 s2, s1;
	[tilespmem:v62+s26+$0x0] =	vst.idx.msk $0xffff, v4  }
0x234: {  	[hbm4b:s5+s3] =	stream.linear.scatter [tilespmem:s6], [sflag:$0x8], $0x80, $0x38;
	[tilespmem:$0x19E00] =	vst v63  }
0x235: {  	s8 =	simm.s32 $0x14A88;
	s9 =	sadd.s32 $0x10, s5  }
0x236: {  	[hbm4b:s9+s3] =	stream.linear.scatter [tilespmem:s8], [sflag:$0x8], $0x80, $0x38;
	[tilespmem:$0x19E00] =	vst v63  }
0x237: {  	s15 =	simm.s32 $0x14B98;
	s13 =	sadd.s32 $0x20, s5;
	s12 =	simm.s32 $0x14B10  }
0x238: {  	[hbm4b:s13+s3] =	stream.linear.scatter [tilespmem:s12], [sflag:$0x8], $0x80, $0x38;
	[tilespmem:$0x19E00] =	vst v63  }
0x239: {  	s1 =	simm.s32 $0x440;
	s28 =	sadd.s32 $0x30, s5;
	s6 =	simm.s32 $0x2200  }
0x23a: {  	[hbm4b:s28+s3] =	stream.linear.scatter [tilespmem:s15], [sflag:$0x8], $0x80, $0x38;
	[tilespmem:$0x19E00] =	vst v63  }
0x23b: {  	s8 =	simm.s32 $0x14C20;
	s9 =	sadd.s32 $0x40, s5;
	s12 =	simm.s32 $0x14CA8  }
0x23c: {  	[hbm4b:s9+s3] =	stream.linear.scatter [tilespmem:s8], [sflag:$0x8], $0x80, $0x38;
	[tilespmem:$0x19E00] =	vst v63  }
0x23d: {  	s13 =	sadd.s32 $0x50, s5;
	s15 =	simm.s32 $0x14D30;
	s28 =	sadd.s32 $0x60, s5  }
0x23e: {  	[hbm4b:s13+s3] =	stream.linear.scatter [tilespmem:s12], [sflag:$0x8], $0x80, $0x38;
	[tilespmem:$0x19E00] =	vst v63  }
0x23f: {  	s9 =	simm.s32 $0x14DB8;
	s12 =	sadd.s32 $0x70, s5;
	s5 =	sadd.s32 $0x1000, s5  }
0x240: {  	[hbm4b:s28+s3] =	stream.linear.scatter [tilespmem:s15], [sflag:$0x8], $0x80, $0x38;
	[tilespmem:$0x19E00] =	vst v63  }
.LBB2_21:
0x241: {  	[hbm4b:s12+s3] =	stream.linear.scatter [tilespmem:s9], [sflag:$0x8], $0x80, $0x38;
	[tilespmem:$0x19E00] =	vst v63  }
0x242: {  	s8 =	smov.u32 s1;
	s1 =	smov.u32 s6  }
0x243: {  	s13 =	sadd.s32 $0x1100, s6;
	s1 =	sshra.s32 s1, $0x2;
	s9 =	sadd.s32 $0x14A00, s8  }
0x244: {  	[hbm4b:s5+s3] =	stream.linear.scatter [tilespmem:s9], [sflag:$0x8], $0x80, $0x38;
	[tilespmem:$0x19E00] =	vst v63  }
0x245: {  	p0 =	sne.s32 s6, $0x7700;
	s6 =	sadd.s32 $0x14A88, s8;
	s9 =	sadd.s32 $0x10, s5  }
0x246: {  	[hbm4b:s9+s3] =	stream.linear.scatter [tilespmem:s6], [sflag:$0x8], $0x80, $0x38;
	[tilespmem:$0x19E00] =	vst v63  }
0x247: {  	s6 =	sadd.s32 $0x14B10, s8;
	s9 =	sadd.s32 $0x20, s5  }
0x248: {  	[hbm4b:s9+s3] =	stream.linear.scatter [tilespmem:s6], [sflag:$0x8], $0x80, $0x38;
	[tilespmem:$0x19E00] =	vst v63  }
0x249: {  	s6 =	sadd.s32 $0x14B98, s8;
	s9 =	sadd.s32 $0x30, s5  }
0x24a: {  	[hbm4b:s9+s3] =	stream.linear.scatter [tilespmem:s6], [sflag:$0x8], $0x80, $0x38;
	[tilespmem:$0x19E00] =	vst v63  }
0x24b: {  	s6 =	sadd.s32 $0x14C20, s8;
	s9 =	sadd.s32 $0x40, s5  }
0x24c: {  	[hbm4b:s9+s3] =	stream.linear.scatter [tilespmem:s6], [sflag:$0x8], $0x80, $0x38;
	[tilespmem:$0x19E00] =	vst v63  }
.Ltmp12:
0x24d: {  	s6 =	sadd.s32 $0x14CA8, s8;
	s9 =	sadd.s32 $0x50, s5;
	(pc) =	sbr.rel @p0 .LBB2_21-.Ltmp12, $4  }
0x24e: {  	[hbm4b:s9+s3] =	stream.linear.scatter [tilespmem:s6], [sflag:$0x8], $0x80, $0x38;
	[tilespmem:$0x19E00] =	vst v63  }
0x24f: {  	s12 =	sadd.s32 $0x70, s5;
	s6 =	sadd.s32 $0x14D30, s8;
	s9 =	sadd.s32 $0x60, s5  }
0x250: {  	[hbm4b:s9+s3] =	stream.linear.scatter [tilespmem:s6], [sflag:$0x8], $0x80, $0x38;
	[tilespmem:$0x19E00] =	vst v63  }
0x251: {  	s5 =	sadd.s32 $0x1000, s5;
	s9 =	sadd.s32 $0x14DB8, s8;
	s6 =	smov.u32 s13  }
0x252: {  	[hbm4b:s12+s3] =	stream.linear.scatter [tilespmem:s9], [sflag:$0x8], $0x80, $0x38;
	[tilespmem:$0x19E00] =	vst v63  }
0x253: {  	s6 =	sadd.s32 $0x14A00, s1  }
0x254: {  	[hbm4b:s5+s3] =	stream.linear.scatter [tilespmem:s6], [sflag:$0x8], $0x80, $0x38;
	[tilespmem:$0x19E00] =	vst v63  }
0x255: {  	s28 =	sadd.s32 $0x14A88, s1;
	s8 =	sadd.s32 $0x10, s5  }
0x256: {  	[hbm4b:s8+s3] =	stream.linear.scatter [tilespmem:s28], [sflag:$0x8], $0x80, $0x38;
	[tilespmem:$0x19E00] =	vst v63  }
0x257: {  	s9 =	sadd.s32 $0x20, s5;
	s8 =	sadd.s32 $0x14B10, s1  }
0x258: {  	[hbm4b:s9+s3] =	stream.linear.scatter [tilespmem:s8], [sflag:$0x8], $0x80, $0x38;
	[tilespmem:$0x19E00] =	vst v63  }
0x259: {  	s12 =	sadd.s32 $0x14B98, s1;
	s13 =	sadd.s32 $0x30, s5  }
0x25a: {  	[hbm4b:s13+s3] =	stream.linear.scatter [tilespmem:s12], [sflag:$0x8], $0x80, $0x38;
	[tilespmem:$0x19E00] =	vst v63  }
0x25b: {  	s15 =	sadd.s32 $0x14C20, s1;
	s28 =	sadd.s32 $0x40, s5  }
0x25c: {  	[hbm4b:s28+s3] =	stream.linear.scatter [tilespmem:s15], [sflag:$0x8], $0x80, $0x38;
	[tilespmem:$0x19E00] =	vst v63  }
0x25d: {  	s8 =	sadd.s32 $0x14CA8, s1;
	s9 =	sadd.s32 $0x50, s5  }
0x25e: {  	[hbm4b:s9+s3] =	stream.linear.scatter [tilespmem:s8], [sflag:$0x8], $0x80, $0x38;
	[tilespmem:$0x19E00] =	vst v63  }
.Ltmp13:
0x25f: {  	_ = 	snop;
	(pc) =	sbr.rel @p1 .LBB2_24-.Ltmp13, $4  }
0x260: {  	s12 =	sadd.s32 $0x14D30, s1;
	s13 =	sadd.s32 $0x60, s5  }
0x261: {  	[hbm4b:s13+s3] =	stream.linear.scatter [tilespmem:s12], [sflag:$0x8], $0x80, $0x38;
	[tilespmem:$0x19E00] =	vst v63  }
0x262: {  	s15 =	sadd.s32 $0x14DB8, s1;
	s28 =	sadd.s32 $0x70, s5  }
0x263: {  	[hbm4b:s28+s3] =	stream.linear.scatter [tilespmem:s15], [sflag:$0x8], $0x80, $0x38;
	[tilespmem:$0x19E00] =	vst v63  }
.Ltmp14:
0x264: {  	(pc) =	sbr.rel .LBB2_2-.Ltmp14, $4  }
0x265: {  	s1 =	sshll.u32 s0, $0x9  }
0x266: {  	s1 =	sand.u32 $0x3FFFFE00, s1  }
0x267: {  	s0 =	sadd.s32 $0x1, s0;
	s1 =	sadd.s32 $0x300, s1  }
0x268: {  	[tilespmem:s16], [sflag:$0x3] =	stream.indirect.gather [hbm4b:s4+s11], $0x40, s1, s11, $0xb8;
	[tilespmem:$0x19E00] =	vst v63  }
.LBB2_25:
0x269: {  	_ =	sfence.sel $0x180000  }
0x26a: {  	[bflag:$0x0] =	sbarrier.arrive $0xFFFF  }
0x26b: {  	_ =	strace $0x9000004A  }
0x26c: {  	s0 =	stileid.u32;
	[bflag:$0x2] =	sbarrier.arrive $0xFFFF  }
0x26d: {  	p0 =	sne.s32 s0, $0x0;
	s0 =	rddreg [dreg:$0x2]  }
0x26e: {  	s0 =	sadd.s32 @!p0 $0x100000, s0  }
0x26f: {  	[sflag:s0] =	ssyncadd.tile.s32 @!p0 $0x1;
	_ =	shalt  }
.Lfunc_end2:
_tile_overlayer_lowered:
.L_overlay_start_2:
0x270: {  	(tag) =	ssettag $0x2  }
0x271: {  	s0 =	rddreg [dreg:$0x0];
	s2 =	stileid.u32  }
0x272: {  	s1 =	rddreg [dreg:$0x1];
	p0 =	sne.s32 s2, $0x0  }
0x273: {  	s3 =	rddreg [dreg:$0x2];
	[bflag:$0x3] =	sbarrier.arrive $0xFFFF;
	s2 =	simm.s32 @!p0 $0x1C09  }
0x274: {  	[timem:s3], [sflag:s2] =	dma.local @!p0 [hbm:s0], s1  }
0x275: {  	s0 =	simm.s32 @!p0 $0x9  }
0x276: {  	_ =	swait.ge @!p0 [sflag:s0], s1  }
0x277: {  	s1 =	ssub.s32 @!p0 $0x0, s1;
	[sflag:s0] =	ssyncset.done @!p0 $0x0  }
0x278: {  	[sflag:s0] =	ssyncadd.s32 @!p0 s1  }
0x279: {  	[bflag:$0x3] =	sbarrier.arrive $0xFFFF  }
0x27a: {  	_ =	shalt  }

</sc_bundles>
